<compile_context>
chip_gen: v7x
topology: tpu7x:2x2x1
jax: 0.10.2.dev20260603
libtpu: 0.0.44.dev20260713+nightly
codegen_flags: <defaults>
</compile_context>

<pallas_src>
import functools

import jax
import jax.numpy as jnp
from jax import lax
from jax.experimental import pallas as pl
from jax.experimental.pallas import tpu as pltpu
from jax.experimental.pallas import tpu_sc as plsc

_N = 10000
_E = 320000
_HID = 200
_HP = 256
_L = 6
_RB = 2000
_NRB = _N // _RB

_NC = 2
_NS = 16
_RPT = 624
_RPT_LAST = _N - 15 * _RPT
_EPT = _E // _NS
_CH = 160
_NCHUNK = _EPT // _CH
_NQUAD = _NCHUNK // 4


def _agg_body(m_hbm, src2_hbm, dst_hbm, z_hbm, out_hbm,
              spm_agg, sv0, sv1, sv2, sv3, dv0, dv1, dv2, dv3, rows0, rows1,
              gsem0, gsem1, ssem0, ssem1, is0, is1, is2, is3):
    c = lax.axis_index("c")
    s = lax.axis_index("s")
    row0 = pl.multiple_of(s * _RPT, 8)

    @pl.when(s < _NS - 1)
    def _():
        pltpu.sync_copy(z_hbm.at[pl.ds(0, _RPT), :],
                        spm_agg.at[pl.ds(row0, _RPT), :])

    @pl.when(s == _NS - 1)
    def _():
        pltpu.sync_copy(z_hbm, spm_agg.at[pl.ds(15 * _RPT, _RPT_LAST), :])

    plsc.subcore_barrier()
    sbase = c * _E + s * _EPT
    dbase = s * _EPT

    def schunk(q):
        return src2_hbm.at[pl.ds(pl.multiple_of(sbase + q * _CH, 8), _CH)]

    def dchunk(q):
        return dst_hbm.at[pl.ds(pl.multiple_of(dbase + q * _CH, 8), _CH)]

    def pload(q, sv, dv, sem):
        pltpu.async_copy(schunk(q), sv, sem)
        pltpu.async_copy(dchunk(q), dv, sem)

    def pwait(q, sv, dv, sem):
        pltpu.make_async_copy(schunk(q), sv, sem).wait()
        pltpu.make_async_copy(dchunk(q), dv, sem).wait()

    def gather(sv, rows, sem):
        return pltpu.async_copy(m_hbm.at[sv], rows, sem)

    def gwait(sv, rows, sem):
        pltpu.make_async_copy(m_hbm.at[sv], rows, sem).wait()

    def scatter(dv, rows, sem):
        return pltpu.async_copy(rows, spm_agg.at[dv], sem, add=True)

    def swait(dv, rows, sem):
        pltpu.make_async_copy(rows, spm_agg.at[dv], sem).wait()

    pltpu.sync_copy(schunk(0), sv0)
    pltpu.sync_copy(dchunk(0), dv0)
    pload(1, sv1, dv1, is1)
    pload(2, sv2, dv2, is2)
    pload(3, sv3, dv3, is3)
    gather(sv0, rows0, gsem0)

    def body(k, carry):
        q0 = 4 * k
        gwait(sv0, rows0, gsem0)

        @pl.when(k > 0)
        def _():
            swait(dv3, rows1, ssem1)
            pload(q0 + 3, sv3, dv3, is3)

        pwait(q0 + 1, sv1, dv1, is1)
        gather(sv1, rows1, gsem1)
        scatter(dv0, rows0, ssem0)
        swait(dv0, rows0, ssem0)
        pload(q0 + 4, sv0, dv0, is0)
        pwait(q0 + 2, sv2, dv2, is2)
        gwait(sv1, rows1, gsem1)
        gather(sv2, rows0, gsem0)
        scatter(dv1, rows1, ssem1)
        swait(dv1, rows1, ssem1)

        @pl.when(k < _NQUAD - 1)
        def _():
            pload(q0 + 5, sv1, dv1, is1)

        pwait(q0 + 3, sv3, dv3, is3)
        gwait(sv2, rows0, gsem0)
        gather(sv3, rows1, gsem1)
        scatter(dv2, rows0, ssem0)
        swait(dv2, rows0, ssem0)

        @pl.when(k < _NQUAD - 1)
        def _():
            pload(q0 + 6, sv2, dv2, is2)

        pwait(q0 + 4, sv0, dv0, is0)
        gwait(sv3, rows1, gsem1)
        scatter(dv3, rows1, ssem1)
        gather(sv0, rows0, gsem0)
        return carry

    lax.fori_loop(0, _NQUAD, body, 0)
    gwait(sv0, rows0, gsem0)
    scatter(dv0, rows0, ssem0)
    swait(dv3, rows1, ssem1)
    swait(dv0, rows0, ssem0)
    plsc.subcore_barrier()

    @pl.when(s < _NS - 1)
    def _():
        pltpu.sync_copy(spm_agg.at[pl.ds(row0, _RPT), :],
                        out_hbm.at[c, pl.ds(row0, _RPT), :])

    @pl.when(s == _NS - 1)
    def _():
        pltpu.sync_copy(spm_agg.at[pl.ds(15 * _RPT, _RPT_LAST), :],
                        out_hbm.at[c, pl.ds(15 * _RPT, _RPT_LAST), :])


_agg_call = pl.kernel(
    _agg_body,
    out_type=jax.ShapeDtypeStruct((_NC, _N, 128), jnp.float32),
    mesh=plsc.VectorSubcoreMesh(core_axis_name="c", subcore_axis_name="s"),
    scratch_types=[
        pltpu.VMEM_SHARED((_N, 128), jnp.float32),
        pltpu.VMEM((_CH,), jnp.int32),
        pltpu.VMEM((_CH,), jnp.int32),
        pltpu.VMEM((_CH,), jnp.int32),
        pltpu.VMEM((_CH,), jnp.int32),
        pltpu.VMEM((_CH,), jnp.int32),
        pltpu.VMEM((_CH,), jnp.int32),
        pltpu.VMEM((_CH,), jnp.int32),
        pltpu.VMEM((_CH,), jnp.int32),
        pltpu.VMEM((_CH, 128), jnp.float32),
        pltpu.VMEM((_CH, 128), jnp.float32),
        pltpu.SemaphoreType.DMA,
        pltpu.SemaphoreType.DMA,
        pltpu.SemaphoreType.DMA,
        pltpu.SemaphoreType.DMA,
        pltpu.SemaphoreType.DMA,
        pltpu.SemaphoreType.DMA,
        pltpu.SemaphoreType.DMA,
        pltpu.SemaphoreType.DMA,
    ],
)


def _split_slabs(m_ref, mfull):
    m_ref[0] = mfull[:, :128]
    m_ref[1] = mfull[:, 128:]


def _mm_body(h_ref, w_ref, m_ref):
    mfull = jnp.dot(h_ref[...], w_ref[...], preferred_element_type=jnp.float32)
    _split_slabs(m_ref, mfull)


def _matmul(h, w):
    return pl.pallas_call(
        _mm_body,
        grid=(_NRB,),
        in_specs=[pl.BlockSpec((_RB, _HID), lambda i: (i, 0)),
                  pl.BlockSpec((_HID, _HP), lambda i: (0, 0))],
        out_specs=pl.BlockSpec((_NC, _RB, 128), lambda i: (0, i, 0)),
        out_shape=jax.ShapeDtypeStruct((_NC, _N, 128), jnp.float32),
    )(h, w)


def _gru_update(a0, a1, h, wih, whh, bih, bhh):
    agg = jnp.concatenate([a0, a1], axis=1)[:, :_HID]
    gi = jnp.dot(agg, wih, preferred_element_type=jnp.float32) + bih
    gh = jnp.dot(h, whh, preferred_element_type=jnp.float32) + bhh
    r = jax.nn.sigmoid(gi[:, :_HID] + gh[:, :_HID])
    z = jax.nn.sigmoid(gi[:, _HID:2 * _HID] + gh[:, _HID:2 * _HID])
    n = jnp.tanh(gi[:, 2 * _HID:] + r * gh[:, 2 * _HID:])
    return (1.0 - z) * n + z * h


def _gru_mid_body(a0_ref, a1_ref, h_ref, wih_ref, whh_ref, bih_ref, bhh_ref,
                  wn_ref, ho_ref, mo_ref):
    hn = _gru_update(a0_ref[...], a1_ref[...], h_ref[...], wih_ref[...],
                     whh_ref[...], bih_ref[...], bhh_ref[...])
    ho_ref[...] = hn
    mfull = jnp.dot(hn, wn_ref[...], preferred_element_type=jnp.float32)
    _split_slabs(mo_ref, mfull)


def _gru_mid(a0, a1, h, wih, whh, bih, bhh, wn):
    blk = lambda i: (i, 0)
    cst = lambda i: (0, 0)
    return pl.pallas_call(
        _gru_mid_body,
        grid=(_NRB,),
        in_specs=[pl.BlockSpec((_RB, 128), blk),
                  pl.BlockSpec((_RB, 128), blk),
                  pl.BlockSpec((_RB, _HID), blk),
                  pl.BlockSpec((_HID, 3 * _HID), cst),
                  pl.BlockSpec((_HID, 3 * _HID), cst),
                  pl.BlockSpec((1, 3 * _HID), cst),
                  pl.BlockSpec((1, 3 * _HID), cst),
                  pl.BlockSpec((_HID, _HP), cst)],
        out_specs=[pl.BlockSpec((_RB, _HID), blk),
                   pl.BlockSpec((_NC, _RB, 128), lambda i: (0, i, 0))],
        out_shape=[jax.ShapeDtypeStruct((_N, _HID), jnp.float32),
                   jax.ShapeDtypeStruct((_NC, _N, 128), jnp.float32)],
    )(a0, a1, h, wih, whh, bih, bhh, wn)


def _gru_fin_body(a0_ref, a1_ref, h_ref, wih_ref, whh_ref, bih_ref, bhh_ref,
                  cw_ref, cb_ref, res_ref, mx_ref):
    hn = _gru_update(a0_ref[...], a1_ref[...], h_ref[...], wih_ref[...],
                     whh_ref[...], bih_ref[...], bhh_ref[...])
    hn = jnp.maximum(hn, 0.0)
    bm = jnp.max(hn, axis=0, keepdims=True)
    i = pl.program_id(0)

    @pl.when(i == 0)
    def _():
        mx_ref[...] = bm

    @pl.when(i > 0)
    def _():
        mx_ref[...] = jnp.maximum(mx_ref[...], bm)

    res_ref[...] = jax.nn.sigmoid(
        jnp.dot(mx_ref[...], cw_ref[...], preferred_element_type=jnp.float32)
        + cb_ref[...])


def _gru_fin(a0, a1, h, wih, whh, bih, bhh, cw, cb):
    blk = lambda i: (i, 0)
    cst = lambda i: (0, 0)
    return pl.pallas_call(
        _gru_fin_body,
        grid=(_NRB,),
        in_specs=[pl.BlockSpec((_RB, 128), blk),
                  pl.BlockSpec((_RB, 128), blk),
                  pl.BlockSpec((_RB, _HID), blk),
                  pl.BlockSpec((_HID, 3 * _HID), cst),
                  pl.BlockSpec((_HID, 3 * _HID), cst),
                  pl.BlockSpec((1, 3 * _HID), cst),
                  pl.BlockSpec((1, 3 * _HID), cst),
                  pl.BlockSpec((_HID, 2), cst),
                  pl.BlockSpec((1, 2), cst)],
        out_specs=pl.BlockSpec((1, 2), cst),
        out_shape=jax.ShapeDtypeStruct((1, 2), jnp.float32),
        scratch_shapes=[pltpu.VMEM((1, _HID), jnp.float32)],
    )(a0, a1, h, wih, whh, bih, bhh, cw, cb)


def kernel(x, edge_index, weight, w_ih, w_hh, b_ih, b_hh, cls_W, cls_b):
    h = jnp.pad(x, ((0, 0), (0, _HID - x.shape[1])))
    src = edge_index[0]
    dst = edge_index[1]
    src2 = jnp.concatenate([src, src + _N])
    zeros = jnp.zeros((_RPT_LAST, 128), jnp.float32)
    wpad = jnp.pad(weight, ((0, 0), (0, 0), (0, _HP - _HID)))
    wihT = w_ih.T
    whhT = w_hh.T
    bih = b_ih.reshape(1, -1)
    bhh = b_hh.reshape(1, -1)
    clsWT = cls_W.T
    clsb = cls_b.reshape(1, -1)

    m = _matmul(h, wpad[0])
    for i in range(_L - 1):
        parts = _agg_call(m.reshape(_NC * _N, 128), src2, dst, zeros)
        h, m = _gru_mid(parts[0], parts[1], h, wihT, whhT, bih, bhh,
                        wpad[i + 1])
    parts = _agg_call(m.reshape(_NC * _N, 128), src2, dst, zeros)
    result = _gru_fin(parts[0], parts[1], h, wihT, whhT, bih, bhh,
                      clsWT, clsb)
    return (result, x)

# --- scband reference (transcript-rebuilt; emitter-appended) ---
"""Pipeline reference for scband-devign-simplify-26422638805463 (READ-ONLY COPY).

The authoritative reference and input builder live on the scoring server;
editing this copy changes nothing except your own understanding.
"""

import jax, jax.numpy as jnp
import numpy as np

N = 10000
D_IN = 128
E = 320000
H = 200
L = 6

def setup_inputs(seed: int = 0) -> dict:
    key = jax.random.key(seed)
    ks = jax.random.split(key, 8)
    x = jax.random.normal(ks[0], (N, D_IN), dtype=jnp.float32)
    edge_index = jax.random.randint(ks[1], (2, E), 0, N, dtype=jnp.int32)
    # GatedGraphConv params: per-layer linear weight [L, H, H]
    weight = jax.random.normal(ks[2], (L, H, H), dtype=jnp.float32) * 0.05
    # GRUCell params
    w_ih = jax.random.normal(ks[3], (3 * H, H), dtype=jnp.float32) * 0.05
    w_hh = jax.random.normal(ks[4], (3 * H, H), dtype=jnp.float32) * 0.05
    b_ih = jnp.zeros((3 * H,), dtype=jnp.float32)
    b_hh = jnp.zeros((3 * H,), dtype=jnp.float32)
    # classifier Linear(H, 2)
    cls_W = jax.random.normal(ks[5], (2, H), dtype=jnp.float32) * 0.05
    cls_b = jnp.zeros((2,), dtype=jnp.float32)
    return {"x": x, "edge_index": edge_index, "weight": weight, "w_ih": w_ih,
            "w_hh": w_hh, "b_ih": b_ih, "b_hh": b_hh, "cls_W": cls_W, "cls_b": cls_b}

def _gru_cell(m, h, w_ih, w_hh, b_ih, b_hh):
    gi = m @ w_ih.T + b_ih
    gh = h @ w_hh.T + b_hh
    i_r, i_z, i_n = jnp.split(gi, 3, axis=1)
    h_r, h_z, h_n = jnp.split(gh, 3, axis=1)
    r = jax.nn.sigmoid(i_r + h_r)
    z = jax.nn.sigmoid(i_z + h_z)
    n = jnp.tanh(i_n + r * h_n)
    return (1.0 - z) * n + z * h

def reference(x, edge_index, weight, w_ih, w_hh, b_ih, b_hh, cls_W, cls_b):
    n_nodes = x.shape[0]
    # GatedGraphConv pads x with zeros up to out_channels
    h = jnp.pad(x, ((0, 0), (0, H - x.shape[1])))
    src = edge_index[0]
    dst = edge_index[1]
    for i in range(L):
        m = h @ weight[i]
        msgs = jnp.take(m, src, axis=0)
        agg = jax.ops.segment_sum(msgs, dst, num_segments=n_nodes)
        h = _gru_cell(agg, h, w_ih, w_hh, b_ih, b_hh)
    outputs = jax.nn.relu(h)
    # global_max_pool with batch all-zeros -> max over all nodes, shape [1, H]
    pooled = jnp.max(outputs, axis=0, keepdims=True)
    avg = pooled @ cls_W.T + cls_b
    result = jax.nn.sigmoid(avg)
    return (result, x)

if __name__ == "__main__":
    import jax
    _d = setup_inputs()
    print(jax.jit(kernel)(*tuple(_d.values())))

</pallas_src>

<mosaic_0001>
#map = affine_map<(d0, d1) -> (0, 0)>
#map1 = affine_map<(d0, d1) -> (0)>
#map2 = affine_map<(d0, d1) -> (0, 0, 0)>
module attributes {stable_mosaic.version = 14 : i64} {
  func.func @_agg_body(%arg0: i32, %arg1: i32, %arg2: memref<20000x128xf32, #tpu.memory_space<hbm>>, %arg3: memref<640000xi32, #tpu.memory_space<hbm>>, %arg4: memref<320000xi32, #tpu.memory_space<hbm>>, %arg5: memref<640x128xf32, #tpu.memory_space<hbm>>, %arg6: memref<2x10000x128xf32, #tpu.memory_space<hbm>>, %arg7: memref<10000x128xf32, #tpu.memory_space<vmem_shared>>, %arg8: memref<160xi32, #tpu.memory_space<vmem>>, %arg9: memref<160xi32, #tpu.memory_space<vmem>>, %arg10: memref<160xi32, #tpu.memory_space<vmem>>, %arg11: memref<160xi32, #tpu.memory_space<vmem>>, %arg12: memref<160xi32, #tpu.memory_space<vmem>>, %arg13: memref<160xi32, #tpu.memory_space<vmem>>, %arg14: memref<160xi32, #tpu.memory_space<vmem>>, %arg15: memref<160xi32, #tpu.memory_space<vmem>>, %arg16: memref<160x128xf32, #tpu.memory_space<vmem>>, %arg17: memref<160x128xf32, #tpu.memory_space<vmem>>, %arg18: memref<!tpu.dma_semaphore, #tpu.memory_space<semaphore_mem>>, %arg19: memref<!tpu.dma_semaphore, #tpu.memory_space<semaphore_mem>>, %arg20: memref<!tpu.dma_semaphore, #tpu.memory_space<semaphore_mem>>, %arg21: memref<!tpu.dma_semaphore, #tpu.memory_space<semaphore_mem>>, %arg22: memref<!tpu.dma_semaphore, #tpu.memory_space<semaphore_mem>>, %arg23: memref<!tpu.dma_semaphore, #tpu.memory_space<semaphore_mem>>, %arg24: memref<!tpu.dma_semaphore, #tpu.memory_space<semaphore_mem>>, %arg25: memref<!tpu.dma_semaphore, #tpu.memory_space<semaphore_mem>>) attributes {dimension_semantics = [#tpu.dimension_semantics<core_parallel>, #tpu.dimension_semantics<subcore_parallel>], iteration_bounds = array<i64: 2, 16>, scalar_prefetch = 0 : i64, scratch_operands = 19 : i64, tpu.core_type = #tpu.core_type<sc_vector_subcore>, window_params = [{transform_indices = #map}, {transform_indices = #map1}, {transform_indices = #map1}, {transform_indices = #map}, {transform_indices = #map2}]} {
    %mul3A = arith.constant 624 : i32
    %mul3A_0 = arith.muli %arg1, %mul3A : i32
    %multiple_of3A = tpu.assume_multiple %mul3A_0, 8 : i32
    %lt3A = arith.constant 15 : i32
    %lt3A_1 = arith.cmpi slt, %arg1, %lt3A : i32
    %convert_element_type3A = arith.extui %lt3A_1 : i1 to i32
    %cond3A = arith.constant 0 : i32
    %cond3A_2 = arith.cmpi ne, %convert_element_type3A, %cond3A : i32
    scf.if %cond3A_2 {
      "tpu.region"() ({
        %run_scoped3A = tpu.sem_alloc : memref<!tpu.dma_semaphore, #tpu.memory_space<semaphore_mem>>
        %dma_start3A_78 = arith.constant 0 : i32
        %dma_start3A_79 = tpu.memref_slice %arg7[%multiple_of3A, %dma_start3A_78] : memref<10000x128xf32, #tpu.memory_space<vmem_shared>> -> memref<624x128xf32, #tpu.memory_space<vmem_shared>>
        %dma_start3A_80 = arith.constant 0 : i32
        %dma_start3A_81 = arith.constant 0 : i32
        %dma_start3A_82 = tpu.memref_slice %arg5[%dma_start3A_80, %dma_start3A_81] : memref<640x128xf32, #tpu.memory_space<hbm>> -> memref<624x128xf32, #tpu.memory_space<hbm>>
        tpu.enqueue_dma source(%dma_start3A_82 : memref<624x128xf32, #tpu.memory_space<hbm>>) target(%dma_start3A_79 : memref<624x128xf32, #tpu.memory_space<vmem_shared>>) target_semaphore(%run_scoped3A : memref<!tpu.dma_semaphore, #tpu.memory_space<semaphore_mem>>)
        %dma_wait3A_83 = arith.constant 0 : i32
        %dma_wait3A_84 = tpu.memref_slice %arg7[%multiple_of3A, %dma_wait3A_83] : memref<10000x128xf32, #tpu.memory_space<vmem_shared>> -> memref<624x128xf32, #tpu.memory_space<vmem_shared>>
        %dma_wait3A_85 = arith.constant 0 : i32
        %dma_wait3A_86 = arith.constant 0 : i32
        %dma_wait3A_87 = tpu.memref_slice %arg5[%dma_wait3A_85, %dma_wait3A_86] : memref<640x128xf32, #tpu.memory_space<hbm>> -> memref<624x128xf32, #tpu.memory_space<hbm>>
        tpu.wait_dma2 semaphore(%run_scoped3A : memref<!tpu.dma_semaphore, #tpu.memory_space<semaphore_mem>>) src(%dma_wait3A_87 : memref<624x128xf32, #tpu.memory_space<hbm>>) dst(%dma_wait3A_84 : memref<624x128xf32, #tpu.memory_space<vmem_shared>>)
        tpu.yield
      }) : () -> ()
    } else {
    }
    %eq3A = arith.constant 15 : i32
    %eq3A_3 = arith.cmpi eq, %arg1, %eq3A : i32
    %convert_element_type3A_4 = arith.extui %eq3A_3 : i1 to i32
    %cond3A_5 = arith.constant 0 : i32
    %cond3A_6 = arith.cmpi ne, %convert_element_type3A_4, %cond3A_5 : i32
    scf.if %cond3A_6 {
      "tpu.region"() ({
        %run_scoped3A = tpu.sem_alloc : memref<!tpu.dma_semaphore, #tpu.memory_space<semaphore_mem>>
        %dma_start3A_78 = arith.constant 9360 : i32
        %dma_start3A_79 = arith.constant 0 : i32
        %dma_start3A_80 = tpu.memref_slice %arg7[%dma_start3A_78, %dma_start3A_79] : memref<10000x128xf32, #tpu.memory_space<vmem_shared>> -> memref<640x128xf32, #tpu.memory_space<vmem_shared>>
        tpu.enqueue_dma source(%arg5 : memref<640x128xf32, #tpu.memory_space<hbm>>) target(%dma_start3A_80 : memref<640x128xf32, #tpu.memory_space<vmem_shared>>) target_semaphore(%run_scoped3A : memref<!tpu.dma_semaphore, #tpu.memory_space<semaphore_mem>>)
        %dma_wait3A_81 = arith.constant 9360 : i32
        %dma_wait3A_82 = arith.constant 0 : i32
        %dma_wait3A_83 = tpu.memref_slice %arg7[%dma_wait3A_81, %dma_wait3A_82] : memref<10000x128xf32, #tpu.memory_space<vmem_shared>> -> memref<640x128xf32, #tpu.memory_space<vmem_shared>>
        tpu.wait_dma2 semaphore(%run_scoped3A : memref<!tpu.dma_semaphore, #tpu.memory_space<semaphore_mem>>) src(%arg5 : memref<640x128xf32, #tpu.memory_space<hbm>>) dst(%dma_wait3A_83 : memref<640x128xf32, #tpu.memory_space<vmem_shared>>)
        tpu.yield
      }) : () -> ()
    } else {
    }
    %barrier3A = arith.constant 0 : index
    tpu.barrier barrier_id(%barrier3A)
    %mul3A_7 = arith.constant 320000 : i32
    %mul3A_8 = arith.muli %arg0, %mul3A_7 : i32
    %mul3A_9 = arith.constant 20000 : i32
    %mul3A_10 = arith.muli %arg1, %mul3A_9 : i32
    %add3A = arith.addi %mul3A_8, %mul3A_10 : i32
    %mul3A_11 = arith.constant 20000 : i32
    %mul3A_12 = arith.muli %arg1, %mul3A_11 : i32
    %add3A_13 = arith.constant 0 : i32
    %add3A_14 = arith.addi %add3A, %add3A_13 : i32
    %multiple_of3A_15 = tpu.assume_multiple %add3A_14, 8 : i32
    "tpu.region"() ({
      %run_scoped3A = tpu.sem_alloc : memref<!tpu.dma_semaphore, #tpu.memory_space<semaphore_mem>>
      %dma_start3A_78 = tpu.memref_slice %arg3[%multiple_of3A_15] : memref<640000xi32, #tpu.memory_space<hbm>> -> memref<160xi32, #tpu.memory_space<hbm>>
      %dma_start3A_79 = tpu.memref_slice %arg3[%multiple_of3A_15] : memref<640000xi32, #tpu.memory_space<hbm>> -> memref<160xi32, #tpu.memory_space<hbm>>
      tpu.enqueue_dma source(%dma_start3A_79 : memref<160xi32, #tpu.memory_space<hbm>>) target(%arg8 : memref<160xi32, #tpu.memory_space<vmem>>) target_semaphore(%run_scoped3A : memref<!tpu.dma_semaphore, #tpu.memory_space<semaphore_mem>>)
      %dma_wait3A_80 = tpu.memref_slice %arg3[%multiple_of3A_15] : memref<640000xi32, #tpu.memory_space<hbm>> -> memref<160xi32, #tpu.memory_space<hbm>>
      %dma_wait3A_81 = tpu.memref_slice %arg3[%multiple_of3A_15] : memref<640000xi32, #tpu.memory_space<hbm>> -> memref<160xi32, #tpu.memory_space<hbm>>
      tpu.wait_dma2 semaphore(%run_scoped3A : memref<!tpu.dma_semaphore, #tpu.memory_space<semaphore_mem>>) src(%dma_wait3A_81 : memref<160xi32, #tpu.memory_space<hbm>>) dst(%arg8 : memref<160xi32, #tpu.memory_space<vmem>>)
      tpu.yield
    }) : () -> ()
    %add3A_16 = arith.constant 0 : i32
    %add3A_17 = arith.addi %mul3A_12, %add3A_16 : i32
    %multiple_of3A_18 = tpu.assume_multiple %add3A_17, 8 : i32
    "tpu.region"() ({
      %run_scoped3A = tpu.sem_alloc : memref<!tpu.dma_semaphore, #tpu.memory_space<semaphore_mem>>
      %dma_start3A_78 = tpu.memref_slice %arg4[%multiple_of3A_18] : memref<320000xi32, #tpu.memory_space<hbm>> -> memref<160xi32, #tpu.memory_space<hbm>>
      %dma_start3A_79 = tpu.memref_slice %arg4[%multiple_of3A_18] : memref<320000xi32, #tpu.memory_space<hbm>> -> memref<160xi32, #tpu.memory_space<hbm>>
      tpu.enqueue_dma source(%dma_start3A_79 : memref<160xi32, #tpu.memory_space<hbm>>) target(%arg12 : memref<160xi32, #tpu.memory_space<vmem>>) target_semaphore(%run_scoped3A : memref<!tpu.dma_semaphore, #tpu.memory_space<semaphore_mem>>)
      %dma_wait3A_80 = tpu.memref_slice %arg4[%multiple_of3A_18] : memref<320000xi32, #tpu.memory_space<hbm>> -> memref<160xi32, #tpu.memory_space<hbm>>
      %dma_wait3A_81 = tpu.memref_slice %arg4[%multiple_of3A_18] : memref<320000xi32, #tpu.memory_space<hbm>> -> memref<160xi32, #tpu.memory_space<hbm>>
      tpu.wait_dma2 semaphore(%run_scoped3A : memref<!tpu.dma_semaphore, #tpu.memory_space<semaphore_mem>>) src(%dma_wait3A_81 : memref<160xi32, #tpu.memory_space<hbm>>) dst(%arg12 : memref<160xi32, #tpu.memory_space<vmem>>)
      tpu.yield
    }) : () -> ()
    %add3A_19 = arith.constant 160 : i32
    %add3A_20 = arith.addi %add3A, %add3A_19 : i32
    %multiple_of3A_21 = tpu.assume_multiple %add3A_20, 8 : i32
    %dma_start3A = tpu.memref_slice %arg3[%multiple_of3A_21] : memref<640000xi32, #tpu.memory_space<hbm>> -> memref<160xi32, #tpu.memory_space<hbm>>
    %dma_start3A_22 = tpu.memref_slice %arg3[%multiple_of3A_21] : memref<640000xi32, #tpu.memory_space<hbm>> -> memref<160xi32, #tpu.memory_space<hbm>>
    tpu.enqueue_dma source(%dma_start3A_22 : memref<160xi32, #tpu.memory_space<hbm>>) target(%arg9 : memref<160xi32, #tpu.memory_space<vmem>>) target_semaphore(%arg23 : memref<!tpu.dma_semaphore, #tpu.memory_space<semaphore_mem>>)
    %add3A_23 = arith.constant 160 : i32
    %add3A_24 = arith.addi %mul3A_12, %add3A_23 : i32
    %multiple_of3A_25 = tpu.assume_multiple %add3A_24, 8 : i32
    %dma_start3A_26 = tpu.memref_slice %arg4[%multiple_of3A_25] : memref<320000xi32, #tpu.memory_space<hbm>> -> memref<160xi32, #tpu.memory_space<hbm>>
    %dma_start3A_27 = tpu.memref_slice %arg4[%multiple_of3A_25] : memref<320000xi32, #tpu.memory_space<hbm>> -> memref<160xi32, #tpu.memory_space<hbm>>
    tpu.enqueue_dma source(%dma_start3A_27 : memref<160xi32, #tpu.memory_space<hbm>>) target(%arg13 : memref<160xi32, #tpu.memory_space<vmem>>) target_semaphore(%arg23 : memref<!tpu.dma_semaphore, #tpu.memory_space<semaphore_mem>>)
    %add3A_28 = arith.constant 320 : i32
    %add3A_29 = arith.addi %add3A, %add3A_28 : i32
    %multiple_of3A_30 = tpu.assume_multiple %add3A_29, 8 : i32
    %dma_start3A_31 = tpu.memref_slice %arg3[%multiple_of3A_30] : memref<640000xi32, #tpu.memory_space<hbm>> -> memref<160xi32, #tpu.memory_space<hbm>>
    %dma_start3A_32 = tpu.memref_slice %arg3[%multiple_of3A_30] : memref<640000xi32, #tpu.memory_space<hbm>> -> memref<160xi32, #tpu.memory_space<hbm>>
    tpu.enqueue_dma source(%dma_start3A_32 : memref<160xi32, #tpu.memory_space<hbm>>) target(%arg10 : memref<160xi32, #tpu.memory_space<vmem>>) target_semaphore(%arg24 : memref<!tpu.dma_semaphore, #tpu.memory_space<semaphore_mem>>)
    %add3A_33 = arith.constant 320 : i32
    %add3A_34 = arith.addi %mul3A_12, %add3A_33 : i32
    %multiple_of3A_35 = tpu.assume_multiple %add3A_34, 8 : i32
    %dma_start3A_36 = tpu.memref_slice %arg4[%multiple_of3A_35] : memref<320000xi32, #tpu.memory_space<hbm>> -> memref<160xi32, #tpu.memory_space<hbm>>
    %dma_start3A_37 = tpu.memref_slice %arg4[%multiple_of3A_35] : memref<320000xi32, #tpu.memory_space<hbm>> -> memref<160xi32, #tpu.memory_space<hbm>>
    tpu.enqueue_dma source(%dma_start3A_37 : memref<160xi32, #tpu.memory_space<hbm>>) target(%arg14 : memref<160xi32, #tpu.memory_space<vmem>>) target_semaphore(%arg24 : memref<!tpu.dma_semaphore, #tpu.memory_space<semaphore_mem>>)
    %add3A_38 = arith.constant 480 : i32
    %add3A_39 = arith.addi %add3A, %add3A_38 : i32
    %multiple_of3A_40 = tpu.assume_multiple %add3A_39, 8 : i32
    %dma_start3A_41 = tpu.memref_slice %arg3[%multiple_of3A_40] : memref<640000xi32, #tpu.memory_space<hbm>> -> memref<160xi32, #tpu.memory_space<hbm>>
    %dma_start3A_42 = tpu.memref_slice %arg3[%multiple_of3A_40] : memref<640000xi32, #tpu.memory_space<hbm>> -> memref<160xi32, #tpu.memory_space<hbm>>
    tpu.enqueue_dma source(%dma_start3A_42 : memref<160xi32, #tpu.memory_space<hbm>>) target(%arg11 : memref<160xi32, #tpu.memory_space<vmem>>) target_semaphore(%arg25 : memref<!tpu.dma_semaphore, #tpu.memory_space<semaphore_mem>>)
    %add3A_43 = arith.constant 480 : i32
    %add3A_44 = arith.addi %mul3A_12, %add3A_43 : i32
    %multiple_of3A_45 = tpu.assume_multiple %add3A_44, 8 : i32
    %dma_start3A_46 = tpu.memref_slice %arg4[%multiple_of3A_45] : memref<320000xi32, #tpu.memory_space<hbm>> -> memref<160xi32, #tpu.memory_space<hbm>>
    %dma_start3A_47 = tpu.memref_slice %arg4[%multiple_of3A_45] : memref<320000xi32, #tpu.memory_space<hbm>> -> memref<160xi32, #tpu.memory_space<hbm>>
    tpu.enqueue_dma source(%dma_start3A_47 : memref<160xi32, #tpu.memory_space<hbm>>) target(%arg15 : memref<160xi32, #tpu.memory_space<vmem>>) target_semaphore(%arg25 : memref<!tpu.dma_semaphore, #tpu.memory_space<semaphore_mem>>)
    %dma_start3A_48 = arith.constant 0 : i32
    %dma_start3A_49 = arith.constant 0 : i32
    %dma_start3A_50 = tpu.memref_slice %arg2[%dma_start3A_48, %dma_start3A_49] : memref<20000x128xf32, #tpu.memory_space<hbm>> -> memref<20000x128xf32, #tpu.memory_space<hbm>>
    tpu.enqueue_indirect_dma source(%dma_start3A_50 : memref<20000x128xf32, #tpu.memory_space<hbm>>) target(%arg16 : memref<160x128xf32, #tpu.memory_space<vmem>>) offsets(%arg8 : memref<160xi32, #tpu.memory_space<vmem>>) semaphore(%arg18 : memref<!tpu.dma_semaphore, #tpu.memory_space<semaphore_mem>>)
    %scan3A = arith.constant 0 : i32
    %scan3A_51 = arith.constant 0 : i32
    %scan3A_52 = arith.constant 31 : i32
    %scan3A_53 = arith.addi %scan3A_51, %scan3A_52 : i32
    %scan3A_54 = arith.constant 1 : i32
    scf.for %scan3A_78 = %scan3A_51 to %scan3A_53 step %scan3A_54  : i32 {
      %mul3A_79 = arith.constant 4 : i32
      %mul3A_80 = arith.muli %mul3A_79, %scan3A_78 : i32
      %dma_wait3A_81 = arith.constant 0 : i32
      %dma_wait3A_82 = arith.constant 0 : i32
      %dma_wait3A_83 = tpu.memref_slice %arg2[%dma_wait3A_81, %dma_wait3A_82] : memref<20000x128xf32, #tpu.memory_space<hbm>> -> memref<20000x128xf32, #tpu.memory_space<hbm>>
      tpu.wait_indirect_dma semaphore(%arg18 : memref<!tpu.dma_semaphore, #tpu.memory_space<semaphore_mem>>) src(%dma_wait3A_83 : memref<20000x128xf32, #tpu.memory_space<hbm>>) dst(%arg16 : memref<160x128xf32, #tpu.memory_space<vmem>>)
      %gt3A = arith.constant 0 : i32
      %gt3A_84 = arith.cmpi sgt, %scan3A_78, %gt3A : i32
      %convert_element_type3A_85 = arith.extui %gt3A_84 : i1 to i32
      %cond3A_86 = arith.constant 0 : i32
      %cond3A_87 = arith.cmpi ne, %convert_element_type3A_85, %cond3A_86 : i32
      scf.if %cond3A_87 {
        %dma_wait3A_210 = arith.constant 0 : i32
        %dma_wait3A_211 = arith.constant 0 : i32
        %dma_wait3A_212 = tpu.memref_slice %arg7[%dma_wait3A_210, %dma_wait3A_211] : memref<10000x128xf32, #tpu.memory_space<vmem_shared>> -> memref<10000x128xf32, #tpu.memory_space<vmem_shared>>
        tpu.wait_indirect_dma semaphore(%arg21 : memref<!tpu.dma_semaphore, #tpu.memory_space<semaphore_mem>>) src(%arg17 : memref<160x128xf32, #tpu.memory_space<vmem>>) dst(%dma_wait3A_212 : memref<10000x128xf32, #tpu.memory_space<vmem_shared>>)
        %add3A_213 = arith.constant 3 : i32
        %add3A_214 = arith.addi %mul3A_80, %add3A_213 : i32
        %mul3A_215 = arith.constant 160 : i32
        %mul3A_216 = arith.muli %add3A_214, %mul3A_215 : i32
        %add3A_217 = arith.addi %add3A, %mul3A_216 : i32
        %multiple_of3A_218 = tpu.assume_multiple %add3A_217, 8 : i32
        %dma_start3A_219 = tpu.memref_slice %arg3[%multiple_of3A_218] : memref<640000xi32, #tpu.memory_space<hbm>> -> memref<160xi32, #tpu.memory_space<hbm>>
        %dma_start3A_220 = tpu.memref_slice %arg3[%multiple_of3A_218] : memref<640000xi32, #tpu.memory_space<hbm>> -> memref<160xi32, #tpu.memory_space<hbm>>
        tpu.enqueue_dma source(%dma_start3A_220 : memref<160xi32, #tpu.memory_space<hbm>>) target(%arg11 : memref<160xi32, #tpu.memory_space<vmem>>) target_semaphore(%arg25 : memref<!tpu.dma_semaphore, #tpu.memory_space<semaphore_mem>>)
        %mul3A_221 = arith.constant 160 : i32
        %mul3A_222 = arith.muli %add3A_214, %mul3A_221 : i32
        %add3A_223 = arith.addi %mul3A_12, %mul3A_222 : i32
        %multiple_of3A_224 = tpu.assume_multiple %add3A_223, 8 : i32
        %dma_start3A_225 = tpu.memref_slice %arg4[%multiple_of3A_224] : memref<320000xi32, #tpu.memory_space<hbm>> -> memref<160xi32, #tpu.memory_space<hbm>>
        %dma_start3A_226 = tpu.memref_slice %arg4[%multiple_of3A_224] : memref<320000xi32, #tpu.memory_space<hbm>> -> memref<160xi32, #tpu.memory_space<hbm>>
        tpu.enqueue_dma source(%dma_start3A_226 : memref<160xi32, #tpu.memory_space<hbm>>) target(%arg15 : memref<160xi32, #tpu.memory_space<vmem>>) target_semaphore(%arg25 : memref<!tpu.dma_semaphore, #tpu.memory_space<semaphore_mem>>)
      } else {
      }
      %add3A_88 = arith.constant 1 : i32
      %add3A_89 = arith.addi %mul3A_80, %add3A_88 : i32
      %mul3A_90 = arith.constant 160 : i32
      %mul3A_91 = arith.muli %add3A_89, %mul3A_90 : i32
      %add3A_92 = arith.addi %add3A, %mul3A_91 : i32
      %multiple_of3A_93 = tpu.assume_multiple %add3A_92, 8 : i32
      %dma_wait3A_94 = tpu.memref_slice %arg3[%multiple_of3A_93] : memref<640000xi32, #tpu.memory_space<hbm>> -> memref<160xi32, #tpu.memory_space<hbm>>
      %dma_wait3A_95 = tpu.memref_slice %arg3[%multiple_of3A_93] : memref<640000xi32, #tpu.memory_space<hbm>> -> memref<160xi32, #tpu.memory_space<hbm>>
      tpu.wait_dma2 semaphore(%arg23 : memref<!tpu.dma_semaphore, #tpu.memory_space<semaphore_mem>>) src(%dma_wait3A_95 : memref<160xi32, #tpu.memory_space<hbm>>) dst(%arg9 : memref<160xi32, #tpu.memory_space<vmem>>)
      %mul3A_96 = arith.constant 160 : i32
      %mul3A_97 = arith.muli %add3A_89, %mul3A_96 : i32
      %add3A_98 = arith.addi %mul3A_12, %mul3A_97 : i32
      %multiple_of3A_99 = tpu.assume_multiple %add3A_98, 8 : i32
      %dma_wait3A_100 = tpu.memref_slice %arg4[%multiple_of3A_99] : memref<320000xi32, #tpu.memory_space<hbm>> -> memref<160xi32, #tpu.memory_space<hbm>>
      %dma_wait3A_101 = tpu.memref_slice %arg4[%multiple_of3A_99] : memref<320000xi32, #tpu.memory_space<hbm>> -> memref<160xi32, #tpu.memory_space<hbm>>
      tpu.wait_dma2 semaphore(%arg23 : memref<!tpu.dma_semaphore, #tpu.memory_space<semaphore_mem>>) src(%dma_wait3A_101 : memref<160xi32, #tpu.memory_space<hbm>>) dst(%arg13 : memref<160xi32, #tpu.memory_space<vmem>>)
      %dma_start3A_102 = arith.constant 0 : i32
      %dma_start3A_103 = arith.constant 0 : i32
      %dma_start3A_104 = tpu.memref_slice %arg2[%dma_start3A_102, %dma_start3A_103] : memref<20000x128xf32, #tpu.memory_space<hbm>> -> memref<20000x128xf32, #tpu.memory_space<hbm>>
      tpu.enqueue_indirect_dma source(%dma_start3A_104 : memref<20000x128xf32, #tpu.memory_space<hbm>>) target(%arg17 : memref<160x128xf32, #tpu.memory_space<vmem>>) offsets(%arg9 : memref<160xi32, #tpu.memory_space<vmem>>) semaphore(%arg19 : memref<!tpu.dma_semaphore, #tpu.memory_space<semaphore_mem>>)
      %dma_start3A_105 = arith.constant 0 : i32
      %dma_start3A_106 = arith.constant 0 : i32
      %dma_start3A_107 = tpu.memref_slice %arg7[%dma_start3A_105, %dma_start3A_106] : memref<10000x128xf32, #tpu.memory_space<vmem_shared>> -> memref<10000x128xf32, #tpu.memory_space<vmem_shared>>
      tpu.enqueue_indirect_dma source(%arg16 : memref<160x128xf32, #tpu.memory_space<vmem>>) target(%dma_start3A_107 : memref<10000x128xf32, #tpu.memory_space<vmem_shared>>) offsets(%arg12 : memref<160xi32, #tpu.memory_space<vmem>>) semaphore(%arg20 : memref<!tpu.dma_semaphore, #tpu.memory_space<semaphore_mem>>) {add = true}
      %dma_wait3A_108 = arith.constant 0 : i32
      %dma_wait3A_109 = arith.constant 0 : i32
      %dma_wait3A_110 = tpu.memref_slice %arg7[%dma_wait3A_108, %dma_wait3A_109] : memref<10000x128xf32, #tpu.memory_space<vmem_shared>> -> memref<10000x128xf32, #tpu.memory_space<vmem_shared>>
      tpu.wait_indirect_dma semaphore(%arg20 : memref<!tpu.dma_semaphore, #tpu.memory_space<semaphore_mem>>) src(%arg16 : memref<160x128xf32, #tpu.memory_space<vmem>>) dst(%dma_wait3A_110 : memref<10000x128xf32, #tpu.memory_space<vmem_shared>>)
      %add3A_111 = arith.constant 4 : i32
      %add3A_112 = arith.addi %mul3A_80, %add3A_111 : i32
      %mul3A_113 = arith.constant 160 : i32
      %mul3A_114 = arith.muli %add3A_112, %mul3A_113 : i32
      %add3A_115 = arith.addi %add3A, %mul3A_114 : i32
      %multiple_of3A_116 = tpu.assume_multiple %add3A_115, 8 : i32
      %dma_start3A_117 = tpu.memref_slice %arg3[%multiple_of3A_116] : memref<640000xi32, #tpu.memory_space<hbm>> -> memref<160xi32, #tpu.memory_space<hbm>>
      %dma_start3A_118 = tpu.memref_slice %arg3[%multiple_of3A_116] : memref<640000xi32, #tpu.memory_space<hbm>> -> memref<160xi32, #tpu.memory_space<hbm>>
      tpu.enqueue_dma source(%dma_start3A_118 : memref<160xi32, #tpu.memory_space<hbm>>) target(%arg8 : memref<160xi32, #tpu.memory_space<vmem>>) target_semaphore(%arg22 : memref<!tpu.dma_semaphore, #tpu.memory_space<semaphore_mem>>)
      %mul3A_119 = arith.constant 160 : i32
      %mul3A_120 = arith.muli %add3A_112, %mul3A_119 : i32
      %add3A_121 = arith.addi %mul3A_12, %mul3A_120 : i32
      %multiple_of3A_122 = tpu.assume_multiple %add3A_121, 8 : i32
      %dma_start3A_123 = tpu.memref_slice %arg4[%multiple_of3A_122] : memref<320000xi32, #tpu.memory_space<hbm>> -> memref<160xi32, #tpu.memory_space<hbm>>
      %dma_start3A_124 = tpu.memref_slice %arg4[%multiple_of3A_122] : memref<320000xi32, #tpu.memory_space<hbm>> -> memref<160xi32, #tpu.memory_space<hbm>>
      tpu.enqueue_dma source(%dma_start3A_124 : memref<160xi32, #tpu.memory_space<hbm>>) target(%arg12 : memref<160xi32, #tpu.memory_space<vmem>>) target_semaphore(%arg22 : memref<!tpu.dma_semaphore, #tpu.memory_space<semaphore_mem>>)
      %add3A_125 = arith.constant 2 : i32
      %add3A_126 = arith.addi %mul3A_80, %add3A_125 : i32
      %mul3A_127 = arith.constant 160 : i32
      %mul3A_128 = arith.muli %add3A_126, %mul3A_127 : i32
      %add3A_129 = arith.addi %add3A, %mul3A_128 : i32
      %multiple_of3A_130 = tpu.assume_multiple %add3A_129, 8 : i32
      %dma_wait3A_131 = tpu.memref_slice %arg3[%multiple_of3A_130] : memref<640000xi32, #tpu.memory_space<hbm>> -> memref<160xi32, #tpu.memory_space<hbm>>
      %dma_wait3A_132 = tpu.memref_slice %arg3[%multiple_of3A_130] : memref<640000xi32, #tpu.memory_space<hbm>> -> memref<160xi32, #tpu.memory_space<hbm>>
      tpu.wait_dma2 semaphore(%arg24 : memref<!tpu.dma_semaphore, #tpu.memory_space<semaphore_mem>>) src(%dma_wait3A_132 : memref<160xi32, #tpu.memory_space<hbm>>) dst(%arg10 : memref<160xi32, #tpu.memory_space<vmem>>)
      %mul3A_133 = arith.constant 160 : i32
      %mul3A_134 = arith.muli %add3A_126, %mul3A_133 : i32
      %add3A_135 = arith.addi %mul3A_12, %mul3A_134 : i32
      %multiple_of3A_136 = tpu.assume_multiple %add3A_135, 8 : i32
      %dma_wait3A_137 = tpu.memref_slice %arg4[%multiple_of3A_136] : memref<320000xi32, #tpu.memory_space<hbm>> -> memref<160xi32, #tpu.memory_space<hbm>>
      %dma_wait3A_138 = tpu.memref_slice %arg4[%multiple_of3A_136] : memref<320000xi32, #tpu.memory_space<hbm>> -> memref<160xi32, #tpu.memory_space<hbm>>
      tpu.wait_dma2 semaphore(%arg24 : memref<!tpu.dma_semaphore, #tpu.memory_space<semaphore_mem>>) src(%dma_wait3A_138 : memref<160xi32, #tpu.memory_space<hbm>>) dst(%arg14 : memref<160xi32, #tpu.memory_space<vmem>>)
      %dma_wait3A_139 = arith.constant 0 : i32
      %dma_wait3A_140 = arith.constant 0 : i32
      %dma_wait3A_141 = tpu.memref_slice %arg2[%dma_wait3A_139, %dma_wait3A_140] : memref<20000x128xf32, #tpu.memory_space<hbm>> -> memref<20000x128xf32, #tpu.memory_space<hbm>>
      tpu.wait_indirect_dma semaphore(%arg19 : memref<!tpu.dma_semaphore, #tpu.memory_space<semaphore_mem>>) src(%dma_wait3A_141 : memref<20000x128xf32, #tpu.memory_space<hbm>>) dst(%arg17 : memref<160x128xf32, #tpu.memory_space<vmem>>)
      %dma_start3A_142 = arith.constant 0 : i32
      %dma_start3A_143 = arith.constant 0 : i32
      %dma_start3A_144 = tpu.memref_slice %arg2[%dma_start3A_142, %dma_start3A_143] : memref<20000x128xf32, #tpu.memory_space<hbm>> -> memref<20000x128xf32, #tpu.memory_space<hbm>>
      tpu.enqueue_indirect_dma source(%dma_start3A_144 : memref<20000x128xf32, #tpu.memory_space<hbm>>) target(%arg16 : memref<160x128xf32, #tpu.memory_space<vmem>>) offsets(%arg10 : memref<160xi32, #tpu.memory_space<vmem>>) semaphore(%arg18 : memref<!tpu.dma_semaphore, #tpu.memory_space<semaphore_mem>>)
      %dma_start3A_145 = arith.constant 0 : i32
      %dma_start3A_146 = arith.constant 0 : i32
      %dma_start3A_147 = tpu.memref_slice %arg7[%dma_start3A_145, %dma_start3A_146] : memref<10000x128xf32, #tpu.memory_space<vmem_shared>> -> memref<10000x128xf32, #tpu.memory_space<vmem_shared>>
      tpu.enqueue_indirect_dma source(%arg17 : memref<160x128xf32, #tpu.memory_space<vmem>>) target(%dma_start3A_147 : memref<10000x128xf32, #tpu.memory_space<vmem_shared>>) offsets(%arg13 : memref<160xi32, #tpu.memory_space<vmem>>) semaphore(%arg21 : memref<!tpu.dma_semaphore, #tpu.memory_space<semaphore_mem>>) {add = true}
      %dma_wait3A_148 = arith.constant 0 : i32
      %dma_wait3A_149 = arith.constant 0 : i32
      %dma_wait3A_150 = tpu.memref_slice %arg7[%dma_wait3A_148, %dma_wait3A_149] : memref<10000x128xf32, #tpu.memory_space<vmem_shared>> -> memref<10000x128xf32, #tpu.memory_space<vmem_shared>>
      tpu.wait_indirect_dma semaphore(%arg21 : memref<!tpu.dma_semaphore, #tpu.memory_space<semaphore_mem>>) src(%arg17 : memref<160x128xf32, #tpu.memory_space<vmem>>) dst(%dma_wait3A_150 : memref<10000x128xf32, #tpu.memory_space<vmem_shared>>)
      %lt3A_151 = arith.constant 30 : i32
      %lt3A_152 = arith.cmpi slt, %scan3A_78, %lt3A_151 : i32
      %convert_element_type3A_153 = arith.extui %lt3A_152 : i1 to i32
      %cond3A_154 = arith.constant 0 : i32
      %cond3A_155 = arith.cmpi ne, %convert_element_type3A_153, %cond3A_154 : i32
      scf.if %cond3A_155 {
        %add3A_210 = arith.constant 5 : i32
        %add3A_211 = arith.addi %mul3A_80, %add3A_210 : i32
        %mul3A_212 = arith.constant 160 : i32
        %mul3A_213 = arith.muli %add3A_211, %mul3A_212 : i32
        %add3A_214 = arith.addi %add3A, %mul3A_213 : i32
        %multiple_of3A_215 = tpu.assume_multiple %add3A_214, 8 : i32
        %dma_start3A_216 = tpu.memref_slice %arg3[%multiple_of3A_215] : memref<640000xi32, #tpu.memory_space<hbm>> -> memref<160xi32, #tpu.memory_space<hbm>>
        %dma_start3A_217 = tpu.memref_slice %arg3[%multiple_of3A_215] : memref<640000xi32, #tpu.memory_space<hbm>> -> memref<160xi32, #tpu.memory_space<hbm>>
        tpu.enqueue_dma source(%dma_start3A_217 : memref<160xi32, #tpu.memory_space<hbm>>) target(%arg9 : memref<160xi32, #tpu.memory_space<vmem>>) target_semaphore(%arg23 : memref<!tpu.dma_semaphore, #tpu.memory_space<semaphore_mem>>)
        %mul3A_218 = arith.constant 160 : i32
        %mul3A_219 = arith.muli %add3A_211, %mul3A_218 : i32
        %add3A_220 = arith.addi %mul3A_12, %mul3A_219 : i32
        %multiple_of3A_221 = tpu.assume_multiple %add3A_220, 8 : i32
        %dma_start3A_222 = tpu.memref_slice %arg4[%multiple_of3A_221] : memref<320000xi32, #tpu.memory_space<hbm>> -> memref<160xi32, #tpu.memory_space<hbm>>
        %dma_start3A_223 = tpu.memref_slice %arg4[%multiple_of3A_221] : memref<320000xi32, #tpu.memory_space<hbm>> -> memref<160xi32, #tpu.memory_space<hbm>>
        tpu.enqueue_dma source(%dma_start3A_223 : memref<160xi32, #tpu.memory_space<hbm>>) target(%arg13 : memref<160xi32, #tpu.memory_space<vmem>>) target_semaphore(%arg23 : memref<!tpu.dma_semaphore, #tpu.memory_space<semaphore_mem>>)
      } else {
      }
      %add3A_156 = arith.constant 3 : i32
      %add3A_157 = arith.addi %mul3A_80, %add3A_156 : i32
      %mul3A_158 = arith.constant 160 : i32
      %mul3A_159 = arith.muli %add3A_157, %mul3A_158 : i32
      %add3A_160 = arith.addi %add3A, %mul3A_159 : i32
      %multiple_of3A_161 = tpu.assume_multiple %add3A_160, 8 : i32
      %dma_wait3A_162 = tpu.memref_slice %arg3[%multiple_of3A_161] : memref<640000xi32, #tpu.memory_space<hbm>> -> memref<160xi32, #tpu.memory_space<hbm>>
      %dma_wait3A_163 = tpu.memref_slice %arg3[%multiple_of3A_161] : memref<640000xi32, #tpu.memory_space<hbm>> -> memref<160xi32, #tpu.memory_space<hbm>>
      tpu.wait_dma2 semaphore(%arg25 : memref<!tpu.dma_semaphore, #tpu.memory_space<semaphore_mem>>) src(%dma_wait3A_163 : memref<160xi32, #tpu.memory_space<hbm>>) dst(%arg11 : memref<160xi32, #tpu.memory_space<vmem>>)
      %mul3A_164 = arith.constant 160 : i32
      %mul3A_165 = arith.muli %add3A_157, %mul3A_164 : i32
      %add3A_166 = arith.addi %mul3A_12, %mul3A_165 : i32
      %multiple_of3A_167 = tpu.assume_multiple %add3A_166, 8 : i32
      %dma_wait3A_168 = tpu.memref_slice %arg4[%multiple_of3A_167] : memref<320000xi32, #tpu.memory_space<hbm>> -> memref<160xi32, #tpu.memory_space<hbm>>
      %dma_wait3A_169 = tpu.memref_slice %arg4[%multiple_of3A_167] : memref<320000xi32, #tpu.memory_space<hbm>> -> memref<160xi32, #tpu.memory_space<hbm>>
      tpu.wait_dma2 semaphore(%arg25 : memref<!tpu.dma_semaphore, #tpu.memory_space<semaphore_mem>>) src(%dma_wait3A_169 : memref<160xi32, #tpu.memory_space<hbm>>) dst(%arg15 : memref<160xi32, #tpu.memory_space<vmem>>)
      %dma_wait3A_170 = arith.constant 0 : i32
      %dma_wait3A_171 = arith.constant 0 : i32
      %dma_wait3A_172 = tpu.memref_slice %arg2[%dma_wait3A_170, %dma_wait3A_171] : memref<20000x128xf32, #tpu.memory_space<hbm>> -> memref<20000x128xf32, #tpu.memory_space<hbm>>
      tpu.wait_indirect_dma semaphore(%arg18 : memref<!tpu.dma_semaphore, #tpu.memory_space<semaphore_mem>>) src(%dma_wait3A_172 : memref<20000x128xf32, #tpu.memory_space<hbm>>) dst(%arg16 : memref<160x128xf32, #tpu.memory_space<vmem>>)
      %dma_start3A_173 = arith.constant 0 : i32
      %dma_start3A_174 = arith.constant 0 : i32
      %dma_start3A_175 = tpu.memref_slice %arg2[%dma_start3A_173, %dma_start3A_174] : memref<20000x128xf32, #tpu.memory_space<hbm>> -> memref<20000x128xf32, #tpu.memory_space<hbm>>
      tpu.enqueue_indirect_dma source(%dma_start3A_175 : memref<20000x128xf32, #tpu.memory_space<hbm>>) target(%arg17 : memref<160x128xf32, #tpu.memory_space<vmem>>) offsets(%arg11 : memref<160xi32, #tpu.memory_space<vmem>>) semaphore(%arg19 : memref<!tpu.dma_semaphore, #tpu.memory_space<semaphore_mem>>)
      %dma_start3A_176 = arith.constant 0 : i32
      %dma_start3A_177 = arith.constant 0 : i32
      %dma_start3A_178 = tpu.memref_slice %arg7[%dma_start3A_176, %dma_start3A_177] : memref<10000x128xf32, #tpu.memory_space<vmem_shared>> -> memref<10000x128xf32, #tpu.memory_space<vmem_shared>>
      tpu.enqueue_indirect_dma source(%arg16 : memref<160x128xf32, #tpu.memory_space<vmem>>) target(%dma_start3A_178 : memref<10000x128xf32, #tpu.memory_space<vmem_shared>>) offsets(%arg14 : memref<160xi32, #tpu.memory_space<vmem>>) semaphore(%arg20 : memref<!tpu.dma_semaphore, #tpu.memory_space<semaphore_mem>>) {add = true}
      %dma_wait3A_179 = arith.constant 0 : i32
      %dma_wait3A_180 = arith.constant 0 : i32
      %dma_wait3A_181 = tpu.memref_slice %arg7[%dma_wait3A_179, %dma_wait3A_180] : memref<10000x128xf32, #tpu.memory_space<vmem_shared>> -> memref<10000x128xf32, #tpu.memory_space<vmem_shared>>
      tpu.wait_indirect_dma semaphore(%arg20 : memref<!tpu.dma_semaphore, #tpu.memory_space<semaphore_mem>>) src(%arg16 : memref<160x128xf32, #tpu.memory_space<vmem>>) dst(%dma_wait3A_181 : memref<10000x128xf32, #tpu.memory_space<vmem_shared>>)
      %lt3A_182 = arith.constant 30 : i32
      %lt3A_183 = arith.cmpi slt, %scan3A_78, %lt3A_182 : i32
      %convert_element_type3A_184 = arith.extui %lt3A_183 : i1 to i32
      %cond3A_185 = arith.constant 0 : i32
      %cond3A_186 = arith.cmpi ne, %convert_element_type3A_184, %cond3A_185 : i32
      scf.if %cond3A_186 {
        %add3A_210 = arith.constant 6 : i32
        %add3A_211 = arith.addi %mul3A_80, %add3A_210 : i32
        %mul3A_212 = arith.constant 160 : i32
        %mul3A_213 = arith.muli %add3A_211, %mul3A_212 : i32
        %add3A_214 = arith.addi %add3A, %mul3A_213 : i32
        %multiple_of3A_215 = tpu.assume_multiple %add3A_214, 8 : i32
        %dma_start3A_216 = tpu.memref_slice %arg3[%multiple_of3A_215] : memref<640000xi32, #tpu.memory_space<hbm>> -> memref<160xi32, #tpu.memory_space<hbm>>
        %dma_start3A_217 = tpu.memref_slice %arg3[%multiple_of3A_215] : memref<640000xi32, #tpu.memory_space<hbm>> -> memref<160xi32, #tpu.memory_space<hbm>>
        tpu.enqueue_dma source(%dma_start3A_217 : memref<160xi32, #tpu.memory_space<hbm>>) target(%arg10 : memref<160xi32, #tpu.memory_space<vmem>>) target_semaphore(%arg24 : memref<!tpu.dma_semaphore, #tpu.memory_space<semaphore_mem>>)
        %mul3A_218 = arith.constant 160 : i32
        %mul3A_219 = arith.muli %add3A_211, %mul3A_218 : i32
        %add3A_220 = arith.addi %mul3A_12, %mul3A_219 : i32
        %multiple_of3A_221 = tpu.assume_multiple %add3A_220, 8 : i32
        %dma_start3A_222 = tpu.memref_slice %arg4[%multiple_of3A_221] : memref<320000xi32, #tpu.memory_space<hbm>> -> memref<160xi32, #tpu.memory_space<hbm>>
        %dma_start3A_223 = tpu.memref_slice %arg4[%multiple_of3A_221] : memref<320000xi32, #tpu.memory_space<hbm>> -> memref<160xi32, #tpu.memory_space<hbm>>
        tpu.enqueue_dma source(%dma_start3A_223 : memref<160xi32, #tpu.memory_space<hbm>>) target(%arg14 : memref<160xi32, #tpu.memory_space<vmem>>) target_semaphore(%arg24 : memref<!tpu.dma_semaphore, #tpu.memory_space<semaphore_mem>>)
      } else {
      }
      %add3A_187 = arith.constant 4 : i32
      %add3A_188 = arith.addi %mul3A_80, %add3A_187 : i32
      %mul3A_189 = arith.constant 160 : i32
      %mul3A_190 = arith.muli %add3A_188, %mul3A_189 : i32
      %add3A_191 = arith.addi %add3A, %mul3A_190 : i32
      %multiple_of3A_192 = tpu.assume_multiple %add3A_191, 8 : i32
      %dma_wait3A_193 = tpu.memref_slice %arg3[%multiple_of3A_192] : memref<640000xi32, #tpu.memory_space<hbm>> -> memref<160xi32, #tpu.memory_space<hbm>>
      %dma_wait3A_194 = tpu.memref_slice %arg3[%multiple_of3A_192] : memref<640000xi32, #tpu.memory_space<hbm>> -> memref<160xi32, #tpu.memory_space<hbm>>
      tpu.wait_dma2 semaphore(%arg22 : memref<!tpu.dma_semaphore, #tpu.memory_space<semaphore_mem>>) src(%dma_wait3A_194 : memref<160xi32, #tpu.memory_space<hbm>>) dst(%arg8 : memref<160xi32, #tpu.memory_space<vmem>>)
      %mul3A_195 = arith.constant 160 : i32
      %mul3A_196 = arith.muli %add3A_188, %mul3A_195 : i32
      %add3A_197 = arith.addi %mul3A_12, %mul3A_196 : i32
      %multiple_of3A_198 = tpu.assume_multiple %add3A_197, 8 : i32
      %dma_wait3A_199 = tpu.memref_slice %arg4[%multiple_of3A_198] : memref<320000xi32, #tpu.memory_space<hbm>> -> memref<160xi32, #tpu.memory_space<hbm>>
      %dma_wait3A_200 = tpu.memref_slice %arg4[%multiple_of3A_198] : memref<320000xi32, #tpu.memory_space<hbm>> -> memref<160xi32, #tpu.memory_space<hbm>>
      tpu.wait_dma2 semaphore(%arg22 : memref<!tpu.dma_semaphore, #tpu.memory_space<semaphore_mem>>) src(%dma_wait3A_200 : memref<160xi32, #tpu.memory_space<hbm>>) dst(%arg12 : memref<160xi32, #tpu.memory_space<vmem>>)
      %dma_wait3A_201 = arith.constant 0 : i32
      %dma_wait3A_202 = arith.constant 0 : i32
      %dma_wait3A_203 = tpu.memref_slice %arg2[%dma_wait3A_201, %dma_wait3A_202] : memref<20000x128xf32, #tpu.memory_space<hbm>> -> memref<20000x128xf32, #tpu.memory_space<hbm>>
      tpu.wait_indirect_dma semaphore(%arg19 : memref<!tpu.dma_semaphore, #tpu.memory_space<semaphore_mem>>) src(%dma_wait3A_203 : memref<20000x128xf32, #tpu.memory_space<hbm>>) dst(%arg17 : memref<160x128xf32, #tpu.memory_space<vmem>>)
      %dma_start3A_204 = arith.constant 0 : i32
      %dma_start3A_205 = arith.constant 0 : i32
      %dma_start3A_206 = tpu.memref_slice %arg7[%dma_start3A_204, %dma_start3A_205] : memref<10000x128xf32, #tpu.memory_space<vmem_shared>> -> memref<10000x128xf32, #tpu.memory_space<vmem_shared>>
      tpu.enqueue_indirect_dma source(%arg17 : memref<160x128xf32, #tpu.memory_space<vmem>>) target(%dma_start3A_206 : memref<10000x128xf32, #tpu.memory_space<vmem_shared>>) offsets(%arg15 : memref<160xi32, #tpu.memory_space<vmem>>) semaphore(%arg21 : memref<!tpu.dma_semaphore, #tpu.memory_space<semaphore_mem>>) {add = true}
      %dma_start3A_207 = arith.constant 0 : i32
      %dma_start3A_208 = arith.constant 0 : i32
      %dma_start3A_209 = tpu.memref_slice %arg2[%dma_start3A_207, %dma_start3A_208] : memref<20000x128xf32, #tpu.memory_space<hbm>> -> memref<20000x128xf32, #tpu.memory_space<hbm>>
      tpu.enqueue_indirect_dma source(%dma_start3A_209 : memref<20000x128xf32, #tpu.memory_space<hbm>>) target(%arg16 : memref<160x128xf32, #tpu.memory_space<vmem>>) offsets(%arg8 : memref<160xi32, #tpu.memory_space<vmem>>) semaphore(%arg18 : memref<!tpu.dma_semaphore, #tpu.memory_space<semaphore_mem>>)
    }
    %scan3A_55 = arith.constant 31 : i32
    %dma_wait3A = arith.constant 0 : i32
    %dma_wait3A_56 = arith.constant 0 : i32
    %dma_wait3A_57 = tpu.memref_slice %arg2[%dma_wait3A, %dma_wait3A_56] : memref<20000x128xf32, #tpu.memory_space<hbm>> -> memref<20000x128xf32, #tpu.memory_space<hbm>>
    tpu.wait_indirect_dma semaphore(%arg18 : memref<!tpu.dma_semaphore, #tpu.memory_space<semaphore_mem>>) src(%dma_wait3A_57 : memref<20000x128xf32, #tpu.memory_space<hbm>>) dst(%arg16 : memref<160x128xf32, #tpu.memory_space<vmem>>)
    %dma_start3A_58 = arith.constant 0 : i32
    %dma_start3A_59 = arith.constant 0 : i32
    %dma_start3A_60 = tpu.memref_slice %arg7[%dma_start3A_58, %dma_start3A_59] : memref<10000x128xf32, #tpu.memory_space<vmem_shared>> -> memref<10000x128xf32, #tpu.memory_space<vmem_shared>>
    tpu.enqueue_indirect_dma source(%arg16 : memref<160x128xf32, #tpu.memory_space<vmem>>) target(%dma_start3A_60 : memref<10000x128xf32, #tpu.memory_space<vmem_shared>>) offsets(%arg12 : memref<160xi32, #tpu.memory_space<vmem>>) semaphore(%arg20 : memref<!tpu.dma_semaphore, #tpu.memory_space<semaphore_mem>>) {add = true}
    %dma_wait3A_61 = arith.constant 0 : i32
    %dma_wait3A_62 = arith.constant 0 : i32
    %dma_wait3A_63 = tpu.memref_slice %arg7[%dma_wait3A_61, %dma_wait3A_62] : memref<10000x128xf32, #tpu.memory_space<vmem_shared>> -> memref<10000x128xf32, #tpu.memory_space<vmem_shared>>
    tpu.wait_indirect_dma semaphore(%arg21 : memref<!tpu.dma_semaphore, #tpu.memory_space<semaphore_mem>>) src(%arg17 : memref<160x128xf32, #tpu.memory_space<vmem>>) dst(%dma_wait3A_63 : memref<10000x128xf32, #tpu.memory_space<vmem_shared>>)
    %dma_wait3A_64 = arith.constant 0 : i32
    %dma_wait3A_65 = arith.constant 0 : i32
    %dma_wait3A_66 = tpu.memref_slice %arg7[%dma_wait3A_64, %dma_wait3A_65] : memref<10000x128xf32, #tpu.memory_space<vmem_shared>> -> memref<10000x128xf32, #tpu.memory_space<vmem_shared>>
    tpu.wait_indirect_dma semaphore(%arg20 : memref<!tpu.dma_semaphore, #tpu.memory_space<semaphore_mem>>) src(%arg16 : memref<160x128xf32, #tpu.memory_space<vmem>>) dst(%dma_wait3A_66 : memref<10000x128xf32, #tpu.memory_space<vmem_shared>>)
    %barrier3A_67 = arith.constant 0 : index
    tpu.barrier barrier_id(%barrier3A_67)
    %lt3A_68 = arith.constant 15 : i32
    %lt3A_69 = arith.cmpi slt, %arg1, %lt3A_68 : i32
    %convert_element_type3A_70 = arith.extui %lt3A_69 : i1 to i32
    %cond3A_71 = arith.constant 0 : i32
    %cond3A_72 = arith.cmpi ne, %convert_element_type3A_70, %cond3A_71 : i32
    scf.if %cond3A_72 {
      "tpu.region"() ({
        %run_scoped3A = tpu.sem_alloc : memref<!tpu.dma_semaphore, #tpu.memory_space<semaphore_mem>>
        %dma_start3A_78 = arith.constant 0 : i32
        %dma_start3A_79 = tpu.memref_slice %arg6[%arg0, %multiple_of3A, %dma_start3A_78] : memref<2x10000x128xf32, #tpu.memory_space<hbm>> -> memref<1x624x128xf32, #tpu.memory_space<hbm>>
        %dma_start3A_80 = tpu.memref_squeeze %dma_start3A_79 : memref<1x624x128xf32, #tpu.memory_space<hbm>> -> memref<624x128xf32, #tpu.memory_space<hbm>>
        %dma_start3A_81 = arith.constant 0 : i32
        %dma_start3A_82 = tpu.memref_slice %arg7[%multiple_of3A, %dma_start3A_81] : memref<10000x128xf32, #tpu.memory_space<vmem_shared>> -> memref<624x128xf32, #tpu.memory_space<vmem_shared>>
        tpu.enqueue_dma source(%dma_start3A_82 : memref<624x128xf32, #tpu.memory_space<vmem_shared>>) target(%dma_start3A_80 : memref<624x128xf32, #tpu.memory_space<hbm>>) target_semaphore(%run_scoped3A : memref<!tpu.dma_semaphore, #tpu.memory_space<semaphore_mem>>)
        %dma_wait3A_83 = arith.constant 0 : i32
        %dma_wait3A_84 = tpu.memref_slice %arg6[%arg0, %multiple_of3A, %dma_wait3A_83] : memref<2x10000x128xf32, #tpu.memory_space<hbm>> -> memref<1x624x128xf32, #tpu.memory_space<hbm>>
        %dma_wait3A_85 = tpu.memref_squeeze %dma_wait3A_84 : memref<1x624x128xf32, #tpu.memory_space<hbm>> -> memref<624x128xf32, #tpu.memory_space<hbm>>
        %dma_wait3A_86 = arith.constant 0 : i32
        %dma_wait3A_87 = tpu.memref_slice %arg7[%multiple_of3A, %dma_wait3A_86] : memref<10000x128xf32, #tpu.memory_space<vmem_shared>> -> memref<624x128xf32, #tpu.memory_space<vmem_shared>>
        tpu.wait_dma2 semaphore(%run_scoped3A : memref<!tpu.dma_semaphore, #tpu.memory_space<semaphore_mem>>) src(%dma_wait3A_87 : memref<624x128xf32, #tpu.memory_space<vmem_shared>>) dst(%dma_wait3A_85 : memref<624x128xf32, #tpu.memory_space<hbm>>)
        tpu.yield
      }) : () -> ()
    } else {
    }
    %eq3A_73 = arith.constant 15 : i32
    %eq3A_74 = arith.cmpi eq, %arg1, %eq3A_73 : i32
    %convert_element_type3A_75 = arith.extui %eq3A_74 : i1 to i32
    %cond3A_76 = arith.constant 0 : i32
    %cond3A_77 = arith.cmpi ne, %convert_element_type3A_75, %cond3A_76 : i32
    scf.if %cond3A_77 {
      "tpu.region"() ({
        %run_scoped3A = tpu.sem_alloc : memref<!tpu.dma_semaphore, #tpu.memory_space<semaphore_mem>>
        %dma_start3A_78 = arith.constant 9360 : i32
        %dma_start3A_79 = arith.constant 0 : i32
        %dma_start3A_80 = tpu.memref_slice %arg6[%arg0, %dma_start3A_78, %dma_start3A_79] : memref<2x10000x128xf32, #tpu.memory_space<hbm>> -> memref<1x640x128xf32, #tpu.memory_space<hbm>>
        %dma_start3A_81 = tpu.memref_squeeze %dma_start3A_80 : memref<1x640x128xf32, #tpu.memory_space<hbm>> -> memref<640x128xf32, #tpu.memory_space<hbm>>
        %dma_start3A_82 = arith.constant 9360 : i32
        %dma_start3A_83 = arith.constant 0 : i32
        %dma_start3A_84 = tpu.memref_slice %arg7[%dma_start3A_82, %dma_start3A_83] : memref<10000x128xf32, #tpu.memory_space<vmem_shared>> -> memref<640x128xf32, #tpu.memory_space<vmem_shared>>
        tpu.enqueue_dma source(%dma_start3A_84 : memref<640x128xf32, #tpu.memory_space<vmem_shared>>) target(%dma_start3A_81 : memref<640x128xf32, #tpu.memory_space<hbm>>) target_semaphore(%run_scoped3A : memref<!tpu.dma_semaphore, #tpu.memory_space<semaphore_mem>>)
        %dma_wait3A_85 = arith.constant 9360 : i32
        %dma_wait3A_86 = arith.constant 0 : i32
        %dma_wait3A_87 = tpu.memref_slice %arg6[%arg0, %dma_wait3A_85, %dma_wait3A_86] : memref<2x10000x128xf32, #tpu.memory_space<hbm>> -> memref<1x640x128xf32, #tpu.memory_space<hbm>>
        %dma_wait3A_88 = tpu.memref_squeeze %dma_wait3A_87 : memref<1x640x128xf32, #tpu.memory_space<hbm>> -> memref<640x128xf32, #tpu.memory_space<hbm>>
        %dma_wait3A_89 = arith.constant 9360 : i32
        %dma_wait3A_90 = arith.constant 0 : i32
        %dma_wait3A_91 = tpu.memref_slice %arg7[%dma_wait3A_89, %dma_wait3A_90] : memref<10000x128xf32, #tpu.memory_space<vmem_shared>> -> memref<640x128xf32, #tpu.memory_space<vmem_shared>>
        tpu.wait_dma2 semaphore(%run_scoped3A : memref<!tpu.dma_semaphore, #tpu.memory_space<semaphore_mem>>) src(%dma_wait3A_91 : memref<640x128xf32, #tpu.memory_space<vmem_shared>>) dst(%dma_wait3A_88 : memref<640x128xf32, #tpu.memory_space<hbm>>)
        tpu.yield
      }) : () -> ()
    } else {
    }
    return
  }
}

#map = affine_map<(d0, d1) -> (0, 0)>
#map1 = affine_map<(d0, d1) -> (0)>
#map2 = affine_map<(d0, d1) -> (0, 0, 0)>
module attributes {stable_mosaic.version = 14 : i64} {
  func.func @_agg_body(%arg0: i32, %arg1: i32, %arg2: memref<20000x128xf32, #tpu.memory_space<hbm>>, %arg3: memref<640000xi32, #tpu.memory_space<hbm>>, %arg4: memref<320000xi32, #tpu.memory_space<hbm>>, %arg5: memref<640x128xf32, #tpu.memory_space<hbm>>, %arg6: memref<2x10000x128xf32, #tpu.memory_space<hbm>>, %arg7: memref<10000x128xf32, #tpu.memory_space<vmem_shared>>, %arg8: memref<160xi32, #tpu.memory_space<vmem>>, %arg9: memref<160xi32, #tpu.memory_space<vmem>>, %arg10: memref<160xi32, #tpu.memory_space<vmem>>, %arg11: memref<160xi32, #tpu.memory_space<vmem>>, %arg12: memref<160xi32, #tpu.memory_space<vmem>>, %arg13: memref<160xi32, #tpu.memory_space<vmem>>, %arg14: memref<160xi32, #tpu.memory_space<vmem>>, %arg15: memref<160xi32, #tpu.memory_space<vmem>>, %arg16: memref<160x128xf32, #tpu.memory_space<vmem>>, %arg17: memref<160x128xf32, #tpu.memory_space<vmem>>, %arg18: memref<!tpu.dma_semaphore, #tpu.memory_space<semaphore_mem>>, %arg19: memref<!tpu.dma_semaphore, #tpu.memory_space<semaphore_mem>>, %arg20: memref<!tpu.dma_semaphore, #tpu.memory_space<semaphore_mem>>, %arg21: memref<!tpu.dma_semaphore, #tpu.memory_space<semaphore_mem>>, %arg22: memref<!tpu.dma_semaphore, #tpu.memory_space<semaphore_mem>>, %arg23: memref<!tpu.dma_semaphore, #tpu.memory_space<semaphore_mem>>, %arg24: memref<!tpu.dma_semaphore, #tpu.memory_space<semaphore_mem>>, %arg25: memref<!tpu.dma_semaphore, #tpu.memory_space<semaphore_mem>>) attributes {dimension_semantics = [#tpu.dimension_semantics<core_parallel>, #tpu.dimension_semantics<subcore_parallel>], iteration_bounds = array<i64: 2, 16>, scalar_prefetch = 0 : i64, scratch_operands = 19 : i64, tpu.core_type = #tpu.core_type<sc_vector_subcore>, window_params = [{transform_indices = #map}, {transform_indices = #map1}, {transform_indices = #map1}, {transform_indices = #map}, {transform_indices = #map2}]} {
    %mul3A = arith.constant 624 : i32
    %mul3A_0 = arith.muli %arg1, %mul3A : i32
    %multiple_of3A = tpu.assume_multiple %mul3A_0, 8 : i32
    %lt3A = arith.constant 15 : i32
    %lt3A_1 = arith.cmpi slt, %arg1, %lt3A : i32
    %convert_element_type3A = arith.extui %lt3A_1 : i1 to i32
    %cond3A = arith.constant 0 : i32
    %cond3A_2 = arith.cmpi ne, %convert_element_type3A, %cond3A : i32
    scf.if %cond3A_2 {
      "tpu.region"() ({
        %run_scoped3A = tpu.sem_alloc : memref<!tpu.dma_semaphore, #tpu.memory_space<semaphore_mem>>
        %dma_start3A_78 = arith.constant 0 : i32
        %dma_start3A_79 = tpu.memref_slice %arg7[%multiple_of3A, %dma_start3A_78] : memref<10000x128xf32, #tpu.memory_space<vmem_shared>> -> memref<624x128xf32, #tpu.memory_space<vmem_shared>>
        %dma_start3A_80 = arith.constant 0 : i32
        %dma_start3A_81 = arith.constant 0 : i32
        %dma_start3A_82 = tpu.memref_slice %arg5[%dma_start3A_80, %dma_start3A_81] : memref<640x128xf32, #tpu.memory_space<hbm>> -> memref<624x128xf32, #tpu.memory_space<hbm>>
        tpu.enqueue_dma source(%dma_start3A_82 : memref<624x128xf32, #tpu.memory_space<hbm>>) target(%dma_start3A_79 : memref<624x128xf32, #tpu.memory_space<vmem_shared>>) target_semaphore(%run_scoped3A : memref<!tpu.dma_semaphore, #tpu.memory_space<semaphore_mem>>)
        %dma_wait3A_83 = arith.constant 0 : i32
        %dma_wait3A_84 = tpu.memref_slice %arg7[%multiple_of3A, %dma_wait3A_83] : memref<10000x128xf32, #tpu.memory_space<vmem_shared>> -> memref<624x128xf32, #tpu.memory_space<vmem_shared>>
        %dma_wait3A_85 = arith.constant 0 : i32
        %dma_wait3A_86 = arith.constant 0 : i32
        %dma_wait3A_87 = tpu.memref_slice %arg5[%dma_wait3A_85, %dma_wait3A_86] : memref<640x128xf32, #tpu.memory_space<hbm>> -> memref<624x128xf32, #tpu.memory_space<hbm>>
        tpu.wait_dma2 semaphore(%run_scoped3A : memref<!tpu.dma_semaphore, #tpu.memory_space<semaphore_mem>>) src(%dma_wait3A_87 : memref<624x128xf32, #tpu.memory_space<hbm>>) dst(%dma_wait3A_84 : memref<624x128xf32, #tpu.memory_space<vmem_shared>>)
        tpu.yield
      }) : () -> ()
    } else {
    }
    %eq3A = arith.constant 15 : i32
    %eq3A_3 = arith.cmpi eq, %arg1, %eq3A : i32
    %convert_element_type3A_4 = arith.extui %eq3A_3 : i1 to i32
    %cond3A_5 = arith.constant 0 : i32
    %cond3A_6 = arith.cmpi ne, %convert_element_type3A_4, %cond3A_5 : i32
    scf.if %cond3A_6 {
      "tpu.region"() ({
        %run_scoped3A = tpu.sem_alloc : memref<!tpu.dma_semaphore, #tpu.memory_space<semaphore_mem>>
        %dma_start3A_78 = arith.constant 9360 : i32
        %dma_start3A_79 = arith.constant 0 : i32
        %dma_start3A_80 = tpu.memref_slice %arg7[%dma_start3A_78, %dma_start3A_79] : memref<10000x128xf32, #tpu.memory_space<vmem_shared>> -> memref<640x128xf32, #tpu.memory_space<vmem_shared>>
        tpu.enqueue_dma source(%arg5 : memref<640x128xf32, #tpu.memory_space<hbm>>) target(%dma_start3A_80 : memref<640x128xf32, #tpu.memory_space<vmem_shared>>) target_semaphore(%run_scoped3A : memref<!tpu.dma_semaphore, #tpu.memory_space<semaphore_mem>>)
        %dma_wait3A_81 = arith.constant 9360 : i32
        %dma_wait3A_82 = arith.constant 0 : i32
        %dma_wait3A_83 = tpu.memref_slice %arg7[%dma_wait3A_81, %dma_wait3A_82] : memref<10000x128xf32, #tpu.memory_space<vmem_shared>> -> memref<640x128xf32, #tpu.memory_space<vmem_shared>>
        tpu.wait_dma2 semaphore(%run_scoped3A : memref<!tpu.dma_semaphore, #tpu.memory_space<semaphore_mem>>) src(%arg5 : memref<640x128xf32, #tpu.memory_space<hbm>>) dst(%dma_wait3A_83 : memref<640x128xf32, #tpu.memory_space<vmem_shared>>)
        tpu.yield
      }) : () -> ()
    } else {
    }
    %barrier3A = arith.constant 0 : index
    tpu.barrier barrier_id(%barrier3A)
    %mul3A_7 = arith.constant 320000 : i32
    %mul3A_8 = arith.muli %arg0, %mul3A_7 : i32
    %mul3A_9 = arith.constant 20000 : i32
    %mul3A_10 = arith.muli %arg1, %mul3A_9 : i32
    %add3A = arith.addi %mul3A_8, %mul3A_10 : i32
    %mul3A_11 = arith.constant 20000 : i32
    %mul3A_12 = arith.muli %arg1, %mul3A_11 : i32
    %add3A_13 = arith.constant 0 : i32
    %add3A_14 = arith.addi %add3A, %add3A_13 : i32
    %multiple_of3A_15 = tpu.assume_multiple %add3A_14, 8 : i32
    "tpu.region"() ({
      %run_scoped3A = tpu.sem_alloc : memref<!tpu.dma_semaphore, #tpu.memory_space<semaphore_mem>>
      %dma_start3A_78 = tpu.memref_slice %arg3[%multiple_of3A_15] : memref<640000xi32, #tpu.memory_space<hbm>> -> memref<160xi32, #tpu.memory_space<hbm>>
      %dma_start3A_79 = tpu.memref_slice %arg3[%multiple_of3A_15] : memref<640000xi32, #tpu.memory_space<hbm>> -> memref<160xi32, #tpu.memory_space<hbm>>
      tpu.enqueue_dma source(%dma_start3A_79 : memref<160xi32, #tpu.memory_space<hbm>>) target(%arg8 : memref<160xi32, #tpu.memory_space<vmem>>) target_semaphore(%run_scoped3A : memref<!tpu.dma_semaphore, #tpu.memory_space<semaphore_mem>>)
      %dma_wait3A_80 = tpu.memref_slice %arg3[%multiple_of3A_15] : memref<640000xi32, #tpu.memory_space<hbm>> -> memref<160xi32, #tpu.memory_space<hbm>>
      %dma_wait3A_81 = tpu.memref_slice %arg3[%multiple_of3A_15] : memref<640000xi32, #tpu.memory_space<hbm>> -> memref<160xi32, #tpu.memory_space<hbm>>
      tpu.wait_dma2 semaphore(%run_scoped3A : memref<!tpu.dma_semaphore, #tpu.memory_space<semaphore_mem>>) src(%dma_wait3A_81 : memref<160xi32, #tpu.memory_space<hbm>>) dst(%arg8 : memref<160xi32, #tpu.memory_space<vmem>>)
      tpu.yield
    }) : () -> ()
    %add3A_16 = arith.constant 0 : i32
    %add3A_17 = arith.addi %mul3A_12, %add3A_16 : i32
    %multiple_of3A_18 = tpu.assume_multiple %add3A_17, 8 : i32
    "tpu.region"() ({
      %run_scoped3A = tpu.sem_alloc : memref<!tpu.dma_semaphore, #tpu.memory_space<semaphore_mem>>
      %dma_start3A_78 = tpu.memref_slice %arg4[%multiple_of3A_18] : memref<320000xi32, #tpu.memory_space<hbm>> -> memref<160xi32, #tpu.memory_space<hbm>>
      %dma_start3A_79 = tpu.memref_slice %arg4[%multiple_of3A_18] : memref<320000xi32, #tpu.memory_space<hbm>> -> memref<160xi32, #tpu.memory_space<hbm>>
      tpu.enqueue_dma source(%dma_start3A_79 : memref<160xi32, #tpu.memory_space<hbm>>) target(%arg12 : memref<160xi32, #tpu.memory_space<vmem>>) target_semaphore(%run_scoped3A : memref<!tpu.dma_semaphore, #tpu.memory_space<semaphore_mem>>)
      %dma_wait3A_80 = tpu.memref_slice %arg4[%multiple_of3A_18] : memref<320000xi32, #tpu.memory_space<hbm>> -> memref<160xi32, #tpu.memory_space<hbm>>
      %dma_wait3A_81 = tpu.memref_slice %arg4[%multiple_of3A_18] : memref<320000xi32, #tpu.memory_space<hbm>> -> memref<160xi32, #tpu.memory_space<hbm>>
      tpu.wait_dma2 semaphore(%run_scoped3A : memref<!tpu.dma_semaphore, #tpu.memory_space<semaphore_mem>>) src(%dma_wait3A_81 : memref<160xi32, #tpu.memory_space<hbm>>) dst(%arg12 : memref<160xi32, #tpu.memory_space<vmem>>)
      tpu.yield
    }) : () -> ()
    %add3A_19 = arith.constant 160 : i32
    %add3A_20 = arith.addi %add3A, %add3A_19 : i32
    %multiple_of3A_21 = tpu.assume_multiple %add3A_20, 8 : i32
    %dma_start3A = tpu.memref_slice %arg3[%multiple_of3A_21] : memref<640000xi32, #tpu.memory_space<hbm>> -> memref<160xi32, #tpu.memory_space<hbm>>
    %dma_start3A_22 = tpu.memref_slice %arg3[%multiple_of3A_21] : memref<640000xi32, #tpu.memory_space<hbm>> -> memref<160xi32, #tpu.memory_space<hbm>>
    tpu.enqueue_dma source(%dma_start3A_22 : memref<160xi32, #tpu.memory_space<hbm>>) target(%arg9 : memref<160xi32, #tpu.memory_space<vmem>>) target_semaphore(%arg23 : memref<!tpu.dma_semaphore, #tpu.memory_space<semaphore_mem>>)
    %add3A_23 = arith.constant 160 : i32
    %add3A_24 = arith.addi %mul3A_12, %add3A_23 : i32
    %multiple_of3A_25 = tpu.assume_multiple %add3A_24, 8 : i32
    %dma_start3A_26 = tpu.memref_slice %arg4[%multiple_of3A_25] : memref<320000xi32, #tpu.memory_space<hbm>> -> memref<160xi32, #tpu.memory_space<hbm>>
    %dma_start3A_27 = tpu.memref_slice %arg4[%multiple_of3A_25] : memref<320000xi32, #tpu.memory_space<hbm>> -> memref<160xi32, #tpu.memory_space<hbm>>
    tpu.enqueue_dma source(%dma_start3A_27 : memref<160xi32, #tpu.memory_space<hbm>>) target(%arg13 : memref<160xi32, #tpu.memory_space<vmem>>) target_semaphore(%arg23 : memref<!tpu.dma_semaphore, #tpu.memory_space<semaphore_mem>>)
    %add3A_28 = arith.constant 320 : i32
    %add3A_29 = arith.addi %add3A, %add3A_28 : i32
    %multiple_of3A_30 = tpu.assume_multiple %add3A_29, 8 : i32
    %dma_start3A_31 = tpu.memref_slice %arg3[%multiple_of3A_30] : memref<640000xi32, #tpu.memory_space<hbm>> -> memref<160xi32, #tpu.memory_space<hbm>>
    %dma_start3A_32 = tpu.memref_slice %arg3[%multiple_of3A_30] : memref<640000xi32, #tpu.memory_space<hbm>> -> memref<160xi32, #tpu.memory_space<hbm>>
    tpu.enqueue_dma source(%dma_start3A_32 : memref<160xi32, #tpu.memory_space<hbm>>) target(%arg10 : memref<160xi32, #tpu.memory_space<vmem>>) target_semaphore(%arg24 : memref<!tpu.dma_semaphore, #tpu.memory_space<semaphore_mem>>)
    %add3A_33 = arith.constant 320 : i32
    %add3A_34 = arith.addi %mul3A_12, %add3A_33 : i32
    %multiple_of3A_35 = tpu.assume_multiple %add3A_34, 8 : i32
    %dma_start3A_36 = tpu.memref_slice %arg4[%multiple_of3A_35] : memref<320000xi32, #tpu.memory_space<hbm>> -> memref<160xi32, #tpu.memory_space<hbm>>
    %dma_start3A_37 = tpu.memref_slice %arg4[%multiple_of3A_35] : memref<320000xi32, #tpu.memory_space<hbm>> -> memref<160xi32, #tpu.memory_space<hbm>>
    tpu.enqueue_dma source(%dma_start3A_37 : memref<160xi32, #tpu.memory_space<hbm>>) target(%arg14 : memref<160xi32, #tpu.memory_space<vmem>>) target_semaphore(%arg24 : memref<!tpu.dma_semaphore, #tpu.memory_space<semaphore_mem>>)
    %add3A_38 = arith.constant 480 : i32
    %add3A_39 = arith.addi %add3A, %add3A_38 : i32
    %multiple_of3A_40 = tpu.assume_multiple %add3A_39, 8 : i32
    %dma_start3A_41 = tpu.memref_slice %arg3[%multiple_of3A_40] : memref<640000xi32, #tpu.memory_space<hbm>> -> memref<160xi32, #tpu.memory_space<hbm>>
    %dma_start3A_42 = tpu.memref_slice %arg3[%multiple_of3A_40] : memref<640000xi32, #tpu.memory_space<hbm>> -> memref<160xi32, #tpu.memory_space<hbm>>
    tpu.enqueue_dma source(%dma_start3A_42 : memref<160xi32, #tpu.memory_space<hbm>>) target(%arg11 : memref<160xi32, #tpu.memory_space<vmem>>) target_semaphore(%arg25 : memref<!tpu.dma_semaphore, #tpu.memory_space<semaphore_mem>>)
    %add3A_43 = arith.constant 480 : i32
    %add3A_44 = arith.addi %mul3A_12, %add3A_43 : i32
    %multiple_of3A_45 = tpu.assume_multiple %add3A_44, 8 : i32
    %dma_start3A_46 = tpu.memref_slice %arg4[%multiple_of3A_45] : memref<320000xi32, #tpu.memory_space<hbm>> -> memref<160xi32, #tpu.memory_space<hbm>>
    %dma_start3A_47 = tpu.memref_slice %arg4[%multiple_of3A_45] : memref<320000xi32, #tpu.memory_space<hbm>> -> memref<160xi32, #tpu.memory_space<hbm>>
    tpu.enqueue_dma source(%dma_start3A_47 : memref<160xi32, #tpu.memory_space<hbm>>) target(%arg15 : memref<160xi32, #tpu.memory_space<vmem>>) target_semaphore(%arg25 : memref<!tpu.dma_semaphore, #tpu.memory_space<semaphore_mem>>)
    %dma_start3A_48 = arith.constant 0 : i32
    %dma_start3A_49 = arith.constant 0 : i32
    %dma_start3A_50 = tpu.memref_slice %arg2[%dma_start3A_48, %dma_start3A_49] : memref<20000x128xf32, #tpu.memory_space<hbm>> -> memref<20000x128xf32, #tpu.memory_space<hbm>>
    tpu.enqueue_indirect_dma source(%dma_start3A_50 : memref<20000x128xf32, #tpu.memory_space<hbm>>) target(%arg16 : memref<160x128xf32, #tpu.memory_space<vmem>>) offsets(%arg8 : memref<160xi32, #tpu.memory_space<vmem>>) semaphore(%arg18 : memref<!tpu.dma_semaphore, #tpu.memory_space<semaphore_mem>>)
    %scan3A = arith.constant 0 : i32
    %scan3A_51 = arith.constant 0 : i32
    %scan3A_52 = arith.constant 31 : i32
    %scan3A_53 = arith.addi %scan3A_51, %scan3A_52 : i32
    %scan3A_54 = arith.constant 1 : i32
    scf.for %scan3A_78 = %scan3A_51 to %scan3A_53 step %scan3A_54  : i32 {
      %mul3A_79 = arith.constant 4 : i32
      %mul3A_80 = arith.muli %mul3A_79, %scan3A_78 : i32
      %dma_wait3A_81 = arith.constant 0 : i32
      %dma_wait3A_82 = arith.constant 0 : i32
      %dma_wait3A_83 = tpu.memref_slice %arg2[%dma_wait3A_81, %dma_wait3A_82] : memref<20000x128xf32, #tpu.memory_space<hbm>> -> memref<20000x128xf32, #tpu.memory_space<hbm>>
      tpu.wait_indirect_dma semaphore(%arg18 : memref<!tpu.dma_semaphore, #tpu.memory_space<semaphore_mem>>) src(%dma_wait3A_83 : memref<20000x128xf32, #tpu.memory_space<hbm>>) dst(%arg16 : memref<160x128xf32, #tpu.memory_space<vmem>>)
      %gt3A = arith.constant 0 : i32
      %gt3A_84 = arith.cmpi sgt, %scan3A_78, %gt3A : i32
      %convert_element_type3A_85 = arith.extui %gt3A_84 : i1 to i32
      %cond3A_86 = arith.constant 0 : i32
      %cond3A_87 = arith.cmpi ne, %convert_element_type3A_85, %cond3A_86 : i32
      scf.if %cond3A_87 {
        %dma_wait3A_210 = arith.constant 0 : i32
        %dma_wait3A_211 = arith.constant 0 : i32
        %dma_wait3A_212 = tpu.memref_slice %arg7[%dma_wait3A_210, %dma_wait3A_211] : memref<10000x128xf32, #tpu.memory_space<vmem_shared>> -> memref<10000x128xf32, #tpu.memory_space<vmem_shared>>
        tpu.wait_indirect_dma semaphore(%arg21 : memref<!tpu.dma_semaphore, #tpu.memory_space<semaphore_mem>>) src(%arg17 : memref<160x128xf32, #tpu.memory_space<vmem>>) dst(%dma_wait3A_212 : memref<10000x128xf32, #tpu.memory_space<vmem_shared>>)
        %add3A_213 = arith.constant 3 : i32
        %add3A_214 = arith.addi %mul3A_80, %add3A_213 : i32
        %mul3A_215 = arith.constant 160 : i32
        %mul3A_216 = arith.muli %add3A_214, %mul3A_215 : i32
        %add3A_217 = arith.addi %add3A, %mul3A_216 : i32
        %multiple_of3A_218 = tpu.assume_multiple %add3A_217, 8 : i32
        %dma_start3A_219 = tpu.memref_slice %arg3[%multiple_of3A_218] : memref<640000xi32, #tpu.memory_space<hbm>> -> memref<160xi32, #tpu.memory_space<hbm>>
        %dma_start3A_220 = tpu.memref_slice %arg3[%multiple_of3A_218] : memref<640000xi32, #tpu.memory_space<hbm>> -> memref<160xi32, #tpu.memory_space<hbm>>
        tpu.enqueue_dma source(%dma_start3A_220 : memref<160xi32, #tpu.memory_space<hbm>>) target(%arg11 : memref<160xi32, #tpu.memory_space<vmem>>) target_semaphore(%arg25 : memref<!tpu.dma_semaphore, #tpu.memory_space<semaphore_mem>>)
        %mul3A_221 = arith.constant 160 : i32
        %mul3A_222 = arith.muli %add3A_214, %mul3A_221 : i32
        %add3A_223 = arith.addi %mul3A_12, %mul3A_222 : i32
        %multiple_of3A_224 = tpu.assume_multiple %add3A_223, 8 : i32
        %dma_start3A_225 = tpu.memref_slice %arg4[%multiple_of3A_224] : memref<320000xi32, #tpu.memory_space<hbm>> -> memref<160xi32, #tpu.memory_space<hbm>>
        %dma_start3A_226 = tpu.memref_slice %arg4[%multiple_of3A_224] : memref<320000xi32, #tpu.memory_space<hbm>> -> memref<160xi32, #tpu.memory_space<hbm>>
        tpu.enqueue_dma source(%dma_start3A_226 : memref<160xi32, #tpu.memory_space<hbm>>) target(%arg15 : memref<160xi32, #tpu.memory_space<vmem>>) target_semaphore(%arg25 : memref<!tpu.dma_semaphore, #tpu.memory_space<semaphore_mem>>)
      } else {
      }
      %add3A_88 = arith.constant 1 : i32
      %add3A_89 = arith.addi %mul3A_80, %add3A_88 : i32
      %mul3A_90 = arith.constant 160 : i32
      %mul3A_91 = arith.muli %add3A_89, %mul3A_90 : i32
      %add3A_92 = arith.addi %add3A, %mul3A_91 : i32
      %multiple_of3A_93 = tpu.assume_multiple %add3A_92, 8 : i32
      %dma_wait3A_94 = tpu.memref_slice %arg3[%multiple_of3A_93] : memref<640000xi32, #tpu.memory_space<hbm>> -> memref<160xi32, #tpu.memory_space<hbm>>
      %dma_wait3A_95 = tpu.memref_slice %arg3[%multiple_of3A_93] : memref<640000xi32, #tpu.memory_space<hbm>> -> memref<160xi32, #tpu.memory_space<hbm>>
      tpu.wait_dma2 semaphore(%arg23 : memref<!tpu.dma_semaphore, #tpu.memory_space<semaphore_mem>>) src(%dma_wait3A_95 : memref<160xi32, #tpu.memory_space<hbm>>) dst(%arg9 : memref<160xi32, #tpu.memory_space<vmem>>)
      %mul3A_96 = arith.constant 160 : i32
      %mul3A_97 = arith.muli %add3A_89, %mul3A_96 : i32
      %add3A_98 = arith.addi %mul3A_12, %mul3A_97 : i32
      %multiple_of3A_99 = tpu.assume_multiple %add3A_98, 8 : i32
      %dma_wait3A_100 = tpu.memref_slice %arg4[%multiple_of3A_99] : memref<320000xi32, #tpu.memory_space<hbm>> -> memref<160xi32, #tpu.memory_space<hbm>>
      %dma_wait3A_101 = tpu.memref_slice %arg4[%multiple_of3A_99] : memref<320000xi32, #tpu.memory_space<hbm>> -> memref<160xi32, #tpu.memory_space<hbm>>
      tpu.wait_dma2 semaphore(%arg23 : memref<!tpu.dma_semaphore, #tpu.memory_space<semaphore_mem>>) src(%dma_wait3A_101 : memref<160xi32, #tpu.memory_space<hbm>>) dst(%arg13 : memref<160xi32, #tpu.memory_space<vmem>>)
      %dma_start3A_102 = arith.constant 0 : i32
      %dma_start3A_103 = arith.constant 0 : i32
      %dma_start3A_104 = tpu.memref_slice %arg2[%dma_start3A_102, %dma_start3A_103] : memref<20000x128xf32, #tpu.memory_space<hbm>> -> memref<20000x128xf32, #tpu.memory_space<hbm>>
      tpu.enqueue_indirect_dma source(%dma_start3A_104 : memref<20000x128xf32, #tpu.memory_space<hbm>>) target(%arg17 : memref<160x128xf32, #tpu.memory_space<vmem>>) offsets(%arg9 : memref<160xi32, #tpu.memory_space<vmem>>) semaphore(%arg19 : memref<!tpu.dma_semaphore, #tpu.memory_space<semaphore_mem>>)
      %dma_start3A_105 = arith.constant 0 : i32
      %dma_start3A_106 = arith.constant 0 : i32
      %dma_start3A_107 = tpu.memref_slice %arg7[%dma_start3A_105, %dma_start3A_106] : memref<10000x128xf32, #tpu.memory_space<vmem_shared>> -> memref<10000x128xf32, #tpu.memory_space<vmem_shared>>
      tpu.enqueue_indirect_dma source(%arg16 : memref<160x128xf32, #tpu.memory_space<vmem>>) target(%dma_start3A_107 : memref<10000x128xf32, #tpu.memory_space<vmem_shared>>) offsets(%arg12 : memref<160xi32, #tpu.memory_space<vmem>>) semaphore(%arg20 : memref<!tpu.dma_semaphore, #tpu.memory_space<semaphore_mem>>) {add = true}
      %dma_wait3A_108 = arith.constant 0 : i32
      %dma_wait3A_109 = arith.constant 0 : i32
      %dma_wait3A_110 = tpu.memref_slice %arg7[%dma_wait3A_108, %dma_wait3A_109] : memref<10000x128xf32, #tpu.memory_space<vmem_shared>> -> memref<10000x128xf32, #tpu.memory_space<vmem_shared>>
      tpu.wait_indirect_dma semaphore(%arg20 : memref<!tpu.dma_semaphore, #tpu.memory_space<semaphore_mem>>) src(%arg16 : memref<160x128xf32, #tpu.memory_space<vmem>>) dst(%dma_wait3A_110 : memref<10000x128xf32, #tpu.memory_space<vmem_shared>>)
      %add3A_111 = arith.constant 4 : i32
      %add3A_112 = arith.addi %mul3A_80, %add3A_111 : i32
      %mul3A_113 = arith.constant 160 : i32
      %mul3A_114 = arith.muli %add3A_112, %mul3A_113 : i32
      %add3A_115 = arith.addi %add3A, %mul3A_114 : i32
      %multiple_of3A_116 = tpu.assume_multiple %add3A_115, 8 : i32
      %dma_start3A_117 = tpu.memref_slice %arg3[%multiple_of3A_116] : memref<640000xi32, #tpu.memory_space<hbm>> -> memref<160xi32, #tpu.memory_space<hbm>>
      %dma_start3A_118 = tpu.memref_slice %arg3[%multiple_of3A_116] : memref<640000xi32, #tpu.memory_space<hbm>> -> memref<160xi32, #tpu.memory_space<hbm>>
      tpu.enqueue_dma source(%dma_start3A_118 : memref<160xi32, #tpu.memory_space<hbm>>) target(%arg8 : memref<160xi32, #tpu.memory_space<vmem>>) target_semaphore(%arg22 : memref<!tpu.dma_semaphore, #tpu.memory_space<semaphore_mem>>)
      %mul3A_119 = arith.constant 160 : i32
      %mul3A_120 = arith.muli %add3A_112, %mul3A_119 : i32
      %add3A_121 = arith.addi %mul3A_12, %mul3A_120 : i32
      %multiple_of3A_122 = tpu.assume_multiple %add3A_121, 8 : i32
      %dma_start3A_123 = tpu.memref_slice %arg4[%multiple_of3A_122] : memref<320000xi32, #tpu.memory_space<hbm>> -> memref<160xi32, #tpu.memory_space<hbm>>
      %dma_start3A_124 = tpu.memref_slice %arg4[%multiple_of3A_122] : memref<320000xi32, #tpu.memory_space<hbm>> -> memref<160xi32, #tpu.memory_space<hbm>>
      tpu.enqueue_dma source(%dma_start3A_124 : memref<160xi32, #tpu.memory_space<hbm>>) target(%arg12 : memref<160xi32, #tpu.memory_space<vmem>>) target_semaphore(%arg22 : memref<!tpu.dma_semaphore, #tpu.memory_space<semaphore_mem>>)
      %add3A_125 = arith.constant 2 : i32
      %add3A_126 = arith.addi %mul3A_80, %add3A_125 : i32
      %mul3A_127 = arith.constant 160 : i32
      %mul3A_128 = arith.muli %add3A_126, %mul3A_127 : i32
      %add3A_129 = arith.addi %add3A, %mul3A_128 : i32
      %multiple_of3A_130 = tpu.assume_multiple %add3A_129, 8 : i32
      %dma_wait3A_131 = tpu.memref_slice %arg3[%multiple_of3A_130] : memref<640000xi32, #tpu.memory_space<hbm>> -> memref<160xi32, #tpu.memory_space<hbm>>
      %dma_wait3A_132 = tpu.memref_slice %arg3[%multiple_of3A_130] : memref<640000xi32, #tpu.memory_space<hbm>> -> memref<160xi32, #tpu.memory_space<hbm>>
      tpu.wait_dma2 semaphore(%arg24 : memref<!tpu.dma_semaphore, #tpu.memory_space<semaphore_mem>>) src(%dma_wait3A_132 : memref<160xi32, #tpu.memory_space<hbm>>) dst(%arg10 : memref<160xi32, #tpu.memory_space<vmem>>)
      %mul3A_133 = arith.constant 160 : i32
      %mul3A_134 = arith.muli %add3A_126, %mul3A_133 : i32
      %add3A_135 = arith.addi %mul3A_12, %mul3A_134 : i32
      %multiple_of3A_136 = tpu.assume_multiple %add3A_135, 8 : i32
      %dma_wait3A_137 = tpu.memref_slice %arg4[%multiple_of3A_136] : memref<320000xi32, #tpu.memory_space<hbm>> -> memref<160xi32, #tpu.memory_space<hbm>>
      %dma_wait3A_138 = tpu.memref_slice %arg4[%multiple_of3A_136] : memref<320000xi32, #tpu.memory_space<hbm>> -> memref<160xi32, #tpu.memory_space<hbm>>
      tpu.wait_dma2 semaphore(%arg24 : memref<!tpu.dma_semaphore, #tpu.memory_space<semaphore_mem>>) src(%dma_wait3A_138 : memref<160xi32, #tpu.memory_space<hbm>>) dst(%arg14 : memref<160xi32, #tpu.memory_space<vmem>>)
      %dma_wait3A_139 = arith.constant 0 : i32
      %dma_wait3A_140 = arith.constant 0 : i32
      %dma_wait3A_141 = tpu.memref_slice %arg2[%dma_wait3A_139, %dma_wait3A_140] : memref<20000x128xf32, #tpu.memory_space<hbm>> -> memref<20000x128xf32, #tpu.memory_space<hbm>>
      tpu.wait_indirect_dma semaphore(%arg19 : memref<!tpu.dma_semaphore, #tpu.memory_space<semaphore_mem>>) src(%dma_wait3A_141 : memref<20000x128xf32, #tpu.memory_space<hbm>>) dst(%arg17 : memref<160x128xf32, #tpu.memory_space<vmem>>)
      %dma_start3A_142 = arith.constant 0 : i32
      %dma_start3A_143 = arith.constant 0 : i32
      %dma_start3A_144 = tpu.memref_slice %arg2[%dma_start3A_142, %dma_start3A_143] : memref<20000x128xf32, #tpu.memory_space<hbm>> -> memref<20000x128xf32, #tpu.memory_space<hbm>>
      tpu.enqueue_indirect_dma source(%dma_start3A_144 : memref<20000x128xf32, #tpu.memory_space<hbm>>) target(%arg16 : memref<160x128xf32, #tpu.memory_space<vmem>>) offsets(%arg10 : memref<160xi32, #tpu.memory_space<vmem>>) semaphore(%arg18 : memref<!tpu.dma_semaphore, #tpu.memory_space<semaphore_mem>>)
      %dma_start3A_145 = arith.constant 0 : i32
      %dma_start3A_146 = arith.constant 0 : i32
      %dma_start3A_147 = tpu.memref_slice %arg7[%dma_start3A_145, %dma_start3A_146] : memref<10000x128xf32, #tpu.memory_space<vmem_shared>> -> memref<10000x128xf32, #tpu.memory_space<vmem_shared>>
      tpu.enqueue_indirect_dma source(%arg17 : memref<160x128xf32, #tpu.memory_space<vmem>>) target(%dma_start3A_147 : memref<10000x128xf32, #tpu.memory_space<vmem_shared>>) offsets(%arg13 : memref<160xi32, #tpu.memory_space<vmem>>) semaphore(%arg21 : memref<!tpu.dma_semaphore, #tpu.memory_space<semaphore_mem>>) {add = true}
      %dma_wait3A_148 = arith.constant 0 : i32
      %dma_wait3A_149 = arith.constant 0 : i32
      %dma_wait3A_150 = tpu.memref_slice %arg7[%dma_wait3A_148, %dma_wait3A_149] : memref<10000x128xf32, #tpu.memory_space<vmem_shared>> -> memref<10000x128xf32, #tpu.memory_space<vmem_shared>>
      tpu.wait_indirect_dma semaphore(%arg21 : memref<!tpu.dma_semaphore, #tpu.memory_space<semaphore_mem>>) src(%arg17 : memref<160x128xf32, #tpu.memory_space<vmem>>) dst(%dma_wait3A_150 : memref<10000x128xf32, #tpu.memory_space<vmem_shared>>)
      %lt3A_151 = arith.constant 30 : i32
      %lt3A_152 = arith.cmpi slt, %scan3A_78, %lt3A_151 : i32
      %convert_element_type3A_153 = arith.extui %lt3A_152 : i1 to i32
      %cond3A_154 = arith.constant 0 : i32
      %cond3A_155 = arith.cmpi ne, %convert_element_type3A_153, %cond3A_154 : i32
      scf.if %cond3A_155 {
        %add3A_210 = arith.constant 5 : i32
        %add3A_211 = arith.addi %mul3A_80, %add3A_210 : i32
        %mul3A_212 = arith.constant 160 : i32
        %mul3A_213 = arith.muli %add3A_211, %mul3A_212 : i32
        %add3A_214 = arith.addi %add3A, %mul3A_213 : i32
        %multiple_of3A_215 = tpu.assume_multiple %add3A_214, 8 : i32
        %dma_start3A_216 = tpu.memref_slice %arg3[%multiple_of3A_215] : memref<640000xi32, #tpu.memory_space<hbm>> -> memref<160xi32, #tpu.memory_space<hbm>>
        %dma_start3A_217 = tpu.memref_slice %arg3[%multiple_of3A_215] : memref<640000xi32, #tpu.memory_space<hbm>> -> memref<160xi32, #tpu.memory_space<hbm>>
        tpu.enqueue_dma source(%dma_start3A_217 : memref<160xi32, #tpu.memory_space<hbm>>) target(%arg9 : memref<160xi32, #tpu.memory_space<vmem>>) target_semaphore(%arg23 : memref<!tpu.dma_semaphore, #tpu.memory_space<semaphore_mem>>)
        %mul3A_218 = arith.constant 160 : i32
        %mul3A_219 = arith.muli %add3A_211, %mul3A_218 : i32
        %add3A_220 = arith.addi %mul3A_12, %mul3A_219 : i32
        %multiple_of3A_221 = tpu.assume_multiple %add3A_220, 8 : i32
        %dma_start3A_222 = tpu.memref_slice %arg4[%multiple_of3A_221] : memref<320000xi32, #tpu.memory_space<hbm>> -> memref<160xi32, #tpu.memory_space<hbm>>
        %dma_start3A_223 = tpu.memref_slice %arg4[%multiple_of3A_221] : memref<320000xi32, #tpu.memory_space<hbm>> -> memref<160xi32, #tpu.memory_space<hbm>>
        tpu.enqueue_dma source(%dma_start3A_223 : memref<160xi32, #tpu.memory_space<hbm>>) target(%arg13 : memref<160xi32, #tpu.memory_space<vmem>>) target_semaphore(%arg23 : memref<!tpu.dma_semaphore, #tpu.memory_space<semaphore_mem>>)
      } else {
      }
      %add3A_156 = arith.constant 3 : i32
      %add3A_157 = arith.addi %mul3A_80, %add3A_156 : i32
      %mul3A_158 = arith.constant 160 : i32
      %mul3A_159 = arith.muli %add3A_157, %mul3A_158 : i32
      %add3A_160 = arith.addi %add3A, %mul3A_159 : i32
      %multiple_of3A_161 = tpu.assume_multiple %add3A_160, 8 : i32
      %dma_wait3A_162 = tpu.memref_slice %arg3[%multiple_of3A_161] : memref<640000xi32, #tpu.memory_space<hbm>> -> memref<160xi32, #tpu.memory_space<hbm>>
      %dma_wait3A_163 = tpu.memref_slice %arg3[%multiple_of3A_161] : memref<640000xi32, #tpu.memory_space<hbm>> -> memref<160xi32, #tpu.memory_space<hbm>>
      tpu.wait_dma2 semaphore(%arg25 : memref<!tpu.dma_semaphore, #tpu.memory_space<semaphore_mem>>) src(%dma_wait3A_163 : memref<160xi32, #tpu.memory_space<hbm>>) dst(%arg11 : memref<160xi32, #tpu.memory_space<vmem>>)
      %mul3A_164 = arith.constant 160 : i32
      %mul3A_165 = arith.muli %add3A_157, %mul3A_164 : i32
      %add3A_166 = arith.addi %mul3A_12, %mul3A_165 : i32
      %multiple_of3A_167 = tpu.assume_multiple %add3A_166, 8 : i32
      %dma_wait3A_168 = tpu.memref_slice %arg4[%multiple_of3A_167] : memref<320000xi32, #tpu.memory_space<hbm>> -> memref<160xi32, #tpu.memory_space<hbm>>
      %dma_wait3A_169 = tpu.memref_slice %arg4[%multiple_of3A_167] : memref<320000xi32, #tpu.memory_space<hbm>> -> memref<160xi32, #tpu.memory_space<hbm>>
      tpu.wait_dma2 semaphore(%arg25 : memref<!tpu.dma_semaphore, #tpu.memory_space<semaphore_mem>>) src(%dma_wait3A_169 : memref<160xi32, #tpu.memory_space<hbm>>) dst(%arg15 : memref<160xi32, #tpu.memory_space<vmem>>)
      %dma_wait3A_170 = arith.constant 0 : i32
      %dma_wait3A_171 = arith.constant 0 : i32
      %dma_wait3A_172 = tpu.memref_slice %arg2[%dma_wait3A_170, %dma_wait3A_171] : memref<20000x128xf32, #tpu.memory_space<hbm>> -> memref<20000x128xf32, #tpu.memory_space<hbm>>
      tpu.wait_indirect_dma semaphore(%arg18 : memref<!tpu.dma_semaphore, #tpu.memory_space<semaphore_mem>>) src(%dma_wait3A_172 : memref<20000x128xf32, #tpu.memory_space<hbm>>) dst(%arg16 : memref<160x128xf32, #tpu.memory_space<vmem>>)
      %dma_start3A_173 = arith.constant 0 : i32
      %dma_start3A_174 = arith.constant 0 : i32
      %dma_start3A_175 = tpu.memref_slice %arg2[%dma_start3A_173, %dma_start3A_174] : memref<20000x128xf32, #tpu.memory_space<hbm>> -> memref<20000x128xf32, #tpu.memory_space<hbm>>
      tpu.enqueue_indirect_dma source(%dma_start3A_175 : memref<20000x128xf32, #tpu.memory_space<hbm>>) target(%arg17 : memref<160x128xf32, #tpu.memory_space<vmem>>) offsets(%arg11 : memref<160xi32, #tpu.memory_space<vmem>>) semaphore(%arg19 : memref<!tpu.dma_semaphore, #tpu.memory_space<semaphore_mem>>)
      %dma_start3A_176 = arith.constant 0 : i32
      %dma_start3A_177 = arith.constant 0 : i32
      %dma_start3A_178 = tpu.memref_slice %arg7[%dma_start3A_176, %dma_start3A_177] : memref<10000x128xf32, #tpu.memory_space<vmem_shared>> -> memref<10000x128xf32, #tpu.memory_space<vmem_shared>>
      tpu.enqueue_indirect_dma source(%arg16 : memref<160x128xf32, #tpu.memory_space<vmem>>) target(%dma_start3A_178 : memref<10000x128xf32, #tpu.memory_space<vmem_shared>>) offsets(%arg14 : memref<160xi32, #tpu.memory_space<vmem>>) semaphore(%arg20 : memref<!tpu.dma_semaphore, #tpu.memory_space<semaphore_mem>>) {add = true}
      %dma_wait3A_179 = arith.constant 0 : i32
      %dma_wait3A_180 = arith.constant 0 : i32
      %dma_wait3A_181 = tpu.memref_slice %arg7[%dma_wait3A_179, %dma_wait3A_180] : memref<10000x128xf32, #tpu.memory_space<vmem_shared>> -> memref<10000x128xf32, #tpu.memory_space<vmem_shared>>
      tpu.wait_indirect_dma semaphore(%arg20 : memref<!tpu.dma_semaphore, #tpu.memory_space<semaphore_mem>>) src(%arg16 : memref<160x128xf32, #tpu.memory_space<vmem>>) dst(%dma_wait3A_181 : memref<10000x128xf32, #tpu.memory_space<vmem_shared>>)
      %lt3A_182 = arith.constant 30 : i32
      %lt3A_183 = arith.cmpi slt, %scan3A_78, %lt3A_182 : i32
      %convert_element_type3A_184 = arith.extui %lt3A_183 : i1 to i32
      %cond3A_185 = arith.constant 0 : i32
      %cond3A_186 = arith.cmpi ne, %convert_element_type3A_184, %cond3A_185 : i32
      scf.if %cond3A_186 {
        %add3A_210 = arith.constant 6 : i32
        %add3A_211 = arith.addi %mul3A_80, %add3A_210 : i32
        %mul3A_212 = arith.constant 160 : i32
        %mul3A_213 = arith.muli %add3A_211, %mul3A_212 : i32
        %add3A_214 = arith.addi %add3A, %mul3A_213 : i32
        %multiple_of3A_215 = tpu.assume_multiple %add3A_214, 8 : i32
        %dma_start3A_216 = tpu.memref_slice %arg3[%multiple_of3A_215] : memref<640000xi32, #tpu.memory_space<hbm>> -> memref<160xi32, #tpu.memory_space<hbm>>
        %dma_start3A_217 = tpu.memref_slice %arg3[%multiple_of3A_215] : memref<640000xi32, #tpu.memory_space<hbm>> -> memref<160xi32, #tpu.memory_space<hbm>>
        tpu.enqueue_dma source(%dma_start3A_217 : memref<160xi32, #tpu.memory_space<hbm>>) target(%arg10 : memref<160xi32, #tpu.memory_space<vmem>>) target_semaphore(%arg24 : memref<!tpu.dma_semaphore, #tpu.memory_space<semaphore_mem>>)
        %mul3A_218 = arith.constant 160 : i32
        %mul3A_219 = arith.muli %add3A_211, %mul3A_218 : i32
        %add3A_220 = arith.addi %mul3A_12, %mul3A_219 : i32
        %multiple_of3A_221 = tpu.assume_multiple %add3A_220, 8 : i32
        %dma_start3A_222 = tpu.memref_slice %arg4[%multiple_of3A_221] : memref<320000xi32, #tpu.memory_space<hbm>> -> memref<160xi32, #tpu.memory_space<hbm>>
        %dma_start3A_223 = tpu.memref_slice %arg4[%multiple_of3A_221] : memref<320000xi32, #tpu.memory_space<hbm>> -> memref<160xi32, #tpu.memory_space<hbm>>
        tpu.enqueue_dma source(%dma_start3A_223 : memref<160xi32, #tpu.memory_space<hbm>>) target(%arg14 : memref<160xi32, #tpu.memory_space<vmem>>) target_semaphore(%arg24 : memref<!tpu.dma_semaphore, #tpu.memory_space<semaphore_mem>>)
      } else {
      }
      %add3A_187 = arith.constant 4 : i32
      %add3A_188 = arith.addi %mul3A_80, %add3A_187 : i32
      %mul3A_189 = arith.constant 160 : i32
      %mul3A_190 = arith.muli %add3A_188, %mul3A_189 : i32
      %add3A_191 = arith.addi %add3A, %mul3A_190 : i32
      %multiple_of3A_192 = tpu.assume_multiple %add3A_191, 8 : i32
      %dma_wait3A_193 = tpu.memref_slice %arg3[%multiple_of3A_192] : memref<640000xi32, #tpu.memory_space<hbm>> -> memref<160xi32, #tpu.memory_space<hbm>>
      %dma_wait3A_194 = tpu.memref_slice %arg3[%multiple_of3A_192] : memref<640000xi32, #tpu.memory_space<hbm>> -> memref<160xi32, #tpu.memory_space<hbm>>
      tpu.wait_dma2 semaphore(%arg22 : memref<!tpu.dma_semaphore, #tpu.memory_space<semaphore_mem>>) src(%dma_wait3A_194 : memref<160xi32, #tpu.memory_space<hbm>>) dst(%arg8 : memref<160xi32, #tpu.memory_space<vmem>>)
      %mul3A_195 = arith.constant 160 : i32
      %mul3A_196 = arith.muli %add3A_188, %mul3A_195 : i32
      %add3A_197 = arith.addi %mul3A_12, %mul3A_196 : i32
      %multiple_of3A_198 = tpu.assume_multiple %add3A_197, 8 : i32
      %dma_wait3A_199 = tpu.memref_slice %arg4[%multiple_of3A_198] : memref<320000xi32, #tpu.memory_space<hbm>> -> memref<160xi32, #tpu.memory_space<hbm>>
      %dma_wait3A_200 = tpu.memref_slice %arg4[%multiple_of3A_198] : memref<320000xi32, #tpu.memory_space<hbm>> -> memref<160xi32, #tpu.memory_space<hbm>>
      tpu.wait_dma2 semaphore(%arg22 : memref<!tpu.dma_semaphore, #tpu.memory_space<semaphore_mem>>) src(%dma_wait3A_200 : memref<160xi32, #tpu.memory_space<hbm>>) dst(%arg12 : memref<160xi32, #tpu.memory_space<vmem>>)
      %dma_wait3A_201 = arith.constant 0 : i32
      %dma_wait3A_202 = arith.constant 0 : i32
      %dma_wait3A_203 = tpu.memref_slice %arg2[%dma_wait3A_201, %dma_wait3A_202] : memref<20000x128xf32, #tpu.memory_space<hbm>> -> memref<20000x128xf32, #tpu.memory_space<hbm>>
      tpu.wait_indirect_dma semaphore(%arg19 : memref<!tpu.dma_semaphore, #tpu.memory_space<semaphore_mem>>) src(%dma_wait3A_203 : memref<20000x128xf32, #tpu.memory_space<hbm>>) dst(%arg17 : memref<160x128xf32, #tpu.memory_space<vmem>>)
      %dma_start3A_204 = arith.constant 0 : i32
      %dma_start3A_205 = arith.constant 0 : i32
      %dma_start3A_206 = tpu.memref_slice %arg7[%dma_start3A_204, %dma_start3A_205] : memref<10000x128xf32, #tpu.memory_space<vmem_shared>> -> memref<10000x128xf32, #tpu.memory_space<vmem_shared>>
      tpu.enqueue_indirect_dma source(%arg17 : memref<160x128xf32, #tpu.memory_space<vmem>>) target(%dma_start3A_206 : memref<10000x128xf32, #tpu.memory_space<vmem_shared>>) offsets(%arg15 : memref<160xi32, #tpu.memory_space<vmem>>) semaphore(%arg21 : memref<!tpu.dma_semaphore, #tpu.memory_space<semaphore_mem>>) {add = true}
      %dma_start3A_207 = arith.constant 0 : i32
      %dma_start3A_208 = arith.constant 0 : i32
      %dma_start3A_209 = tpu.memref_slice %arg2[%dma_start3A_207, %dma_start3A_208] : memref<20000x128xf32, #tpu.memory_space<hbm>> -> memref<20000x128xf32, #tpu.memory_space<hbm>>
      tpu.enqueue_indirect_dma source(%dma_start3A_209 : memref<20000x128xf32, #tpu.memory_space<hbm>>) target(%arg16 : memref<160x128xf32, #tpu.memory_space<vmem>>) offsets(%arg8 : memref<160xi32, #tpu.memory_space<vmem>>) semaphore(%arg18 : memref<!tpu.dma_semaphore, #tpu.memory_space<semaphore_mem>>)
    }
    %scan3A_55 = arith.constant 31 : i32
    %dma_wait3A = arith.constant 0 : i32
    %dma_wait3A_56 = arith.constant 0 : i32
    %dma_wait3A_57 = tpu.memref_slice %arg2[%dma_wait3A, %dma_wait3A_56] : memref<20000x128xf32, #tpu.memory_space<hbm>> -> memref<20000x128xf32, #tpu.memory_space<hbm>>
    tpu.wait_indirect_dma semaphore(%arg18 : memref<!tpu.dma_semaphore, #tpu.memory_space<semaphore_mem>>) src(%dma_wait3A_57 : memref<20000x128xf32, #tpu.memory_space<hbm>>) dst(%arg16 : memref<160x128xf32, #tpu.memory_space<vmem>>)
    %dma_start3A_58 = arith.constant 0 : i32
    %dma_start3A_59 = arith.constant 0 : i32
    %dma_start3A_60 = tpu.memref_slice %arg7[%dma_start3A_58, %dma_start3A_59] : memref<10000x128xf32, #tpu.memory_space<vmem_shared>> -> memref<10000x128xf32, #tpu.memory_space<vmem_shared>>
    tpu.enqueue_indirect_dma source(%arg16 : memref<160x128xf32, #tpu.memory_space<vmem>>) target(%dma_start3A_60 : memref<10000x128xf32, #tpu.memory_space<vmem_shared>>) offsets(%arg12 : memref<160xi32, #tpu.memory_space<vmem>>) semaphore(%arg20 : memref<!tpu.dma_semaphore, #tpu.memory_space<semaphore_mem>>) {add = true}
    %dma_wait3A_61 = arith.constant 0 : i32
    %dma_wait3A_62 = arith.constant 0 : i32
    %dma_wait3A_63 = tpu.memref_slice %arg7[%dma_wait3A_61, %dma_wait3A_62] : memref<10000x128xf32, #tpu.memory_space<vmem_shared>> -> memref<10000x128xf32, #tpu.memory_space<vmem_shared>>
    tpu.wait_indirect_dma semaphore(%arg21 : memref<!tpu.dma_semaphore, #tpu.memory_space<semaphore_mem>>) src(%arg17 : memref<160x128xf32, #tpu.memory_space<vmem>>) dst(%dma_wait3A_63 : memref<10000x128xf32, #tpu.memory_space<vmem_shared>>)
    %dma_wait3A_64 = arith.constant 0 : i32
    %dma_wait3A_65 = arith.constant 0 : i32
    %dma_wait3A_66 = tpu.memref_slice %arg7[%dma_wait3A_64, %dma_wait3A_65] : memref<10000x128xf32, #tpu.memory_space<vmem_shared>> -> memref<10000x128xf32, #tpu.memory_space<vmem_shared>>
    tpu.wait_indirect_dma semaphore(%arg20 : memref<!tpu.dma_semaphore, #tpu.memory_space<semaphore_mem>>) src(%arg16 : memref<160x128xf32, #tpu.memory_space<vmem>>) dst(%dma_wait3A_66 : memref<10000x128xf32, #tpu.memory_space<vmem_shared>>)
    %barrier3A_67 = arith.constant 0 : index
    tpu.barrier barrier_id(%barrier3A_67)
    %lt3A_68 = arith.constant 15 : i32
    %lt3A_69 = arith.cmpi slt, %arg1, %lt3A_68 : i32
    %convert_element_type3A_70 = arith.extui %lt3A_69 : i1 to i32
    %cond3A_71 = arith.constant 0 : i32
    %cond3A_72 = arith.cmpi ne, %convert_element_type3A_70, %cond3A_71 : i32
    scf.if %cond3A_72 {
      "tpu.region"() ({
        %run_scoped3A = tpu.sem_alloc : memref<!tpu.dma_semaphore, #tpu.memory_space<semaphore_mem>>
        %dma_start3A_78 = arith.constant 0 : i32
        %dma_start3A_79 = tpu.memref_slice %arg6[%arg0, %multiple_of3A, %dma_start3A_78] : memref<2x10000x128xf32, #tpu.memory_space<hbm>> -> memref<1x624x128xf32, #tpu.memory_space<hbm>>
        %dma_start3A_80 = tpu.memref_squeeze %dma_start3A_79 : memref<1x624x128xf32, #tpu.memory_space<hbm>> -> memref<624x128xf32, #tpu.memory_space<hbm>>
        %dma_start3A_81 = arith.constant 0 : i32
        %dma_start3A_82 = tpu.memref_slice %arg7[%multiple_of3A, %dma_start3A_81] : memref<10000x128xf32, #tpu.memory_space<vmem_shared>> -> memref<624x128xf32, #tpu.memory_space<vmem_shared>>
        tpu.enqueue_dma source(%dma_start3A_82 : memref<624x128xf32, #tpu.memory_space<vmem_shared>>) target(%dma_start3A_80 : memref<624x128xf32, #tpu.memory_space<hbm>>) target_semaphore(%run_scoped3A : memref<!tpu.dma_semaphore, #tpu.memory_space<semaphore_mem>>)
        %dma_wait3A_83 = arith.constant 0 : i32
        %dma_wait3A_84 = tpu.memref_slice %arg6[%arg0, %multiple_of3A, %dma_wait3A_83] : memref<2x10000x128xf32, #tpu.memory_space<hbm>> -> memref<1x624x128xf32, #tpu.memory_space<hbm>>
        %dma_wait3A_85 = tpu.memref_squeeze %dma_wait3A_84 : memref<1x624x128xf32, #tpu.memory_space<hbm>> -> memref<624x128xf32, #tpu.memory_space<hbm>>
        %dma_wait3A_86 = arith.constant 0 : i32
        %dma_wait3A_87 = tpu.memref_slice %arg7[%multiple_of3A, %dma_wait3A_86] : memref<10000x128xf32, #tpu.memory_space<vmem_shared>> -> memref<624x128xf32, #tpu.memory_space<vmem_shared>>
        tpu.wait_dma2 semaphore(%run_scoped3A : memref<!tpu.dma_semaphore, #tpu.memory_space<semaphore_mem>>) src(%dma_wait3A_87 : memref<624x128xf32, #tpu.memory_space<vmem_shared>>) dst(%dma_wait3A_85 : memref<624x128xf32, #tpu.memory_space<hbm>>)
        tpu.yield
      }) : () -> ()
    } else {
    }
    %eq3A_73 = arith.constant 15 : i32
    %eq3A_74 = arith.cmpi eq, %arg1, %eq3A_73 : i32
    %convert_element_type3A_75 = arith.extui %eq3A_74 : i1 to i32
    %cond3A_76 = arith.constant 0 : i32
    %cond3A_77 = arith.cmpi ne, %convert_element_type3A_75, %cond3A_76 : i32
    scf.if %cond3A_77 {
      "tpu.region"() ({
        %run_scoped3A = tpu.sem_alloc : memref<!tpu.dma_semaphore, #tpu.memory_space<semaphore_mem>>
        %dma_start3A_78 = arith.constant 9360 : i32
        %dma_start3A_79 = arith.constant 0 : i32
        %dma_start3A_80 = tpu.memref_slice %arg6[%arg0, %dma_start3A_78, %dma_start3A_79] : memref<2x10000x128xf32, #tpu.memory_space<hbm>> -> memref<1x640x128xf32, #tpu.memory_space<hbm>>
        %dma_start3A_81 = tpu.memref_squeeze %dma_start3A_80 : memref<1x640x128xf32, #tpu.memory_space<hbm>> -> memref<640x128xf32, #tpu.memory_space<hbm>>
        %dma_start3A_82 = arith.constant 9360 : i32
        %dma_start3A_83 = arith.constant 0 : i32
        %dma_start3A_84 = tpu.memref_slice %arg7[%dma_start3A_82, %dma_start3A_83] : memref<10000x128xf32, #tpu.memory_space<vmem_shared>> -> memref<640x128xf32, #tpu.memory_space<vmem_shared>>
        tpu.enqueue_dma source(%dma_start3A_84 : memref<640x128xf32, #tpu.memory_space<vmem_shared>>) target(%dma_start3A_81 : memref<640x128xf32, #tpu.memory_space<hbm>>) target_semaphore(%run_scoped3A : memref<!tpu.dma_semaphore, #tpu.memory_space<semaphore_mem>>)
        %dma_wait3A_85 = arith.constant 9360 : i32
        %dma_wait3A_86 = arith.constant 0 : i32
        %dma_wait3A_87 = tpu.memref_slice %arg6[%arg0, %dma_wait3A_85, %dma_wait3A_86] : memref<2x10000x128xf32, #tpu.memory_space<hbm>> -> memref<1x640x128xf32, #tpu.memory_space<hbm>>
        %dma_wait3A_88 = tpu.memref_squeeze %dma_wait3A_87 : memref<1x640x128xf32, #tpu.memory_space<hbm>> -> memref<640x128xf32, #tpu.memory_space<hbm>>
        %dma_wait3A_89 = arith.constant 9360 : i32
        %dma_wait3A_90 = arith.constant 0 : i32
        %dma_wait3A_91 = tpu.memref_slice %arg7[%dma_wait3A_89, %dma_wait3A_90] : memref<10000x128xf32, #tpu.memory_space<vmem_shared>> -> memref<640x128xf32, #tpu.memory_space<vmem_shared>>
        tpu.wait_dma2 semaphore(%run_scoped3A : memref<!tpu.dma_semaphore, #tpu.memory_space<semaphore_mem>>) src(%dma_wait3A_91 : memref<640x128xf32, #tpu.memory_space<vmem_shared>>) dst(%dma_wait3A_88 : memref<640x128xf32, #tpu.memory_space<hbm>>)
        tpu.yield
      }) : () -> ()
    } else {
    }
    return
  }
}

#map = affine_map<(d0, d1) -> (0, 0)>
#map1 = affine_map<(d0, d1) -> (0)>
#map2 = affine_map<(d0, d1) -> (0, 0, 0)>
module attributes {stable_mosaic.version = 14 : i64} {
  func.func @_agg_body(%arg0: i32, %arg1: i32, %arg2: memref<20000x128xf32, #tpu.memory_space<hbm>>, %arg3: memref<640000xi32, #tpu.memory_space<hbm>>, %arg4: memref<320000xi32, #tpu.memory_space<hbm>>, %arg5: memref<640x128xf32, #tpu.memory_space<hbm>>, %arg6: memref<2x10000x128xf32, #tpu.memory_space<hbm>>, %arg7: memref<10000x128xf32, #tpu.memory_space<vmem_shared>>, %arg8: memref<160xi32, #tpu.memory_space<vmem>>, %arg9: memref<160xi32, #tpu.memory_space<vmem>>, %arg10: memref<160xi32, #tpu.memory_space<vmem>>, %arg11: memref<160xi32, #tpu.memory_space<vmem>>, %arg12: memref<160xi32, #tpu.memory_space<vmem>>, %arg13: memref<160xi32, #tpu.memory_space<vmem>>, %arg14: memref<160xi32, #tpu.memory_space<vmem>>, %arg15: memref<160xi32, #tpu.memory_space<vmem>>, %arg16: memref<160x128xf32, #tpu.memory_space<vmem>>, %arg17: memref<160x128xf32, #tpu.memory_space<vmem>>, %arg18: memref<!tpu.dma_semaphore, #tpu.memory_space<semaphore_mem>>, %arg19: memref<!tpu.dma_semaphore, #tpu.memory_space<semaphore_mem>>, %arg20: memref<!tpu.dma_semaphore, #tpu.memory_space<semaphore_mem>>, %arg21: memref<!tpu.dma_semaphore, #tpu.memory_space<semaphore_mem>>, %arg22: memref<!tpu.dma_semaphore, #tpu.memory_space<semaphore_mem>>, %arg23: memref<!tpu.dma_semaphore, #tpu.memory_space<semaphore_mem>>, %arg24: memref<!tpu.dma_semaphore, #tpu.memory_space<semaphore_mem>>, %arg25: memref<!tpu.dma_semaphore, #tpu.memory_space<semaphore_mem>>) attributes {dimension_semantics = [#tpu.dimension_semantics<core_parallel>, #tpu.dimension_semantics<subcore_parallel>], iteration_bounds = array<i64: 2, 16>, scalar_prefetch = 0 : i64, scratch_operands = 19 : i64, tpu.core_type = #tpu.core_type<sc_vector_subcore>, window_params = [{transform_indices = #map}, {transform_indices = #map1}, {transform_indices = #map1}, {transform_indices = #map}, {transform_indices = #map2}]} {
    %mul3A = arith.constant 624 : i32
    %mul3A_0 = arith.muli %arg1, %mul3A : i32
    %multiple_of3A = tpu.assume_multiple %mul3A_0, 8 : i32
    %lt3A = arith.constant 15 : i32
    %lt3A_1 = arith.cmpi slt, %arg1, %lt3A : i32
    %convert_element_type3A = arith.extui %lt3A_1 : i1 to i32
    %cond3A = arith.constant 0 : i32
    %cond3A_2 = arith.cmpi ne, %convert_element_type3A, %cond3A : i32
    scf.if %cond3A_2 {
      "tpu.region"() ({
        %run_scoped3A = tpu.sem_alloc : memref<!tpu.dma_semaphore, #tpu.memory_space<semaphore_mem>>
        %dma_start3A_78 = arith.constant 0 : i32
        %dma_start3A_79 = tpu.memref_slice %arg7[%multiple_of3A, %dma_start3A_78] : memref<10000x128xf32, #tpu.memory_space<vmem_shared>> -> memref<624x128xf32, #tpu.memory_space<vmem_shared>>
        %dma_start3A_80 = arith.constant 0 : i32
        %dma_start3A_81 = arith.constant 0 : i32
        %dma_start3A_82 = tpu.memref_slice %arg5[%dma_start3A_80, %dma_start3A_81] : memref<640x128xf32, #tpu.memory_space<hbm>> -> memref<624x128xf32, #tpu.memory_space<hbm>>
        tpu.enqueue_dma source(%dma_start3A_82 : memref<624x128xf32, #tpu.memory_space<hbm>>) target(%dma_start3A_79 : memref<624x128xf32, #tpu.memory_space<vmem_shared>>) target_semaphore(%run_scoped3A : memref<!tpu.dma_semaphore, #tpu.memory_space<semaphore_mem>>)
        %dma_wait3A_83 = arith.constant 0 : i32
        %dma_wait3A_84 = tpu.memref_slice %arg7[%multiple_of3A, %dma_wait3A_83] : memref<10000x128xf32, #tpu.memory_space<vmem_shared>> -> memref<624x128xf32, #tpu.memory_space<vmem_shared>>
        %dma_wait3A_85 = arith.constant 0 : i32
        %dma_wait3A_86 = arith.constant 0 : i32
        %dma_wait3A_87 = tpu.memref_slice %arg5[%dma_wait3A_85, %dma_wait3A_86] : memref<640x128xf32, #tpu.memory_space<hbm>> -> memref<624x128xf32, #tpu.memory_space<hbm>>
        tpu.wait_dma2 semaphore(%run_scoped3A : memref<!tpu.dma_semaphore, #tpu.memory_space<semaphore_mem>>) src(%dma_wait3A_87 : memref<624x128xf32, #tpu.memory_space<hbm>>) dst(%dma_wait3A_84 : memref<624x128xf32, #tpu.memory_space<vmem_shared>>)
        tpu.yield
      }) : () -> ()
    } else {
    }
    %eq3A = arith.constant 15 : i32
    %eq3A_3 = arith.cmpi eq, %arg1, %eq3A : i32
    %convert_element_type3A_4 = arith.extui %eq3A_3 : i1 to i32
    %cond3A_5 = arith.constant 0 : i32
    %cond3A_6 = arith.cmpi ne, %convert_element_type3A_4, %cond3A_5 : i32
    scf.if %cond3A_6 {
      "tpu.region"() ({
        %run_scoped3A = tpu.sem_alloc : memref<!tpu.dma_semaphore, #tpu.memory_space<semaphore_mem>>
        %dma_start3A_78 = arith.constant 9360 : i32
        %dma_start3A_79 = arith.constant 0 : i32
        %dma_start3A_80 = tpu.memref_slice %arg7[%dma_start3A_78, %dma_start3A_79] : memref<10000x128xf32, #tpu.memory_space<vmem_shared>> -> memref<640x128xf32, #tpu.memory_space<vmem_shared>>
        tpu.enqueue_dma source(%arg5 : memref<640x128xf32, #tpu.memory_space<hbm>>) target(%dma_start3A_80 : memref<640x128xf32, #tpu.memory_space<vmem_shared>>) target_semaphore(%run_scoped3A : memref<!tpu.dma_semaphore, #tpu.memory_space<semaphore_mem>>)
        %dma_wait3A_81 = arith.constant 9360 : i32
        %dma_wait3A_82 = arith.constant 0 : i32
        %dma_wait3A_83 = tpu.memref_slice %arg7[%dma_wait3A_81, %dma_wait3A_82] : memref<10000x128xf32, #tpu.memory_space<vmem_shared>> -> memref<640x128xf32, #tpu.memory_space<vmem_shared>>
        tpu.wait_dma2 semaphore(%run_scoped3A : memref<!tpu.dma_semaphore, #tpu.memory_space<semaphore_mem>>) src(%arg5 : memref<640x128xf32, #tpu.memory_space<hbm>>) dst(%dma_wait3A_83 : memref<640x128xf32, #tpu.memory_space<vmem_shared>>)
        tpu.yield
      }) : () -> ()
    } else {
    }
    %barrier3A = arith.constant 0 : index
    tpu.barrier barrier_id(%barrier3A)
    %mul3A_7 = arith.constant 320000 : i32
    %mul3A_8 = arith.muli %arg0, %mul3A_7 : i32
    %mul3A_9 = arith.constant 20000 : i32
    %mul3A_10 = arith.muli %arg1, %mul3A_9 : i32
    %add3A = arith.addi %mul3A_8, %mul3A_10 : i32
    %mul3A_11 = arith.constant 20000 : i32
    %mul3A_12 = arith.muli %arg1, %mul3A_11 : i32
    %add3A_13 = arith.constant 0 : i32
    %add3A_14 = arith.addi %add3A, %add3A_13 : i32
    %multiple_of3A_15 = tpu.assume_multiple %add3A_14, 8 : i32
    "tpu.region"() ({
      %run_scoped3A = tpu.sem_alloc : memref<!tpu.dma_semaphore, #tpu.memory_space<semaphore_mem>>
      %dma_start3A_78 = tpu.memref_slice %arg3[%multiple_of3A_15] : memref<640000xi32, #tpu.memory_space<hbm>> -> memref<160xi32, #tpu.memory_space<hbm>>
      %dma_start3A_79 = tpu.memref_slice %arg3[%multiple_of3A_15] : memref<640000xi32, #tpu.memory_space<hbm>> -> memref<160xi32, #tpu.memory_space<hbm>>
      tpu.enqueue_dma source(%dma_start3A_79 : memref<160xi32, #tpu.memory_space<hbm>>) target(%arg8 : memref<160xi32, #tpu.memory_space<vmem>>) target_semaphore(%run_scoped3A : memref<!tpu.dma_semaphore, #tpu.memory_space<semaphore_mem>>)
      %dma_wait3A_80 = tpu.memref_slice %arg3[%multiple_of3A_15] : memref<640000xi32, #tpu.memory_space<hbm>> -> memref<160xi32, #tpu.memory_space<hbm>>
      %dma_wait3A_81 = tpu.memref_slice %arg3[%multiple_of3A_15] : memref<640000xi32, #tpu.memory_space<hbm>> -> memref<160xi32, #tpu.memory_space<hbm>>
      tpu.wait_dma2 semaphore(%run_scoped3A : memref<!tpu.dma_semaphore, #tpu.memory_space<semaphore_mem>>) src(%dma_wait3A_81 : memref<160xi32, #tpu.memory_space<hbm>>) dst(%arg8 : memref<160xi32, #tpu.memory_space<vmem>>)
      tpu.yield
    }) : () -> ()
    %add3A_16 = arith.constant 0 : i32
    %add3A_17 = arith.addi %mul3A_12, %add3A_16 : i32
    %multiple_of3A_18 = tpu.assume_multiple %add3A_17, 8 : i32
    "tpu.region"() ({
      %run_scoped3A = tpu.sem_alloc : memref<!tpu.dma_semaphore, #tpu.memory_space<semaphore_mem>>
      %dma_start3A_78 = tpu.memref_slice %arg4[%multiple_of3A_18] : memref<320000xi32, #tpu.memory_space<hbm>> -> memref<160xi32, #tpu.memory_space<hbm>>
      %dma_start3A_79 = tpu.memref_slice %arg4[%multiple_of3A_18] : memref<320000xi32, #tpu.memory_space<hbm>> -> memref<160xi32, #tpu.memory_space<hbm>>
      tpu.enqueue_dma source(%dma_start3A_79 : memref<160xi32, #tpu.memory_space<hbm>>) target(%arg12 : memref<160xi32, #tpu.memory_space<vmem>>) target_semaphore(%run_scoped3A : memref<!tpu.dma_semaphore, #tpu.memory_space<semaphore_mem>>)
      %dma_wait3A_80 = tpu.memref_slice %arg4[%multiple_of3A_18] : memref<320000xi32, #tpu.memory_space<hbm>> -> memref<160xi32, #tpu.memory_space<hbm>>
      %dma_wait3A_81 = tpu.memref_slice %arg4[%multiple_of3A_18] : memref<320000xi32, #tpu.memory_space<hbm>> -> memref<160xi32, #tpu.memory_space<hbm>>
      tpu.wait_dma2 semaphore(%run_scoped3A : memref<!tpu.dma_semaphore, #tpu.memory_space<semaphore_mem>>) src(%dma_wait3A_81 : memref<160xi32, #tpu.memory_space<hbm>>) dst(%arg12 : memref<160xi32, #tpu.memory_space<vmem>>)
      tpu.yield
    }) : () -> ()
    %add3A_19 = arith.constant 160 : i32
    %add3A_20 = arith.addi %add3A, %add3A_19 : i32
    %multiple_of3A_21 = tpu.assume_multiple %add3A_20, 8 : i32
    %dma_start3A = tpu.memref_slice %arg3[%multiple_of3A_21] : memref<640000xi32, #tpu.memory_space<hbm>> -> memref<160xi32, #tpu.memory_space<hbm>>
    %dma_start3A_22 = tpu.memref_slice %arg3[%multiple_of3A_21] : memref<640000xi32, #tpu.memory_space<hbm>> -> memref<160xi32, #tpu.memory_space<hbm>>
    tpu.enqueue_dma source(%dma_start3A_22 : memref<160xi32, #tpu.memory_space<hbm>>) target(%arg9 : memref<160xi32, #tpu.memory_space<vmem>>) target_semaphore(%arg23 : memref<!tpu.dma_semaphore, #tpu.memory_space<semaphore_mem>>)
    %add3A_23 = arith.constant 160 : i32
    %add3A_24 = arith.addi %mul3A_12, %add3A_23 : i32
    %multiple_of3A_25 = tpu.assume_multiple %add3A_24, 8 : i32
    %dma_start3A_26 = tpu.memref_slice %arg4[%multiple_of3A_25] : memref<320000xi32, #tpu.memory_space<hbm>> -> memref<160xi32, #tpu.memory_space<hbm>>
    %dma_start3A_27 = tpu.memref_slice %arg4[%multiple_of3A_25] : memref<320000xi32, #tpu.memory_space<hbm>> -> memref<160xi32, #tpu.memory_space<hbm>>
    tpu.enqueue_dma source(%dma_start3A_27 : memref<160xi32, #tpu.memory_space<hbm>>) target(%arg13 : memref<160xi32, #tpu.memory_space<vmem>>) target_semaphore(%arg23 : memref<!tpu.dma_semaphore, #tpu.memory_space<semaphore_mem>>)
    %add3A_28 = arith.constant 320 : i32
    %add3A_29 = arith.addi %add3A, %add3A_28 : i32
    %multiple_of3A_30 = tpu.assume_multiple %add3A_29, 8 : i32
    %dma_start3A_31 = tpu.memref_slice %arg3[%multiple_of3A_30] : memref<640000xi32, #tpu.memory_space<hbm>> -> memref<160xi32, #tpu.memory_space<hbm>>
    %dma_start3A_32 = tpu.memref_slice %arg3[%multiple_of3A_30] : memref<640000xi32, #tpu.memory_space<hbm>> -> memref<160xi32, #tpu.memory_space<hbm>>
    tpu.enqueue_dma source(%dma_start3A_32 : memref<160xi32, #tpu.memory_space<hbm>>) target(%arg10 : memref<160xi32, #tpu.memory_space<vmem>>) target_semaphore(%arg24 : memref<!tpu.dma_semaphore, #tpu.memory_space<semaphore_mem>>)
    %add3A_33 = arith.constant 320 : i32
    %add3A_34 = arith.addi %mul3A_12, %add3A_33 : i32
    %multiple_of3A_35 = tpu.assume_multiple %add3A_34, 8 : i32
    %dma_start3A_36 = tpu.memref_slice %arg4[%multiple_of3A_35] : memref<320000xi32, #tpu.memory_space<hbm>> -> memref<160xi32, #tpu.memory_space<hbm>>
    %dma_start3A_37 = tpu.memref_slice %arg4[%multiple_of3A_35] : memref<320000xi32, #tpu.memory_space<hbm>> -> memref<160xi32, #tpu.memory_space<hbm>>
    tpu.enqueue_dma source(%dma_start3A_37 : memref<160xi32, #tpu.memory_space<hbm>>) target(%arg14 : memref<160xi32, #tpu.memory_space<vmem>>) target_semaphore(%arg24 : memref<!tpu.dma_semaphore, #tpu.memory_space<semaphore_mem>>)
    %add3A_38 = arith.constant 480 : i32
    %add3A_39 = arith.addi %add3A, %add3A_38 : i32
    %multiple_of3A_40 = tpu.assume_multiple %add3A_39, 8 : i32
    %dma_start3A_41 = tpu.memref_slice %arg3[%multiple_of3A_40] : memref<640000xi32, #tpu.memory_space<hbm>> -> memref<160xi32, #tpu.memory_space<hbm>>
    %dma_start3A_42 = tpu.memref_slice %arg3[%multiple_of3A_40] : memref<640000xi32, #tpu.memory_space<hbm>> -> memref<160xi32, #tpu.memory_space<hbm>>
    tpu.enqueue_dma source(%dma_start3A_42 : memref<160xi32, #tpu.memory_space<hbm>>) target(%arg11 : memref<160xi32, #tpu.memory_space<vmem>>) target_semaphore(%arg25 : memref<!tpu.dma_semaphore, #tpu.memory_space<semaphore_mem>>)
    %add3A_43 = arith.constant 480 : i32
    %add3A_44 = arith.addi %mul3A_12, %add3A_43 : i32
    %multiple_of3A_45 = tpu.assume_multiple %add3A_44, 8 : i32
    %dma_start3A_46 = tpu.memref_slice %arg4[%multiple_of3A_45] : memref<320000xi32, #tpu.memory_space<hbm>> -> memref<160xi32, #tpu.memory_space<hbm>>
    %dma_start3A_47 = tpu.memref_slice %arg4[%multiple_of3A_45] : memref<320000xi32, #tpu.memory_space<hbm>> -> memref<160xi32, #tpu.memory_space<hbm>>
    tpu.enqueue_dma source(%dma_start3A_47 : memref<160xi32, #tpu.memory_space<hbm>>) target(%arg15 : memref<160xi32, #tpu.memory_space<vmem>>) target_semaphore(%arg25 : memref<!tpu.dma_semaphore, #tpu.memory_space<semaphore_mem>>)
    %dma_start3A_48 = arith.constant 0 : i32
    %dma_start3A_49 = arith.constant 0 : i32
    %dma_start3A_50 = tpu.memref_slice %arg2[%dma_start3A_48, %dma_start3A_49] : memref<20000x128xf32, #tpu.memory_space<hbm>> -> memref<20000x128xf32, #tpu.memory_space<hbm>>
    tpu.enqueue_indirect_dma source(%dma_start3A_50 : memref<20000x128xf32, #tpu.memory_space<hbm>>) target(%arg16 : memref<160x128xf32, #tpu.memory_space<vmem>>) offsets(%arg8 : memref<160xi32, #tpu.memory_space<vmem>>) semaphore(%arg18 : memref<!tpu.dma_semaphore, #tpu.memory_space<semaphore_mem>>)
    %scan3A = arith.constant 0 : i32
    %scan3A_51 = arith.constant 0 : i32
    %scan3A_52 = arith.constant 31 : i32
    %scan3A_53 = arith.addi %scan3A_51, %scan3A_52 : i32
    %scan3A_54 = arith.constant 1 : i32
    scf.for %scan3A_78 = %scan3A_51 to %scan3A_53 step %scan3A_54  : i32 {
      %mul3A_79 = arith.constant 4 : i32
      %mul3A_80 = arith.muli %mul3A_79, %scan3A_78 : i32
      %dma_wait3A_81 = arith.constant 0 : i32
      %dma_wait3A_82 = arith.constant 0 : i32
      %dma_wait3A_83 = tpu.memref_slice %arg2[%dma_wait3A_81, %dma_wait3A_82] : memref<20000x128xf32, #tpu.memory_space<hbm>> -> memref<20000x128xf32, #tpu.memory_space<hbm>>
      tpu.wait_indirect_dma semaphore(%arg18 : memref<!tpu.dma_semaphore, #tpu.memory_space<semaphore_mem>>) src(%dma_wait3A_83 : memref<20000x128xf32, #tpu.memory_space<hbm>>) dst(%arg16 : memref<160x128xf32, #tpu.memory_space<vmem>>)
      %gt3A = arith.constant 0 : i32
      %gt3A_84 = arith.cmpi sgt, %scan3A_78, %gt3A : i32
      %convert_element_type3A_85 = arith.extui %gt3A_84 : i1 to i32
      %cond3A_86 = arith.constant 0 : i32
      %cond3A_87 = arith.cmpi ne, %convert_element_type3A_85, %cond3A_86 : i32
      scf.if %cond3A_87 {
        %dma_wait3A_210 = arith.constant 0 : i32
        %dma_wait3A_211 = arith.constant 0 : i32
        %dma_wait3A_212 = tpu.memref_slice %arg7[%dma_wait3A_210, %dma_wait3A_211] : memref<10000x128xf32, #tpu.memory_space<vmem_shared>> -> memref<10000x128xf32, #tpu.memory_space<vmem_shared>>
        tpu.wait_indirect_dma semaphore(%arg21 : memref<!tpu.dma_semaphore, #tpu.memory_space<semaphore_mem>>) src(%arg17 : memref<160x128xf32, #tpu.memory_space<vmem>>) dst(%dma_wait3A_212 : memref<10000x128xf32, #tpu.memory_space<vmem_shared>>)
        %add3A_213 = arith.constant 3 : i32
        %add3A_214 = arith.addi %mul3A_80, %add3A_213 : i32
        %mul3A_215 = arith.constant 160 : i32
        %mul3A_216 = arith.muli %add3A_214, %mul3A_215 : i32
        %add3A_217 = arith.addi %add3A, %mul3A_216 : i32
        %multiple_of3A_218 = tpu.assume_multiple %add3A_217, 8 : i32
        %dma_start3A_219 = tpu.memref_slice %arg3[%multiple_of3A_218] : memref<640000xi32, #tpu.memory_space<hbm>> -> memref<160xi32, #tpu.memory_space<hbm>>
        %dma_start3A_220 = tpu.memref_slice %arg3[%multiple_of3A_218] : memref<640000xi32, #tpu.memory_space<hbm>> -> memref<160xi32, #tpu.memory_space<hbm>>
        tpu.enqueue_dma source(%dma_start3A_220 : memref<160xi32, #tpu.memory_space<hbm>>) target(%arg11 : memref<160xi32, #tpu.memory_space<vmem>>) target_semaphore(%arg25 : memref<!tpu.dma_semaphore, #tpu.memory_space<semaphore_mem>>)
        %mul3A_221 = arith.constant 160 : i32
        %mul3A_222 = arith.muli %add3A_214, %mul3A_221 : i32
        %add3A_223 = arith.addi %mul3A_12, %mul3A_222 : i32
        %multiple_of3A_224 = tpu.assume_multiple %add3A_223, 8 : i32
        %dma_start3A_225 = tpu.memref_slice %arg4[%multiple_of3A_224] : memref<320000xi32, #tpu.memory_space<hbm>> -> memref<160xi32, #tpu.memory_space<hbm>>
        %dma_start3A_226 = tpu.memref_slice %arg4[%multiple_of3A_224] : memref<320000xi32, #tpu.memory_space<hbm>> -> memref<160xi32, #tpu.memory_space<hbm>>
        tpu.enqueue_dma source(%dma_start3A_226 : memref<160xi32, #tpu.memory_space<hbm>>) target(%arg15 : memref<160xi32, #tpu.memory_space<vmem>>) target_semaphore(%arg25 : memref<!tpu.dma_semaphore, #tpu.memory_space<semaphore_mem>>)
      } else {
      }
      %add3A_88 = arith.constant 1 : i32
      %add3A_89 = arith.addi %mul3A_80, %add3A_88 : i32
      %mul3A_90 = arith.constant 160 : i32
      %mul3A_91 = arith.muli %add3A_89, %mul3A_90 : i32
      %add3A_92 = arith.addi %add3A, %mul3A_91 : i32
      %multiple_of3A_93 = tpu.assume_multiple %add3A_92, 8 : i32
      %dma_wait3A_94 = tpu.memref_slice %arg3[%multiple_of3A_93] : memref<640000xi32, #tpu.memory_space<hbm>> -> memref<160xi32, #tpu.memory_space<hbm>>
      %dma_wait3A_95 = tpu.memref_slice %arg3[%multiple_of3A_93] : memref<640000xi32, #tpu.memory_space<hbm>> -> memref<160xi32, #tpu.memory_space<hbm>>
      tpu.wait_dma2 semaphore(%arg23 : memref<!tpu.dma_semaphore, #tpu.memory_space<semaphore_mem>>) src(%dma_wait3A_95 : memref<160xi32, #tpu.memory_space<hbm>>) dst(%arg9 : memref<160xi32, #tpu.memory_space<vmem>>)
      %mul3A_96 = arith.constant 160 : i32
      %mul3A_97 = arith.muli %add3A_89, %mul3A_96 : i32
      %add3A_98 = arith.addi %mul3A_12, %mul3A_97 : i32
      %multiple_of3A_99 = tpu.assume_multiple %add3A_98, 8 : i32
      %dma_wait3A_100 = tpu.memref_slice %arg4[%multiple_of3A_99] : memref<320000xi32, #tpu.memory_space<hbm>> -> memref<160xi32, #tpu.memory_space<hbm>>
      %dma_wait3A_101 = tpu.memref_slice %arg4[%multiple_of3A_99] : memref<320000xi32, #tpu.memory_space<hbm>> -> memref<160xi32, #tpu.memory_space<hbm>>
      tpu.wait_dma2 semaphore(%arg23 : memref<!tpu.dma_semaphore, #tpu.memory_space<semaphore_mem>>) src(%dma_wait3A_101 : memref<160xi32, #tpu.memory_space<hbm>>) dst(%arg13 : memref<160xi32, #tpu.memory_space<vmem>>)
      %dma_start3A_102 = arith.constant 0 : i32
      %dma_start3A_103 = arith.constant 0 : i32
      %dma_start3A_104 = tpu.memref_slice %arg2[%dma_start3A_102, %dma_start3A_103] : memref<20000x128xf32, #tpu.memory_space<hbm>> -> memref<20000x128xf32, #tpu.memory_space<hbm>>
      tpu.enqueue_indirect_dma source(%dma_start3A_104 : memref<20000x128xf32, #tpu.memory_space<hbm>>) target(%arg17 : memref<160x128xf32, #tpu.memory_space<vmem>>) offsets(%arg9 : memref<160xi32, #tpu.memory_space<vmem>>) semaphore(%arg19 : memref<!tpu.dma_semaphore, #tpu.memory_space<semaphore_mem>>)
      %dma_start3A_105 = arith.constant 0 : i32
      %dma_start3A_106 = arith.constant 0 : i32
      %dma_start3A_107 = tpu.memref_slice %arg7[%dma_start3A_105, %dma_start3A_106] : memref<10000x128xf32, #tpu.memory_space<vmem_shared>> -> memref<10000x128xf32, #tpu.memory_space<vmem_shared>>
      tpu.enqueue_indirect_dma source(%arg16 : memref<160x128xf32, #tpu.memory_space<vmem>>) target(%dma_start3A_107 : memref<10000x128xf32, #tpu.memory_space<vmem_shared>>) offsets(%arg12 : memref<160xi32, #tpu.memory_space<vmem>>) semaphore(%arg20 : memref<!tpu.dma_semaphore, #tpu.memory_space<semaphore_mem>>) {add = true}
      %dma_wait3A_108 = arith.constant 0 : i32
      %dma_wait3A_109 = arith.constant 0 : i32
      %dma_wait3A_110 = tpu.memref_slice %arg7[%dma_wait3A_108, %dma_wait3A_109] : memref<10000x128xf32, #tpu.memory_space<vmem_shared>> -> memref<10000x128xf32, #tpu.memory_space<vmem_shared>>
      tpu.wait_indirect_dma semaphore(%arg20 : memref<!tpu.dma_semaphore, #tpu.memory_space<semaphore_mem>>) src(%arg16 : memref<160x128xf32, #tpu.memory_space<vmem>>) dst(%dma_wait3A_110 : memref<10000x128xf32, #tpu.memory_space<vmem_shared>>)
      %add3A_111 = arith.constant 4 : i32
      %add3A_112 = arith.addi %mul3A_80, %add3A_111 : i32
      %mul3A_113 = arith.constant 160 : i32
      %mul3A_114 = arith.muli %add3A_112, %mul3A_113 : i32
      %add3A_115 = arith.addi %add3A, %mul3A_114 : i32
      %multiple_of3A_116 = tpu.assume_multiple %add3A_115, 8 : i32
      %dma_start3A_117 = tpu.memref_slice %arg3[%multiple_of3A_116] : memref<640000xi32, #tpu.memory_space<hbm>> -> memref<160xi32, #tpu.memory_space<hbm>>
      %dma_start3A_118 = tpu.memref_slice %arg3[%multiple_of3A_116] : memref<640000xi32, #tpu.memory_space<hbm>> -> memref<160xi32, #tpu.memory_space<hbm>>
      tpu.enqueue_dma source(%dma_start3A_118 : memref<160xi32, #tpu.memory_space<hbm>>) target(%arg8 : memref<160xi32, #tpu.memory_space<vmem>>) target_semaphore(%arg22 : memref<!tpu.dma_semaphore, #tpu.memory_space<semaphore_mem>>)
      %mul3A_119 = arith.constant 160 : i32
      %mul3A_120 = arith.muli %add3A_112, %mul3A_119 : i32
      %add3A_121 = arith.addi %mul3A_12, %mul3A_120 : i32
      %multiple_of3A_122 = tpu.assume_multiple %add3A_121, 8 : i32
      %dma_start3A_123 = tpu.memref_slice %arg4[%multiple_of3A_122] : memref<320000xi32, #tpu.memory_space<hbm>> -> memref<160xi32, #tpu.memory_space<hbm>>
      %dma_start3A_124 = tpu.memref_slice %arg4[%multiple_of3A_122] : memref<320000xi32, #tpu.memory_space<hbm>> -> memref<160xi32, #tpu.memory_space<hbm>>
      tpu.enqueue_dma source(%dma_start3A_124 : memref<160xi32, #tpu.memory_space<hbm>>) target(%arg12 : memref<160xi32, #tpu.memory_space<vmem>>) target_semaphore(%arg22 : memref<!tpu.dma_semaphore, #tpu.memory_space<semaphore_mem>>)
      %add3A_125 = arith.constant 2 : i32
      %add3A_126 = arith.addi %mul3A_80, %add3A_125 : i32
      %mul3A_127 = arith.constant 160 : i32
      %mul3A_128 = arith.muli %add3A_126, %mul3A_127 : i32
      %add3A_129 = arith.addi %add3A, %mul3A_128 : i32
      %multiple_of3A_130 = tpu.assume_multiple %add3A_129, 8 : i32
      %dma_wait3A_131 = tpu.memref_slice %arg3[%multiple_of3A_130] : memref<640000xi32, #tpu.memory_space<hbm>> -> memref<160xi32, #tpu.memory_space<hbm>>
      %dma_wait3A_132 = tpu.memref_slice %arg3[%multiple_of3A_130] : memref<640000xi32, #tpu.memory_space<hbm>> -> memref<160xi32, #tpu.memory_space<hbm>>
      tpu.wait_dma2 semaphore(%arg24 : memref<!tpu.dma_semaphore, #tpu.memory_space<semaphore_mem>>) src(%dma_wait3A_132 : memref<160xi32, #tpu.memory_space<hbm>>) dst(%arg10 : memref<160xi32, #tpu.memory_space<vmem>>)
      %mul3A_133 = arith.constant 160 : i32
      %mul3A_134 = arith.muli %add3A_126, %mul3A_133 : i32
      %add3A_135 = arith.addi %mul3A_12, %mul3A_134 : i32
      %multiple_of3A_136 = tpu.assume_multiple %add3A_135, 8 : i32
      %dma_wait3A_137 = tpu.memref_slice %arg4[%multiple_of3A_136] : memref<320000xi32, #tpu.memory_space<hbm>> -> memref<160xi32, #tpu.memory_space<hbm>>
      %dma_wait3A_138 = tpu.memref_slice %arg4[%multiple_of3A_136] : memref<320000xi32, #tpu.memory_space<hbm>> -> memref<160xi32, #tpu.memory_space<hbm>>
      tpu.wait_dma2 semaphore(%arg24 : memref<!tpu.dma_semaphore, #tpu.memory_space<semaphore_mem>>) src(%dma_wait3A_138 : memref<160xi32, #tpu.memory_space<hbm>>) dst(%arg14 : memref<160xi32, #tpu.memory_space<vmem>>)
      %dma_wait3A_139 = arith.constant 0 : i32
      %dma_wait3A_140 = arith.constant 0 : i32
      %dma_wait3A_141 = tpu.memref_slice %arg2[%dma_wait3A_139, %dma_wait3A_140] : memref<20000x128xf32, #tpu.memory_space<hbm>> -> memref<20000x128xf32, #tpu.memory_space<hbm>>
      tpu.wait_indirect_dma semaphore(%arg19 : memref<!tpu.dma_semaphore, #tpu.memory_space<semaphore_mem>>) src(%dma_wait3A_141 : memref<20000x128xf32, #tpu.memory_space<hbm>>) dst(%arg17 : memref<160x128xf32, #tpu.memory_space<vmem>>)
      %dma_start3A_142 = arith.constant 0 : i32
      %dma_start3A_143 = arith.constant 0 : i32
      %dma_start3A_144 = tpu.memref_slice %arg2[%dma_start3A_142, %dma_start3A_143] : memref<20000x128xf32, #tpu.memory_space<hbm>> -> memref<20000x128xf32, #tpu.memory_space<hbm>>
      tpu.enqueue_indirect_dma source(%dma_start3A_144 : memref<20000x128xf32, #tpu.memory_space<hbm>>) target(%arg16 : memref<160x128xf32, #tpu.memory_space<vmem>>) offsets(%arg10 : memref<160xi32, #tpu.memory_space<vmem>>) semaphore(%arg18 : memref<!tpu.dma_semaphore, #tpu.memory_space<semaphore_mem>>)
      %dma_start3A_145 = arith.constant 0 : i32
      %dma_start3A_146 = arith.constant 0 : i32
      %dma_start3A_147 = tpu.memref_slice %arg7[%dma_start3A_145, %dma_start3A_146] : memref<10000x128xf32, #tpu.memory_space<vmem_shared>> -> memref<10000x128xf32, #tpu.memory_space<vmem_shared>>
      tpu.enqueue_indirect_dma source(%arg17 : memref<160x128xf32, #tpu.memory_space<vmem>>) target(%dma_start3A_147 : memref<10000x128xf32, #tpu.memory_space<vmem_shared>>) offsets(%arg13 : memref<160xi32, #tpu.memory_space<vmem>>) semaphore(%arg21 : memref<!tpu.dma_semaphore, #tpu.memory_space<semaphore_mem>>) {add = true}
      %dma_wait3A_148 = arith.constant 0 : i32
      %dma_wait3A_149 = arith.constant 0 : i32
      %dma_wait3A_150 = tpu.memref_slice %arg7[%dma_wait3A_148, %dma_wait3A_149] : memref<10000x128xf32, #tpu.memory_space<vmem_shared>> -> memref<10000x128xf32, #tpu.memory_space<vmem_shared>>
      tpu.wait_indirect_dma semaphore(%arg21 : memref<!tpu.dma_semaphore, #tpu.memory_space<semaphore_mem>>) src(%arg17 : memref<160x128xf32, #tpu.memory_space<vmem>>) dst(%dma_wait3A_150 : memref<10000x128xf32, #tpu.memory_space<vmem_shared>>)
      %lt3A_151 = arith.constant 30 : i32
      %lt3A_152 = arith.cmpi slt, %scan3A_78, %lt3A_151 : i32
      %convert_element_type3A_153 = arith.extui %lt3A_152 : i1 to i32
      %cond3A_154 = arith.constant 0 : i32
      %cond3A_155 = arith.cmpi ne, %convert_element_type3A_153, %cond3A_154 : i32
      scf.if %cond3A_155 {
        %add3A_210 = arith.constant 5 : i32
        %add3A_211 = arith.addi %mul3A_80, %add3A_210 : i32
        %mul3A_212 = arith.constant 160 : i32
        %mul3A_213 = arith.muli %add3A_211, %mul3A_212 : i32
        %add3A_214 = arith.addi %add3A, %mul3A_213 : i32
        %multiple_of3A_215 = tpu.assume_multiple %add3A_214, 8 : i32
        %dma_start3A_216 = tpu.memref_slice %arg3[%multiple_of3A_215] : memref<640000xi32, #tpu.memory_space<hbm>> -> memref<160xi32, #tpu.memory_space<hbm>>
        %dma_start3A_217 = tpu.memref_slice %arg3[%multiple_of3A_215] : memref<640000xi32, #tpu.memory_space<hbm>> -> memref<160xi32, #tpu.memory_space<hbm>>
        tpu.enqueue_dma source(%dma_start3A_217 : memref<160xi32, #tpu.memory_space<hbm>>) target(%arg9 : memref<160xi32, #tpu.memory_space<vmem>>) target_semaphore(%arg23 : memref<!tpu.dma_semaphore, #tpu.memory_space<semaphore_mem>>)
        %mul3A_218 = arith.constant 160 : i32
        %mul3A_219 = arith.muli %add3A_211, %mul3A_218 : i32
        %add3A_220 = arith.addi %mul3A_12, %mul3A_219 : i32
        %multiple_of3A_221 = tpu.assume_multiple %add3A_220, 8 : i32
        %dma_start3A_222 = tpu.memref_slice %arg4[%multiple_of3A_221] : memref<320000xi32, #tpu.memory_space<hbm>> -> memref<160xi32, #tpu.memory_space<hbm>>
        %dma_start3A_223 = tpu.memref_slice %arg4[%multiple_of3A_221] : memref<320000xi32, #tpu.memory_space<hbm>> -> memref<160xi32, #tpu.memory_space<hbm>>
        tpu.enqueue_dma source(%dma_start3A_223 : memref<160xi32, #tpu.memory_space<hbm>>) target(%arg13 : memref<160xi32, #tpu.memory_space<vmem>>) target_semaphore(%arg23 : memref<!tpu.dma_semaphore, #tpu.memory_space<semaphore_mem>>)
      } else {
      }
      %add3A_156 = arith.constant 3 : i32
      %add3A_157 = arith.addi %mul3A_80, %add3A_156 : i32
      %mul3A_158 = arith.constant 160 : i32
      %mul3A_159 = arith.muli %add3A_157, %mul3A_158 : i32
      %add3A_160 = arith.addi %add3A, %mul3A_159 : i32
      %multiple_of3A_161 = tpu.assume_multiple %add3A_160, 8 : i32
      %dma_wait3A_162 = tpu.memref_slice %arg3[%multiple_of3A_161] : memref<640000xi32, #tpu.memory_space<hbm>> -> memref<160xi32, #tpu.memory_space<hbm>>
      %dma_wait3A_163 = tpu.memref_slice %arg3[%multiple_of3A_161] : memref<640000xi32, #tpu.memory_space<hbm>> -> memref<160xi32, #tpu.memory_space<hbm>>
      tpu.wait_dma2 semaphore(%arg25 : memref<!tpu.dma_semaphore, #tpu.memory_space<semaphore_mem>>) src(%dma_wait3A_163 : memref<160xi32, #tpu.memory_space<hbm>>) dst(%arg11 : memref<160xi32, #tpu.memory_space<vmem>>)
      %mul3A_164 = arith.constant 160 : i32
      %mul3A_165 = arith.muli %add3A_157, %mul3A_164 : i32
      %add3A_166 = arith.addi %mul3A_12, %mul3A_165 : i32
      %multiple_of3A_167 = tpu.assume_multiple %add3A_166, 8 : i32
      %dma_wait3A_168 = tpu.memref_slice %arg4[%multiple_of3A_167] : memref<320000xi32, #tpu.memory_space<hbm>> -> memref<160xi32, #tpu.memory_space<hbm>>
      %dma_wait3A_169 = tpu.memref_slice %arg4[%multiple_of3A_167] : memref<320000xi32, #tpu.memory_space<hbm>> -> memref<160xi32, #tpu.memory_space<hbm>>
      tpu.wait_dma2 semaphore(%arg25 : memref<!tpu.dma_semaphore, #tpu.memory_space<semaphore_mem>>) src(%dma_wait3A_169 : memref<160xi32, #tpu.memory_space<hbm>>) dst(%arg15 : memref<160xi32, #tpu.memory_space<vmem>>)
      %dma_wait3A_170 = arith.constant 0 : i32
      %dma_wait3A_171 = arith.constant 0 : i32
      %dma_wait3A_172 = tpu.memref_slice %arg2[%dma_wait3A_170, %dma_wait3A_171] : memref<20000x128xf32, #tpu.memory_space<hbm>> -> memref<20000x128xf32, #tpu.memory_space<hbm>>
      tpu.wait_indirect_dma semaphore(%arg18 : memref<!tpu.dma_semaphore, #tpu.memory_space<semaphore_mem>>) src(%dma_wait3A_172 : memref<20000x128xf32, #tpu.memory_space<hbm>>) dst(%arg16 : memref<160x128xf32, #tpu.memory_space<vmem>>)
      %dma_start3A_173 = arith.constant 0 : i32
      %dma_start3A_174 = arith.constant 0 : i32
      %dma_start3A_175 = tpu.memref_slice %arg2[%dma_start3A_173, %dma_start3A_174] : memref<20000x128xf32, #tpu.memory_space<hbm>> -> memref<20000x128xf32, #tpu.memory_space<hbm>>
      tpu.enqueue_indirect_dma source(%dma_start3A_175 : memref<20000x128xf32, #tpu.memory_space<hbm>>) target(%arg17 : memref<160x128xf32, #tpu.memory_space<vmem>>) offsets(%arg11 : memref<160xi32, #tpu.memory_space<vmem>>) semaphore(%arg19 : memref<!tpu.dma_semaphore, #tpu.memory_space<semaphore_mem>>)
      %dma_start3A_176 = arith.constant 0 : i32
      %dma_start3A_177 = arith.constant 0 : i32
      %dma_start3A_178 = tpu.memref_slice %arg7[%dma_start3A_176, %dma_start3A_177] : memref<10000x128xf32, #tpu.memory_space<vmem_shared>> -> memref<10000x128xf32, #tpu.memory_space<vmem_shared>>
      tpu.enqueue_indirect_dma source(%arg16 : memref<160x128xf32, #tpu.memory_space<vmem>>) target(%dma_start3A_178 : memref<10000x128xf32, #tpu.memory_space<vmem_shared>>) offsets(%arg14 : memref<160xi32, #tpu.memory_space<vmem>>) semaphore(%arg20 : memref<!tpu.dma_semaphore, #tpu.memory_space<semaphore_mem>>) {add = true}
      %dma_wait3A_179 = arith.constant 0 : i32
      %dma_wait3A_180 = arith.constant 0 : i32
      %dma_wait3A_181 = tpu.memref_slice %arg7[%dma_wait3A_179, %dma_wait3A_180] : memref<10000x128xf32, #tpu.memory_space<vmem_shared>> -> memref<10000x128xf32, #tpu.memory_space<vmem_shared>>
      tpu.wait_indirect_dma semaphore(%arg20 : memref<!tpu.dma_semaphore, #tpu.memory_space<semaphore_mem>>) src(%arg16 : memref<160x128xf32, #tpu.memory_space<vmem>>) dst(%dma_wait3A_181 : memref<10000x128xf32, #tpu.memory_space<vmem_shared>>)
      %lt3A_182 = arith.constant 30 : i32
      %lt3A_183 = arith.cmpi slt, %scan3A_78, %lt3A_182 : i32
      %convert_element_type3A_184 = arith.extui %lt3A_183 : i1 to i32
      %cond3A_185 = arith.constant 0 : i32
      %cond3A_186 = arith.cmpi ne, %convert_element_type3A_184, %cond3A_185 : i32
      scf.if %cond3A_186 {
        %add3A_210 = arith.constant 6 : i32
        %add3A_211 = arith.addi %mul3A_80, %add3A_210 : i32
        %mul3A_212 = arith.constant 160 : i32
        %mul3A_213 = arith.muli %add3A_211, %mul3A_212 : i32
        %add3A_214 = arith.addi %add3A, %mul3A_213 : i32
        %multiple_of3A_215 = tpu.assume_multiple %add3A_214, 8 : i32
        %dma_start3A_216 = tpu.memref_slice %arg3[%multiple_of3A_215] : memref<640000xi32, #tpu.memory_space<hbm>> -> memref<160xi32, #tpu.memory_space<hbm>>
        %dma_start3A_217 = tpu.memref_slice %arg3[%multiple_of3A_215] : memref<640000xi32, #tpu.memory_space<hbm>> -> memref<160xi32, #tpu.memory_space<hbm>>
        tpu.enqueue_dma source(%dma_start3A_217 : memref<160xi32, #tpu.memory_space<hbm>>) target(%arg10 : memref<160xi32, #tpu.memory_space<vmem>>) target_semaphore(%arg24 : memref<!tpu.dma_semaphore, #tpu.memory_space<semaphore_mem>>)
        %mul3A_218 = arith.constant 160 : i32
        %mul3A_219 = arith.muli %add3A_211, %mul3A_218 : i32
        %add3A_220 = arith.addi %mul3A_12, %mul3A_219 : i32
        %multiple_of3A_221 = tpu.assume_multiple %add3A_220, 8 : i32
        %dma_start3A_222 = tpu.memref_slice %arg4[%multiple_of3A_221] : memref<320000xi32, #tpu.memory_space<hbm>> -> memref<160xi32, #tpu.memory_space<hbm>>
        %dma_start3A_223 = tpu.memref_slice %arg4[%multiple_of3A_221] : memref<320000xi32, #tpu.memory_space<hbm>> -> memref<160xi32, #tpu.memory_space<hbm>>
        tpu.enqueue_dma source(%dma_start3A_223 : memref<160xi32, #tpu.memory_space<hbm>>) target(%arg14 : memref<160xi32, #tpu.memory_space<vmem>>) target_semaphore(%arg24 : memref<!tpu.dma_semaphore, #tpu.memory_space<semaphore_mem>>)
      } else {
      }
      %add3A_187 = arith.constant 4 : i32
      %add3A_188 = arith.addi %mul3A_80, %add3A_187 : i32
      %mul3A_189 = arith.constant 160 : i32
      %mul3A_190 = arith.muli %add3A_188, %mul3A_189 : i32
      %add3A_191 = arith.addi %add3A, %mul3A_190 : i32
      %multiple_of3A_192 = tpu.assume_multiple %add3A_191, 8 : i32
      %dma_wait3A_193 = tpu.memref_slice %arg3[%multiple_of3A_192] : memref<640000xi32, #tpu.memory_space<hbm>> -> memref<160xi32, #tpu.memory_space<hbm>>
      %dma_wait3A_194 = tpu.memref_slice %arg3[%multiple_of3A_192] : memref<640000xi32, #tpu.memory_space<hbm>> -> memref<160xi32, #tpu.memory_space<hbm>>
      tpu.wait_dma2 semaphore(%arg22 : memref<!tpu.dma_semaphore, #tpu.memory_space<semaphore_mem>>) src(%dma_wait3A_194 : memref<160xi32, #tpu.memory_space<hbm>>) dst(%arg8 : memref<160xi32, #tpu.memory_space<vmem>>)
      %mul3A_195 = arith.constant 160 : i32
      %mul3A_196 = arith.muli %add3A_188, %mul3A_195 : i32
      %add3A_197 = arith.addi %mul3A_12, %mul3A_196 : i32
      %multiple_of3A_198 = tpu.assume_multiple %add3A_197, 8 : i32
      %dma_wait3A_199 = tpu.memref_slice %arg4[%multiple_of3A_198] : memref<320000xi32, #tpu.memory_space<hbm>> -> memref<160xi32, #tpu.memory_space<hbm>>
      %dma_wait3A_200 = tpu.memref_slice %arg4[%multiple_of3A_198] : memref<320000xi32, #tpu.memory_space<hbm>> -> memref<160xi32, #tpu.memory_space<hbm>>
      tpu.wait_dma2 semaphore(%arg22 : memref<!tpu.dma_semaphore, #tpu.memory_space<semaphore_mem>>) src(%dma_wait3A_200 : memref<160xi32, #tpu.memory_space<hbm>>) dst(%arg12 : memref<160xi32, #tpu.memory_space<vmem>>)
      %dma_wait3A_201 = arith.constant 0 : i32
      %dma_wait3A_202 = arith.constant 0 : i32
      %dma_wait3A_203 = tpu.memref_slice %arg2[%dma_wait3A_201, %dma_wait3A_202] : memref<20000x128xf32, #tpu.memory_space<hbm>> -> memref<20000x128xf32, #tpu.memory_space<hbm>>
      tpu.wait_indirect_dma semaphore(%arg19 : memref<!tpu.dma_semaphore, #tpu.memory_space<semaphore_mem>>) src(%dma_wait3A_203 : memref<20000x128xf32, #tpu.memory_space<hbm>>) dst(%arg17 : memref<160x128xf32, #tpu.memory_space<vmem>>)
      %dma_start3A_204 = arith.constant 0 : i32
      %dma_start3A_205 = arith.constant 0 : i32
      %dma_start3A_206 = tpu.memref_slice %arg7[%dma_start3A_204, %dma_start3A_205] : memref<10000x128xf32, #tpu.memory_space<vmem_shared>> -> memref<10000x128xf32, #tpu.memory_space<vmem_shared>>
      tpu.enqueue_indirect_dma source(%arg17 : memref<160x128xf32, #tpu.memory_space<vmem>>) target(%dma_start3A_206 : memref<10000x128xf32, #tpu.memory_space<vmem_shared>>) offsets(%arg15 : memref<160xi32, #tpu.memory_space<vmem>>) semaphore(%arg21 : memref<!tpu.dma_semaphore, #tpu.memory_space<semaphore_mem>>) {add = true}
      %dma_start3A_207 = arith.constant 0 : i32
      %dma_start3A_208 = arith.constant 0 : i32
      %dma_start3A_209 = tpu.memref_slice %arg2[%dma_start3A_207, %dma_start3A_208] : memref<20000x128xf32, #tpu.memory_space<hbm>> -> memref<20000x128xf32, #tpu.memory_space<hbm>>
      tpu.enqueue_indirect_dma source(%dma_start3A_209 : memref<20000x128xf32, #tpu.memory_space<hbm>>) target(%arg16 : memref<160x128xf32, #tpu.memory_space<vmem>>) offsets(%arg8 : memref<160xi32, #tpu.memory_space<vmem>>) semaphore(%arg18 : memref<!tpu.dma_semaphore, #tpu.memory_space<semaphore_mem>>)
    }
    %scan3A_55 = arith.constant 31 : i32
    %dma_wait3A = arith.constant 0 : i32
    %dma_wait3A_56 = arith.constant 0 : i32
    %dma_wait3A_57 = tpu.memref_slice %arg2[%dma_wait3A, %dma_wait3A_56] : memref<20000x128xf32, #tpu.memory_space<hbm>> -> memref<20000x128xf32, #tpu.memory_space<hbm>>
    tpu.wait_indirect_dma semaphore(%arg18 : memref<!tpu.dma_semaphore, #tpu.memory_space<semaphore_mem>>) src(%dma_wait3A_57 : memref<20000x128xf32, #tpu.memory_space<hbm>>) dst(%arg16 : memref<160x128xf32, #tpu.memory_space<vmem>>)
    %dma_start3A_58 = arith.constant 0 : i32
    %dma_start3A_59 = arith.constant 0 : i32
    %dma_start3A_60 = tpu.memref_slice %arg7[%dma_start3A_58, %dma_start3A_59] : memref<10000x128xf32, #tpu.memory_space<vmem_shared>> -> memref<10000x128xf32, #tpu.memory_space<vmem_shared>>
    tpu.enqueue_indirect_dma source(%arg16 : memref<160x128xf32, #tpu.memory_space<vmem>>) target(%dma_start3A_60 : memref<10000x128xf32, #tpu.memory_space<vmem_shared>>) offsets(%arg12 : memref<160xi32, #tpu.memory_space<vmem>>) semaphore(%arg20 : memref<!tpu.dma_semaphore, #tpu.memory_space<semaphore_mem>>) {add = true}
    %dma_wait3A_61 = arith.constant 0 : i32
    %dma_wait3A_62 = arith.constant 0 : i32
    %dma_wait3A_63 = tpu.memref_slice %arg7[%dma_wait3A_61, %dma_wait3A_62] : memref<10000x128xf32, #tpu.memory_space<vmem_shared>> -> memref<10000x128xf32, #tpu.memory_space<vmem_shared>>
    tpu.wait_indirect_dma semaphore(%arg21 : memref<!tpu.dma_semaphore, #tpu.memory_space<semaphore_mem>>) src(%arg17 : memref<160x128xf32, #tpu.memory_space<vmem>>) dst(%dma_wait3A_63 : memref<10000x128xf32, #tpu.memory_space<vmem_shared>>)
    %dma_wait3A_64 = arith.constant 0 : i32
    %dma_wait3A_65 = arith.constant 0 : i32
    %dma_wait3A_66 = tpu.memref_slice %arg7[%dma_wait3A_64, %dma_wait3A_65] : memref<10000x128xf32, #tpu.memory_space<vmem_shared>> -> memref<10000x128xf32, #tpu.memory_space<vmem_shared>>
    tpu.wait_indirect_dma semaphore(%arg20 : memref<!tpu.dma_semaphore, #tpu.memory_space<semaphore_mem>>) src(%arg16 : memref<160x128xf32, #tpu.memory_space<vmem>>) dst(%dma_wait3A_66 : memref<10000x128xf32, #tpu.memory_space<vmem_shared>>)
    %barrier3A_67 = arith.constant 0 : index
    tpu.barrier barrier_id(%barrier3A_67)
    %lt3A_68 = arith.constant 15 : i32
    %lt3A_69 = arith.cmpi slt, %arg1, %lt3A_68 : i32
    %convert_element_type3A_70 = arith.extui %lt3A_69 : i1 to i32
    %cond3A_71 = arith.constant 0 : i32
    %cond3A_72 = arith.cmpi ne, %convert_element_type3A_70, %cond3A_71 : i32
    scf.if %cond3A_72 {
      "tpu.region"() ({
        %run_scoped3A = tpu.sem_alloc : memref<!tpu.dma_semaphore, #tpu.memory_space<semaphore_mem>>
        %dma_start3A_78 = arith.constant 0 : i32
        %dma_start3A_79 = tpu.memref_slice %arg6[%arg0, %multiple_of3A, %dma_start3A_78] : memref<2x10000x128xf32, #tpu.memory_space<hbm>> -> memref<1x624x128xf32, #tpu.memory_space<hbm>>
        %dma_start3A_80 = tpu.memref_squeeze %dma_start3A_79 : memref<1x624x128xf32, #tpu.memory_space<hbm>> -> memref<624x128xf32, #tpu.memory_space<hbm>>
        %dma_start3A_81 = arith.constant 0 : i32
        %dma_start3A_82 = tpu.memref_slice %arg7[%multiple_of3A, %dma_start3A_81] : memref<10000x128xf32, #tpu.memory_space<vmem_shared>> -> memref<624x128xf32, #tpu.memory_space<vmem_shared>>
        tpu.enqueue_dma source(%dma_start3A_82 : memref<624x128xf32, #tpu.memory_space<vmem_shared>>) target(%dma_start3A_80 : memref<624x128xf32, #tpu.memory_space<hbm>>) target_semaphore(%run_scoped3A : memref<!tpu.dma_semaphore, #tpu.memory_space<semaphore_mem>>)
        %dma_wait3A_83 = arith.constant 0 : i32
        %dma_wait3A_84 = tpu.memref_slice %arg6[%arg0, %multiple_of3A, %dma_wait3A_83] : memref<2x10000x128xf32, #tpu.memory_space<hbm>> -> memref<1x624x128xf32, #tpu.memory_space<hbm>>
        %dma_wait3A_85 = tpu.memref_squeeze %dma_wait3A_84 : memref<1x624x128xf32, #tpu.memory_space<hbm>> -> memref<624x128xf32, #tpu.memory_space<hbm>>
        %dma_wait3A_86 = arith.constant 0 : i32
        %dma_wait3A_87 = tpu.memref_slice %arg7[%multiple_of3A, %dma_wait3A_86] : memref<10000x128xf32, #tpu.memory_space<vmem_shared>> -> memref<624x128xf32, #tpu.memory_space<vmem_shared>>
        tpu.wait_dma2 semaphore(%run_scoped3A : memref<!tpu.dma_semaphore, #tpu.memory_space<semaphore_mem>>) src(%dma_wait3A_87 : memref<624x128xf32, #tpu.memory_space<vmem_shared>>) dst(%dma_wait3A_85 : memref<624x128xf32, #tpu.memory_space<hbm>>)
        tpu.yield
      }) : () -> ()
    } else {
    }
    %eq3A_73 = arith.constant 15 : i32
    %eq3A_74 = arith.cmpi eq, %arg1, %eq3A_73 : i32
    %convert_element_type3A_75 = arith.extui %eq3A_74 : i1 to i32
    %cond3A_76 = arith.constant 0 : i32
    %cond3A_77 = arith.cmpi ne, %convert_element_type3A_75, %cond3A_76 : i32
    scf.if %cond3A_77 {
      "tpu.region"() ({
        %run_scoped3A = tpu.sem_alloc : memref<!tpu.dma_semaphore, #tpu.memory_space<semaphore_mem>>
        %dma_start3A_78 = arith.constant 9360 : i32
        %dma_start3A_79 = arith.constant 0 : i32
        %dma_start3A_80 = tpu.memref_slice %arg6[%arg0, %dma_start3A_78, %dma_start3A_79] : memref<2x10000x128xf32, #tpu.memory_space<hbm>> -> memref<1x640x128xf32, #tpu.memory_space<hbm>>
        %dma_start3A_81 = tpu.memref_squeeze %dma_start3A_80 : memref<1x640x128xf32, #tpu.memory_space<hbm>> -> memref<640x128xf32, #tpu.memory_space<hbm>>
        %dma_start3A_82 = arith.constant 9360 : i32
        %dma_start3A_83 = arith.constant 0 : i32
        %dma_start3A_84 = tpu.memref_slice %arg7[%dma_start3A_82, %dma_start3A_83] : memref<10000x128xf32, #tpu.memory_space<vmem_shared>> -> memref<640x128xf32, #tpu.memory_space<vmem_shared>>
        tpu.enqueue_dma source(%dma_start3A_84 : memref<640x128xf32, #tpu.memory_space<vmem_shared>>) target(%dma_start3A_81 : memref<640x128xf32, #tpu.memory_space<hbm>>) target_semaphore(%run_scoped3A : memref<!tpu.dma_semaphore, #tpu.memory_space<semaphore_mem>>)
        %dma_wait3A_85 = arith.constant 9360 : i32
        %dma_wait3A_86 = arith.constant 0 : i32
        %dma_wait3A_87 = tpu.memref_slice %arg6[%arg0, %dma_wait3A_85, %dma_wait3A_86] : memref<2x10000x128xf32, #tpu.memory_space<hbm>> -> memref<1x640x128xf32, #tpu.memory_space<hbm>>
        %dma_wait3A_88 = tpu.memref_squeeze %dma_wait3A_87 : memref<1x640x128xf32, #tpu.memory_space<hbm>> -> memref<640x128xf32, #tpu.memory_space<hbm>>
        %dma_wait3A_89 = arith.constant 9360 : i32
        %dma_wait3A_90 = arith.constant 0 : i32
        %dma_wait3A_91 = tpu.memref_slice %arg7[%dma_wait3A_89, %dma_wait3A_90] : memref<10000x128xf32, #tpu.memory_space<vmem_shared>> -> memref<640x128xf32, #tpu.memory_space<vmem_shared>>
        tpu.wait_dma2 semaphore(%run_scoped3A : memref<!tpu.dma_semaphore, #tpu.memory_space<semaphore_mem>>) src(%dma_wait3A_91 : memref<640x128xf32, #tpu.memory_space<vmem_shared>>) dst(%dma_wait3A_88 : memref<640x128xf32, #tpu.memory_space<hbm>>)
        tpu.yield
      }) : () -> ()
    } else {
    }
    return
  }
}

#map = affine_map<(d0, d1) -> (0, 0)>
#map1 = affine_map<(d0, d1) -> (0)>
#map2 = affine_map<(d0, d1) -> (0, 0, 0)>
module attributes {stable_mosaic.version = 14 : i64} {
  func.func @_agg_body(%arg0: i32, %arg1: i32, %arg2: memref<20000x128xf32, #tpu.memory_space<hbm>>, %arg3: memref<640000xi32, #tpu.memory_space<hbm>>, %arg4: memref<320000xi32, #tpu.memory_space<hbm>>, %arg5: memref<640x128xf32, #tpu.memory_space<hbm>>, %arg6: memref<2x10000x128xf32, #tpu.memory_space<hbm>>, %arg7: memref<10000x128xf32, #tpu.memory_space<vmem_shared>>, %arg8: memref<160xi32, #tpu.memory_space<vmem>>, %arg9: memref<160xi32, #tpu.memory_space<vmem>>, %arg10: memref<160xi32, #tpu.memory_space<vmem>>, %arg11: memref<160xi32, #tpu.memory_space<vmem>>, %arg12: memref<160xi32, #tpu.memory_space<vmem>>, %arg13: memref<160xi32, #tpu.memory_space<vmem>>, %arg14: memref<160xi32, #tpu.memory_space<vmem>>, %arg15: memref<160xi32, #tpu.memory_space<vmem>>, %arg16: memref<160x128xf32, #tpu.memory_space<vmem>>, %arg17: memref<160x128xf32, #tpu.memory_space<vmem>>, %arg18: memref<!tpu.dma_semaphore, #tpu.memory_space<semaphore_mem>>, %arg19: memref<!tpu.dma_semaphore, #tpu.memory_space<semaphore_mem>>, %arg20: memref<!tpu.dma_semaphore, #tpu.memory_space<semaphore_mem>>, %arg21: memref<!tpu.dma_semaphore, #tpu.memory_space<semaphore_mem>>, %arg22: memref<!tpu.dma_semaphore, #tpu.memory_space<semaphore_mem>>, %arg23: memref<!tpu.dma_semaphore, #tpu.memory_space<semaphore_mem>>, %arg24: memref<!tpu.dma_semaphore, #tpu.memory_space<semaphore_mem>>, %arg25: memref<!tpu.dma_semaphore, #tpu.memory_space<semaphore_mem>>) attributes {dimension_semantics = [#tpu.dimension_semantics<core_parallel>, #tpu.dimension_semantics<subcore_parallel>], iteration_bounds = array<i64: 2, 16>, scalar_prefetch = 0 : i64, scratch_operands = 19 : i64, tpu.core_type = #tpu.core_type<sc_vector_subcore>, window_params = [{transform_indices = #map}, {transform_indices = #map1}, {transform_indices = #map1}, {transform_indices = #map}, {transform_indices = #map2}]} {
    %mul3A = arith.constant 624 : i32
    %mul3A_0 = arith.muli %arg1, %mul3A : i32
    %multiple_of3A = tpu.assume_multiple %mul3A_0, 8 : i32
    %lt3A = arith.constant 15 : i32
    %lt3A_1 = arith.cmpi slt, %arg1, %lt3A : i32
    %convert_element_type3A = arith.extui %lt3A_1 : i1 to i32
    %cond3A = arith.constant 0 : i32
    %cond3A_2 = arith.cmpi ne, %convert_element_type3A, %cond3A : i32
    scf.if %cond3A_2 {
      "tpu.region"() ({
        %run_scoped3A = tpu.sem_alloc : memref<!tpu.dma_semaphore, #tpu.memory_space<semaphore_mem>>
        %dma_start3A_78 = arith.constant 0 : i32
        %dma_start3A_79 = tpu.memref_slice %arg7[%multiple_of3A, %dma_start3A_78] : memref<10000x128xf32, #tpu.memory_space<vmem_shared>> -> memref<624x128xf32, #tpu.memory_space<vmem_shared>>
        %dma_start3A_80 = arith.constant 0 : i32
        %dma_start3A_81 = arith.constant 0 : i32
        %dma_start3A_82 = tpu.memref_slice %arg5[%dma_start3A_80, %dma_start3A_81] : memref<640x128xf32, #tpu.memory_space<hbm>> -> memref<624x128xf32, #tpu.memory_space<hbm>>
        tpu.enqueue_dma source(%dma_start3A_82 : memref<624x128xf32, #tpu.memory_space<hbm>>) target(%dma_start3A_79 : memref<624x128xf32, #tpu.memory_space<vmem_shared>>) target_semaphore(%run_scoped3A : memref<!tpu.dma_semaphore, #tpu.memory_space<semaphore_mem>>)
        %dma_wait3A_83 = arith.constant 0 : i32
        %dma_wait3A_84 = tpu.memref_slice %arg7[%multiple_of3A, %dma_wait3A_83] : memref<10000x128xf32, #tpu.memory_space<vmem_shared>> -> memref<624x128xf32, #tpu.memory_space<vmem_shared>>
        %dma_wait3A_85 = arith.constant 0 : i32
        %dma_wait3A_86 = arith.constant 0 : i32
        %dma_wait3A_87 = tpu.memref_slice %arg5[%dma_wait3A_85, %dma_wait3A_86] : memref<640x128xf32, #tpu.memory_space<hbm>> -> memref<624x128xf32, #tpu.memory_space<hbm>>
        tpu.wait_dma2 semaphore(%run_scoped3A : memref<!tpu.dma_semaphore, #tpu.memory_space<semaphore_mem>>) src(%dma_wait3A_87 : memref<624x128xf32, #tpu.memory_space<hbm>>) dst(%dma_wait3A_84 : memref<624x128xf32, #tpu.memory_space<vmem_shared>>)
        tpu.yield
      }) : () -> ()
    } else {
    }
    %eq3A = arith.constant 15 : i32
    %eq3A_3 = arith.cmpi eq, %arg1, %eq3A : i32
    %convert_element_type3A_4 = arith.extui %eq3A_3 : i1 to i32
    %cond3A_5 = arith.constant 0 : i32
    %cond3A_6 = arith.cmpi ne, %convert_element_type3A_4, %cond3A_5 : i32
    scf.if %cond3A_6 {
      "tpu.region"() ({
        %run_scoped3A = tpu.sem_alloc : memref<!tpu.dma_semaphore, #tpu.memory_space<semaphore_mem>>
        %dma_start3A_78 = arith.constant 9360 : i32
        %dma_start3A_79 = arith.constant 0 : i32
        %dma_start3A_80 = tpu.memref_slice %arg7[%dma_start3A_78, %dma_start3A_79] : memref<10000x128xf32, #tpu.memory_space<vmem_shared>> -> memref<640x128xf32, #tpu.memory_space<vmem_shared>>
        tpu.enqueue_dma source(%arg5 : memref<640x128xf32, #tpu.memory_space<hbm>>) target(%dma_start3A_80 : memref<640x128xf32, #tpu.memory_space<vmem_shared>>) target_semaphore(%run_scoped3A : memref<!tpu.dma_semaphore, #tpu.memory_space<semaphore_mem>>)
        %dma_wait3A_81 = arith.constant 9360 : i32
        %dma_wait3A_82 = arith.constant 0 : i32
        %dma_wait3A_83 = tpu.memref_slice %arg7[%dma_wait3A_81, %dma_wait3A_82] : memref<10000x128xf32, #tpu.memory_space<vmem_shared>> -> memref<640x128xf32, #tpu.memory_space<vmem_shared>>
        tpu.wait_dma2 semaphore(%run_scoped3A : memref<!tpu.dma_semaphore, #tpu.memory_space<semaphore_mem>>) src(%arg5 : memref<640x128xf32, #tpu.memory_space<hbm>>) dst(%dma_wait3A_83 : memref<640x128xf32, #tpu.memory_space<vmem_shared>>)
        tpu.yield
      }) : () -> ()
    } else {
    }
    %barrier3A = arith.constant 0 : index
    tpu.barrier barrier_id(%barrier3A)
    %mul3A_7 = arith.constant 320000 : i32
    %mul3A_8 = arith.muli %arg0, %mul3A_7 : i32
    %mul3A_9 = arith.constant 20000 : i32
    %mul3A_10 = arith.muli %arg1, %mul3A_9 : i32
    %add3A = arith.addi %mul3A_8, %mul3A_10 : i32
    %mul3A_11 = arith.constant 20000 : i32
    %mul3A_12 = arith.muli %arg1, %mul3A_11 : i32
    %add3A_13 = arith.constant 0 : i32
    %add3A_14 = arith.addi %add3A, %add3A_13 : i32
    %multiple_of3A_15 = tpu.assume_multiple %add3A_14, 8 : i32
    "tpu.region"() ({
      %run_scoped3A = tpu.sem_alloc : memref<!tpu.dma_semaphore, #tpu.memory_space<semaphore_mem>>
      %dma_start3A_78 = tpu.memref_slice %arg3[%multiple_of3A_15] : memref<640000xi32, #tpu.memory_space<hbm>> -> memref<160xi32, #tpu.memory_space<hbm>>
      %dma_start3A_79 = tpu.memref_slice %arg3[%multiple_of3A_15] : memref<640000xi32, #tpu.memory_space<hbm>> -> memref<160xi32, #tpu.memory_space<hbm>>
      tpu.enqueue_dma source(%dma_start3A_79 : memref<160xi32, #tpu.memory_space<hbm>>) target(%arg8 : memref<160xi32, #tpu.memory_space<vmem>>) target_semaphore(%run_scoped3A : memref<!tpu.dma_semaphore, #tpu.memory_space<semaphore_mem>>)
      %dma_wait3A_80 = tpu.memref_slice %arg3[%multiple_of3A_15] : memref<640000xi32, #tpu.memory_space<hbm>> -> memref<160xi32, #tpu.memory_space<hbm>>
      %dma_wait3A_81 = tpu.memref_slice %arg3[%multiple_of3A_15] : memref<640000xi32, #tpu.memory_space<hbm>> -> memref<160xi32, #tpu.memory_space<hbm>>
      tpu.wait_dma2 semaphore(%run_scoped3A : memref<!tpu.dma_semaphore, #tpu.memory_space<semaphore_mem>>) src(%dma_wait3A_81 : memref<160xi32, #tpu.memory_space<hbm>>) dst(%arg8 : memref<160xi32, #tpu.memory_space<vmem>>)
      tpu.yield
    }) : () -> ()
    %add3A_16 = arith.constant 0 : i32
    %add3A_17 = arith.addi %mul3A_12, %add3A_16 : i32
    %multiple_of3A_18 = tpu.assume_multiple %add3A_17, 8 : i32
    "tpu.region"() ({
      %run_scoped3A = tpu.sem_alloc : memref<!tpu.dma_semaphore, #tpu.memory_space<semaphore_mem>>
      %dma_start3A_78 = tpu.memref_slice %arg4[%multiple_of3A_18] : memref<320000xi32, #tpu.memory_space<hbm>> -> memref<160xi32, #tpu.memory_space<hbm>>
      %dma_start3A_79 = tpu.memref_slice %arg4[%multiple_of3A_18] : memref<320000xi32, #tpu.memory_space<hbm>> -> memref<160xi32, #tpu.memory_space<hbm>>
      tpu.enqueue_dma source(%dma_start3A_79 : memref<160xi32, #tpu.memory_space<hbm>>) target(%arg12 : memref<160xi32, #tpu.memory_space<vmem>>) target_semaphore(%run_scoped3A : memref<!tpu.dma_semaphore, #tpu.memory_space<semaphore_mem>>)
      %dma_wait3A_80 = tpu.memref_slice %arg4[%multiple_of3A_18] : memref<320000xi32, #tpu.memory_space<hbm>> -> memref<160xi32, #tpu.memory_space<hbm>>
      %dma_wait3A_81 = tpu.memref_slice %arg4[%multiple_of3A_18] : memref<320000xi32, #tpu.memory_space<hbm>> -> memref<160xi32, #tpu.memory_space<hbm>>
      tpu.wait_dma2 semaphore(%run_scoped3A : memref<!tpu.dma_semaphore, #tpu.memory_space<semaphore_mem>>) src(%dma_wait3A_81 : memref<160xi32, #tpu.memory_space<hbm>>) dst(%arg12 : memref<160xi32, #tpu.memory_space<vmem>>)
      tpu.yield
    }) : () -> ()
    %add3A_19 = arith.constant 160 : i32
    %add3A_20 = arith.addi %add3A, %add3A_19 : i32
    %multiple_of3A_21 = tpu.assume_multiple %add3A_20, 8 : i32
    %dma_start3A = tpu.memref_slice %arg3[%multiple_of3A_21] : memref<640000xi32, #tpu.memory_space<hbm>> -> memref<160xi32, #tpu.memory_space<hbm>>
    %dma_start3A_22 = tpu.memref_slice %arg3[%multiple_of3A_21] : memref<640000xi32, #tpu.memory_space<hbm>> -> memref<160xi32, #tpu.memory_space<hbm>>
    tpu.enqueue_dma source(%dma_start3A_22 : memref<160xi32, #tpu.memory_space<hbm>>) target(%arg9 : memref<160xi32, #tpu.memory_space<vmem>>) target_semaphore(%arg23 : memref<!tpu.dma_semaphore, #tpu.memory_space<semaphore_mem>>)
    %add3A_23 = arith.constant 160 : i32
    %add3A_24 = arith.addi %mul3A_12, %add3A_23 : i32
    %multiple_of3A_25 = tpu.assume_multiple %add3A_24, 8 : i32
    %dma_start3A_26 = tpu.memref_slice %arg4[%multiple_of3A_25] : memref<320000xi32, #tpu.memory_space<hbm>> -> memref<160xi32, #tpu.memory_space<hbm>>
    %dma_start3A_27 = tpu.memref_slice %arg4[%multiple_of3A_25] : memref<320000xi32, #tpu.memory_space<hbm>> -> memref<160xi32, #tpu.memory_space<hbm>>
    tpu.enqueue_dma source(%dma_start3A_27 : memref<160xi32, #tpu.memory_space<hbm>>) target(%arg13 : memref<160xi32, #tpu.memory_space<vmem>>) target_semaphore(%arg23 : memref<!tpu.dma_semaphore, #tpu.memory_space<semaphore_mem>>)
    %add3A_28 = arith.constant 320 : i32
    %add3A_29 = arith.addi %add3A, %add3A_28 : i32
    %multiple_of3A_30 = tpu.assume_multiple %add3A_29, 8 : i32
    %dma_start3A_31 = tpu.memref_slice %arg3[%multiple_of3A_30] : memref<640000xi32, #tpu.memory_space<hbm>> -> memref<160xi32, #tpu.memory_space<hbm>>
    %dma_start3A_32 = tpu.memref_slice %arg3[%multiple_of3A_30] : memref<640000xi32, #tpu.memory_space<hbm>> -> memref<160xi32, #tpu.memory_space<hbm>>
    tpu.enqueue_dma source(%dma_start3A_32 : memref<160xi32, #tpu.memory_space<hbm>>) target(%arg10 : memref<160xi32, #tpu.memory_space<vmem>>) target_semaphore(%arg24 : memref<!tpu.dma_semaphore, #tpu.memory_space<semaphore_mem>>)
    %add3A_33 = arith.constant 320 : i32
    %add3A_34 = arith.addi %mul3A_12, %add3A_33 : i32
    %multiple_of3A_35 = tpu.assume_multiple %add3A_34, 8 : i32
    %dma_start3A_36 = tpu.memref_slice %arg4[%multiple_of3A_35] : memref<320000xi32, #tpu.memory_space<hbm>> -> memref<160xi32, #tpu.memory_space<hbm>>
    %dma_start3A_37 = tpu.memref_slice %arg4[%multiple_of3A_35] : memref<320000xi32, #tpu.memory_space<hbm>> -> memref<160xi32, #tpu.memory_space<hbm>>
    tpu.enqueue_dma source(%dma_start3A_37 : memref<160xi32, #tpu.memory_space<hbm>>) target(%arg14 : memref<160xi32, #tpu.memory_space<vmem>>) target_semaphore(%arg24 : memref<!tpu.dma_semaphore, #tpu.memory_space<semaphore_mem>>)
    %add3A_38 = arith.constant 480 : i32
    %add3A_39 = arith.addi %add3A, %add3A_38 : i32
    %multiple_of3A_40 = tpu.assume_multiple %add3A_39, 8 : i32
    %dma_start3A_41 = tpu.memref_slice %arg3[%multiple_of3A_40] : memref<640000xi32, #tpu.memory_space<hbm>> -> memref<160xi32, #tpu.memory_space<hbm>>
    %dma_start3A_42 = tpu.memref_slice %arg3[%multiple_of3A_40] : memref<640000xi32, #tpu.memory_space<hbm>> -> memref<160xi32, #tpu.memory_space<hbm>>
    tpu.enqueue_dma source(%dma_start3A_42 : memref<160xi32, #tpu.memory_space<hbm>>) target(%arg11 : memref<160xi32, #tpu.memory_space<vmem>>) target_semaphore(%arg25 : memref<!tpu.dma_semaphore, #tpu.memory_space<semaphore_mem>>)
    %add3A_43 = arith.constant 480 : i32
    %add3A_44 = arith.addi %mul3A_12, %add3A_43 : i32
    %multiple_of3A_45 = tpu.assume_multiple %add3A_44, 8 : i32
    %dma_start3A_46 = tpu.memref_slice %arg4[%multiple_of3A_45] : memref<320000xi32, #tpu.memory_space<hbm>> -> memref<160xi32, #tpu.memory_space<hbm>>
    %dma_start3A_47 = tpu.memref_slice %arg4[%multiple_of3A_45] : memref<320000xi32, #tpu.memory_space<hbm>> -> memref<160xi32, #tpu.memory_space<hbm>>
    tpu.enqueue_dma source(%dma_start3A_47 : memref<160xi32, #tpu.memory_space<hbm>>) target(%arg15 : memref<160xi32, #tpu.memory_space<vmem>>) target_semaphore(%arg25 : memref<!tpu.dma_semaphore, #tpu.memory_space<semaphore_mem>>)
    %dma_start3A_48 = arith.constant 0 : i32
    %dma_start3A_49 = arith.constant 0 : i32
    %dma_start3A_50 = tpu.memref_slice %arg2[%dma_start3A_48, %dma_start3A_49] : memref<20000x128xf32, #tpu.memory_space<hbm>> -> memref<20000x128xf32, #tpu.memory_space<hbm>>
    tpu.enqueue_indirect_dma source(%dma_start3A_50 : memref<20000x128xf32, #tpu.memory_space<hbm>>) target(%arg16 : memref<160x128xf32, #tpu.memory_space<vmem>>) offsets(%arg8 : memref<160xi32, #tpu.memory_space<vmem>>) semaphore(%arg18 : memref<!tpu.dma_semaphore, #tpu.memory_space<semaphore_mem>>)
    %scan3A = arith.constant 0 : i32
    %scan3A_51 = arith.constant 0 : i32
    %scan3A_52 = arith.constant 31 : i32
    %scan3A_53 = arith.addi %scan3A_51, %scan3A_52 : i32
    %scan3A_54 = arith.constant 1 : i32
    scf.for %scan3A_78 = %scan3A_51 to %scan3A_53 step %scan3A_54  : i32 {
      %mul3A_79 = arith.constant 4 : i32
      %mul3A_80 = arith.muli %mul3A_79, %scan3A_78 : i32
      %dma_wait3A_81 = arith.constant 0 : i32
      %dma_wait3A_82 = arith.constant 0 : i32
      %dma_wait3A_83 = tpu.memref_slice %arg2[%dma_wait3A_81, %dma_wait3A_82] : memref<20000x128xf32, #tpu.memory_space<hbm>> -> memref<20000x128xf32, #tpu.memory_space<hbm>>
      tpu.wait_indirect_dma semaphore(%arg18 : memref<!tpu.dma_semaphore, #tpu.memory_space<semaphore_mem>>) src(%dma_wait3A_83 : memref<20000x128xf32, #tpu.memory_space<hbm>>) dst(%arg16 : memref<160x128xf32, #tpu.memory_space<vmem>>)
      %gt3A = arith.constant 0 : i32
      %gt3A_84 = arith.cmpi sgt, %scan3A_78, %gt3A : i32
      %convert_element_type3A_85 = arith.extui %gt3A_84 : i1 to i32
      %cond3A_86 = arith.constant 0 : i32
      %cond3A_87 = arith.cmpi ne, %convert_element_type3A_85, %cond3A_86 : i32
      scf.if %cond3A_87 {
        %dma_wait3A_210 = arith.constant 0 : i32
        %dma_wait3A_211 = arith.constant 0 : i32
        %dma_wait3A_212 = tpu.memref_slice %arg7[%dma_wait3A_210, %dma_wait3A_211] : memref<10000x128xf32, #tpu.memory_space<vmem_shared>> -> memref<10000x128xf32, #tpu.memory_space<vmem_shared>>
        tpu.wait_indirect_dma semaphore(%arg21 : memref<!tpu.dma_semaphore, #tpu.memory_space<semaphore_mem>>) src(%arg17 : memref<160x128xf32, #tpu.memory_space<vmem>>) dst(%dma_wait3A_212 : memref<10000x128xf32, #tpu.memory_space<vmem_shared>>)
        %add3A_213 = arith.constant 3 : i32
        %add3A_214 = arith.addi %mul3A_80, %add3A_213 : i32
        %mul3A_215 = arith.constant 160 : i32
        %mul3A_216 = arith.muli %add3A_214, %mul3A_215 : i32
        %add3A_217 = arith.addi %add3A, %mul3A_216 : i32
        %multiple_of3A_218 = tpu.assume_multiple %add3A_217, 8 : i32
        %dma_start3A_219 = tpu.memref_slice %arg3[%multiple_of3A_218] : memref<640000xi32, #tpu.memory_space<hbm>> -> memref<160xi32, #tpu.memory_space<hbm>>
        %dma_start3A_220 = tpu.memref_slice %arg3[%multiple_of3A_218] : memref<640000xi32, #tpu.memory_space<hbm>> -> memref<160xi32, #tpu.memory_space<hbm>>
        tpu.enqueue_dma source(%dma_start3A_220 : memref<160xi32, #tpu.memory_space<hbm>>) target(%arg11 : memref<160xi32, #tpu.memory_space<vmem>>) target_semaphore(%arg25 : memref<!tpu.dma_semaphore, #tpu.memory_space<semaphore_mem>>)
        %mul3A_221 = arith.constant 160 : i32
        %mul3A_222 = arith.muli %add3A_214, %mul3A_221 : i32
        %add3A_223 = arith.addi %mul3A_12, %mul3A_222 : i32
        %multiple_of3A_224 = tpu.assume_multiple %add3A_223, 8 : i32
        %dma_start3A_225 = tpu.memref_slice %arg4[%multiple_of3A_224] : memref<320000xi32, #tpu.memory_space<hbm>> -> memref<160xi32, #tpu.memory_space<hbm>>
        %dma_start3A_226 = tpu.memref_slice %arg4[%multiple_of3A_224] : memref<320000xi32, #tpu.memory_space<hbm>> -> memref<160xi32, #tpu.memory_space<hbm>>
        tpu.enqueue_dma source(%dma_start3A_226 : memref<160xi32, #tpu.memory_space<hbm>>) target(%arg15 : memref<160xi32, #tpu.memory_space<vmem>>) target_semaphore(%arg25 : memref<!tpu.dma_semaphore, #tpu.memory_space<semaphore_mem>>)
      } else {
      }
      %add3A_88 = arith.constant 1 : i32
      %add3A_89 = arith.addi %mul3A_80, %add3A_88 : i32
      %mul3A_90 = arith.constant 160 : i32
      %mul3A_91 = arith.muli %add3A_89, %mul3A_90 : i32
      %add3A_92 = arith.addi %add3A, %mul3A_91 : i32
      %multiple_of3A_93 = tpu.assume_multiple %add3A_92, 8 : i32
      %dma_wait3A_94 = tpu.memref_slice %arg3[%multiple_of3A_93] : memref<640000xi32, #tpu.memory_space<hbm>> -> memref<160xi32, #tpu.memory_space<hbm>>
      %dma_wait3A_95 = tpu.memref_slice %arg3[%multiple_of3A_93] : memref<640000xi32, #tpu.memory_space<hbm>> -> memref<160xi32, #tpu.memory_space<hbm>>
      tpu.wait_dma2 semaphore(%arg23 : memref<!tpu.dma_semaphore, #tpu.memory_space<semaphore_mem>>) src(%dma_wait3A_95 : memref<160xi32, #tpu.memory_space<hbm>>) dst(%arg9 : memref<160xi32, #tpu.memory_space<vmem>>)
      %mul3A_96 = arith.constant 160 : i32
      %mul3A_97 = arith.muli %add3A_89, %mul3A_96 : i32
      %add3A_98 = arith.addi %mul3A_12, %mul3A_97 : i32
      %multiple_of3A_99 = tpu.assume_multiple %add3A_98, 8 : i32
      %dma_wait3A_100 = tpu.memref_slice %arg4[%multiple_of3A_99] : memref<320000xi32, #tpu.memory_space<hbm>> -> memref<160xi32, #tpu.memory_space<hbm>>
      %dma_wait3A_101 = tpu.memref_slice %arg4[%multiple_of3A_99] : memref<320000xi32, #tpu.memory_space<hbm>> -> memref<160xi32, #tpu.memory_space<hbm>>
      tpu.wait_dma2 semaphore(%arg23 : memref<!tpu.dma_semaphore, #tpu.memory_space<semaphore_mem>>) src(%dma_wait3A_101 : memref<160xi32, #tpu.memory_space<hbm>>) dst(%arg13 : memref<160xi32, #tpu.memory_space<vmem>>)
      %dma_start3A_102 = arith.constant 0 : i32
      %dma_start3A_103 = arith.constant 0 : i32
      %dma_start3A_104 = tpu.memref_slice %arg2[%dma_start3A_102, %dma_start3A_103] : memref<20000x128xf32, #tpu.memory_space<hbm>> -> memref<20000x128xf32, #tpu.memory_space<hbm>>
      tpu.enqueue_indirect_dma source(%dma_start3A_104 : memref<20000x128xf32, #tpu.memory_space<hbm>>) target(%arg17 : memref<160x128xf32, #tpu.memory_space<vmem>>) offsets(%arg9 : memref<160xi32, #tpu.memory_space<vmem>>) semaphore(%arg19 : memref<!tpu.dma_semaphore, #tpu.memory_space<semaphore_mem>>)
      %dma_start3A_105 = arith.constant 0 : i32
      %dma_start3A_106 = arith.constant 0 : i32
      %dma_start3A_107 = tpu.memref_slice %arg7[%dma_start3A_105, %dma_start3A_106] : memref<10000x128xf32, #tpu.memory_space<vmem_shared>> -> memref<10000x128xf32, #tpu.memory_space<vmem_shared>>
      tpu.enqueue_indirect_dma source(%arg16 : memref<160x128xf32, #tpu.memory_space<vmem>>) target(%dma_start3A_107 : memref<10000x128xf32, #tpu.memory_space<vmem_shared>>) offsets(%arg12 : memref<160xi32, #tpu.memory_space<vmem>>) semaphore(%arg20 : memref<!tpu.dma_semaphore, #tpu.memory_space<semaphore_mem>>) {add = true}
      %dma_wait3A_108 = arith.constant 0 : i32
      %dma_wait3A_109 = arith.constant 0 : i32
      %dma_wait3A_110 = tpu.memref_slice %arg7[%dma_wait3A_108, %dma_wait3A_109] : memref<10000x128xf32, #tpu.memory_space<vmem_shared>> -> memref<10000x128xf32, #tpu.memory_space<vmem_shared>>
      tpu.wait_indirect_dma semaphore(%arg20 : memref<!tpu.dma_semaphore, #tpu.memory_space<semaphore_mem>>) src(%arg16 : memref<160x128xf32, #tpu.memory_space<vmem>>) dst(%dma_wait3A_110 : memref<10000x128xf32, #tpu.memory_space<vmem_shared>>)
      %add3A_111 = arith.constant 4 : i32
      %add3A_112 = arith.addi %mul3A_80, %add3A_111 : i32
      %mul3A_113 = arith.constant 160 : i32
      %mul3A_114 = arith.muli %add3A_112, %mul3A_113 : i32
      %add3A_115 = arith.addi %add3A, %mul3A_114 : i32
      %multiple_of3A_116 = tpu.assume_multiple %add3A_115, 8 : i32
      %dma_start3A_117 = tpu.memref_slice %arg3[%multiple_of3A_116] : memref<640000xi32, #tpu.memory_space<hbm>> -> memref<160xi32, #tpu.memory_space<hbm>>
      %dma_start3A_118 = tpu.memref_slice %arg3[%multiple_of3A_116] : memref<640000xi32, #tpu.memory_space<hbm>> -> memref<160xi32, #tpu.memory_space<hbm>>
      tpu.enqueue_dma source(%dma_start3A_118 : memref<160xi32, #tpu.memory_space<hbm>>) target(%arg8 : memref<160xi32, #tpu.memory_space<vmem>>) target_semaphore(%arg22 : memref<!tpu.dma_semaphore, #tpu.memory_space<semaphore_mem>>)
      %mul3A_119 = arith.constant 160 : i32
      %mul3A_120 = arith.muli %add3A_112, %mul3A_119 : i32
      %add3A_121 = arith.addi %mul3A_12, %mul3A_120 : i32
      %multiple_of3A_122 = tpu.assume_multiple %add3A_121, 8 : i32
      %dma_start3A_123 = tpu.memref_slice %arg4[%multiple_of3A_122] : memref<320000xi32, #tpu.memory_space<hbm>> -> memref<160xi32, #tpu.memory_space<hbm>>
      %dma_start3A_124 = tpu.memref_slice %arg4[%multiple_of3A_122] : memref<320000xi32, #tpu.memory_space<hbm>> -> memref<160xi32, #tpu.memory_space<hbm>>
      tpu.enqueue_dma source(%dma_start3A_124 : memref<160xi32, #tpu.memory_space<hbm>>) target(%arg12 : memref<160xi32, #tpu.memory_space<vmem>>) target_semaphore(%arg22 : memref<!tpu.dma_semaphore, #tpu.memory_space<semaphore_mem>>)
      %add3A_125 = arith.constant 2 : i32
      %add3A_126 = arith.addi %mul3A_80, %add3A_125 : i32
      %mul3A_127 = arith.constant 160 : i32
      %mul3A_128 = arith.muli %add3A_126, %mul3A_127 : i32
      %add3A_129 = arith.addi %add3A, %mul3A_128 : i32
      %multiple_of3A_130 = tpu.assume_multiple %add3A_129, 8 : i32
      %dma_wait3A_131 = tpu.memref_slice %arg3[%multiple_of3A_130] : memref<640000xi32, #tpu.memory_space<hbm>> -> memref<160xi32, #tpu.memory_space<hbm>>
      %dma_wait3A_132 = tpu.memref_slice %arg3[%multiple_of3A_130] : memref<640000xi32, #tpu.memory_space<hbm>> -> memref<160xi32, #tpu.memory_space<hbm>>
      tpu.wait_dma2 semaphore(%arg24 : memref<!tpu.dma_semaphore, #tpu.memory_space<semaphore_mem>>) src(%dma_wait3A_132 : memref<160xi32, #tpu.memory_space<hbm>>) dst(%arg10 : memref<160xi32, #tpu.memory_space<vmem>>)
      %mul3A_133 = arith.constant 160 : i32
      %mul3A_134 = arith.muli %add3A_126, %mul3A_133 : i32
      %add3A_135 = arith.addi %mul3A_12, %mul3A_134 : i32
      %multiple_of3A_136 = tpu.assume_multiple %add3A_135, 8 : i32
      %dma_wait3A_137 = tpu.memref_slice %arg4[%multiple_of3A_136] : memref<320000xi32, #tpu.memory_space<hbm>> -> memref<160xi32, #tpu.memory_space<hbm>>
      %dma_wait3A_138 = tpu.memref_slice %arg4[%multiple_of3A_136] : memref<320000xi32, #tpu.memory_space<hbm>> -> memref<160xi32, #tpu.memory_space<hbm>>
      tpu.wait_dma2 semaphore(%arg24 : memref<!tpu.dma_semaphore, #tpu.memory_space<semaphore_mem>>) src(%dma_wait3A_138 : memref<160xi32, #tpu.memory_space<hbm>>) dst(%arg14 : memref<160xi32, #tpu.memory_space<vmem>>)
      %dma_wait3A_139 = arith.constant 0 : i32
      %dma_wait3A_140 = arith.constant 0 : i32
      %dma_wait3A_141 = tpu.memref_slice %arg2[%dma_wait3A_139, %dma_wait3A_140] : memref<20000x128xf32, #tpu.memory_space<hbm>> -> memref<20000x128xf32, #tpu.memory_space<hbm>>
      tpu.wait_indirect_dma semaphore(%arg19 : memref<!tpu.dma_semaphore, #tpu.memory_space<semaphore_mem>>) src(%dma_wait3A_141 : memref<20000x128xf32, #tpu.memory_space<hbm>>) dst(%arg17 : memref<160x128xf32, #tpu.memory_space<vmem>>)
      %dma_start3A_142 = arith.constant 0 : i32
      %dma_start3A_143 = arith.constant 0 : i32
      %dma_start3A_144 = tpu.memref_slice %arg2[%dma_start3A_142, %dma_start3A_143] : memref<20000x128xf32, #tpu.memory_space<hbm>> -> memref<20000x128xf32, #tpu.memory_space<hbm>>
      tpu.enqueue_indirect_dma source(%dma_start3A_144 : memref<20000x128xf32, #tpu.memory_space<hbm>>) target(%arg16 : memref<160x128xf32, #tpu.memory_space<vmem>>) offsets(%arg10 : memref<160xi32, #tpu.memory_space<vmem>>) semaphore(%arg18 : memref<!tpu.dma_semaphore, #tpu.memory_space<semaphore_mem>>)
      %dma_start3A_145 = arith.constant 0 : i32
      %dma_start3A_146 = arith.constant 0 : i32
      %dma_start3A_147 = tpu.memref_slice %arg7[%dma_start3A_145, %dma_start3A_146] : memref<10000x128xf32, #tpu.memory_space<vmem_shared>> -> memref<10000x128xf32, #tpu.memory_space<vmem_shared>>
      tpu.enqueue_indirect_dma source(%arg17 : memref<160x128xf32, #tpu.memory_space<vmem>>) target(%dma_start3A_147 : memref<10000x128xf32, #tpu.memory_space<vmem_shared>>) offsets(%arg13 : memref<160xi32, #tpu.memory_space<vmem>>) semaphore(%arg21 : memref<!tpu.dma_semaphore, #tpu.memory_space<semaphore_mem>>) {add = true}
      %dma_wait3A_148 = arith.constant 0 : i32
      %dma_wait3A_149 = arith.constant 0 : i32
      %dma_wait3A_150 = tpu.memref_slice %arg7[%dma_wait3A_148, %dma_wait3A_149] : memref<10000x128xf32, #tpu.memory_space<vmem_shared>> -> memref<10000x128xf32, #tpu.memory_space<vmem_shared>>
      tpu.wait_indirect_dma semaphore(%arg21 : memref<!tpu.dma_semaphore, #tpu.memory_space<semaphore_mem>>) src(%arg17 : memref<160x128xf32, #tpu.memory_space<vmem>>) dst(%dma_wait3A_150 : memref<10000x128xf32, #tpu.memory_space<vmem_shared>>)
      %lt3A_151 = arith.constant 30 : i32
      %lt3A_152 = arith.cmpi slt, %scan3A_78, %lt3A_151 : i32
      %convert_element_type3A_153 = arith.extui %lt3A_152 : i1 to i32
      %cond3A_154 = arith.constant 0 : i32
      %cond3A_155 = arith.cmpi ne, %convert_element_type3A_153, %cond3A_154 : i32
      scf.if %cond3A_155 {
        %add3A_210 = arith.constant 5 : i32
        %add3A_211 = arith.addi %mul3A_80, %add3A_210 : i32
        %mul3A_212 = arith.constant 160 : i32
        %mul3A_213 = arith.muli %add3A_211, %mul3A_212 : i32
        %add3A_214 = arith.addi %add3A, %mul3A_213 : i32
        %multiple_of3A_215 = tpu.assume_multiple %add3A_214, 8 : i32
        %dma_start3A_216 = tpu.memref_slice %arg3[%multiple_of3A_215] : memref<640000xi32, #tpu.memory_space<hbm>> -> memref<160xi32, #tpu.memory_space<hbm>>
        %dma_start3A_217 = tpu.memref_slice %arg3[%multiple_of3A_215] : memref<640000xi32, #tpu.memory_space<hbm>> -> memref<160xi32, #tpu.memory_space<hbm>>
        tpu.enqueue_dma source(%dma_start3A_217 : memref<160xi32, #tpu.memory_space<hbm>>) target(%arg9 : memref<160xi32, #tpu.memory_space<vmem>>) target_semaphore(%arg23 : memref<!tpu.dma_semaphore, #tpu.memory_space<semaphore_mem>>)
        %mul3A_218 = arith.constant 160 : i32
        %mul3A_219 = arith.muli %add3A_211, %mul3A_218 : i32
        %add3A_220 = arith.addi %mul3A_12, %mul3A_219 : i32
        %multiple_of3A_221 = tpu.assume_multiple %add3A_220, 8 : i32
        %dma_start3A_222 = tpu.memref_slice %arg4[%multiple_of3A_221] : memref<320000xi32, #tpu.memory_space<hbm>> -> memref<160xi32, #tpu.memory_space<hbm>>
        %dma_start3A_223 = tpu.memref_slice %arg4[%multiple_of3A_221] : memref<320000xi32, #tpu.memory_space<hbm>> -> memref<160xi32, #tpu.memory_space<hbm>>
        tpu.enqueue_dma source(%dma_start3A_223 : memref<160xi32, #tpu.memory_space<hbm>>) target(%arg13 : memref<160xi32, #tpu.memory_space<vmem>>) target_semaphore(%arg23 : memref<!tpu.dma_semaphore, #tpu.memory_space<semaphore_mem>>)
      } else {
      }
      %add3A_156 = arith.constant 3 : i32
      %add3A_157 = arith.addi %mul3A_80, %add3A_156 : i32
      %mul3A_158 = arith.constant 160 : i32
      %mul3A_159 = arith.muli %add3A_157, %mul3A_158 : i32
      %add3A_160 = arith.addi %add3A, %mul3A_159 : i32
      %multiple_of3A_161 = tpu.assume_multiple %add3A_160, 8 : i32
      %dma_wait3A_162 = tpu.memref_slice %arg3[%multiple_of3A_161] : memref<640000xi32, #tpu.memory_space<hbm>> -> memref<160xi32, #tpu.memory_space<hbm>>
      %dma_wait3A_163 = tpu.memref_slice %arg3[%multiple_of3A_161] : memref<640000xi32, #tpu.memory_space<hbm>> -> memref<160xi32, #tpu.memory_space<hbm>>
      tpu.wait_dma2 semaphore(%arg25 : memref<!tpu.dma_semaphore, #tpu.memory_space<semaphore_mem>>) src(%dma_wait3A_163 : memref<160xi32, #tpu.memory_space<hbm>>) dst(%arg11 : memref<160xi32, #tpu.memory_space<vmem>>)
      %mul3A_164 = arith.constant 160 : i32
      %mul3A_165 = arith.muli %add3A_157, %mul3A_164 : i32
      %add3A_166 = arith.addi %mul3A_12, %mul3A_165 : i32
      %multiple_of3A_167 = tpu.assume_multiple %add3A_166, 8 : i32
      %dma_wait3A_168 = tpu.memref_slice %arg4[%multiple_of3A_167] : memref<320000xi32, #tpu.memory_space<hbm>> -> memref<160xi32, #tpu.memory_space<hbm>>
      %dma_wait3A_169 = tpu.memref_slice %arg4[%multiple_of3A_167] : memref<320000xi32, #tpu.memory_space<hbm>> -> memref<160xi32, #tpu.memory_space<hbm>>
      tpu.wait_dma2 semaphore(%arg25 : memref<!tpu.dma_semaphore, #tpu.memory_space<semaphore_mem>>) src(%dma_wait3A_169 : memref<160xi32, #tpu.memory_space<hbm>>) dst(%arg15 : memref<160xi32, #tpu.memory_space<vmem>>)
      %dma_wait3A_170 = arith.constant 0 : i32
      %dma_wait3A_171 = arith.constant 0 : i32
      %dma_wait3A_172 = tpu.memref_slice %arg2[%dma_wait3A_170, %dma_wait3A_171] : memref<20000x128xf32, #tpu.memory_space<hbm>> -> memref<20000x128xf32, #tpu.memory_space<hbm>>
      tpu.wait_indirect_dma semaphore(%arg18 : memref<!tpu.dma_semaphore, #tpu.memory_space<semaphore_mem>>) src(%dma_wait3A_172 : memref<20000x128xf32, #tpu.memory_space<hbm>>) dst(%arg16 : memref<160x128xf32, #tpu.memory_space<vmem>>)
      %dma_start3A_173 = arith.constant 0 : i32
      %dma_start3A_174 = arith.constant 0 : i32
      %dma_start3A_175 = tpu.memref_slice %arg2[%dma_start3A_173, %dma_start3A_174] : memref<20000x128xf32, #tpu.memory_space<hbm>> -> memref<20000x128xf32, #tpu.memory_space<hbm>>
      tpu.enqueue_indirect_dma source(%dma_start3A_175 : memref<20000x128xf32, #tpu.memory_space<hbm>>) target(%arg17 : memref<160x128xf32, #tpu.memory_space<vmem>>) offsets(%arg11 : memref<160xi32, #tpu.memory_space<vmem>>) semaphore(%arg19 : memref<!tpu.dma_semaphore, #tpu.memory_space<semaphore_mem>>)
      %dma_start3A_176 = arith.constant 0 : i32
      %dma_start3A_177 = arith.constant 0 : i32
      %dma_start3A_178 = tpu.memref_slice %arg7[%dma_start3A_176, %dma_start3A_177] : memref<10000x128xf32, #tpu.memory_space<vmem_shared>> -> memref<10000x128xf32, #tpu.memory_space<vmem_shared>>
      tpu.enqueue_indirect_dma source(%arg16 : memref<160x128xf32, #tpu.memory_space<vmem>>) target(%dma_start3A_178 : memref<10000x128xf32, #tpu.memory_space<vmem_shared>>) offsets(%arg14 : memref<160xi32, #tpu.memory_space<vmem>>) semaphore(%arg20 : memref<!tpu.dma_semaphore, #tpu.memory_space<semaphore_mem>>) {add = true}
      %dma_wait3A_179 = arith.constant 0 : i32
      %dma_wait3A_180 = arith.constant 0 : i32
      %dma_wait3A_181 = tpu.memref_slice %arg7[%dma_wait3A_179, %dma_wait3A_180] : memref<10000x128xf32, #tpu.memory_space<vmem_shared>> -> memref<10000x128xf32, #tpu.memory_space<vmem_shared>>
      tpu.wait_indirect_dma semaphore(%arg20 : memref<!tpu.dma_semaphore, #tpu.memory_space<semaphore_mem>>) src(%arg16 : memref<160x128xf32, #tpu.memory_space<vmem>>) dst(%dma_wait3A_181 : memref<10000x128xf32, #tpu.memory_space<vmem_shared>>)
      %lt3A_182 = arith.constant 30 : i32
      %lt3A_183 = arith.cmpi slt, %scan3A_78, %lt3A_182 : i32
      %convert_element_type3A_184 = arith.extui %lt3A_183 : i1 to i32
      %cond3A_185 = arith.constant 0 : i32
      %cond3A_186 = arith.cmpi ne, %convert_element_type3A_184, %cond3A_185 : i32
      scf.if %cond3A_186 {
        %add3A_210 = arith.constant 6 : i32
        %add3A_211 = arith.addi %mul3A_80, %add3A_210 : i32
        %mul3A_212 = arith.constant 160 : i32
        %mul3A_213 = arith.muli %add3A_211, %mul3A_212 : i32
        %add3A_214 = arith.addi %add3A, %mul3A_213 : i32
        %multiple_of3A_215 = tpu.assume_multiple %add3A_214, 8 : i32
        %dma_start3A_216 = tpu.memref_slice %arg3[%multiple_of3A_215] : memref<640000xi32, #tpu.memory_space<hbm>> -> memref<160xi32, #tpu.memory_space<hbm>>
        %dma_start3A_217 = tpu.memref_slice %arg3[%multiple_of3A_215] : memref<640000xi32, #tpu.memory_space<hbm>> -> memref<160xi32, #tpu.memory_space<hbm>>
        tpu.enqueue_dma source(%dma_start3A_217 : memref<160xi32, #tpu.memory_space<hbm>>) target(%arg10 : memref<160xi32, #tpu.memory_space<vmem>>) target_semaphore(%arg24 : memref<!tpu.dma_semaphore, #tpu.memory_space<semaphore_mem>>)
        %mul3A_218 = arith.constant 160 : i32
        %mul3A_219 = arith.muli %add3A_211, %mul3A_218 : i32
        %add3A_220 = arith.addi %mul3A_12, %mul3A_219 : i32
        %multiple_of3A_221 = tpu.assume_multiple %add3A_220, 8 : i32
        %dma_start3A_222 = tpu.memref_slice %arg4[%multiple_of3A_221] : memref<320000xi32, #tpu.memory_space<hbm>> -> memref<160xi32, #tpu.memory_space<hbm>>
        %dma_start3A_223 = tpu.memref_slice %arg4[%multiple_of3A_221] : memref<320000xi32, #tpu.memory_space<hbm>> -> memref<160xi32, #tpu.memory_space<hbm>>
        tpu.enqueue_dma source(%dma_start3A_223 : memref<160xi32, #tpu.memory_space<hbm>>) target(%arg14 : memref<160xi32, #tpu.memory_space<vmem>>) target_semaphore(%arg24 : memref<!tpu.dma_semaphore, #tpu.memory_space<semaphore_mem>>)
      } else {
      }
      %add3A_187 = arith.constant 4 : i32
      %add3A_188 = arith.addi %mul3A_80, %add3A_187 : i32
      %mul3A_189 = arith.constant 160 : i32
      %mul3A_190 = arith.muli %add3A_188, %mul3A_189 : i32
      %add3A_191 = arith.addi %add3A, %mul3A_190 : i32
      %multiple_of3A_192 = tpu.assume_multiple %add3A_191, 8 : i32
      %dma_wait3A_193 = tpu.memref_slice %arg3[%multiple_of3A_192] : memref<640000xi32, #tpu.memory_space<hbm>> -> memref<160xi32, #tpu.memory_space<hbm>>
      %dma_wait3A_194 = tpu.memref_slice %arg3[%multiple_of3A_192] : memref<640000xi32, #tpu.memory_space<hbm>> -> memref<160xi32, #tpu.memory_space<hbm>>
      tpu.wait_dma2 semaphore(%arg22 : memref<!tpu.dma_semaphore, #tpu.memory_space<semaphore_mem>>) src(%dma_wait3A_194 : memref<160xi32, #tpu.memory_space<hbm>>) dst(%arg8 : memref<160xi32, #tpu.memory_space<vmem>>)
      %mul3A_195 = arith.constant 160 : i32
      %mul3A_196 = arith.muli %add3A_188, %mul3A_195 : i32
      %add3A_197 = arith.addi %mul3A_12, %mul3A_196 : i32
      %multiple_of3A_198 = tpu.assume_multiple %add3A_197, 8 : i32
      %dma_wait3A_199 = tpu.memref_slice %arg4[%multiple_of3A_198] : memref<320000xi32, #tpu.memory_space<hbm>> -> memref<160xi32, #tpu.memory_space<hbm>>
      %dma_wait3A_200 = tpu.memref_slice %arg4[%multiple_of3A_198] : memref<320000xi32, #tpu.memory_space<hbm>> -> memref<160xi32, #tpu.memory_space<hbm>>
      tpu.wait_dma2 semaphore(%arg22 : memref<!tpu.dma_semaphore, #tpu.memory_space<semaphore_mem>>) src(%dma_wait3A_200 : memref<160xi32, #tpu.memory_space<hbm>>) dst(%arg12 : memref<160xi32, #tpu.memory_space<vmem>>)
      %dma_wait3A_201 = arith.constant 0 : i32
      %dma_wait3A_202 = arith.constant 0 : i32
      %dma_wait3A_203 = tpu.memref_slice %arg2[%dma_wait3A_201, %dma_wait3A_202] : memref<20000x128xf32, #tpu.memory_space<hbm>> -> memref<20000x128xf32, #tpu.memory_space<hbm>>
      tpu.wait_indirect_dma semaphore(%arg19 : memref<!tpu.dma_semaphore, #tpu.memory_space<semaphore_mem>>) src(%dma_wait3A_203 : memref<20000x128xf32, #tpu.memory_space<hbm>>) dst(%arg17 : memref<160x128xf32, #tpu.memory_space<vmem>>)
      %dma_start3A_204 = arith.constant 0 : i32
      %dma_start3A_205 = arith.constant 0 : i32
      %dma_start3A_206 = tpu.memref_slice %arg7[%dma_start3A_204, %dma_start3A_205] : memref<10000x128xf32, #tpu.memory_space<vmem_shared>> -> memref<10000x128xf32, #tpu.memory_space<vmem_shared>>
      tpu.enqueue_indirect_dma source(%arg17 : memref<160x128xf32, #tpu.memory_space<vmem>>) target(%dma_start3A_206 : memref<10000x128xf32, #tpu.memory_space<vmem_shared>>) offsets(%arg15 : memref<160xi32, #tpu.memory_space<vmem>>) semaphore(%arg21 : memref<!tpu.dma_semaphore, #tpu.memory_space<semaphore_mem>>) {add = true}
      %dma_start3A_207 = arith.constant 0 : i32
      %dma_start3A_208 = arith.constant 0 : i32
      %dma_start3A_209 = tpu.memref_slice %arg2[%dma_start3A_207, %dma_start3A_208] : memref<20000x128xf32, #tpu.memory_space<hbm>> -> memref<20000x128xf32, #tpu.memory_space<hbm>>
      tpu.enqueue_indirect_dma source(%dma_start3A_209 : memref<20000x128xf32, #tpu.memory_space<hbm>>) target(%arg16 : memref<160x128xf32, #tpu.memory_space<vmem>>) offsets(%arg8 : memref<160xi32, #tpu.memory_space<vmem>>) semaphore(%arg18 : memref<!tpu.dma_semaphore, #tpu.memory_space<semaphore_mem>>)
    }
    %scan3A_55 = arith.constant 31 : i32
    %dma_wait3A = arith.constant 0 : i32
    %dma_wait3A_56 = arith.constant 0 : i32
    %dma_wait3A_57 = tpu.memref_slice %arg2[%dma_wait3A, %dma_wait3A_56] : memref<20000x128xf32, #tpu.memory_space<hbm>> -> memref<20000x128xf32, #tpu.memory_space<hbm>>
    tpu.wait_indirect_dma semaphore(%arg18 : memref<!tpu.dma_semaphore, #tpu.memory_space<semaphore_mem>>) src(%dma_wait3A_57 : memref<20000x128xf32, #tpu.memory_space<hbm>>) dst(%arg16 : memref<160x128xf32, #tpu.memory_space<vmem>>)
    %dma_start3A_58 = arith.constant 0 : i32
    %dma_start3A_59 = arith.constant 0 : i32
    %dma_start3A_60 = tpu.memref_slice %arg7[%dma_start3A_58, %dma_start3A_59] : memref<10000x128xf32, #tpu.memory_space<vmem_shared>> -> memref<10000x128xf32, #tpu.memory_space<vmem_shared>>
    tpu.enqueue_indirect_dma source(%arg16 : memref<160x128xf32, #tpu.memory_space<vmem>>) target(%dma_start3A_60 : memref<10000x128xf32, #tpu.memory_space<vmem_shared>>) offsets(%arg12 : memref<160xi32, #tpu.memory_space<vmem>>) semaphore(%arg20 : memref<!tpu.dma_semaphore, #tpu.memory_space<semaphore_mem>>) {add = true}
    %dma_wait3A_61 = arith.constant 0 : i32
    %dma_wait3A_62 = arith.constant 0 : i32
    %dma_wait3A_63 = tpu.memref_slice %arg7[%dma_wait3A_61, %dma_wait3A_62] : memref<10000x128xf32, #tpu.memory_space<vmem_shared>> -> memref<10000x128xf32, #tpu.memory_space<vmem_shared>>
    tpu.wait_indirect_dma semaphore(%arg21 : memref<!tpu.dma_semaphore, #tpu.memory_space<semaphore_mem>>) src(%arg17 : memref<160x128xf32, #tpu.memory_space<vmem>>) dst(%dma_wait3A_63 : memref<10000x128xf32, #tpu.memory_space<vmem_shared>>)
    %dma_wait3A_64 = arith.constant 0 : i32
    %dma_wait3A_65 = arith.constant 0 : i32
    %dma_wait3A_66 = tpu.memref_slice %arg7[%dma_wait3A_64, %dma_wait3A_65] : memref<10000x128xf32, #tpu.memory_space<vmem_shared>> -> memref<10000x128xf32, #tpu.memory_space<vmem_shared>>
    tpu.wait_indirect_dma semaphore(%arg20 : memref<!tpu.dma_semaphore, #tpu.memory_space<semaphore_mem>>) src(%arg16 : memref<160x128xf32, #tpu.memory_space<vmem>>) dst(%dma_wait3A_66 : memref<10000x128xf32, #tpu.memory_space<vmem_shared>>)
    %barrier3A_67 = arith.constant 0 : index
    tpu.barrier barrier_id(%barrier3A_67)
    %lt3A_68 = arith.constant 15 : i32
    %lt3A_69 = arith.cmpi slt, %arg1, %lt3A_68 : i32
    %convert_element_type3A_70 = arith.extui %lt3A_69 : i1 to i32
    %cond3A_71 = arith.constant 0 : i32
    %cond3A_72 = arith.cmpi ne, %convert_element_type3A_70, %cond3A_71 : i32
    scf.if %cond3A_72 {
      "tpu.region"() ({
        %run_scoped3A = tpu.sem_alloc : memref<!tpu.dma_semaphore, #tpu.memory_space<semaphore_mem>>
        %dma_start3A_78 = arith.constant 0 : i32
        %dma_start3A_79 = tpu.memref_slice %arg6[%arg0, %multiple_of3A, %dma_start3A_78] : memref<2x10000x128xf32, #tpu.memory_space<hbm>> -> memref<1x624x128xf32, #tpu.memory_space<hbm>>
        %dma_start3A_80 = tpu.memref_squeeze %dma_start3A_79 : memref<1x624x128xf32, #tpu.memory_space<hbm>> -> memref<624x128xf32, #tpu.memory_space<hbm>>
        %dma_start3A_81 = arith.constant 0 : i32
        %dma_start3A_82 = tpu.memref_slice %arg7[%multiple_of3A, %dma_start3A_81] : memref<10000x128xf32, #tpu.memory_space<vmem_shared>> -> memref<624x128xf32, #tpu.memory_space<vmem_shared>>
        tpu.enqueue_dma source(%dma_start3A_82 : memref<624x128xf32, #tpu.memory_space<vmem_shared>>) target(%dma_start3A_80 : memref<624x128xf32, #tpu.memory_space<hbm>>) target_semaphore(%run_scoped3A : memref<!tpu.dma_semaphore, #tpu.memory_space<semaphore_mem>>)
        %dma_wait3A_83 = arith.constant 0 : i32
        %dma_wait3A_84 = tpu.memref_slice %arg6[%arg0, %multiple_of3A, %dma_wait3A_83] : memref<2x10000x128xf32, #tpu.memory_space<hbm>> -> memref<1x624x128xf32, #tpu.memory_space<hbm>>
        %dma_wait3A_85 = tpu.memref_squeeze %dma_wait3A_84 : memref<1x624x128xf32, #tpu.memory_space<hbm>> -> memref<624x128xf32, #tpu.memory_space<hbm>>
        %dma_wait3A_86 = arith.constant 0 : i32
        %dma_wait3A_87 = tpu.memref_slice %arg7[%multiple_of3A, %dma_wait3A_86] : memref<10000x128xf32, #tpu.memory_space<vmem_shared>> -> memref<624x128xf32, #tpu.memory_space<vmem_shared>>
        tpu.wait_dma2 semaphore(%run_scoped3A : memref<!tpu.dma_semaphore, #tpu.memory_space<semaphore_mem>>) src(%dma_wait3A_87 : memref<624x128xf32, #tpu.memory_space<vmem_shared>>) dst(%dma_wait3A_85 : memref<624x128xf32, #tpu.memory_space<hbm>>)
        tpu.yield
      }) : () -> ()
    } else {
    }
    %eq3A_73 = arith.constant 15 : i32
    %eq3A_74 = arith.cmpi eq, %arg1, %eq3A_73 : i32
    %convert_element_type3A_75 = arith.extui %eq3A_74 : i1 to i32
    %cond3A_76 = arith.constant 0 : i32
    %cond3A_77 = arith.cmpi ne, %convert_element_type3A_75, %cond3A_76 : i32
    scf.if %cond3A_77 {
      "tpu.region"() ({
        %run_scoped3A = tpu.sem_alloc : memref<!tpu.dma_semaphore, #tpu.memory_space<semaphore_mem>>
        %dma_start3A_78 = arith.constant 9360 : i32
        %dma_start3A_79 = arith.constant 0 : i32
        %dma_start3A_80 = tpu.memref_slice %arg6[%arg0, %dma_start3A_78, %dma_start3A_79] : memref<2x10000x128xf32, #tpu.memory_space<hbm>> -> memref<1x640x128xf32, #tpu.memory_space<hbm>>
        %dma_start3A_81 = tpu.memref_squeeze %dma_start3A_80 : memref<1x640x128xf32, #tpu.memory_space<hbm>> -> memref<640x128xf32, #tpu.memory_space<hbm>>
        %dma_start3A_82 = arith.constant 9360 : i32
        %dma_start3A_83 = arith.constant 0 : i32
        %dma_start3A_84 = tpu.memref_slice %arg7[%dma_start3A_82, %dma_start3A_83] : memref<10000x128xf32, #tpu.memory_space<vmem_shared>> -> memref<640x128xf32, #tpu.memory_space<vmem_shared>>
        tpu.enqueue_dma source(%dma_start3A_84 : memref<640x128xf32, #tpu.memory_space<vmem_shared>>) target(%dma_start3A_81 : memref<640x128xf32, #tpu.memory_space<hbm>>) target_semaphore(%run_scoped3A : memref<!tpu.dma_semaphore, #tpu.memory_space<semaphore_mem>>)
        %dma_wait3A_85 = arith.constant 9360 : i32
        %dma_wait3A_86 = arith.constant 0 : i32
        %dma_wait3A_87 = tpu.memref_slice %arg6[%arg0, %dma_wait3A_85, %dma_wait3A_86] : memref<2x10000x128xf32, #tpu.memory_space<hbm>> -> memref<1x640x128xf32, #tpu.memory_space<hbm>>
        %dma_wait3A_88 = tpu.memref_squeeze %dma_wait3A_87 : memref<1x640x128xf32, #tpu.memory_space<hbm>> -> memref<640x128xf32, #tpu.memory_space<hbm>>
        %dma_wait3A_89 = arith.constant 9360 : i32
        %dma_wait3A_90 = arith.constant 0 : i32
        %dma_wait3A_91 = tpu.memref_slice %arg7[%dma_wait3A_89, %dma_wait3A_90] : memref<10000x128xf32, #tpu.memory_space<vmem_shared>> -> memref<640x128xf32, #tpu.memory_space<vmem_shared>>
        tpu.wait_dma2 semaphore(%run_scoped3A : memref<!tpu.dma_semaphore, #tpu.memory_space<semaphore_mem>>) src(%dma_wait3A_91 : memref<640x128xf32, #tpu.memory_space<vmem_shared>>) dst(%dma_wait3A_88 : memref<640x128xf32, #tpu.memory_space<hbm>>)
        tpu.yield
      }) : () -> ()
    } else {
    }
    return
  }
}

#map = affine_map<(d0, d1) -> (0, 0)>
#map1 = affine_map<(d0, d1) -> (0)>
#map2 = affine_map<(d0, d1) -> (0, 0, 0)>
module attributes {stable_mosaic.version = 14 : i64} {
  func.func @_agg_body(%arg0: i32, %arg1: i32, %arg2: memref<20000x128xf32, #tpu.memory_space<hbm>>, %arg3: memref<640000xi32, #tpu.memory_space<hbm>>, %arg4: memref<320000xi32, #tpu.memory_space<hbm>>, %arg5: memref<640x128xf32, #tpu.memory_space<hbm>>, %arg6: memref<2x10000x128xf32, #tpu.memory_space<hbm>>, %arg7: memref<10000x128xf32, #tpu.memory_space<vmem_shared>>, %arg8: memref<160xi32, #tpu.memory_space<vmem>>, %arg9: memref<160xi32, #tpu.memory_space<vmem>>, %arg10: memref<160xi32, #tpu.memory_space<vmem>>, %arg11: memref<160xi32, #tpu.memory_space<vmem>>, %arg12: memref<160xi32, #tpu.memory_space<vmem>>, %arg13: memref<160xi32, #tpu.memory_space<vmem>>, %arg14: memref<160xi32, #tpu.memory_space<vmem>>, %arg15: memref<160xi32, #tpu.memory_space<vmem>>, %arg16: memref<160x128xf32, #tpu.memory_space<vmem>>, %arg17: memref<160x128xf32, #tpu.memory_space<vmem>>, %arg18: memref<!tpu.dma_semaphore, #tpu.memory_space<semaphore_mem>>, %arg19: memref<!tpu.dma_semaphore, #tpu.memory_space<semaphore_mem>>, %arg20: memref<!tpu.dma_semaphore, #tpu.memory_space<semaphore_mem>>, %arg21: memref<!tpu.dma_semaphore, #tpu.memory_space<semaphore_mem>>, %arg22: memref<!tpu.dma_semaphore, #tpu.memory_space<semaphore_mem>>, %arg23: memref<!tpu.dma_semaphore, #tpu.memory_space<semaphore_mem>>, %arg24: memref<!tpu.dma_semaphore, #tpu.memory_space<semaphore_mem>>, %arg25: memref<!tpu.dma_semaphore, #tpu.memory_space<semaphore_mem>>) attributes {dimension_semantics = [#tpu.dimension_semantics<core_parallel>, #tpu.dimension_semantics<subcore_parallel>], iteration_bounds = array<i64: 2, 16>, scalar_prefetch = 0 : i64, scratch_operands = 19 : i64, tpu.core_type = #tpu.core_type<sc_vector_subcore>, window_params = [{transform_indices = #map}, {transform_indices = #map1}, {transform_indices = #map1}, {transform_indices = #map}, {transform_indices = #map2}]} {
    %mul3A = arith.constant 624 : i32
    %mul3A_0 = arith.muli %arg1, %mul3A : i32
    %multiple_of3A = tpu.assume_multiple %mul3A_0, 8 : i32
    %lt3A = arith.constant 15 : i32
    %lt3A_1 = arith.cmpi slt, %arg1, %lt3A : i32
    %convert_element_type3A = arith.extui %lt3A_1 : i1 to i32
    %cond3A = arith.constant 0 : i32
    %cond3A_2 = arith.cmpi ne, %convert_element_type3A, %cond3A : i32
    scf.if %cond3A_2 {
      "tpu.region"() ({
        %run_scoped3A = tpu.sem_alloc : memref<!tpu.dma_semaphore, #tpu.memory_space<semaphore_mem>>
        %dma_start3A_78 = arith.constant 0 : i32
        %dma_start3A_79 = tpu.memref_slice %arg7[%multiple_of3A, %dma_start3A_78] : memref<10000x128xf32, #tpu.memory_space<vmem_shared>> -> memref<624x128xf32, #tpu.memory_space<vmem_shared>>
        %dma_start3A_80 = arith.constant 0 : i32
        %dma_start3A_81 = arith.constant 0 : i32
        %dma_start3A_82 = tpu.memref_slice %arg5[%dma_start3A_80, %dma_start3A_81] : memref<640x128xf32, #tpu.memory_space<hbm>> -> memref<624x128xf32, #tpu.memory_space<hbm>>
        tpu.enqueue_dma source(%dma_start3A_82 : memref<624x128xf32, #tpu.memory_space<hbm>>) target(%dma_start3A_79 : memref<624x128xf32, #tpu.memory_space<vmem_shared>>) target_semaphore(%run_scoped3A : memref<!tpu.dma_semaphore, #tpu.memory_space<semaphore_mem>>)
        %dma_wait3A_83 = arith.constant 0 : i32
        %dma_wait3A_84 = tpu.memref_slice %arg7[%multiple_of3A, %dma_wait3A_83] : memref<10000x128xf32, #tpu.memory_space<vmem_shared>> -> memref<624x128xf32, #tpu.memory_space<vmem_shared>>
        %dma_wait3A_85 = arith.constant 0 : i32
        %dma_wait3A_86 = arith.constant 0 : i32
        %dma_wait3A_87 = tpu.memref_slice %arg5[%dma_wait3A_85, %dma_wait3A_86] : memref<640x128xf32, #tpu.memory_space<hbm>> -> memref<624x128xf32, #tpu.memory_space<hbm>>
        tpu.wait_dma2 semaphore(%run_scoped3A : memref<!tpu.dma_semaphore, #tpu.memory_space<semaphore_mem>>) src(%dma_wait3A_87 : memref<624x128xf32, #tpu.memory_space<hbm>>) dst(%dma_wait3A_84 : memref<624x128xf32, #tpu.memory_space<vmem_shared>>)
        tpu.yield
      }) : () -> ()
    } else {
    }
    %eq3A = arith.constant 15 : i32
    %eq3A_3 = arith.cmpi eq, %arg1, %eq3A : i32
    %convert_element_type3A_4 = arith.extui %eq3A_3 : i1 to i32
    %cond3A_5 = arith.constant 0 : i32
    %cond3A_6 = arith.cmpi ne, %convert_element_type3A_4, %cond3A_5 : i32
    scf.if %cond3A_6 {
      "tpu.region"() ({
        %run_scoped3A = tpu.sem_alloc : memref<!tpu.dma_semaphore, #tpu.memory_space<semaphore_mem>>
        %dma_start3A_78 = arith.constant 9360 : i32
        %dma_start3A_79 = arith.constant 0 : i32
        %dma_start3A_80 = tpu.memref_slice %arg7[%dma_start3A_78, %dma_start3A_79] : memref<10000x128xf32, #tpu.memory_space<vmem_shared>> -> memref<640x128xf32, #tpu.memory_space<vmem_shared>>
        tpu.enqueue_dma source(%arg5 : memref<640x128xf32, #tpu.memory_space<hbm>>) target(%dma_start3A_80 : memref<640x128xf32, #tpu.memory_space<vmem_shared>>) target_semaphore(%run_scoped3A : memref<!tpu.dma_semaphore, #tpu.memory_space<semaphore_mem>>)
        %dma_wait3A_81 = arith.constant 9360 : i32
        %dma_wait3A_82 = arith.constant 0 : i32
        %dma_wait3A_83 = tpu.memref_slice %arg7[%dma_wait3A_81, %dma_wait3A_82] : memref<10000x128xf32, #tpu.memory_space<vmem_shared>> -> memref<640x128xf32, #tpu.memory_space<vmem_shared>>
        tpu.wait_dma2 semaphore(%run_scoped3A : memref<!tpu.dma_semaphore, #tpu.memory_space<semaphore_mem>>) src(%arg5 : memref<640x128xf32, #tpu.memory_space<hbm>>) dst(%dma_wait3A_83 : memref<640x128xf32, #tpu.memory_space<vmem_shared>>)
        tpu.yield
      }) : () -> ()
    } else {
    }
    %barrier3A = arith.constant 0 : index
    tpu.barrier barrier_id(%barrier3A)
    %mul3A_7 = arith.constant 320000 : i32
    %mul3A_8 = arith.muli %arg0, %mul3A_7 : i32
    %mul3A_9 = arith.constant 20000 : i32
    %mul3A_10 = arith.muli %arg1, %mul3A_9 : i32
    %add3A = arith.addi %mul3A_8, %mul3A_10 : i32
    %mul3A_11 = arith.constant 20000 : i32
    %mul3A_12 = arith.muli %arg1, %mul3A_11 : i32
    %add3A_13 = arith.constant 0 : i32
    %add3A_14 = arith.addi %add3A, %add3A_13 : i32
    %multiple_of3A_15 = tpu.assume_multiple %add3A_14, 8 : i32
    "tpu.region"() ({
      %run_scoped3A = tpu.sem_alloc : memref<!tpu.dma_semaphore, #tpu.memory_space<semaphore_mem>>
      %dma_start3A_78 = tpu.memref_slice %arg3[%multiple_of3A_15] : memref<640000xi32, #tpu.memory_space<hbm>> -> memref<160xi32, #tpu.memory_space<hbm>>
      %dma_start3A_79 = tpu.memref_slice %arg3[%multiple_of3A_15] : memref<640000xi32, #tpu.memory_space<hbm>> -> memref<160xi32, #tpu.memory_space<hbm>>
      tpu.enqueue_dma source(%dma_start3A_79 : memref<160xi32, #tpu.memory_space<hbm>>) target(%arg8 : memref<160xi32, #tpu.memory_space<vmem>>) target_semaphore(%run_scoped3A : memref<!tpu.dma_semaphore, #tpu.memory_space<semaphore_mem>>)
      %dma_wait3A_80 = tpu.memref_slice %arg3[%multiple_of3A_15] : memref<640000xi32, #tpu.memory_space<hbm>> -> memref<160xi32, #tpu.memory_space<hbm>>
      %dma_wait3A_81 = tpu.memref_slice %arg3[%multiple_of3A_15] : memref<640000xi32, #tpu.memory_space<hbm>> -> memref<160xi32, #tpu.memory_space<hbm>>
      tpu.wait_dma2 semaphore(%run_scoped3A : memref<!tpu.dma_semaphore, #tpu.memory_space<semaphore_mem>>) src(%dma_wait3A_81 : memref<160xi32, #tpu.memory_space<hbm>>) dst(%arg8 : memref<160xi32, #tpu.memory_space<vmem>>)
      tpu.yield
    }) : () -> ()
    %add3A_16 = arith.constant 0 : i32
    %add3A_17 = arith.addi %mul3A_12, %add3A_16 : i32
    %multiple_of3A_18 = tpu.assume_multiple %add3A_17, 8 : i32
    "tpu.region"() ({
      %run_scoped3A = tpu.sem_alloc : memref<!tpu.dma_semaphore, #tpu.memory_space<semaphore_mem>>
      %dma_start3A_78 = tpu.memref_slice %arg4[%multiple_of3A_18] : memref<320000xi32, #tpu.memory_space<hbm>> -> memref<160xi32, #tpu.memory_space<hbm>>
      %dma_start3A_79 = tpu.memref_slice %arg4[%multiple_of3A_18] : memref<320000xi32, #tpu.memory_space<hbm>> -> memref<160xi32, #tpu.memory_space<hbm>>
      tpu.enqueue_dma source(%dma_start3A_79 : memref<160xi32, #tpu.memory_space<hbm>>) target(%arg12 : memref<160xi32, #tpu.memory_space<vmem>>) target_semaphore(%run_scoped3A : memref<!tpu.dma_semaphore, #tpu.memory_space<semaphore_mem>>)
      %dma_wait3A_80 = tpu.memref_slice %arg4[%multiple_of3A_18] : memref<320000xi32, #tpu.memory_space<hbm>> -> memref<160xi32, #tpu.memory_space<hbm>>
      %dma_wait3A_81 = tpu.memref_slice %arg4[%multiple_of3A_18] : memref<320000xi32, #tpu.memory_space<hbm>> -> memref<160xi32, #tpu.memory_space<hbm>>
      tpu.wait_dma2 semaphore(%run_scoped3A : memref<!tpu.dma_semaphore, #tpu.memory_space<semaphore_mem>>) src(%dma_wait3A_81 : memref<160xi32, #tpu.memory_space<hbm>>) dst(%arg12 : memref<160xi32, #tpu.memory_space<vmem>>)
      tpu.yield
    }) : () -> ()
    %add3A_19 = arith.constant 160 : i32
    %add3A_20 = arith.addi %add3A, %add3A_19 : i32
    %multiple_of3A_21 = tpu.assume_multiple %add3A_20, 8 : i32
    %dma_start3A = tpu.memref_slice %arg3[%multiple_of3A_21] : memref<640000xi32, #tpu.memory_space<hbm>> -> memref<160xi32, #tpu.memory_space<hbm>>
    %dma_start3A_22 = tpu.memref_slice %arg3[%multiple_of3A_21] : memref<640000xi32, #tpu.memory_space<hbm>> -> memref<160xi32, #tpu.memory_space<hbm>>
    tpu.enqueue_dma source(%dma_start3A_22 : memref<160xi32, #tpu.memory_space<hbm>>) target(%arg9 : memref<160xi32, #tpu.memory_space<vmem>>) target_semaphore(%arg23 : memref<!tpu.dma_semaphore, #tpu.memory_space<semaphore_mem>>)
    %add3A_23 = arith.constant 160 : i32
    %add3A_24 = arith.addi %mul3A_12, %add3A_23 : i32
    %multiple_of3A_25 = tpu.assume_multiple %add3A_24, 8 : i32
    %dma_start3A_26 = tpu.memref_slice %arg4[%multiple_of3A_25] : memref<320000xi32, #tpu.memory_space<hbm>> -> memref<160xi32, #tpu.memory_space<hbm>>
    %dma_start3A_27 = tpu.memref_slice %arg4[%multiple_of3A_25] : memref<320000xi32, #tpu.memory_space<hbm>> -> memref<160xi32, #tpu.memory_space<hbm>>
    tpu.enqueue_dma source(%dma_start3A_27 : memref<160xi32, #tpu.memory_space<hbm>>) target(%arg13 : memref<160xi32, #tpu.memory_space<vmem>>) target_semaphore(%arg23 : memref<!tpu.dma_semaphore, #tpu.memory_space<semaphore_mem>>)
    %add3A_28 = arith.constant 320 : i32
    %add3A_29 = arith.addi %add3A, %add3A_28 : i32
    %multiple_of3A_30 = tpu.assume_multiple %add3A_29, 8 : i32
    %dma_start3A_31 = tpu.memref_slice %arg3[%multiple_of3A_30] : memref<640000xi32, #tpu.memory_space<hbm>> -> memref<160xi32, #tpu.memory_space<hbm>>
    %dma_start3A_32 = tpu.memref_slice %arg3[%multiple_of3A_30] : memref<640000xi32, #tpu.memory_space<hbm>> -> memref<160xi32, #tpu.memory_space<hbm>>
    tpu.enqueue_dma source(%dma_start3A_32 : memref<160xi32, #tpu.memory_space<hbm>>) target(%arg10 : memref<160xi32, #tpu.memory_space<vmem>>) target_semaphore(%arg24 : memref<!tpu.dma_semaphore, #tpu.memory_space<semaphore_mem>>)
    %add3A_33 = arith.constant 320 : i32
    %add3A_34 = arith.addi %mul3A_12, %add3A_33 : i32
    %multiple_of3A_35 = tpu.assume_multiple %add3A_34, 8 : i32
    %dma_start3A_36 = tpu.memref_slice %arg4[%multiple_of3A_35] : memref<320000xi32, #tpu.memory_space<hbm>> -> memref<160xi32, #tpu.memory_space<hbm>>
    %dma_start3A_37 = tpu.memref_slice %arg4[%multiple_of3A_35] : memref<320000xi32, #tpu.memory_space<hbm>> -> memref<160xi32, #tpu.memory_space<hbm>>
    tpu.enqueue_dma source(%dma_start3A_37 : memref<160xi32, #tpu.memory_space<hbm>>) target(%arg14 : memref<160xi32, #tpu.memory_space<vmem>>) target_semaphore(%arg24 : memref<!tpu.dma_semaphore, #tpu.memory_space<semaphore_mem>>)
    %add3A_38 = arith.constant 480 : i32
    %add3A_39 = arith.addi %add3A, %add3A_38 : i32
    %multiple_of3A_40 = tpu.assume_multiple %add3A_39, 8 : i32
    %dma_start3A_41 = tpu.memref_slice %arg3[%multiple_of3A_40] : memref<640000xi32, #tpu.memory_space<hbm>> -> memref<160xi32, #tpu.memory_space<hbm>>
    %dma_start3A_42 = tpu.memref_slice %arg3[%multiple_of3A_40] : memref<640000xi32, #tpu.memory_space<hbm>> -> memref<160xi32, #tpu.memory_space<hbm>>
    tpu.enqueue_dma source(%dma_start3A_42 : memref<160xi32, #tpu.memory_space<hbm>>) target(%arg11 : memref<160xi32, #tpu.memory_space<vmem>>) target_semaphore(%arg25 : memref<!tpu.dma_semaphore, #tpu.memory_space<semaphore_mem>>)
    %add3A_43 = arith.constant 480 : i32
    %add3A_44 = arith.addi %mul3A_12, %add3A_43 : i32
    %multiple_of3A_45 = tpu.assume_multiple %add3A_44, 8 : i32
    %dma_start3A_46 = tpu.memref_slice %arg4[%multiple_of3A_45] : memref<320000xi32, #tpu.memory_space<hbm>> -> memref<160xi32, #tpu.memory_space<hbm>>
    %dma_start3A_47 = tpu.memref_slice %arg4[%multiple_of3A_45] : memref<320000xi32, #tpu.memory_space<hbm>> -> memref<160xi32, #tpu.memory_space<hbm>>
    tpu.enqueue_dma source(%dma_start3A_47 : memref<160xi32, #tpu.memory_space<hbm>>) target(%arg15 : memref<160xi32, #tpu.memory_space<vmem>>) target_semaphore(%arg25 : memref<!tpu.dma_semaphore, #tpu.memory_space<semaphore_mem>>)
    %dma_start3A_48 = arith.constant 0 : i32
    %dma_start3A_49 = arith.constant 0 : i32
    %dma_start3A_50 = tpu.memref_slice %arg2[%dma_start3A_48, %dma_start3A_49] : memref<20000x128xf32, #tpu.memory_space<hbm>> -> memref<20000x128xf32, #tpu.memory_space<hbm>>
    tpu.enqueue_indirect_dma source(%dma_start3A_50 : memref<20000x128xf32, #tpu.memory_space<hbm>>) target(%arg16 : memref<160x128xf32, #tpu.memory_space<vmem>>) offsets(%arg8 : memref<160xi32, #tpu.memory_space<vmem>>) semaphore(%arg18 : memref<!tpu.dma_semaphore, #tpu.memory_space<semaphore_mem>>)
    %scan3A = arith.constant 0 : i32
    %scan3A_51 = arith.constant 0 : i32
    %scan3A_52 = arith.constant 31 : i32
    %scan3A_53 = arith.addi %scan3A_51, %scan3A_52 : i32
    %scan3A_54 = arith.constant 1 : i32
    scf.for %scan3A_78 = %scan3A_51 to %scan3A_53 step %scan3A_54  : i32 {
      %mul3A_79 = arith.constant 4 : i32
      %mul3A_80 = arith.muli %mul3A_79, %scan3A_78 : i32
      %dma_wait3A_81 = arith.constant 0 : i32
      %dma_wait3A_82 = arith.constant 0 : i32
      %dma_wait3A_83 = tpu.memref_slice %arg2[%dma_wait3A_81, %dma_wait3A_82] : memref<20000x128xf32, #tpu.memory_space<hbm>> -> memref<20000x128xf32, #tpu.memory_space<hbm>>
      tpu.wait_indirect_dma semaphore(%arg18 : memref<!tpu.dma_semaphore, #tpu.memory_space<semaphore_mem>>) src(%dma_wait3A_83 : memref<20000x128xf32, #tpu.memory_space<hbm>>) dst(%arg16 : memref<160x128xf32, #tpu.memory_space<vmem>>)
      %gt3A = arith.constant 0 : i32
      %gt3A_84 = arith.cmpi sgt, %scan3A_78, %gt3A : i32
      %convert_element_type3A_85 = arith.extui %gt3A_84 : i1 to i32
      %cond3A_86 = arith.constant 0 : i32
      %cond3A_87 = arith.cmpi ne, %convert_element_type3A_85, %cond3A_86 : i32
      scf.if %cond3A_87 {
        %dma_wait3A_210 = arith.constant 0 : i32
        %dma_wait3A_211 = arith.constant 0 : i32
        %dma_wait3A_212 = tpu.memref_slice %arg7[%dma_wait3A_210, %dma_wait3A_211] : memref<10000x128xf32, #tpu.memory_space<vmem_shared>> -> memref<10000x128xf32, #tpu.memory_space<vmem_shared>>
        tpu.wait_indirect_dma semaphore(%arg21 : memref<!tpu.dma_semaphore, #tpu.memory_space<semaphore_mem>>) src(%arg17 : memref<160x128xf32, #tpu.memory_space<vmem>>) dst(%dma_wait3A_212 : memref<10000x128xf32, #tpu.memory_space<vmem_shared>>)
        %add3A_213 = arith.constant 3 : i32
        %add3A_214 = arith.addi %mul3A_80, %add3A_213 : i32
        %mul3A_215 = arith.constant 160 : i32
        %mul3A_216 = arith.muli %add3A_214, %mul3A_215 : i32
        %add3A_217 = arith.addi %add3A, %mul3A_216 : i32
        %multiple_of3A_218 = tpu.assume_multiple %add3A_217, 8 : i32
        %dma_start3A_219 = tpu.memref_slice %arg3[%multiple_of3A_218] : memref<640000xi32, #tpu.memory_space<hbm>> -> memref<160xi32, #tpu.memory_space<hbm>>
        %dma_start3A_220 = tpu.memref_slice %arg3[%multiple_of3A_218] : memref<640000xi32, #tpu.memory_space<hbm>> -> memref<160xi32, #tpu.memory_space<hbm>>
        tpu.enqueue_dma source(%dma_start3A_220 : memref<160xi32, #tpu.memory_space<hbm>>) target(%arg11 : memref<160xi32, #tpu.memory_space<vmem>>) target_semaphore(%arg25 : memref<!tpu.dma_semaphore, #tpu.memory_space<semaphore_mem>>)
        %mul3A_221 = arith.constant 160 : i32
        %mul3A_222 = arith.muli %add3A_214, %mul3A_221 : i32
        %add3A_223 = arith.addi %mul3A_12, %mul3A_222 : i32
        %multiple_of3A_224 = tpu.assume_multiple %add3A_223, 8 : i32
        %dma_start3A_225 = tpu.memref_slice %arg4[%multiple_of3A_224] : memref<320000xi32, #tpu.memory_space<hbm>> -> memref<160xi32, #tpu.memory_space<hbm>>
        %dma_start3A_226 = tpu.memref_slice %arg4[%multiple_of3A_224] : memref<320000xi32, #tpu.memory_space<hbm>> -> memref<160xi32, #tpu.memory_space<hbm>>
        tpu.enqueue_dma source(%dma_start3A_226 : memref<160xi32, #tpu.memory_space<hbm>>) target(%arg15 : memref<160xi32, #tpu.memory_space<vmem>>) target_semaphore(%arg25 : memref<!tpu.dma_semaphore, #tpu.memory_space<semaphore_mem>>)
      } else {
      }
      %add3A_88 = arith.constant 1 : i32
      %add3A_89 = arith.addi %mul3A_80, %add3A_88 : i32
      %mul3A_90 = arith.constant 160 : i32
      %mul3A_91 = arith.muli %add3A_89, %mul3A_90 : i32
      %add3A_92 = arith.addi %add3A, %mul3A_91 : i32
      %multiple_of3A_93 = tpu.assume_multiple %add3A_92, 8 : i32
      %dma_wait3A_94 = tpu.memref_slice %arg3[%multiple_of3A_93] : memref<640000xi32, #tpu.memory_space<hbm>> -> memref<160xi32, #tpu.memory_space<hbm>>
      %dma_wait3A_95 = tpu.memref_slice %arg3[%multiple_of3A_93] : memref<640000xi32, #tpu.memory_space<hbm>> -> memref<160xi32, #tpu.memory_space<hbm>>
      tpu.wait_dma2 semaphore(%arg23 : memref<!tpu.dma_semaphore, #tpu.memory_space<semaphore_mem>>) src(%dma_wait3A_95 : memref<160xi32, #tpu.memory_space<hbm>>) dst(%arg9 : memref<160xi32, #tpu.memory_space<vmem>>)
      %mul3A_96 = arith.constant 160 : i32
      %mul3A_97 = arith.muli %add3A_89, %mul3A_96 : i32
      %add3A_98 = arith.addi %mul3A_12, %mul3A_97 : i32
      %multiple_of3A_99 = tpu.assume_multiple %add3A_98, 8 : i32
      %dma_wait3A_100 = tpu.memref_slice %arg4[%multiple_of3A_99] : memref<320000xi32, #tpu.memory_space<hbm>> -> memref<160xi32, #tpu.memory_space<hbm>>
      %dma_wait3A_101 = tpu.memref_slice %arg4[%multiple_of3A_99] : memref<320000xi32, #tpu.memory_space<hbm>> -> memref<160xi32, #tpu.memory_space<hbm>>
      tpu.wait_dma2 semaphore(%arg23 : memref<!tpu.dma_semaphore, #tpu.memory_space<semaphore_mem>>) src(%dma_wait3A_101 : memref<160xi32, #tpu.memory_space<hbm>>) dst(%arg13 : memref<160xi32, #tpu.memory_space<vmem>>)
      %dma_start3A_102 = arith.constant 0 : i32
      %dma_start3A_103 = arith.constant 0 : i32
      %dma_start3A_104 = tpu.memref_slice %arg2[%dma_start3A_102, %dma_start3A_103] : memref<20000x128xf32, #tpu.memory_space<hbm>> -> memref<20000x128xf32, #tpu.memory_space<hbm>>
      tpu.enqueue_indirect_dma source(%dma_start3A_104 : memref<20000x128xf32, #tpu.memory_space<hbm>>) target(%arg17 : memref<160x128xf32, #tpu.memory_space<vmem>>) offsets(%arg9 : memref<160xi32, #tpu.memory_space<vmem>>) semaphore(%arg19 : memref<!tpu.dma_semaphore, #tpu.memory_space<semaphore_mem>>)
      %dma_start3A_105 = arith.constant 0 : i32
      %dma_start3A_106 = arith.constant 0 : i32
      %dma_start3A_107 = tpu.memref_slice %arg7[%dma_start3A_105, %dma_start3A_106] : memref<10000x128xf32, #tpu.memory_space<vmem_shared>> -> memref<10000x128xf32, #tpu.memory_space<vmem_shared>>
      tpu.enqueue_indirect_dma source(%arg16 : memref<160x128xf32, #tpu.memory_space<vmem>>) target(%dma_start3A_107 : memref<10000x128xf32, #tpu.memory_space<vmem_shared>>) offsets(%arg12 : memref<160xi32, #tpu.memory_space<vmem>>) semaphore(%arg20 : memref<!tpu.dma_semaphore, #tpu.memory_space<semaphore_mem>>) {add = true}
      %dma_wait3A_108 = arith.constant 0 : i32
      %dma_wait3A_109 = arith.constant 0 : i32
      %dma_wait3A_110 = tpu.memref_slice %arg7[%dma_wait3A_108, %dma_wait3A_109] : memref<10000x128xf32, #tpu.memory_space<vmem_shared>> -> memref<10000x128xf32, #tpu.memory_space<vmem_shared>>
      tpu.wait_indirect_dma semaphore(%arg20 : memref<!tpu.dma_semaphore, #tpu.memory_space<semaphore_mem>>) src(%arg16 : memref<160x128xf32, #tpu.memory_space<vmem>>) dst(%dma_wait3A_110 : memref<10000x128xf32, #tpu.memory_space<vmem_shared>>)
      %add3A_111 = arith.constant 4 : i32
      %add3A_112 = arith.addi %mul3A_80, %add3A_111 : i32
      %mul3A_113 = arith.constant 160 : i32
      %mul3A_114 = arith.muli %add3A_112, %mul3A_113 : i32
      %add3A_115 = arith.addi %add3A, %mul3A_114 : i32
      %multiple_of3A_116 = tpu.assume_multiple %add3A_115, 8 : i32
      %dma_start3A_117 = tpu.memref_slice %arg3[%multiple_of3A_116] : memref<640000xi32, #tpu.memory_space<hbm>> -> memref<160xi32, #tpu.memory_space<hbm>>
      %dma_start3A_118 = tpu.memref_slice %arg3[%multiple_of3A_116] : memref<640000xi32, #tpu.memory_space<hbm>> -> memref<160xi32, #tpu.memory_space<hbm>>
      tpu.enqueue_dma source(%dma_start3A_118 : memref<160xi32, #tpu.memory_space<hbm>>) target(%arg8 : memref<160xi32, #tpu.memory_space<vmem>>) target_semaphore(%arg22 : memref<!tpu.dma_semaphore, #tpu.memory_space<semaphore_mem>>)
      %mul3A_119 = arith.constant 160 : i32
      %mul3A_120 = arith.muli %add3A_112, %mul3A_119 : i32
      %add3A_121 = arith.addi %mul3A_12, %mul3A_120 : i32
      %multiple_of3A_122 = tpu.assume_multiple %add3A_121, 8 : i32
      %dma_start3A_123 = tpu.memref_slice %arg4[%multiple_of3A_122] : memref<320000xi32, #tpu.memory_space<hbm>> -> memref<160xi32, #tpu.memory_space<hbm>>
      %dma_start3A_124 = tpu.memref_slice %arg4[%multiple_of3A_122] : memref<320000xi32, #tpu.memory_space<hbm>> -> memref<160xi32, #tpu.memory_space<hbm>>
      tpu.enqueue_dma source(%dma_start3A_124 : memref<160xi32, #tpu.memory_space<hbm>>) target(%arg12 : memref<160xi32, #tpu.memory_space<vmem>>) target_semaphore(%arg22 : memref<!tpu.dma_semaphore, #tpu.memory_space<semaphore_mem>>)
      %add3A_125 = arith.constant 2 : i32
      %add3A_126 = arith.addi %mul3A_80, %add3A_125 : i32
      %mul3A_127 = arith.constant 160 : i32
      %mul3A_128 = arith.muli %add3A_126, %mul3A_127 : i32
      %add3A_129 = arith.addi %add3A, %mul3A_128 : i32
      %multiple_of3A_130 = tpu.assume_multiple %add3A_129, 8 : i32
      %dma_wait3A_131 = tpu.memref_slice %arg3[%multiple_of3A_130] : memref<640000xi32, #tpu.memory_space<hbm>> -> memref<160xi32, #tpu.memory_space<hbm>>
      %dma_wait3A_132 = tpu.memref_slice %arg3[%multiple_of3A_130] : memref<640000xi32, #tpu.memory_space<hbm>> -> memref<160xi32, #tpu.memory_space<hbm>>
      tpu.wait_dma2 semaphore(%arg24 : memref<!tpu.dma_semaphore, #tpu.memory_space<semaphore_mem>>) src(%dma_wait3A_132 : memref<160xi32, #tpu.memory_space<hbm>>) dst(%arg10 : memref<160xi32, #tpu.memory_space<vmem>>)
      %mul3A_133 = arith.constant 160 : i32
      %mul3A_134 = arith.muli %add3A_126, %mul3A_133 : i32
      %add3A_135 = arith.addi %mul3A_12, %mul3A_134 : i32
      %multiple_of3A_136 = tpu.assume_multiple %add3A_135, 8 : i32
      %dma_wait3A_137 = tpu.memref_slice %arg4[%multiple_of3A_136] : memref<320000xi32, #tpu.memory_space<hbm>> -> memref<160xi32, #tpu.memory_space<hbm>>
      %dma_wait3A_138 = tpu.memref_slice %arg4[%multiple_of3A_136] : memref<320000xi32, #tpu.memory_space<hbm>> -> memref<160xi32, #tpu.memory_space<hbm>>
      tpu.wait_dma2 semaphore(%arg24 : memref<!tpu.dma_semaphore, #tpu.memory_space<semaphore_mem>>) src(%dma_wait3A_138 : memref<160xi32, #tpu.memory_space<hbm>>) dst(%arg14 : memref<160xi32, #tpu.memory_space<vmem>>)
      %dma_wait3A_139 = arith.constant 0 : i32
      %dma_wait3A_140 = arith.constant 0 : i32
      %dma_wait3A_141 = tpu.memref_slice %arg2[%dma_wait3A_139, %dma_wait3A_140] : memref<20000x128xf32, #tpu.memory_space<hbm>> -> memref<20000x128xf32, #tpu.memory_space<hbm>>
      tpu.wait_indirect_dma semaphore(%arg19 : memref<!tpu.dma_semaphore, #tpu.memory_space<semaphore_mem>>) src(%dma_wait3A_141 : memref<20000x128xf32, #tpu.memory_space<hbm>>) dst(%arg17 : memref<160x128xf32, #tpu.memory_space<vmem>>)
      %dma_start3A_142 = arith.constant 0 : i32
      %dma_start3A_143 = arith.constant 0 : i32
      %dma_start3A_144 = tpu.memref_slice %arg2[%dma_start3A_142, %dma_start3A_143] : memref<20000x128xf32, #tpu.memory_space<hbm>> -> memref<20000x128xf32, #tpu.memory_space<hbm>>
      tpu.enqueue_indirect_dma source(%dma_start3A_144 : memref<20000x128xf32, #tpu.memory_space<hbm>>) target(%arg16 : memref<160x128xf32, #tpu.memory_space<vmem>>) offsets(%arg10 : memref<160xi32, #tpu.memory_space<vmem>>) semaphore(%arg18 : memref<!tpu.dma_semaphore, #tpu.memory_space<semaphore_mem>>)
      %dma_start3A_145 = arith.constant 0 : i32
      %dma_start3A_146 = arith.constant 0 : i32
      %dma_start3A_147 = tpu.memref_slice %arg7[%dma_start3A_145, %dma_start3A_146] : memref<10000x128xf32, #tpu.memory_space<vmem_shared>> -> memref<10000x128xf32, #tpu.memory_space<vmem_shared>>
      tpu.enqueue_indirect_dma source(%arg17 : memref<160x128xf32, #tpu.memory_space<vmem>>) target(%dma_start3A_147 : memref<10000x128xf32, #tpu.memory_space<vmem_shared>>) offsets(%arg13 : memref<160xi32, #tpu.memory_space<vmem>>) semaphore(%arg21 : memref<!tpu.dma_semaphore, #tpu.memory_space<semaphore_mem>>) {add = true}
      %dma_wait3A_148 = arith.constant 0 : i32
      %dma_wait3A_149 = arith.constant 0 : i32
      %dma_wait3A_150 = tpu.memref_slice %arg7[%dma_wait3A_148, %dma_wait3A_149] : memref<10000x128xf32, #tpu.memory_space<vmem_shared>> -> memref<10000x128xf32, #tpu.memory_space<vmem_shared>>
      tpu.wait_indirect_dma semaphore(%arg21 : memref<!tpu.dma_semaphore, #tpu.memory_space<semaphore_mem>>) src(%arg17 : memref<160x128xf32, #tpu.memory_space<vmem>>) dst(%dma_wait3A_150 : memref<10000x128xf32, #tpu.memory_space<vmem_shared>>)
      %lt3A_151 = arith.constant 30 : i32
      %lt3A_152 = arith.cmpi slt, %scan3A_78, %lt3A_151 : i32
      %convert_element_type3A_153 = arith.extui %lt3A_152 : i1 to i32
      %cond3A_154 = arith.constant 0 : i32
      %cond3A_155 = arith.cmpi ne, %convert_element_type3A_153, %cond3A_154 : i32
      scf.if %cond3A_155 {
        %add3A_210 = arith.constant 5 : i32
        %add3A_211 = arith.addi %mul3A_80, %add3A_210 : i32
        %mul3A_212 = arith.constant 160 : i32
        %mul3A_213 = arith.muli %add3A_211, %mul3A_212 : i32
        %add3A_214 = arith.addi %add3A, %mul3A_213 : i32
        %multiple_of3A_215 = tpu.assume_multiple %add3A_214, 8 : i32
        %dma_start3A_216 = tpu.memref_slice %arg3[%multiple_of3A_215] : memref<640000xi32, #tpu.memory_space<hbm>> -> memref<160xi32, #tpu.memory_space<hbm>>
        %dma_start3A_217 = tpu.memref_slice %arg3[%multiple_of3A_215] : memref<640000xi32, #tpu.memory_space<hbm>> -> memref<160xi32, #tpu.memory_space<hbm>>
        tpu.enqueue_dma source(%dma_start3A_217 : memref<160xi32, #tpu.memory_space<hbm>>) target(%arg9 : memref<160xi32, #tpu.memory_space<vmem>>) target_semaphore(%arg23 : memref<!tpu.dma_semaphore, #tpu.memory_space<semaphore_mem>>)
        %mul3A_218 = arith.constant 160 : i32
        %mul3A_219 = arith.muli %add3A_211, %mul3A_218 : i32
        %add3A_220 = arith.addi %mul3A_12, %mul3A_219 : i32
        %multiple_of3A_221 = tpu.assume_multiple %add3A_220, 8 : i32
        %dma_start3A_222 = tpu.memref_slice %arg4[%multiple_of3A_221] : memref<320000xi32, #tpu.memory_space<hbm>> -> memref<160xi32, #tpu.memory_space<hbm>>
        %dma_start3A_223 = tpu.memref_slice %arg4[%multiple_of3A_221] : memref<320000xi32, #tpu.memory_space<hbm>> -> memref<160xi32, #tpu.memory_space<hbm>>
        tpu.enqueue_dma source(%dma_start3A_223 : memref<160xi32, #tpu.memory_space<hbm>>) target(%arg13 : memref<160xi32, #tpu.memory_space<vmem>>) target_semaphore(%arg23 : memref<!tpu.dma_semaphore, #tpu.memory_space<semaphore_mem>>)
      } else {
      }
      %add3A_156 = arith.constant 3 : i32
      %add3A_157 = arith.addi %mul3A_80, %add3A_156 : i32
      %mul3A_158 = arith.constant 160 : i32
      %mul3A_159 = arith.muli %add3A_157, %mul3A_158 : i32
      %add3A_160 = arith.addi %add3A, %mul3A_159 : i32
      %multiple_of3A_161 = tpu.assume_multiple %add3A_160, 8 : i32
      %dma_wait3A_162 = tpu.memref_slice %arg3[%multiple_of3A_161] : memref<640000xi32, #tpu.memory_space<hbm>> -> memref<160xi32, #tpu.memory_space<hbm>>
      %dma_wait3A_163 = tpu.memref_slice %arg3[%multiple_of3A_161] : memref<640000xi32, #tpu.memory_space<hbm>> -> memref<160xi32, #tpu.memory_space<hbm>>
      tpu.wait_dma2 semaphore(%arg25 : memref<!tpu.dma_semaphore, #tpu.memory_space<semaphore_mem>>) src(%dma_wait3A_163 : memref<160xi32, #tpu.memory_space<hbm>>) dst(%arg11 : memref<160xi32, #tpu.memory_space<vmem>>)
      %mul3A_164 = arith.constant 160 : i32
      %mul3A_165 = arith.muli %add3A_157, %mul3A_164 : i32
      %add3A_166 = arith.addi %mul3A_12, %mul3A_165 : i32
      %multiple_of3A_167 = tpu.assume_multiple %add3A_166, 8 : i32
      %dma_wait3A_168 = tpu.memref_slice %arg4[%multiple_of3A_167] : memref<320000xi32, #tpu.memory_space<hbm>> -> memref<160xi32, #tpu.memory_space<hbm>>
      %dma_wait3A_169 = tpu.memref_slice %arg4[%multiple_of3A_167] : memref<320000xi32, #tpu.memory_space<hbm>> -> memref<160xi32, #tpu.memory_space<hbm>>
      tpu.wait_dma2 semaphore(%arg25 : memref<!tpu.dma_semaphore, #tpu.memory_space<semaphore_mem>>) src(%dma_wait3A_169 : memref<160xi32, #tpu.memory_space<hbm>>) dst(%arg15 : memref<160xi32, #tpu.memory_space<vmem>>)
      %dma_wait3A_170 = arith.constant 0 : i32
      %dma_wait3A_171 = arith.constant 0 : i32
      %dma_wait3A_172 = tpu.memref_slice %arg2[%dma_wait3A_170, %dma_wait3A_171] : memref<20000x128xf32, #tpu.memory_space<hbm>> -> memref<20000x128xf32, #tpu.memory_space<hbm>>
      tpu.wait_indirect_dma semaphore(%arg18 : memref<!tpu.dma_semaphore, #tpu.memory_space<semaphore_mem>>) src(%dma_wait3A_172 : memref<20000x128xf32, #tpu.memory_space<hbm>>) dst(%arg16 : memref<160x128xf32, #tpu.memory_space<vmem>>)
      %dma_start3A_173 = arith.constant 0 : i32
      %dma_start3A_174 = arith.constant 0 : i32
      %dma_start3A_175 = tpu.memref_slice %arg2[%dma_start3A_173, %dma_start3A_174] : memref<20000x128xf32, #tpu.memory_space<hbm>> -> memref<20000x128xf32, #tpu.memory_space<hbm>>
      tpu.enqueue_indirect_dma source(%dma_start3A_175 : memref<20000x128xf32, #tpu.memory_space<hbm>>) target(%arg17 : memref<160x128xf32, #tpu.memory_space<vmem>>) offsets(%arg11 : memref<160xi32, #tpu.memory_space<vmem>>) semaphore(%arg19 : memref<!tpu.dma_semaphore, #tpu.memory_space<semaphore_mem>>)
      %dma_start3A_176 = arith.constant 0 : i32
      %dma_start3A_177 = arith.constant 0 : i32
      %dma_start3A_178 = tpu.memref_slice %arg7[%dma_start3A_176, %dma_start3A_177] : memref<10000x128xf32, #tpu.memory_space<vmem_shared>> -> memref<10000x128xf32, #tpu.memory_space<vmem_shared>>
      tpu.enqueue_indirect_dma source(%arg16 : memref<160x128xf32, #tpu.memory_space<vmem>>) target(%dma_start3A_178 : memref<10000x128xf32, #tpu.memory_space<vmem_shared>>) offsets(%arg14 : memref<160xi32, #tpu.memory_space<vmem>>) semaphore(%arg20 : memref<!tpu.dma_semaphore, #tpu.memory_space<semaphore_mem>>) {add = true}
      %dma_wait3A_179 = arith.constant 0 : i32
      %dma_wait3A_180 = arith.constant 0 : i32
      %dma_wait3A_181 = tpu.memref_slice %arg7[%dma_wait3A_179, %dma_wait3A_180] : memref<10000x128xf32, #tpu.memory_space<vmem_shared>> -> memref<10000x128xf32, #tpu.memory_space<vmem_shared>>
      tpu.wait_indirect_dma semaphore(%arg20 : memref<!tpu.dma_semaphore, #tpu.memory_space<semaphore_mem>>) src(%arg16 : memref<160x128xf32, #tpu.memory_space<vmem>>) dst(%dma_wait3A_181 : memref<10000x128xf32, #tpu.memory_space<vmem_shared>>)
      %lt3A_182 = arith.constant 30 : i32
      %lt3A_183 = arith.cmpi slt, %scan3A_78, %lt3A_182 : i32
      %convert_element_type3A_184 = arith.extui %lt3A_183 : i1 to i32
      %cond3A_185 = arith.constant 0 : i32
      %cond3A_186 = arith.cmpi ne, %convert_element_type3A_184, %cond3A_185 : i32
      scf.if %cond3A_186 {
        %add3A_210 = arith.constant 6 : i32
        %add3A_211 = arith.addi %mul3A_80, %add3A_210 : i32
        %mul3A_212 = arith.constant 160 : i32
        %mul3A_213 = arith.muli %add3A_211, %mul3A_212 : i32
        %add3A_214 = arith.addi %add3A, %mul3A_213 : i32
        %multiple_of3A_215 = tpu.assume_multiple %add3A_214, 8 : i32
        %dma_start3A_216 = tpu.memref_slice %arg3[%multiple_of3A_215] : memref<640000xi32, #tpu.memory_space<hbm>> -> memref<160xi32, #tpu.memory_space<hbm>>
        %dma_start3A_217 = tpu.memref_slice %arg3[%multiple_of3A_215] : memref<640000xi32, #tpu.memory_space<hbm>> -> memref<160xi32, #tpu.memory_space<hbm>>
        tpu.enqueue_dma source(%dma_start3A_217 : memref<160xi32, #tpu.memory_space<hbm>>) target(%arg10 : memref<160xi32, #tpu.memory_space<vmem>>) target_semaphore(%arg24 : memref<!tpu.dma_semaphore, #tpu.memory_space<semaphore_mem>>)
        %mul3A_218 = arith.constant 160 : i32
        %mul3A_219 = arith.muli %add3A_211, %mul3A_218 : i32
        %add3A_220 = arith.addi %mul3A_12, %mul3A_219 : i32
        %multiple_of3A_221 = tpu.assume_multiple %add3A_220, 8 : i32
        %dma_start3A_222 = tpu.memref_slice %arg4[%multiple_of3A_221] : memref<320000xi32, #tpu.memory_space<hbm>> -> memref<160xi32, #tpu.memory_space<hbm>>
        %dma_start3A_223 = tpu.memref_slice %arg4[%multiple_of3A_221] : memref<320000xi32, #tpu.memory_space<hbm>> -> memref<160xi32, #tpu.memory_space<hbm>>
        tpu.enqueue_dma source(%dma_start3A_223 : memref<160xi32, #tpu.memory_space<hbm>>) target(%arg14 : memref<160xi32, #tpu.memory_space<vmem>>) target_semaphore(%arg24 : memref<!tpu.dma_semaphore, #tpu.memory_space<semaphore_mem>>)
      } else {
      }
      %add3A_187 = arith.constant 4 : i32
      %add3A_188 = arith.addi %mul3A_80, %add3A_187 : i32
      %mul3A_189 = arith.constant 160 : i32
      %mul3A_190 = arith.muli %add3A_188, %mul3A_189 : i32
      %add3A_191 = arith.addi %add3A, %mul3A_190 : i32
      %multiple_of3A_192 = tpu.assume_multiple %add3A_191, 8 : i32
      %dma_wait3A_193 = tpu.memref_slice %arg3[%multiple_of3A_192] : memref<640000xi32, #tpu.memory_space<hbm>> -> memref<160xi32, #tpu.memory_space<hbm>>
      %dma_wait3A_194 = tpu.memref_slice %arg3[%multiple_of3A_192] : memref<640000xi32, #tpu.memory_space<hbm>> -> memref<160xi32, #tpu.memory_space<hbm>>
      tpu.wait_dma2 semaphore(%arg22 : memref<!tpu.dma_semaphore, #tpu.memory_space<semaphore_mem>>) src(%dma_wait3A_194 : memref<160xi32, #tpu.memory_space<hbm>>) dst(%arg8 : memref<160xi32, #tpu.memory_space<vmem>>)
      %mul3A_195 = arith.constant 160 : i32
      %mul3A_196 = arith.muli %add3A_188, %mul3A_195 : i32
      %add3A_197 = arith.addi %mul3A_12, %mul3A_196 : i32
      %multiple_of3A_198 = tpu.assume_multiple %add3A_197, 8 : i32
      %dma_wait3A_199 = tpu.memref_slice %arg4[%multiple_of3A_198] : memref<320000xi32, #tpu.memory_space<hbm>> -> memref<160xi32, #tpu.memory_space<hbm>>
      %dma_wait3A_200 = tpu.memref_slice %arg4[%multiple_of3A_198] : memref<320000xi32, #tpu.memory_space<hbm>> -> memref<160xi32, #tpu.memory_space<hbm>>
      tpu.wait_dma2 semaphore(%arg22 : memref<!tpu.dma_semaphore, #tpu.memory_space<semaphore_mem>>) src(%dma_wait3A_200 : memref<160xi32, #tpu.memory_space<hbm>>) dst(%arg12 : memref<160xi32, #tpu.memory_space<vmem>>)
      %dma_wait3A_201 = arith.constant 0 : i32
      %dma_wait3A_202 = arith.constant 0 : i32
      %dma_wait3A_203 = tpu.memref_slice %arg2[%dma_wait3A_201, %dma_wait3A_202] : memref<20000x128xf32, #tpu.memory_space<hbm>> -> memref<20000x128xf32, #tpu.memory_space<hbm>>
      tpu.wait_indirect_dma semaphore(%arg19 : memref<!tpu.dma_semaphore, #tpu.memory_space<semaphore_mem>>) src(%dma_wait3A_203 : memref<20000x128xf32, #tpu.memory_space<hbm>>) dst(%arg17 : memref<160x128xf32, #tpu.memory_space<vmem>>)
      %dma_start3A_204 = arith.constant 0 : i32
      %dma_start3A_205 = arith.constant 0 : i32
      %dma_start3A_206 = tpu.memref_slice %arg7[%dma_start3A_204, %dma_start3A_205] : memref<10000x128xf32, #tpu.memory_space<vmem_shared>> -> memref<10000x128xf32, #tpu.memory_space<vmem_shared>>
      tpu.enqueue_indirect_dma source(%arg17 : memref<160x128xf32, #tpu.memory_space<vmem>>) target(%dma_start3A_206 : memref<10000x128xf32, #tpu.memory_space<vmem_shared>>) offsets(%arg15 : memref<160xi32, #tpu.memory_space<vmem>>) semaphore(%arg21 : memref<!tpu.dma_semaphore, #tpu.memory_space<semaphore_mem>>) {add = true}
      %dma_start3A_207 = arith.constant 0 : i32
      %dma_start3A_208 = arith.constant 0 : i32
      %dma_start3A_209 = tpu.memref_slice %arg2[%dma_start3A_207, %dma_start3A_208] : memref<20000x128xf32, #tpu.memory_space<hbm>> -> memref<20000x128xf32, #tpu.memory_space<hbm>>
      tpu.enqueue_indirect_dma source(%dma_start3A_209 : memref<20000x128xf32, #tpu.memory_space<hbm>>) target(%arg16 : memref<160x128xf32, #tpu.memory_space<vmem>>) offsets(%arg8 : memref<160xi32, #tpu.memory_space<vmem>>) semaphore(%arg18 : memref<!tpu.dma_semaphore, #tpu.memory_space<semaphore_mem>>)
    }
    %scan3A_55 = arith.constant 31 : i32
    %dma_wait3A = arith.constant 0 : i32
    %dma_wait3A_56 = arith.constant 0 : i32
    %dma_wait3A_57 = tpu.memref_slice %arg2[%dma_wait3A, %dma_wait3A_56] : memref<20000x128xf32, #tpu.memory_space<hbm>> -> memref<20000x128xf32, #tpu.memory_space<hbm>>
    tpu.wait_indirect_dma semaphore(%arg18 : memref<!tpu.dma_semaphore, #tpu.memory_space<semaphore_mem>>) src(%dma_wait3A_57 : memref<20000x128xf32, #tpu.memory_space<hbm>>) dst(%arg16 : memref<160x128xf32, #tpu.memory_space<vmem>>)
    %dma_start3A_58 = arith.constant 0 : i32
    %dma_start3A_59 = arith.constant 0 : i32
    %dma_start3A_60 = tpu.memref_slice %arg7[%dma_start3A_58, %dma_start3A_59] : memref<10000x128xf32, #tpu.memory_space<vmem_shared>> -> memref<10000x128xf32, #tpu.memory_space<vmem_shared>>
    tpu.enqueue_indirect_dma source(%arg16 : memref<160x128xf32, #tpu.memory_space<vmem>>) target(%dma_start3A_60 : memref<10000x128xf32, #tpu.memory_space<vmem_shared>>) offsets(%arg12 : memref<160xi32, #tpu.memory_space<vmem>>) semaphore(%arg20 : memref<!tpu.dma_semaphore, #tpu.memory_space<semaphore_mem>>) {add = true}
    %dma_wait3A_61 = arith.constant 0 : i32
    %dma_wait3A_62 = arith.constant 0 : i32
    %dma_wait3A_63 = tpu.memref_slice %arg7[%dma_wait3A_61, %dma_wait3A_62] : memref<10000x128xf32, #tpu.memory_space<vmem_shared>> -> memref<10000x128xf32, #tpu.memory_space<vmem_shared>>
    tpu.wait_indirect_dma semaphore(%arg21 : memref<!tpu.dma_semaphore, #tpu.memory_space<semaphore_mem>>) src(%arg17 : memref<160x128xf32, #tpu.memory_space<vmem>>) dst(%dma_wait3A_63 : memref<10000x128xf32, #tpu.memory_space<vmem_shared>>)
    %dma_wait3A_64 = arith.constant 0 : i32
    %dma_wait3A_65 = arith.constant 0 : i32
    %dma_wait3A_66 = tpu.memref_slice %arg7[%dma_wait3A_64, %dma_wait3A_65] : memref<10000x128xf32, #tpu.memory_space<vmem_shared>> -> memref<10000x128xf32, #tpu.memory_space<vmem_shared>>
    tpu.wait_indirect_dma semaphore(%arg20 : memref<!tpu.dma_semaphore, #tpu.memory_space<semaphore_mem>>) src(%arg16 : memref<160x128xf32, #tpu.memory_space<vmem>>) dst(%dma_wait3A_66 : memref<10000x128xf32, #tpu.memory_space<vmem_shared>>)
    %barrier3A_67 = arith.constant 0 : index
    tpu.barrier barrier_id(%barrier3A_67)
    %lt3A_68 = arith.constant 15 : i32
    %lt3A_69 = arith.cmpi slt, %arg1, %lt3A_68 : i32
    %convert_element_type3A_70 = arith.extui %lt3A_69 : i1 to i32
    %cond3A_71 = arith.constant 0 : i32
    %cond3A_72 = arith.cmpi ne, %convert_element_type3A_70, %cond3A_71 : i32
    scf.if %cond3A_72 {
      "tpu.region"() ({
        %run_scoped3A = tpu.sem_alloc : memref<!tpu.dma_semaphore, #tpu.memory_space<semaphore_mem>>
        %dma_start3A_78 = arith.constant 0 : i32
        %dma_start3A_79 = tpu.memref_slice %arg6[%arg0, %multiple_of3A, %dma_start3A_78] : memref<2x10000x128xf32, #tpu.memory_space<hbm>> -> memref<1x624x128xf32, #tpu.memory_space<hbm>>
        %dma_start3A_80 = tpu.memref_squeeze %dma_start3A_79 : memref<1x624x128xf32, #tpu.memory_space<hbm>> -> memref<624x128xf32, #tpu.memory_space<hbm>>
        %dma_start3A_81 = arith.constant 0 : i32
        %dma_start3A_82 = tpu.memref_slice %arg7[%multiple_of3A, %dma_start3A_81] : memref<10000x128xf32, #tpu.memory_space<vmem_shared>> -> memref<624x128xf32, #tpu.memory_space<vmem_shared>>
        tpu.enqueue_dma source(%dma_start3A_82 : memref<624x128xf32, #tpu.memory_space<vmem_shared>>) target(%dma_start3A_80 : memref<624x128xf32, #tpu.memory_space<hbm>>) target_semaphore(%run_scoped3A : memref<!tpu.dma_semaphore, #tpu.memory_space<semaphore_mem>>)
        %dma_wait3A_83 = arith.constant 0 : i32
        %dma_wait3A_84 = tpu.memref_slice %arg6[%arg0, %multiple_of3A, %dma_wait3A_83] : memref<2x10000x128xf32, #tpu.memory_space<hbm>> -> memref<1x624x128xf32, #tpu.memory_space<hbm>>
        %dma_wait3A_85 = tpu.memref_squeeze %dma_wait3A_84 : memref<1x624x128xf32, #tpu.memory_space<hbm>> -> memref<624x128xf32, #tpu.memory_space<hbm>>
        %dma_wait3A_86 = arith.constant 0 : i32
        %dma_wait3A_87 = tpu.memref_slice %arg7[%multiple_of3A, %dma_wait3A_86] : memref<10000x128xf32, #tpu.memory_space<vmem_shared>> -> memref<624x128xf32, #tpu.memory_space<vmem_shared>>
        tpu.wait_dma2 semaphore(%run_scoped3A : memref<!tpu.dma_semaphore, #tpu.memory_space<semaphore_mem>>) src(%dma_wait3A_87 : memref<624x128xf32, #tpu.memory_space<vmem_shared>>) dst(%dma_wait3A_85 : memref<624x128xf32, #tpu.memory_space<hbm>>)
        tpu.yield
      }) : () -> ()
    } else {
    }
    %eq3A_73 = arith.constant 15 : i32
    %eq3A_74 = arith.cmpi eq, %arg1, %eq3A_73 : i32
    %convert_element_type3A_75 = arith.extui %eq3A_74 : i1 to i32
    %cond3A_76 = arith.constant 0 : i32
    %cond3A_77 = arith.cmpi ne, %convert_element_type3A_75, %cond3A_76 : i32
    scf.if %cond3A_77 {
      "tpu.region"() ({
        %run_scoped3A = tpu.sem_alloc : memref<!tpu.dma_semaphore, #tpu.memory_space<semaphore_mem>>
        %dma_start3A_78 = arith.constant 9360 : i32
        %dma_start3A_79 = arith.constant 0 : i32
        %dma_start3A_80 = tpu.memref_slice %arg6[%arg0, %dma_start3A_78, %dma_start3A_79] : memref<2x10000x128xf32, #tpu.memory_space<hbm>> -> memref<1x640x128xf32, #tpu.memory_space<hbm>>
        %dma_start3A_81 = tpu.memref_squeeze %dma_start3A_80 : memref<1x640x128xf32, #tpu.memory_space<hbm>> -> memref<640x128xf32, #tpu.memory_space<hbm>>
        %dma_start3A_82 = arith.constant 9360 : i32
        %dma_start3A_83 = arith.constant 0 : i32
        %dma_start3A_84 = tpu.memref_slice %arg7[%dma_start3A_82, %dma_start3A_83] : memref<10000x128xf32, #tpu.memory_space<vmem_shared>> -> memref<640x128xf32, #tpu.memory_space<vmem_shared>>
        tpu.enqueue_dma source(%dma_start3A_84 : memref<640x128xf32, #tpu.memory_space<vmem_shared>>) target(%dma_start3A_81 : memref<640x128xf32, #tpu.memory_space<hbm>>) target_semaphore(%run_scoped3A : memref<!tpu.dma_semaphore, #tpu.memory_space<semaphore_mem>>)
        %dma_wait3A_85 = arith.constant 9360 : i32
        %dma_wait3A_86 = arith.constant 0 : i32
        %dma_wait3A_87 = tpu.memref_slice %arg6[%arg0, %dma_wait3A_85, %dma_wait3A_86] : memref<2x10000x128xf32, #tpu.memory_space<hbm>> -> memref<1x640x128xf32, #tpu.memory_space<hbm>>
        %dma_wait3A_88 = tpu.memref_squeeze %dma_wait3A_87 : memref<1x640x128xf32, #tpu.memory_space<hbm>> -> memref<640x128xf32, #tpu.memory_space<hbm>>
        %dma_wait3A_89 = arith.constant 9360 : i32
        %dma_wait3A_90 = arith.constant 0 : i32
        %dma_wait3A_91 = tpu.memref_slice %arg7[%dma_wait3A_89, %dma_wait3A_90] : memref<10000x128xf32, #tpu.memory_space<vmem_shared>> -> memref<640x128xf32, #tpu.memory_space<vmem_shared>>
        tpu.wait_dma2 semaphore(%run_scoped3A : memref<!tpu.dma_semaphore, #tpu.memory_space<semaphore_mem>>) src(%dma_wait3A_91 : memref<640x128xf32, #tpu.memory_space<vmem_shared>>) dst(%dma_wait3A_88 : memref<640x128xf32, #tpu.memory_space<hbm>>)
        tpu.yield
      }) : () -> ()
    } else {
    }
    return
  }
}

#map = affine_map<(d0, d1) -> (0, 0)>
#map1 = affine_map<(d0, d1) -> (0)>
#map2 = affine_map<(d0, d1) -> (0, 0, 0)>
module attributes {stable_mosaic.version = 14 : i64} {
  func.func @_agg_body(%arg0: i32, %arg1: i32, %arg2: memref<20000x128xf32, #tpu.memory_space<hbm>>, %arg3: memref<640000xi32, #tpu.memory_space<hbm>>, %arg4: memref<320000xi32, #tpu.memory_space<hbm>>, %arg5: memref<640x128xf32, #tpu.memory_space<hbm>>, %arg6: memref<2x10000x128xf32, #tpu.memory_space<hbm>>, %arg7: memref<10000x128xf32, #tpu.memory_space<vmem_shared>>, %arg8: memref<160xi32, #tpu.memory_space<vmem>>, %arg9: memref<160xi32, #tpu.memory_space<vmem>>, %arg10: memref<160xi32, #tpu.memory_space<vmem>>, %arg11: memref<160xi32, #tpu.memory_space<vmem>>, %arg12: memref<160xi32, #tpu.memory_space<vmem>>, %arg13: memref<160xi32, #tpu.memory_space<vmem>>, %arg14: memref<160xi32, #tpu.memory_space<vmem>>, %arg15: memref<160xi32, #tpu.memory_space<vmem>>, %arg16: memref<160x128xf32, #tpu.memory_space<vmem>>, %arg17: memref<160x128xf32, #tpu.memory_space<vmem>>, %arg18: memref<!tpu.dma_semaphore, #tpu.memory_space<semaphore_mem>>, %arg19: memref<!tpu.dma_semaphore, #tpu.memory_space<semaphore_mem>>, %arg20: memref<!tpu.dma_semaphore, #tpu.memory_space<semaphore_mem>>, %arg21: memref<!tpu.dma_semaphore, #tpu.memory_space<semaphore_mem>>, %arg22: memref<!tpu.dma_semaphore, #tpu.memory_space<semaphore_mem>>, %arg23: memref<!tpu.dma_semaphore, #tpu.memory_space<semaphore_mem>>, %arg24: memref<!tpu.dma_semaphore, #tpu.memory_space<semaphore_mem>>, %arg25: memref<!tpu.dma_semaphore, #tpu.memory_space<semaphore_mem>>) attributes {dimension_semantics = [#tpu.dimension_semantics<core_parallel>, #tpu.dimension_semantics<subcore_parallel>], iteration_bounds = array<i64: 2, 16>, scalar_prefetch = 0 : i64, scratch_operands = 19 : i64, tpu.core_type = #tpu.core_type<sc_vector_subcore>, window_params = [{transform_indices = #map}, {transform_indices = #map1}, {transform_indices = #map1}, {transform_indices = #map}, {transform_indices = #map2}]} {
    %mul3A = arith.constant 624 : i32
    %mul3A_0 = arith.muli %arg1, %mul3A : i32
    %multiple_of3A = tpu.assume_multiple %mul3A_0, 8 : i32
    %lt3A = arith.constant 15 : i32
    %lt3A_1 = arith.cmpi slt, %arg1, %lt3A : i32
    %convert_element_type3A = arith.extui %lt3A_1 : i1 to i32
    %cond3A = arith.constant 0 : i32
    %cond3A_2 = arith.cmpi ne, %convert_element_type3A, %cond3A : i32
    scf.if %cond3A_2 {
      "tpu.region"() ({
        %run_scoped3A = tpu.sem_alloc : memref<!tpu.dma_semaphore, #tpu.memory_space<semaphore_mem>>
        %dma_start3A_78 = arith.constant 0 : i32
        %dma_start3A_79 = tpu.memref_slice %arg7[%multiple_of3A, %dma_start3A_78] : memref<10000x128xf32, #tpu.memory_space<vmem_shared>> -> memref<624x128xf32, #tpu.memory_space<vmem_shared>>
        %dma_start3A_80 = arith.constant 0 : i32
        %dma_start3A_81 = arith.constant 0 : i32
        %dma_start3A_82 = tpu.memref_slice %arg5[%dma_start3A_80, %dma_start3A_81] : memref<640x128xf32, #tpu.memory_space<hbm>> -> memref<624x128xf32, #tpu.memory_space<hbm>>
        tpu.enqueue_dma source(%dma_start3A_82 : memref<624x128xf32, #tpu.memory_space<hbm>>) target(%dma_start3A_79 : memref<624x128xf32, #tpu.memory_space<vmem_shared>>) target_semaphore(%run_scoped3A : memref<!tpu.dma_semaphore, #tpu.memory_space<semaphore_mem>>)
        %dma_wait3A_83 = arith.constant 0 : i32
        %dma_wait3A_84 = tpu.memref_slice %arg7[%multiple_of3A, %dma_wait3A_83] : memref<10000x128xf32, #tpu.memory_space<vmem_shared>> -> memref<624x128xf32, #tpu.memory_space<vmem_shared>>
        %dma_wait3A_85 = arith.constant 0 : i32
        %dma_wait3A_86 = arith.constant 0 : i32
        %dma_wait3A_87 = tpu.memref_slice %arg5[%dma_wait3A_85, %dma_wait3A_86] : memref<640x128xf32, #tpu.memory_space<hbm>> -> memref<624x128xf32, #tpu.memory_space<hbm>>
        tpu.wait_dma2 semaphore(%run_scoped3A : memref<!tpu.dma_semaphore, #tpu.memory_space<semaphore_mem>>) src(%dma_wait3A_87 : memref<624x128xf32, #tpu.memory_space<hbm>>) dst(%dma_wait3A_84 : memref<624x128xf32, #tpu.memory_space<vmem_shared>>)
        tpu.yield
      }) : () -> ()
    } else {
    }
    %eq3A = arith.constant 15 : i32
    %eq3A_3 = arith.cmpi eq, %arg1, %eq3A : i32
    %convert_element_type3A_4 = arith.extui %eq3A_3 : i1 to i32
    %cond3A_5 = arith.constant 0 : i32
    %cond3A_6 = arith.cmpi ne, %convert_element_type3A_4, %cond3A_5 : i32
    scf.if %cond3A_6 {
      "tpu.region"() ({
        %run_scoped3A = tpu.sem_alloc : memref<!tpu.dma_semaphore, #tpu.memory_space<semaphore_mem>>
        %dma_start3A_78 = arith.constant 9360 : i32
        %dma_start3A_79 = arith.constant 0 : i32
        %dma_start3A_80 = tpu.memref_slice %arg7[%dma_start3A_78, %dma_start3A_79] : memref<10000x128xf32, #tpu.memory_space<vmem_shared>> -> memref<640x128xf32, #tpu.memory_space<vmem_shared>>
        tpu.enqueue_dma source(%arg5 : memref<640x128xf32, #tpu.memory_space<hbm>>) target(%dma_start3A_80 : memref<640x128xf32, #tpu.memory_space<vmem_shared>>) target_semaphore(%run_scoped3A : memref<!tpu.dma_semaphore, #tpu.memory_space<semaphore_mem>>)
        %dma_wait3A_81 = arith.constant 9360 : i32
        %dma_wait3A_82 = arith.constant 0 : i32
        %dma_wait3A_83 = tpu.memref_slice %arg7[%dma_wait3A_81, %dma_wait3A_82] : memref<10000x128xf32, #tpu.memory_space<vmem_shared>> -> memref<640x128xf32, #tpu.memory_space<vmem_shared>>
        tpu.wait_dma2 semaphore(%run_scoped3A : memref<!tpu.dma_semaphore, #tpu.memory_space<semaphore_mem>>) src(%arg5 : memref<640x128xf32, #tpu.memory_space<hbm>>) dst(%dma_wait3A_83 : memref<640x128xf32, #tpu.memory_space<vmem_shared>>)
        tpu.yield
      }) : () -> ()
    } else {
    }
    %barrier3A = arith.constant 0 : index
    tpu.barrier barrier_id(%barrier3A)
    %mul3A_7 = arith.constant 320000 : i32
    %mul3A_8 = arith.muli %arg0, %mul3A_7 : i32
    %mul3A_9 = arith.constant 20000 : i32
    %mul3A_10 = arith.muli %arg1, %mul3A_9 : i32
    %add3A = arith.addi %mul3A_8, %mul3A_10 : i32
    %mul3A_11 = arith.constant 20000 : i32
    %mul3A_12 = arith.muli %arg1, %mul3A_11 : i32
    %add3A_13 = arith.constant 0 : i32
    %add3A_14 = arith.addi %add3A, %add3A_13 : i32
    %multiple_of3A_15 = tpu.assume_multiple %add3A_14, 8 : i32
    "tpu.region"() ({
      %run_scoped3A = tpu.sem_alloc : memref<!tpu.dma_semaphore, #tpu.memory_space<semaphore_mem>>
      %dma_start3A_78 = tpu.memref_slice %arg3[%multiple_of3A_15] : memref<640000xi32, #tpu.memory_space<hbm>> -> memref<160xi32, #tpu.memory_space<hbm>>
      %dma_start3A_79 = tpu.memref_slice %arg3[%multiple_of3A_15] : memref<640000xi32, #tpu.memory_space<hbm>> -> memref<160xi32, #tpu.memory_space<hbm>>
      tpu.enqueue_dma source(%dma_start3A_79 : memref<160xi32, #tpu.memory_space<hbm>>) target(%arg8 : memref<160xi32, #tpu.memory_space<vmem>>) target_semaphore(%run_scoped3A : memref<!tpu.dma_semaphore, #tpu.memory_space<semaphore_mem>>)
      %dma_wait3A_80 = tpu.memref_slice %arg3[%multiple_of3A_15] : memref<640000xi32, #tpu.memory_space<hbm>> -> memref<160xi32, #tpu.memory_space<hbm>>
      %dma_wait3A_81 = tpu.memref_slice %arg3[%multiple_of3A_15] : memref<640000xi32, #tpu.memory_space<hbm>> -> memref<160xi32, #tpu.memory_space<hbm>>
      tpu.wait_dma2 semaphore(%run_scoped3A : memref<!tpu.dma_semaphore, #tpu.memory_space<semaphore_mem>>) src(%dma_wait3A_81 : memref<160xi32, #tpu.memory_space<hbm>>) dst(%arg8 : memref<160xi32, #tpu.memory_space<vmem>>)
      tpu.yield
    }) : () -> ()
    %add3A_16 = arith.constant 0 : i32
    %add3A_17 = arith.addi %mul3A_12, %add3A_16 : i32
    %multiple_of3A_18 = tpu.assume_multiple %add3A_17, 8 : i32
    "tpu.region"() ({
      %run_scoped3A = tpu.sem_alloc : memref<!tpu.dma_semaphore, #tpu.memory_space<semaphore_mem>>
      %dma_start3A_78 = tpu.memref_slice %arg4[%multiple_of3A_18] : memref<320000xi32, #tpu.memory_space<hbm>> -> memref<160xi32, #tpu.memory_space<hbm>>
      %dma_start3A_79 = tpu.memref_slice %arg4[%multiple_of3A_18] : memref<320000xi32, #tpu.memory_space<hbm>> -> memref<160xi32, #tpu.memory_space<hbm>>
      tpu.enqueue_dma source(%dma_start3A_79 : memref<160xi32, #tpu.memory_space<hbm>>) target(%arg12 : memref<160xi32, #tpu.memory_space<vmem>>) target_semaphore(%run_scoped3A : memref<!tpu.dma_semaphore, #tpu.memory_space<semaphore_mem>>)
      %dma_wait3A_80 = tpu.memref_slice %arg4[%multiple_of3A_18] : memref<320000xi32, #tpu.memory_space<hbm>> -> memref<160xi32, #tpu.memory_space<hbm>>
      %dma_wait3A_81 = tpu.memref_slice %arg4[%multiple_of3A_18] : memref<320000xi32, #tpu.memory_space<hbm>> -> memref<160xi32, #tpu.memory_space<hbm>>
      tpu.wait_dma2 semaphore(%run_scoped3A : memref<!tpu.dma_semaphore, #tpu.memory_space<semaphore_mem>>) src(%dma_wait3A_81 : memref<160xi32, #tpu.memory_space<hbm>>) dst(%arg12 : memref<160xi32, #tpu.memory_space<vmem>>)
      tpu.yield
    }) : () -> ()
    %add3A_19 = arith.constant 160 : i32
    %add3A_20 = arith.addi %add3A, %add3A_19 : i32
    %multiple_of3A_21 = tpu.assume_multiple %add3A_20, 8 : i32
    %dma_start3A = tpu.memref_slice %arg3[%multiple_of3A_21] : memref<640000xi32, #tpu.memory_space<hbm>> -> memref<160xi32, #tpu.memory_space<hbm>>
    %dma_start3A_22 = tpu.memref_slice %arg3[%multiple_of3A_21] : memref<640000xi32, #tpu.memory_space<hbm>> -> memref<160xi32, #tpu.memory_space<hbm>>
    tpu.enqueue_dma source(%dma_start3A_22 : memref<160xi32, #tpu.memory_space<hbm>>) target(%arg9 : memref<160xi32, #tpu.memory_space<vmem>>) target_semaphore(%arg23 : memref<!tpu.dma_semaphore, #tpu.memory_space<semaphore_mem>>)
    %add3A_23 = arith.constant 160 : i32
    %add3A_24 = arith.addi %mul3A_12, %add3A_23 : i32
    %multiple_of3A_25 = tpu.assume_multiple %add3A_24, 8 : i32
    %dma_start3A_26 = tpu.memref_slice %arg4[%multiple_of3A_25] : memref<320000xi32, #tpu.memory_space<hbm>> -> memref<160xi32, #tpu.memory_space<hbm>>
    %dma_start3A_27 = tpu.memref_slice %arg4[%multiple_of3A_25] : memref<320000xi32, #tpu.memory_space<hbm>> -> memref<160xi32, #tpu.memory_space<hbm>>
    tpu.enqueue_dma source(%dma_start3A_27 : memref<160xi32, #tpu.memory_space<hbm>>) target(%arg13 : memref<160xi32, #tpu.memory_space<vmem>>) target_semaphore(%arg23 : memref<!tpu.dma_semaphore, #tpu.memory_space<semaphore_mem>>)
    %add3A_28 = arith.constant 320 : i32
    %add3A_29 = arith.addi %add3A, %add3A_28 : i32
    %multiple_of3A_30 = tpu.assume_multiple %add3A_29, 8 : i32
    %dma_start3A_31 = tpu.memref_slice %arg3[%multiple_of3A_30] : memref<640000xi32, #tpu.memory_space<hbm>> -> memref<160xi32, #tpu.memory_space<hbm>>
    %dma_start3A_32 = tpu.memref_slice %arg3[%multiple_of3A_30] : memref<640000xi32, #tpu.memory_space<hbm>> -> memref<160xi32, #tpu.memory_space<hbm>>
    tpu.enqueue_dma source(%dma_start3A_32 : memref<160xi32, #tpu.memory_space<hbm>>) target(%arg10 : memref<160xi32, #tpu.memory_space<vmem>>) target_semaphore(%arg24 : memref<!tpu.dma_semaphore, #tpu.memory_space<semaphore_mem>>)
    %add3A_33 = arith.constant 320 : i32
    %add3A_34 = arith.addi %mul3A_12, %add3A_33 : i32
    %multiple_of3A_35 = tpu.assume_multiple %add3A_34, 8 : i32
    %dma_start3A_36 = tpu.memref_slice %arg4[%multiple_of3A_35] : memref<320000xi32, #tpu.memory_space<hbm>> -> memref<160xi32, #tpu.memory_space<hbm>>
    %dma_start3A_37 = tpu.memref_slice %arg4[%multiple_of3A_35] : memref<320000xi32, #tpu.memory_space<hbm>> -> memref<160xi32, #tpu.memory_space<hbm>>
    tpu.enqueue_dma source(%dma_start3A_37 : memref<160xi32, #tpu.memory_space<hbm>>) target(%arg14 : memref<160xi32, #tpu.memory_space<vmem>>) target_semaphore(%arg24 : memref<!tpu.dma_semaphore, #tpu.memory_space<semaphore_mem>>)
    %add3A_38 = arith.constant 480 : i32
    %add3A_39 = arith.addi %add3A, %add3A_38 : i32
    %multiple_of3A_40 = tpu.assume_multiple %add3A_39, 8 : i32
    %dma_start3A_41 = tpu.memref_slice %arg3[%multiple_of3A_40] : memref<640000xi32, #tpu.memory_space<hbm>> -> memref<160xi32, #tpu.memory_space<hbm>>
    %dma_start3A_42 = tpu.memref_slice %arg3[%multiple_of3A_40] : memref<640000xi32, #tpu.memory_space<hbm>> -> memref<160xi32, #tpu.memory_space<hbm>>
    tpu.enqueue_dma source(%dma_start3A_42 : memref<160xi32, #tpu.memory_space<hbm>>) target(%arg11 : memref<160xi32, #tpu.memory_space<vmem>>) target_semaphore(%arg25 : memref<!tpu.dma_semaphore, #tpu.memory_space<semaphore_mem>>)
    %add3A_43 = arith.constant 480 : i32
    %add3A_44 = arith.addi %mul3A_12, %add3A_43 : i32
    %multiple_of3A_45 = tpu.assume_multiple %add3A_44, 8 : i32
    %dma_start3A_46 = tpu.memref_slice %arg4[%multiple_of3A_45] : memref<320000xi32, #tpu.memory_space<hbm>> -> memref<160xi32, #tpu.memory_space<hbm>>
    %dma_start3A_47 = tpu.memref_slice %arg4[%multiple_of3A_45] : memref<320000xi32, #tpu.memory_space<hbm>> -> memref<160xi32, #tpu.memory_space<hbm>>
    tpu.enqueue_dma source(%dma_start3A_47 : memref<160xi32, #tpu.memory_space<hbm>>) target(%arg15 : memref<160xi32, #tpu.memory_space<vmem>>) target_semaphore(%arg25 : memref<!tpu.dma_semaphore, #tpu.memory_space<semaphore_mem>>)
    %dma_start3A_48 = arith.constant 0 : i32
    %dma_start3A_49 = arith.constant 0 : i32
    %dma_start3A_50 = tpu.memref_slice %arg2[%dma_start3A_48, %dma_start3A_49] : memref<20000x128xf32, #tpu.memory_space<hbm>> -> memref<20000x128xf32, #tpu.memory_space<hbm>>
    tpu.enqueue_indirect_dma source(%dma_start3A_50 : memref<20000x128xf32, #tpu.memory_space<hbm>>) target(%arg16 : memref<160x128xf32, #tpu.memory_space<vmem>>) offsets(%arg8 : memref<160xi32, #tpu.memory_space<vmem>>) semaphore(%arg18 : memref<!tpu.dma_semaphore, #tpu.memory_space<semaphore_mem>>)
    %scan3A = arith.constant 0 : i32
    %scan3A_51 = arith.constant 0 : i32
    %scan3A_52 = arith.constant 31 : i32
    %scan3A_53 = arith.addi %scan3A_51, %scan3A_52 : i32
    %scan3A_54 = arith.constant 1 : i32
    scf.for %scan3A_78 = %scan3A_51 to %scan3A_53 step %scan3A_54  : i32 {
      %mul3A_79 = arith.constant 4 : i32
      %mul3A_80 = arith.muli %mul3A_79, %scan3A_78 : i32
      %dma_wait3A_81 = arith.constant 0 : i32
      %dma_wait3A_82 = arith.constant 0 : i32
      %dma_wait3A_83 = tpu.memref_slice %arg2[%dma_wait3A_81, %dma_wait3A_82] : memref<20000x128xf32, #tpu.memory_space<hbm>> -> memref<20000x128xf32, #tpu.memory_space<hbm>>
      tpu.wait_indirect_dma semaphore(%arg18 : memref<!tpu.dma_semaphore, #tpu.memory_space<semaphore_mem>>) src(%dma_wait3A_83 : memref<20000x128xf32, #tpu.memory_space<hbm>>) dst(%arg16 : memref<160x128xf32, #tpu.memory_space<vmem>>)
      %gt3A = arith.constant 0 : i32
      %gt3A_84 = arith.cmpi sgt, %scan3A_78, %gt3A : i32
      %convert_element_type3A_85 = arith.extui %gt3A_84 : i1 to i32
      %cond3A_86 = arith.constant 0 : i32
      %cond3A_87 = arith.cmpi ne, %convert_element_type3A_85, %cond3A_86 : i32
      scf.if %cond3A_87 {
        %dma_wait3A_210 = arith.constant 0 : i32
        %dma_wait3A_211 = arith.constant 0 : i32
        %dma_wait3A_212 = tpu.memref_slice %arg7[%dma_wait3A_210, %dma_wait3A_211] : memref<10000x128xf32, #tpu.memory_space<vmem_shared>> -> memref<10000x128xf32, #tpu.memory_space<vmem_shared>>
        tpu.wait_indirect_dma semaphore(%arg21 : memref<!tpu.dma_semaphore, #tpu.memory_space<semaphore_mem>>) src(%arg17 : memref<160x128xf32, #tpu.memory_space<vmem>>) dst(%dma_wait3A_212 : memref<10000x128xf32, #tpu.memory_space<vmem_shared>>)
        %add3A_213 = arith.constant 3 : i32
        %add3A_214 = arith.addi %mul3A_80, %add3A_213 : i32
        %mul3A_215 = arith.constant 160 : i32
        %mul3A_216 = arith.muli %add3A_214, %mul3A_215 : i32
        %add3A_217 = arith.addi %add3A, %mul3A_216 : i32
        %multiple_of3A_218 = tpu.assume_multiple %add3A_217, 8 : i32
        %dma_start3A_219 = tpu.memref_slice %arg3[%multiple_of3A_218] : memref<640000xi32, #tpu.memory_space<hbm>> -> memref<160xi32, #tpu.memory_space<hbm>>
        %dma_start3A_220 = tpu.memref_slice %arg3[%multiple_of3A_218] : memref<640000xi32, #tpu.memory_space<hbm>> -> memref<160xi32, #tpu.memory_space<hbm>>
        tpu.enqueue_dma source(%dma_start3A_220 : memref<160xi32, #tpu.memory_space<hbm>>) target(%arg11 : memref<160xi32, #tpu.memory_space<vmem>>) target_semaphore(%arg25 : memref<!tpu.dma_semaphore, #tpu.memory_space<semaphore_mem>>)
        %mul3A_221 = arith.constant 160 : i32
        %mul3A_222 = arith.muli %add3A_214, %mul3A_221 : i32
        %add3A_223 = arith.addi %mul3A_12, %mul3A_222 : i32
        %multiple_of3A_224 = tpu.assume_multiple %add3A_223, 8 : i32
        %dma_start3A_225 = tpu.memref_slice %arg4[%multiple_of3A_224] : memref<320000xi32, #tpu.memory_space<hbm>> -> memref<160xi32, #tpu.memory_space<hbm>>
        %dma_start3A_226 = tpu.memref_slice %arg4[%multiple_of3A_224] : memref<320000xi32, #tpu.memory_space<hbm>> -> memref<160xi32, #tpu.memory_space<hbm>>
        tpu.enqueue_dma source(%dma_start3A_226 : memref<160xi32, #tpu.memory_space<hbm>>) target(%arg15 : memref<160xi32, #tpu.memory_space<vmem>>) target_semaphore(%arg25 : memref<!tpu.dma_semaphore, #tpu.memory_space<semaphore_mem>>)
      } else {
      }
      %add3A_88 = arith.constant 1 : i32
      %add3A_89 = arith.addi %mul3A_80, %add3A_88 : i32
      %mul3A_90 = arith.constant 160 : i32
      %mul3A_91 = arith.muli %add3A_89, %mul3A_90 : i32
      %add3A_92 = arith.addi %add3A, %mul3A_91 : i32
      %multiple_of3A_93 = tpu.assume_multiple %add3A_92, 8 : i32
      %dma_wait3A_94 = tpu.memref_slice %arg3[%multiple_of3A_93] : memref<640000xi32, #tpu.memory_space<hbm>> -> memref<160xi32, #tpu.memory_space<hbm>>
      %dma_wait3A_95 = tpu.memref_slice %arg3[%multiple_of3A_93] : memref<640000xi32, #tpu.memory_space<hbm>> -> memref<160xi32, #tpu.memory_space<hbm>>
      tpu.wait_dma2 semaphore(%arg23 : memref<!tpu.dma_semaphore, #tpu.memory_space<semaphore_mem>>) src(%dma_wait3A_95 : memref<160xi32, #tpu.memory_space<hbm>>) dst(%arg9 : memref<160xi32, #tpu.memory_space<vmem>>)
      %mul3A_96 = arith.constant 160 : i32
      %mul3A_97 = arith.muli %add3A_89, %mul3A_96 : i32
      %add3A_98 = arith.addi %mul3A_12, %mul3A_97 : i32
      %multiple_of3A_99 = tpu.assume_multiple %add3A_98, 8 : i32
      %dma_wait3A_100 = tpu.memref_slice %arg4[%multiple_of3A_99] : memref<320000xi32, #tpu.memory_space<hbm>> -> memref<160xi32, #tpu.memory_space<hbm>>
      %dma_wait3A_101 = tpu.memref_slice %arg4[%multiple_of3A_99] : memref<320000xi32, #tpu.memory_space<hbm>> -> memref<160xi32, #tpu.memory_space<hbm>>
      tpu.wait_dma2 semaphore(%arg23 : memref<!tpu.dma_semaphore, #tpu.memory_space<semaphore_mem>>) src(%dma_wait3A_101 : memref<160xi32, #tpu.memory_space<hbm>>) dst(%arg13 : memref<160xi32, #tpu.memory_space<vmem>>)
      %dma_start3A_102 = arith.constant 0 : i32
      %dma_start3A_103 = arith.constant 0 : i32
      %dma_start3A_104 = tpu.memref_slice %arg2[%dma_start3A_102, %dma_start3A_103] : memref<20000x128xf32, #tpu.memory_space<hbm>> -> memref<20000x128xf32, #tpu.memory_space<hbm>>
      tpu.enqueue_indirect_dma source(%dma_start3A_104 : memref<20000x128xf32, #tpu.memory_space<hbm>>) target(%arg17 : memref<160x128xf32, #tpu.memory_space<vmem>>) offsets(%arg9 : memref<160xi32, #tpu.memory_space<vmem>>) semaphore(%arg19 : memref<!tpu.dma_semaphore, #tpu.memory_space<semaphore_mem>>)
      %dma_start3A_105 = arith.constant 0 : i32
      %dma_start3A_106 = arith.constant 0 : i32
      %dma_start3A_107 = tpu.memref_slice %arg7[%dma_start3A_105, %dma_start3A_106] : memref<10000x128xf32, #tpu.memory_space<vmem_shared>> -> memref<10000x128xf32, #tpu.memory_space<vmem_shared>>
      tpu.enqueue_indirect_dma source(%arg16 : memref<160x128xf32, #tpu.memory_space<vmem>>) target(%dma_start3A_107 : memref<10000x128xf32, #tpu.memory_space<vmem_shared>>) offsets(%arg12 : memref<160xi32, #tpu.memory_space<vmem>>) semaphore(%arg20 : memref<!tpu.dma_semaphore, #tpu.memory_space<semaphore_mem>>) {add = true}
      %dma_wait3A_108 = arith.constant 0 : i32
      %dma_wait3A_109 = arith.constant 0 : i32
      %dma_wait3A_110 = tpu.memref_slice %arg7[%dma_wait3A_108, %dma_wait3A_109] : memref<10000x128xf32, #tpu.memory_space<vmem_shared>> -> memref<10000x128xf32, #tpu.memory_space<vmem_shared>>
      tpu.wait_indirect_dma semaphore(%arg20 : memref<!tpu.dma_semaphore, #tpu.memory_space<semaphore_mem>>) src(%arg16 : memref<160x128xf32, #tpu.memory_space<vmem>>) dst(%dma_wait3A_110 : memref<10000x128xf32, #tpu.memory_space<vmem_shared>>)
      %add3A_111 = arith.constant 4 : i32
      %add3A_112 = arith.addi %mul3A_80, %add3A_111 : i32
      %mul3A_113 = arith.constant 160 : i32
      %mul3A_114 = arith.muli %add3A_112, %mul3A_113 : i32
      %add3A_115 = arith.addi %add3A, %mul3A_114 : i32
      %multiple_of3A_116 = tpu.assume_multiple %add3A_115, 8 : i32
      %dma_start3A_117 = tpu.memref_slice %arg3[%multiple_of3A_116] : memref<640000xi32, #tpu.memory_space<hbm>> -> memref<160xi32, #tpu.memory_space<hbm>>
      %dma_start3A_118 = tpu.memref_slice %arg3[%multiple_of3A_116] : memref<640000xi32, #tpu.memory_space<hbm>> -> memref<160xi32, #tpu.memory_space<hbm>>
      tpu.enqueue_dma source(%dma_start3A_118 : memref<160xi32, #tpu.memory_space<hbm>>) target(%arg8 : memref<160xi32, #tpu.memory_space<vmem>>) target_semaphore(%arg22 : memref<!tpu.dma_semaphore, #tpu.memory_space<semaphore_mem>>)
      %mul3A_119 = arith.constant 160 : i32
      %mul3A_120 = arith.muli %add3A_112, %mul3A_119 : i32
      %add3A_121 = arith.addi %mul3A_12, %mul3A_120 : i32
      %multiple_of3A_122 = tpu.assume_multiple %add3A_121, 8 : i32
      %dma_start3A_123 = tpu.memref_slice %arg4[%multiple_of3A_122] : memref<320000xi32, #tpu.memory_space<hbm>> -> memref<160xi32, #tpu.memory_space<hbm>>
      %dma_start3A_124 = tpu.memref_slice %arg4[%multiple_of3A_122] : memref<320000xi32, #tpu.memory_space<hbm>> -> memref<160xi32, #tpu.memory_space<hbm>>
      tpu.enqueue_dma source(%dma_start3A_124 : memref<160xi32, #tpu.memory_space<hbm>>) target(%arg12 : memref<160xi32, #tpu.memory_space<vmem>>) target_semaphore(%arg22 : memref<!tpu.dma_semaphore, #tpu.memory_space<semaphore_mem>>)
      %add3A_125 = arith.constant 2 : i32
      %add3A_126 = arith.addi %mul3A_80, %add3A_125 : i32
      %mul3A_127 = arith.constant 160 : i32
      %mul3A_128 = arith.muli %add3A_126, %mul3A_127 : i32
      %add3A_129 = arith.addi %add3A, %mul3A_128 : i32
      %multiple_of3A_130 = tpu.assume_multiple %add3A_129, 8 : i32
      %dma_wait3A_131 = tpu.memref_slice %arg3[%multiple_of3A_130] : memref<640000xi32, #tpu.memory_space<hbm>> -> memref<160xi32, #tpu.memory_space<hbm>>
      %dma_wait3A_132 = tpu.memref_slice %arg3[%multiple_of3A_130] : memref<640000xi32, #tpu.memory_space<hbm>> -> memref<160xi32, #tpu.memory_space<hbm>>
      tpu.wait_dma2 semaphore(%arg24 : memref<!tpu.dma_semaphore, #tpu.memory_space<semaphore_mem>>) src(%dma_wait3A_132 : memref<160xi32, #tpu.memory_space<hbm>>) dst(%arg10 : memref<160xi32, #tpu.memory_space<vmem>>)
      %mul3A_133 = arith.constant 160 : i32
      %mul3A_134 = arith.muli %add3A_126, %mul3A_133 : i32
      %add3A_135 = arith.addi %mul3A_12, %mul3A_134 : i32
      %multiple_of3A_136 = tpu.assume_multiple %add3A_135, 8 : i32
      %dma_wait3A_137 = tpu.memref_slice %arg4[%multiple_of3A_136] : memref<320000xi32, #tpu.memory_space<hbm>> -> memref<160xi32, #tpu.memory_space<hbm>>
      %dma_wait3A_138 = tpu.memref_slice %arg4[%multiple_of3A_136] : memref<320000xi32, #tpu.memory_space<hbm>> -> memref<160xi32, #tpu.memory_space<hbm>>
      tpu.wait_dma2 semaphore(%arg24 : memref<!tpu.dma_semaphore, #tpu.memory_space<semaphore_mem>>) src(%dma_wait3A_138 : memref<160xi32, #tpu.memory_space<hbm>>) dst(%arg14 : memref<160xi32, #tpu.memory_space<vmem>>)
      %dma_wait3A_139 = arith.constant 0 : i32
      %dma_wait3A_140 = arith.constant 0 : i32
      %dma_wait3A_141 = tpu.memref_slice %arg2[%dma_wait3A_139, %dma_wait3A_140] : memref<20000x128xf32, #tpu.memory_space<hbm>> -> memref<20000x128xf32, #tpu.memory_space<hbm>>
      tpu.wait_indirect_dma semaphore(%arg19 : memref<!tpu.dma_semaphore, #tpu.memory_space<semaphore_mem>>) src(%dma_wait3A_141 : memref<20000x128xf32, #tpu.memory_space<hbm>>) dst(%arg17 : memref<160x128xf32, #tpu.memory_space<vmem>>)
      %dma_start3A_142 = arith.constant 0 : i32
      %dma_start3A_143 = arith.constant 0 : i32
      %dma_start3A_144 = tpu.memref_slice %arg2[%dma_start3A_142, %dma_start3A_143] : memref<20000x128xf32, #tpu.memory_space<hbm>> -> memref<20000x128xf32, #tpu.memory_space<hbm>>
      tpu.enqueue_indirect_dma source(%dma_start3A_144 : memref<20000x128xf32, #tpu.memory_space<hbm>>) target(%arg16 : memref<160x128xf32, #tpu.memory_space<vmem>>) offsets(%arg10 : memref<160xi32, #tpu.memory_space<vmem>>) semaphore(%arg18 : memref<!tpu.dma_semaphore, #tpu.memory_space<semaphore_mem>>)
      %dma_start3A_145 = arith.constant 0 : i32
      %dma_start3A_146 = arith.constant 0 : i32
      %dma_start3A_147 = tpu.memref_slice %arg7[%dma_start3A_145, %dma_start3A_146] : memref<10000x128xf32, #tpu.memory_space<vmem_shared>> -> memref<10000x128xf32, #tpu.memory_space<vmem_shared>>
      tpu.enqueue_indirect_dma source(%arg17 : memref<160x128xf32, #tpu.memory_space<vmem>>) target(%dma_start3A_147 : memref<10000x128xf32, #tpu.memory_space<vmem_shared>>) offsets(%arg13 : memref<160xi32, #tpu.memory_space<vmem>>) semaphore(%arg21 : memref<!tpu.dma_semaphore, #tpu.memory_space<semaphore_mem>>) {add = true}
      %dma_wait3A_148 = arith.constant 0 : i32
      %dma_wait3A_149 = arith.constant 0 : i32
      %dma_wait3A_150 = tpu.memref_slice %arg7[%dma_wait3A_148, %dma_wait3A_149] : memref<10000x128xf32, #tpu.memory_space<vmem_shared>> -> memref<10000x128xf32, #tpu.memory_space<vmem_shared>>
      tpu.wait_indirect_dma semaphore(%arg21 : memref<!tpu.dma_semaphore, #tpu.memory_space<semaphore_mem>>) src(%arg17 : memref<160x128xf32, #tpu.memory_space<vmem>>) dst(%dma_wait3A_150 : memref<10000x128xf32, #tpu.memory_space<vmem_shared>>)
      %lt3A_151 = arith.constant 30 : i32
      %lt3A_152 = arith.cmpi slt, %scan3A_78, %lt3A_151 : i32
      %convert_element_type3A_153 = arith.extui %lt3A_152 : i1 to i32
      %cond3A_154 = arith.constant 0 : i32
      %cond3A_155 = arith.cmpi ne, %convert_element_type3A_153, %cond3A_154 : i32
      scf.if %cond3A_155 {
        %add3A_210 = arith.constant 5 : i32
        %add3A_211 = arith.addi %mul3A_80, %add3A_210 : i32
        %mul3A_212 = arith.constant 160 : i32
        %mul3A_213 = arith.muli %add3A_211, %mul3A_212 : i32
        %add3A_214 = arith.addi %add3A, %mul3A_213 : i32
        %multiple_of3A_215 = tpu.assume_multiple %add3A_214, 8 : i32
        %dma_start3A_216 = tpu.memref_slice %arg3[%multiple_of3A_215] : memref<640000xi32, #tpu.memory_space<hbm>> -> memref<160xi32, #tpu.memory_space<hbm>>
        %dma_start3A_217 = tpu.memref_slice %arg3[%multiple_of3A_215] : memref<640000xi32, #tpu.memory_space<hbm>> -> memref<160xi32, #tpu.memory_space<hbm>>
        tpu.enqueue_dma source(%dma_start3A_217 : memref<160xi32, #tpu.memory_space<hbm>>) target(%arg9 : memref<160xi32, #tpu.memory_space<vmem>>) target_semaphore(%arg23 : memref<!tpu.dma_semaphore, #tpu.memory_space<semaphore_mem>>)
        %mul3A_218 = arith.constant 160 : i32
        %mul3A_219 = arith.muli %add3A_211, %mul3A_218 : i32
        %add3A_220 = arith.addi %mul3A_12, %mul3A_219 : i32
        %multiple_of3A_221 = tpu.assume_multiple %add3A_220, 8 : i32
        %dma_start3A_222 = tpu.memref_slice %arg4[%multiple_of3A_221] : memref<320000xi32, #tpu.memory_space<hbm>> -> memref<160xi32, #tpu.memory_space<hbm>>
        %dma_start3A_223 = tpu.memref_slice %arg4[%multiple_of3A_221] : memref<320000xi32, #tpu.memory_space<hbm>> -> memref<160xi32, #tpu.memory_space<hbm>>
        tpu.enqueue_dma source(%dma_start3A_223 : memref<160xi32, #tpu.memory_space<hbm>>) target(%arg13 : memref<160xi32, #tpu.memory_space<vmem>>) target_semaphore(%arg23 : memref<!tpu.dma_semaphore, #tpu.memory_space<semaphore_mem>>)
      } else {
      }
      %add3A_156 = arith.constant 3 : i32
      %add3A_157 = arith.addi %mul3A_80, %add3A_156 : i32
      %mul3A_158 = arith.constant 160 : i32
      %mul3A_159 = arith.muli %add3A_157, %mul3A_158 : i32
      %add3A_160 = arith.addi %add3A, %mul3A_159 : i32
      %multiple_of3A_161 = tpu.assume_multiple %add3A_160, 8 : i32
      %dma_wait3A_162 = tpu.memref_slice %arg3[%multiple_of3A_161] : memref<640000xi32, #tpu.memory_space<hbm>> -> memref<160xi32, #tpu.memory_space<hbm>>
      %dma_wait3A_163 = tpu.memref_slice %arg3[%multiple_of3A_161] : memref<640000xi32, #tpu.memory_space<hbm>> -> memref<160xi32, #tpu.memory_space<hbm>>
      tpu.wait_dma2 semaphore(%arg25 : memref<!tpu.dma_semaphore, #tpu.memory_space<semaphore_mem>>) src(%dma_wait3A_163 : memref<160xi32, #tpu.memory_space<hbm>>) dst(%arg11 : memref<160xi32, #tpu.memory_space<vmem>>)
      %mul3A_164 = arith.constant 160 : i32
      %mul3A_165 = arith.muli %add3A_157, %mul3A_164 : i32
      %add3A_166 = arith.addi %mul3A_12, %mul3A_165 : i32
      %multiple_of3A_167 = tpu.assume_multiple %add3A_166, 8 : i32
      %dma_wait3A_168 = tpu.memref_slice %arg4[%multiple_of3A_167] : memref<320000xi32, #tpu.memory_space<hbm>> -> memref<160xi32, #tpu.memory_space<hbm>>
      %dma_wait3A_169 = tpu.memref_slice %arg4[%multiple_of3A_167] : memref<320000xi32, #tpu.memory_space<hbm>> -> memref<160xi32, #tpu.memory_space<hbm>>
      tpu.wait_dma2 semaphore(%arg25 : memref<!tpu.dma_semaphore, #tpu.memory_space<semaphore_mem>>) src(%dma_wait3A_169 : memref<160xi32, #tpu.memory_space<hbm>>) dst(%arg15 : memref<160xi32, #tpu.memory_space<vmem>>)
      %dma_wait3A_170 = arith.constant 0 : i32
      %dma_wait3A_171 = arith.constant 0 : i32
      %dma_wait3A_172 = tpu.memref_slice %arg2[%dma_wait3A_170, %dma_wait3A_171] : memref<20000x128xf32, #tpu.memory_space<hbm>> -> memref<20000x128xf32, #tpu.memory_space<hbm>>
      tpu.wait_indirect_dma semaphore(%arg18 : memref<!tpu.dma_semaphore, #tpu.memory_space<semaphore_mem>>) src(%dma_wait3A_172 : memref<20000x128xf32, #tpu.memory_space<hbm>>) dst(%arg16 : memref<160x128xf32, #tpu.memory_space<vmem>>)
      %dma_start3A_173 = arith.constant 0 : i32
      %dma_start3A_174 = arith.constant 0 : i32
      %dma_start3A_175 = tpu.memref_slice %arg2[%dma_start3A_173, %dma_start3A_174] : memref<20000x128xf32, #tpu.memory_space<hbm>> -> memref<20000x128xf32, #tpu.memory_space<hbm>>
      tpu.enqueue_indirect_dma source(%dma_start3A_175 : memref<20000x128xf32, #tpu.memory_space<hbm>>) target(%arg17 : memref<160x128xf32, #tpu.memory_space<vmem>>) offsets(%arg11 : memref<160xi32, #tpu.memory_space<vmem>>) semaphore(%arg19 : memref<!tpu.dma_semaphore, #tpu.memory_space<semaphore_mem>>)
      %dma_start3A_176 = arith.constant 0 : i32
      %dma_start3A_177 = arith.constant 0 : i32
      %dma_start3A_178 = tpu.memref_slice %arg7[%dma_start3A_176, %dma_start3A_177] : memref<10000x128xf32, #tpu.memory_space<vmem_shared>> -> memref<10000x128xf32, #tpu.memory_space<vmem_shared>>
      tpu.enqueue_indirect_dma source(%arg16 : memref<160x128xf32, #tpu.memory_space<vmem>>) target(%dma_start3A_178 : memref<10000x128xf32, #tpu.memory_space<vmem_shared>>) offsets(%arg14 : memref<160xi32, #tpu.memory_space<vmem>>) semaphore(%arg20 : memref<!tpu.dma_semaphore, #tpu.memory_space<semaphore_mem>>) {add = true}
      %dma_wait3A_179 = arith.constant 0 : i32
      %dma_wait3A_180 = arith.constant 0 : i32
      %dma_wait3A_181 = tpu.memref_slice %arg7[%dma_wait3A_179, %dma_wait3A_180] : memref<10000x128xf32, #tpu.memory_space<vmem_shared>> -> memref<10000x128xf32, #tpu.memory_space<vmem_shared>>
      tpu.wait_indirect_dma semaphore(%arg20 : memref<!tpu.dma_semaphore, #tpu.memory_space<semaphore_mem>>) src(%arg16 : memref<160x128xf32, #tpu.memory_space<vmem>>) dst(%dma_wait3A_181 : memref<10000x128xf32, #tpu.memory_space<vmem_shared>>)
      %lt3A_182 = arith.constant 30 : i32
      %lt3A_183 = arith.cmpi slt, %scan3A_78, %lt3A_182 : i32
      %convert_element_type3A_184 = arith.extui %lt3A_183 : i1 to i32
      %cond3A_185 = arith.constant 0 : i32
      %cond3A_186 = arith.cmpi ne, %convert_element_type3A_184, %cond3A_185 : i32
      scf.if %cond3A_186 {
        %add3A_210 = arith.constant 6 : i32
        %add3A_211 = arith.addi %mul3A_80, %add3A_210 : i32
        %mul3A_212 = arith.constant 160 : i32
        %mul3A_213 = arith.muli %add3A_211, %mul3A_212 : i32
        %add3A_214 = arith.addi %add3A, %mul3A_213 : i32
        %multiple_of3A_215 = tpu.assume_multiple %add3A_214, 8 : i32
        %dma_start3A_216 = tpu.memref_slice %arg3[%multiple_of3A_215] : memref<640000xi32, #tpu.memory_space<hbm>> -> memref<160xi32, #tpu.memory_space<hbm>>
        %dma_start3A_217 = tpu.memref_slice %arg3[%multiple_of3A_215] : memref<640000xi32, #tpu.memory_space<hbm>> -> memref<160xi32, #tpu.memory_space<hbm>>
        tpu.enqueue_dma source(%dma_start3A_217 : memref<160xi32, #tpu.memory_space<hbm>>) target(%arg10 : memref<160xi32, #tpu.memory_space<vmem>>) target_semaphore(%arg24 : memref<!tpu.dma_semaphore, #tpu.memory_space<semaphore_mem>>)
        %mul3A_218 = arith.constant 160 : i32
        %mul3A_219 = arith.muli %add3A_211, %mul3A_218 : i32
        %add3A_220 = arith.addi %mul3A_12, %mul3A_219 : i32
        %multiple_of3A_221 = tpu.assume_multiple %add3A_220, 8 : i32
        %dma_start3A_222 = tpu.memref_slice %arg4[%multiple_of3A_221] : memref<320000xi32, #tpu.memory_space<hbm>> -> memref<160xi32, #tpu.memory_space<hbm>>
        %dma_start3A_223 = tpu.memref_slice %arg4[%multiple_of3A_221] : memref<320000xi32, #tpu.memory_space<hbm>> -> memref<160xi32, #tpu.memory_space<hbm>>
        tpu.enqueue_dma source(%dma_start3A_223 : memref<160xi32, #tpu.memory_space<hbm>>) target(%arg14 : memref<160xi32, #tpu.memory_space<vmem>>) target_semaphore(%arg24 : memref<!tpu.dma_semaphore, #tpu.memory_space<semaphore_mem>>)
      } else {
      }
      %add3A_187 = arith.constant 4 : i32
      %add3A_188 = arith.addi %mul3A_80, %add3A_187 : i32
      %mul3A_189 = arith.constant 160 : i32
      %mul3A_190 = arith.muli %add3A_188, %mul3A_189 : i32
      %add3A_191 = arith.addi %add3A, %mul3A_190 : i32
      %multiple_of3A_192 = tpu.assume_multiple %add3A_191, 8 : i32
      %dma_wait3A_193 = tpu.memref_slice %arg3[%multiple_of3A_192] : memref<640000xi32, #tpu.memory_space<hbm>> -> memref<160xi32, #tpu.memory_space<hbm>>
      %dma_wait3A_194 = tpu.memref_slice %arg3[%multiple_of3A_192] : memref<640000xi32, #tpu.memory_space<hbm>> -> memref<160xi32, #tpu.memory_space<hbm>>
      tpu.wait_dma2 semaphore(%arg22 : memref<!tpu.dma_semaphore, #tpu.memory_space<semaphore_mem>>) src(%dma_wait3A_194 : memref<160xi32, #tpu.memory_space<hbm>>) dst(%arg8 : memref<160xi32, #tpu.memory_space<vmem>>)
      %mul3A_195 = arith.constant 160 : i32
      %mul3A_196 = arith.muli %add3A_188, %mul3A_195 : i32
      %add3A_197 = arith.addi %mul3A_12, %mul3A_196 : i32
      %multiple_of3A_198 = tpu.assume_multiple %add3A_197, 8 : i32
      %dma_wait3A_199 = tpu.memref_slice %arg4[%multiple_of3A_198] : memref<320000xi32, #tpu.memory_space<hbm>> -> memref<160xi32, #tpu.memory_space<hbm>>
      %dma_wait3A_200 = tpu.memref_slice %arg4[%multiple_of3A_198] : memref<320000xi32, #tpu.memory_space<hbm>> -> memref<160xi32, #tpu.memory_space<hbm>>
      tpu.wait_dma2 semaphore(%arg22 : memref<!tpu.dma_semaphore, #tpu.memory_space<semaphore_mem>>) src(%dma_wait3A_200 : memref<160xi32, #tpu.memory_space<hbm>>) dst(%arg12 : memref<160xi32, #tpu.memory_space<vmem>>)
      %dma_wait3A_201 = arith.constant 0 : i32
      %dma_wait3A_202 = arith.constant 0 : i32
      %dma_wait3A_203 = tpu.memref_slice %arg2[%dma_wait3A_201, %dma_wait3A_202] : memref<20000x128xf32, #tpu.memory_space<hbm>> -> memref<20000x128xf32, #tpu.memory_space<hbm>>
      tpu.wait_indirect_dma semaphore(%arg19 : memref<!tpu.dma_semaphore, #tpu.memory_space<semaphore_mem>>) src(%dma_wait3A_203 : memref<20000x128xf32, #tpu.memory_space<hbm>>) dst(%arg17 : memref<160x128xf32, #tpu.memory_space<vmem>>)
      %dma_start3A_204 = arith.constant 0 : i32
      %dma_start3A_205 = arith.constant 0 : i32
      %dma_start3A_206 = tpu.memref_slice %arg7[%dma_start3A_204, %dma_start3A_205] : memref<10000x128xf32, #tpu.memory_space<vmem_shared>> -> memref<10000x128xf32, #tpu.memory_space<vmem_shared>>
      tpu.enqueue_indirect_dma source(%arg17 : memref<160x128xf32, #tpu.memory_space<vmem>>) target(%dma_start3A_206 : memref<10000x128xf32, #tpu.memory_space<vmem_shared>>) offsets(%arg15 : memref<160xi32, #tpu.memory_space<vmem>>) semaphore(%arg21 : memref<!tpu.dma_semaphore, #tpu.memory_space<semaphore_mem>>) {add = true}
      %dma_start3A_207 = arith.constant 0 : i32
      %dma_start3A_208 = arith.constant 0 : i32
      %dma_start3A_209 = tpu.memref_slice %arg2[%dma_start3A_207, %dma_start3A_208] : memref<20000x128xf32, #tpu.memory_space<hbm>> -> memref<20000x128xf32, #tpu.memory_space<hbm>>
      tpu.enqueue_indirect_dma source(%dma_start3A_209 : memref<20000x128xf32, #tpu.memory_space<hbm>>) target(%arg16 : memref<160x128xf32, #tpu.memory_space<vmem>>) offsets(%arg8 : memref<160xi32, #tpu.memory_space<vmem>>) semaphore(%arg18 : memref<!tpu.dma_semaphore, #tpu.memory_space<semaphore_mem>>)
    }
    %scan3A_55 = arith.constant 31 : i32
    %dma_wait3A = arith.constant 0 : i32
    %dma_wait3A_56 = arith.constant 0 : i32
    %dma_wait3A_57 = tpu.memref_slice %arg2[%dma_wait3A, %dma_wait3A_56] : memref<20000x128xf32, #tpu.memory_space<hbm>> -> memref<20000x128xf32, #tpu.memory_space<hbm>>
    tpu.wait_indirect_dma semaphore(%arg18 : memref<!tpu.dma_semaphore, #tpu.memory_space<semaphore_mem>>) src(%dma_wait3A_57 : memref<20000x128xf32, #tpu.memory_space<hbm>>) dst(%arg16 : memref<160x128xf32, #tpu.memory_space<vmem>>)
    %dma_start3A_58 = arith.constant 0 : i32
    %dma_start3A_59 = arith.constant 0 : i32
    %dma_start3A_60 = tpu.memref_slice %arg7[%dma_start3A_58, %dma_start3A_59] : memref<10000x128xf32, #tpu.memory_space<vmem_shared>> -> memref<10000x128xf32, #tpu.memory_space<vmem_shared>>
    tpu.enqueue_indirect_dma source(%arg16 : memref<160x128xf32, #tpu.memory_space<vmem>>) target(%dma_start3A_60 : memref<10000x128xf32, #tpu.memory_space<vmem_shared>>) offsets(%arg12 : memref<160xi32, #tpu.memory_space<vmem>>) semaphore(%arg20 : memref<!tpu.dma_semaphore, #tpu.memory_space<semaphore_mem>>) {add = true}
    %dma_wait3A_61 = arith.constant 0 : i32
    %dma_wait3A_62 = arith.constant 0 : i32
    %dma_wait3A_63 = tpu.memref_slice %arg7[%dma_wait3A_61, %dma_wait3A_62] : memref<10000x128xf32, #tpu.memory_space<vmem_shared>> -> memref<10000x128xf32, #tpu.memory_space<vmem_shared>>
    tpu.wait_indirect_dma semaphore(%arg21 : memref<!tpu.dma_semaphore, #tpu.memory_space<semaphore_mem>>) src(%arg17 : memref<160x128xf32, #tpu.memory_space<vmem>>) dst(%dma_wait3A_63 : memref<10000x128xf32, #tpu.memory_space<vmem_shared>>)
    %dma_wait3A_64 = arith.constant 0 : i32
    %dma_wait3A_65 = arith.constant 0 : i32
    %dma_wait3A_66 = tpu.memref_slice %arg7[%dma_wait3A_64, %dma_wait3A_65] : memref<10000x128xf32, #tpu.memory_space<vmem_shared>> -> memref<10000x128xf32, #tpu.memory_space<vmem_shared>>
    tpu.wait_indirect_dma semaphore(%arg20 : memref<!tpu.dma_semaphore, #tpu.memory_space<semaphore_mem>>) src(%arg16 : memref<160x128xf32, #tpu.memory_space<vmem>>) dst(%dma_wait3A_66 : memref<10000x128xf32, #tpu.memory_space<vmem_shared>>)
    %barrier3A_67 = arith.constant 0 : index
    tpu.barrier barrier_id(%barrier3A_67)
    %lt3A_68 = arith.constant 15 : i32
    %lt3A_69 = arith.cmpi slt, %arg1, %lt3A_68 : i32
    %convert_element_type3A_70 = arith.extui %lt3A_69 : i1 to i32
    %cond3A_71 = arith.constant 0 : i32
    %cond3A_72 = arith.cmpi ne, %convert_element_type3A_70, %cond3A_71 : i32
    scf.if %cond3A_72 {
      "tpu.region"() ({
        %run_scoped3A = tpu.sem_alloc : memref<!tpu.dma_semaphore, #tpu.memory_space<semaphore_mem>>
        %dma_start3A_78 = arith.constant 0 : i32
        %dma_start3A_79 = tpu.memref_slice %arg6[%arg0, %multiple_of3A, %dma_start3A_78] : memref<2x10000x128xf32, #tpu.memory_space<hbm>> -> memref<1x624x128xf32, #tpu.memory_space<hbm>>
        %dma_start3A_80 = tpu.memref_squeeze %dma_start3A_79 : memref<1x624x128xf32, #tpu.memory_space<hbm>> -> memref<624x128xf32, #tpu.memory_space<hbm>>
        %dma_start3A_81 = arith.constant 0 : i32
        %dma_start3A_82 = tpu.memref_slice %arg7[%multiple_of3A, %dma_start3A_81] : memref<10000x128xf32, #tpu.memory_space<vmem_shared>> -> memref<624x128xf32, #tpu.memory_space<vmem_shared>>
        tpu.enqueue_dma source(%dma_start3A_82 : memref<624x128xf32, #tpu.memory_space<vmem_shared>>) target(%dma_start3A_80 : memref<624x128xf32, #tpu.memory_space<hbm>>) target_semaphore(%run_scoped3A : memref<!tpu.dma_semaphore, #tpu.memory_space<semaphore_mem>>)
        %dma_wait3A_83 = arith.constant 0 : i32
        %dma_wait3A_84 = tpu.memref_slice %arg6[%arg0, %multiple_of3A, %dma_wait3A_83] : memref<2x10000x128xf32, #tpu.memory_space<hbm>> -> memref<1x624x128xf32, #tpu.memory_space<hbm>>
        %dma_wait3A_85 = tpu.memref_squeeze %dma_wait3A_84 : memref<1x624x128xf32, #tpu.memory_space<hbm>> -> memref<624x128xf32, #tpu.memory_space<hbm>>
        %dma_wait3A_86 = arith.constant 0 : i32
        %dma_wait3A_87 = tpu.memref_slice %arg7[%multiple_of3A, %dma_wait3A_86] : memref<10000x128xf32, #tpu.memory_space<vmem_shared>> -> memref<624x128xf32, #tpu.memory_space<vmem_shared>>
        tpu.wait_dma2 semaphore(%run_scoped3A : memref<!tpu.dma_semaphore, #tpu.memory_space<semaphore_mem>>) src(%dma_wait3A_87 : memref<624x128xf32, #tpu.memory_space<vmem_shared>>) dst(%dma_wait3A_85 : memref<624x128xf32, #tpu.memory_space<hbm>>)
        tpu.yield
      }) : () -> ()
    } else {
    }
    %eq3A_73 = arith.constant 15 : i32
    %eq3A_74 = arith.cmpi eq, %arg1, %eq3A_73 : i32
    %convert_element_type3A_75 = arith.extui %eq3A_74 : i1 to i32
    %cond3A_76 = arith.constant 0 : i32
    %cond3A_77 = arith.cmpi ne, %convert_element_type3A_75, %cond3A_76 : i32
    scf.if %cond3A_77 {
      "tpu.region"() ({
        %run_scoped3A = tpu.sem_alloc : memref<!tpu.dma_semaphore, #tpu.memory_space<semaphore_mem>>
        %dma_start3A_78 = arith.constant 9360 : i32
        %dma_start3A_79 = arith.constant 0 : i32
        %dma_start3A_80 = tpu.memref_slice %arg6[%arg0, %dma_start3A_78, %dma_start3A_79] : memref<2x10000x128xf32, #tpu.memory_space<hbm>> -> memref<1x640x128xf32, #tpu.memory_space<hbm>>
        %dma_start3A_81 = tpu.memref_squeeze %dma_start3A_80 : memref<1x640x128xf32, #tpu.memory_space<hbm>> -> memref<640x128xf32, #tpu.memory_space<hbm>>
        %dma_start3A_82 = arith.constant 9360 : i32
        %dma_start3A_83 = arith.constant 0 : i32
        %dma_start3A_84 = tpu.memref_slice %arg7[%dma_start3A_82, %dma_start3A_83] : memref<10000x128xf32, #tpu.memory_space<vmem_shared>> -> memref<640x128xf32, #tpu.memory_space<vmem_shared>>
        tpu.enqueue_dma source(%dma_start3A_84 : memref<640x128xf32, #tpu.memory_space<vmem_shared>>) target(%dma_start3A_81 : memref<640x128xf32, #tpu.memory_space<hbm>>) target_semaphore(%run_scoped3A : memref<!tpu.dma_semaphore, #tpu.memory_space<semaphore_mem>>)
        %dma_wait3A_85 = arith.constant 9360 : i32
        %dma_wait3A_86 = arith.constant 0 : i32
        %dma_wait3A_87 = tpu.memref_slice %arg6[%arg0, %dma_wait3A_85, %dma_wait3A_86] : memref<2x10000x128xf32, #tpu.memory_space<hbm>> -> memref<1x640x128xf32, #tpu.memory_space<hbm>>
        %dma_wait3A_88 = tpu.memref_squeeze %dma_wait3A_87 : memref<1x640x128xf32, #tpu.memory_space<hbm>> -> memref<640x128xf32, #tpu.memory_space<hbm>>
        %dma_wait3A_89 = arith.constant 9360 : i32
        %dma_wait3A_90 = arith.constant 0 : i32
        %dma_wait3A_91 = tpu.memref_slice %arg7[%dma_wait3A_89, %dma_wait3A_90] : memref<10000x128xf32, #tpu.memory_space<vmem_shared>> -> memref<640x128xf32, #tpu.memory_space<vmem_shared>>
        tpu.wait_dma2 semaphore(%run_scoped3A : memref<!tpu.dma_semaphore, #tpu.memory_space<semaphore_mem>>) src(%dma_wait3A_91 : memref<640x128xf32, #tpu.memory_space<vmem_shared>>) dst(%dma_wait3A_88 : memref<640x128xf32, #tpu.memory_space<hbm>>)
        tpu.yield
      }) : () -> ()
    } else {
    }
    return
  }
}

module attributes {stable_mosaic.version = 14 : i64} {
  func.func @_mm_body(%arg0: i32, %arg1: memref<2000x200xf32, #tpu.memory_space<vmem>>, %arg2: memref<200x256xf32, #tpu.memory_space<vmem>>, %arg3: memref<2x2000x128xf32, #tpu.memory_space<vmem>>) attributes {dimension_semantics = [#tpu.dimension_semantics<arbitrary>], iteration_bounds = array<i64: 5>, scalar_prefetch = 0 : i64, scratch_operands = 0 : i64, tpu.core_type = #tpu.core_type<tc>, window_params = [{transform_indices = @transform_0, window_bounds = array<i64: 2000, 200>}, {pipeline_mode = #tpu.pipeline_mode<synchronous>, transform_indices = @transform_1, window_bounds = array<i64: 200, 256>}, {transform_indices = @transform_2, window_bounds = array<i64: 2, 2000, 128>}]} {
    %get3A = arith.constant 0 : index
    %get3A_0 = arith.constant 0 : index
    %get3A_1 = vector.load %arg1[%get3A, %get3A_0] : memref<2000x200xf32, #tpu.memory_space<vmem>>, vector<2000x200xf32>
    %get3A_2 = arith.constant 0 : index
    %get3A_3 = arith.constant 0 : index
    %get3A_4 = vector.load %arg2[%get3A_2, %get3A_3] : memref<200x256xf32, #tpu.memory_space<vmem>>, vector<200x256xf32>
    %dot_general3A = arith.constant dense<0.000000e+00> : vector<2000x256xf32>
    %dot_general3A_5 = tpu.matmul %get3A_1, %get3A_4, %dot_general3A {dimension_numbers = #tpu.dot_dimension_numbers<[1], [0], [0], [1], [0, 0, 1, 1], [], []>, transpose_lhs_hint = false} : vector<2000x200xf32>, vector<200x256xf32>, vector<2000x256xf32> -> vector<2000x256xf32>
    %slice3A = vector.extract_strided_slice %dot_general3A_5 {offsets = [0, 0], sizes = [2000, 128], strides = [1, 1]} : vector<2000x256xf32> to vector<2000x128xf32>
    %swap3A = arith.constant 0 : index
    %swap3A_6 = arith.constant 0 : index
    %swap3A_7 = arith.constant 0 : index
    %swap3A_8 = vector.load %arg3[%swap3A, %swap3A_6, %swap3A_7] : memref<2x2000x128xf32, #tpu.memory_space<vmem>>, vector<1x2000x128xf32>
    %swap3A_9 = vector.shape_cast %swap3A_8 : vector<1x2000x128xf32> to vector<2000x128xf32>
    %swap3A_10 = vector.shape_cast %slice3A : vector<2000x128xf32> to vector<1x2000x128xf32>
    tpu.vector_store %arg3[%swap3A, %swap3A_6, %swap3A_7], %swap3A_10 {strides = array<i32>} : memref<2x2000x128xf32, #tpu.memory_space<vmem>>, vector<1x2000x128xf32>,
    %slice3A_11 = vector.extract_strided_slice %dot_general3A_5 {offsets = [0, 128], sizes = [2000, 128], strides = [1, 1]} : vector<2000x256xf32> to vector<2000x128xf32>
    %swap3A_12 = arith.constant 1 : index
    %swap3A_13 = arith.constant 0 : index
    %swap3A_14 = arith.constant 0 : index
    %swap3A_15 = vector.load %arg3[%swap3A_12, %swap3A_13, %swap3A_14] : memref<2x2000x128xf32, #tpu.memory_space<vmem>>, vector<1x2000x128xf32>
    %swap3A_16 = vector.shape_cast %swap3A_15 : vector<1x2000x128xf32> to vector<2000x128xf32>
    %swap3A_17 = vector.shape_cast %slice3A_11 : vector<2000x128xf32> to vector<1x2000x128xf32>
    tpu.vector_store %arg3[%swap3A_12, %swap3A_13, %swap3A_14], %swap3A_17 {strides = array<i32>} : memref<2x2000x128xf32, #tpu.memory_space<vmem>>, vector<1x2000x128xf32>,
    return
  }
  func.func @transform_0(%arg0: i32) -> (i32, i32) {
    %c0_i32 = arith.constant 0 : i32
    %c0_i32_0 = arith.constant 0 : i32
    return %arg0, %c0_i32 : i32, i32
  }
  func.func @transform_1(%arg0: i32) -> (i32, i32) {
    %c0_i32 = arith.constant 0 : i32
    %c0_i32_0 = arith.constant 0 : i32
    %c0_i32_1 = arith.constant 0 : i32
    return %c0_i32, %c0_i32_0 : i32, i32
  }
  func.func @transform_2(%arg0: i32) -> (i32, i32, i32) {
    %c0_i32 = arith.constant 0 : i32
    %c0_i32_0 = arith.constant 0 : i32
    %c0_i32_1 = arith.constant 0 : i32
    return %c0_i32, %arg0, %c0_i32_0 : i32, i32, i32
  }
}

module attributes {stable_mosaic.version = 14 : i64} {
  func.func @_gru_mid_body(%arg0: i32, %arg1: memref<2000x128xf32, #tpu.memory_space<vmem>>, %arg2: memref<2000x128xf32, #tpu.memory_space<vmem>>, %arg3: memref<2000x200xf32, #tpu.memory_space<vmem>>, %arg4: memref<200x600xf32, #tpu.memory_space<vmem>>, %arg5: memref<200x600xf32, #tpu.memory_space<vmem>>, %arg6: memref<1x600xf32, #tpu.memory_space<vmem>>, %arg7: memref<1x600xf32, #tpu.memory_space<vmem>>, %arg8: memref<200x256xf32, #tpu.memory_space<vmem>>, %arg9: memref<2000x200xf32, #tpu.memory_space<vmem>>, %arg10: memref<2x2000x128xf32, #tpu.memory_space<vmem>>) attributes {dimension_semantics = [#tpu.dimension_semantics<arbitrary>], iteration_bounds = array<i64: 5>, scalar_prefetch = 0 : i64, scratch_operands = 0 : i64, tpu.core_type = #tpu.core_type<tc>, window_params = [{transform_indices = @transform_0, window_bounds = array<i64: 2000, 128>}, {transform_indices = @transform_1, window_bounds = array<i64: 2000, 128>}, {transform_indices = @transform_2, window_bounds = array<i64: 2000, 200>}, {pipeline_mode = #tpu.pipeline_mode<synchronous>, transform_indices = @transform_3, window_bounds = array<i64: 200, 600>}, {pipeline_mode = #tpu.pipeline_mode<synchronous>, transform_indices = @transform_4, window_bounds = array<i64: 200, 600>}, {pipeline_mode = #tpu.pipeline_mode<synchronous>, transform_indices = @transform_5, window_bounds = array<i64: 1, 600>}, {pipeline_mode = #tpu.pipeline_mode<synchronous>, transform_indices = @transform_6, window_bounds = array<i64: 1, 600>}, {pipeline_mode = #tpu.pipeline_mode<synchronous>, transform_indices = @transform_7, window_bounds = array<i64: 200, 256>}, {transform_indices = @transform_8, window_bounds = array<i64: 2000, 200>}, {transform_indices = @transform_9, window_bounds = array<i64: 2, 2000, 128>}]} {
    %get3A = arith.constant 0 : index
    %get3A_0 = arith.constant 0 : index
    %get3A_1 = vector.load %arg1[%get3A, %get3A_0] : memref<2000x128xf32, #tpu.memory_space<vmem>>, vector<2000x128xf32>
    %get3A_2 = arith.constant 0 : index
    %get3A_3 = arith.constant 0 : index
    %get3A_4 = vector.load %arg2[%get3A_2, %get3A_3] : memref<2000x128xf32, #tpu.memory_space<vmem>>, vector<2000x128xf32>
    %get3A_5 = arith.constant 0 : index
    %get3A_6 = arith.constant 0 : index
    %get3A_7 = vector.load %arg3[%get3A_5, %get3A_6] : memref<2000x200xf32, #tpu.memory_space<vmem>>, vector<2000x200xf32>
    %get3A_8 = arith.constant 0 : index
    %get3A_9 = arith.constant 0 : index
    %get3A_10 = vector.load %arg4[%get3A_8, %get3A_9] : memref<200x600xf32, #tpu.memory_space<vmem>>, vector<200x600xf32>
    %get3A_11 = arith.constant 0 : index
    %get3A_12 = arith.constant 0 : index
    %get3A_13 = vector.load %arg5[%get3A_11, %get3A_12] : memref<200x600xf32, #tpu.memory_space<vmem>>, vector<200x600xf32>
    %get3A_14 = arith.constant 0 : index
    %get3A_15 = arith.constant 0 : index
    %get3A_16 = vector.load %arg6[%get3A_14, %get3A_15] : memref<1x600xf32, #tpu.memory_space<vmem>>, vector<1x600xf32>
    %get3A_17 = arith.constant 0 : index
    %get3A_18 = arith.constant 0 : index
    %get3A_19 = vector.load %arg7[%get3A_17, %get3A_18] : memref<1x600xf32, #tpu.memory_space<vmem>>, vector<1x600xf32>
    %concatenate3A = tpu.concatenate %get3A_1, %get3A_4 in 1 : vector<2000x128xf32>, vector<2000x128xf32> -> vector<2000x256xf32>
    %slice3A = vector.extract_strided_slice %concatenate3A {offsets = [0, 0], sizes = [2000, 200], strides = [1, 1]} : vector<2000x256xf32> to vector<2000x200xf32>
    %dot_general3A = arith.constant dense<0.000000e+00> : vector<2000x600xf32>
    %dot_general3A_20 = tpu.matmul %slice3A, %get3A_10, %dot_general3A {dimension_numbers = #tpu.dot_dimension_numbers<[1], [0], [0], [1], [0, 0, 1, 1], [], []>, transpose_lhs_hint = false} : vector<2000x200xf32>, vector<200x600xf32>, vector<2000x600xf32> -> vector<2000x600xf32>
    %add3A = vector.broadcast %get3A_16 : vector<1x600xf32> to vector<2000x600xf32>
    %add3A_21 = arith.addf %dot_general3A_20, %add3A : vector<2000x600xf32>
    %dot_general3A_22 = arith.constant dense<0.000000e+00> : vector<2000x600xf32>
    %dot_general3A_23 = tpu.matmul %get3A_7, %get3A_13, %dot_general3A_22 {dimension_numbers = #tpu.dot_dimension_numbers<[1], [0], [0], [1], [0, 0, 1, 1], [], []>, transpose_lhs_hint = false} : vector<2000x200xf32>, vector<200x600xf32>, vector<2000x600xf32> -> vector<2000x600xf32>
    %add3A_24 = vector.broadcast %get3A_19 : vector<1x600xf32> to vector<2000x600xf32>
    %add3A_25 = arith.addf %dot_general3A_23, %add3A_24 : vector<2000x600xf32>
    %slice3A_26 = vector.extract_strided_slice %add3A_21 {offsets = [0, 0], sizes = [2000, 200], strides = [1, 1]} : vector<2000x600xf32> to vector<2000x200xf32>
    %slice3A_27 = vector.extract_strided_slice %add3A_25 {offsets = [0, 0], sizes = [2000, 200], strides = [1, 1]} : vector<2000x600xf32> to vector<2000x200xf32>
    %add3A_28 = arith.addf %slice3A_26, %slice3A_27 : vector<2000x200xf32>
    %logistic3A = arith.negf %add3A_28 : vector<2000x200xf32>
    %logistic3A_29 = math.exp %logistic3A : vector<2000x200xf32>
    %logistic3A_30 = arith.constant 1.000000e+00 : f32
    %logistic3A_31 = vector.broadcast %logistic3A_30 : f32 to vector<2000x200xf32>
    %logistic3A_32 = arith.addf %logistic3A_31, %logistic3A_29 : vector<2000x200xf32>
    %logistic3A_33 = arith.divf %logistic3A_31, %logistic3A_32 : vector<2000x200xf32>
    %slice3A_34 = vector.extract_strided_slice %add3A_21 {offsets = [0, 200], sizes = [2000, 200], strides = [1, 1]} : vector<2000x600xf32> to vector<2000x200xf32>
    %slice3A_35 = vector.extract_strided_slice %add3A_25 {offsets = [0, 200], sizes = [2000, 200], strides = [1, 1]} : vector<2000x600xf32> to vector<2000x200xf32>
    %add3A_36 = arith.addf %slice3A_34, %slice3A_35 : vector<2000x200xf32>
    %logistic3A_37 = arith.negf %add3A_36 : vector<2000x200xf32>
    %logistic3A_38 = math.exp %logistic3A_37 : vector<2000x200xf32>
    %logistic3A_39 = arith.constant 1.000000e+00 : f32
    %logistic3A_40 = vector.broadcast %logistic3A_39 : f32 to vector<2000x200xf32>
    %logistic3A_41 = arith.addf %logistic3A_40, %logistic3A_38 : vector<2000x200xf32>
    %logistic3A_42 = arith.divf %logistic3A_40, %logistic3A_41 : vector<2000x200xf32>
    %slice3A_43 = vector.extract_strided_slice %add3A_21 {offsets = [0, 400], sizes = [2000, 200], strides = [1, 1]} : vector<2000x600xf32> to vector<2000x200xf32>
    %slice3A_44 = vector.extract_strided_slice %add3A_25 {offsets = [0, 400], sizes = [2000, 200], strides = [1, 1]} : vector<2000x600xf32> to vector<2000x200xf32>
    %mul3A = arith.mulf %logistic3A_33, %slice3A_44 : vector<2000x200xf32>
    %add3A_45 = arith.addf %slice3A_43, %mul3A : vector<2000x200xf32>
    %tanh3A = math.tanh %add3A_45 : vector<2000x200xf32>
    %sub3A = arith.constant 1.000000e+00 : f32
    %sub3A_46 = vector.broadcast %sub3A : f32 to vector<2000x200xf32>
    %sub3A_47 = arith.subf %sub3A_46, %logistic3A_42 : vector<2000x200xf32>
    %mul3A_48 = arith.mulf %sub3A_47, %tanh3A : vector<2000x200xf32>
    %mul3A_49 = arith.mulf %logistic3A_42, %get3A_7 : vector<2000x200xf32>
    %add3A_50 = arith.addf %mul3A_48, %mul3A_49 : vector<2000x200xf32>
    %swap3A = arith.constant 0 : index
    %swap3A_51 = arith.constant 0 : index
    %swap3A_52 = vector.load %arg9[%swap3A, %swap3A_51] : memref<2000x200xf32, #tpu.memory_space<vmem>>, vector<2000x200xf32>
    tpu.vector_store %arg9[%swap3A, %swap3A_51], %add3A_50 {strides = array<i32>} : memref<2000x200xf32, #tpu.memory_space<vmem>>, vector<2000x200xf32>,
    %get3A_53 = arith.constant 0 : index
    %get3A_54 = arith.constant 0 : index
    %get3A_55 = vector.load %arg8[%get3A_53, %get3A_54] : memref<200x256xf32, #tpu.memory_space<vmem>>, vector<200x256xf32>
    %dot_general3A_56 = arith.constant dense<0.000000e+00> : vector<2000x256xf32>
    %dot_general3A_57 = tpu.matmul %add3A_50, %get3A_55, %dot_general3A_56 {dimension_numbers = #tpu.dot_dimension_numbers<[1], [0], [0], [1], [0, 0, 1, 1], [], []>, transpose_lhs_hint = false} : vector<2000x200xf32>, vector<200x256xf32>, vector<2000x256xf32> -> vector<2000x256xf32>
    %slice3A_58 = vector.extract_strided_slice %dot_general3A_57 {offsets = [0, 0], sizes = [2000, 128], strides = [1, 1]} : vector<2000x256xf32> to vector<2000x128xf32>
    %swap3A_59 = arith.constant 0 : index
    %swap3A_60 = arith.constant 0 : index
    %swap3A_61 = arith.constant 0 : index
    %swap3A_62 = vector.load %arg10[%swap3A_59, %swap3A_60, %swap3A_61] : memref<2x2000x128xf32, #tpu.memory_space<vmem>>, vector<1x2000x128xf32>
    %swap3A_63 = vector.shape_cast %swap3A_62 : vector<1x2000x128xf32> to vector<2000x128xf32>
    %swap3A_64 = vector.shape_cast %slice3A_58 : vector<2000x128xf32> to vector<1x2000x128xf32>
    tpu.vector_store %arg10[%swap3A_59, %swap3A_60, %swap3A_61], %swap3A_64 {strides = array<i32>} : memref<2x2000x128xf32, #tpu.memory_space<vmem>>, vector<1x2000x128xf32>,
    %slice3A_65 = vector.extract_strided_slice %dot_general3A_57 {offsets = [0, 128], sizes = [2000, 128], strides = [1, 1]} : vector<2000x256xf32> to vector<2000x128xf32>
    %swap3A_66 = arith.constant 1 : index
    %swap3A_67 = arith.constant 0 : index
    %swap3A_68 = arith.constant 0 : index
    %swap3A_69 = vector.load %arg10[%swap3A_66, %swap3A_67, %swap3A_68] : memref<2x2000x128xf32, #tpu.memory_space<vmem>>, vector<1x2000x128xf32>
    %swap3A_70 = vector.shape_cast %swap3A_69 : vector<1x2000x128xf32> to vector<2000x128xf32>
    %swap3A_71 = vector.shape_cast %slice3A_65 : vector<2000x128xf32> to vector<1x2000x128xf32>
    tpu.vector_store %arg10[%swap3A_66, %swap3A_67, %swap3A_68], %swap3A_71 {strides = array<i32>} : memref<2x2000x128xf32, #tpu.memory_space<vmem>>, vector<1x2000x128xf32>,
    return
  }
  func.func @transform_0(%arg0: i32) -> (i32, i32) {
    %c0_i32 = arith.constant 0 : i32
    %c0_i32_0 = arith.constant 0 : i32
    return %arg0, %c0_i32 : i32, i32
  }
  func.func @transform_1(%arg0: i32) -> (i32, i32) {
    %c0_i32 = arith.constant 0 : i32
    %c0_i32_0 = arith.constant 0 : i32
    return %arg0, %c0_i32 : i32, i32
  }
  func.func @transform_2(%arg0: i32) -> (i32, i32) {
    %c0_i32 = arith.constant 0 : i32
    %c0_i32_0 = arith.constant 0 : i32
    return %arg0, %c0_i32 : i32, i32
  }
  func.func @transform_3(%arg0: i32) -> (i32, i32) {
    %c0_i32 = arith.constant 0 : i32
    %c0_i32_0 = arith.constant 0 : i32
    %c0_i32_1 = arith.constant 0 : i32
    return %c0_i32, %c0_i32_0 : i32, i32
  }
  func.func @transform_4(%arg0: i32) -> (i32, i32) {
    %c0_i32 = arith.constant 0 : i32
    %c0_i32_0 = arith.constant 0 : i32
    %c0_i32_1 = arith.constant 0 : i32
    return %c0_i32, %c0_i32_0 : i32, i32
  }
  func.func @transform_5(%arg0: i32) -> (i32, i32) {
    %c0_i32 = arith.constant 0 : i32
    %c0_i32_0 = arith.constant 0 : i32
    %c0_i32_1 = arith.constant 0 : i32
    return %c0_i32, %c0_i32_0 : i32, i32
  }
  func.func @transform_6(%arg0: i32) -> (i32, i32) {
    %c0_i32 = arith.constant 0 : i32
    %c0_i32_0 = arith.constant 0 : i32
    %c0_i32_1 = arith.constant 0 : i32
    return %c0_i32, %c0_i32_0 : i32, i32
  }
  func.func @transform_7(%arg0: i32) -> (i32, i32) {
    %c0_i32 = arith.constant 0 : i32
    %c0_i32_0 = arith.constant 0 : i32
    %c0_i32_1 = arith.constant 0 : i32
    return %c0_i32, %c0_i32_0 : i32, i32
  }
  func.func @transform_8(%arg0: i32) -> (i32, i32) {
    %c0_i32 = arith.constant 0 : i32
    %c0_i32_0 = arith.constant 0 : i32
    return %arg0, %c0_i32 : i32, i32
  }
  func.func @transform_9(%arg0: i32) -> (i32, i32, i32) {
    %c0_i32 = arith.constant 0 : i32
    %c0_i32_0 = arith.constant 0 : i32
    %c0_i32_1 = arith.constant 0 : i32
    return %c0_i32, %arg0, %c0_i32_0 : i32, i32, i32
  }
}

module attributes {stable_mosaic.version = 14 : i64} {
  func.func @_gru_fin_body(%arg0: i32, %arg1: memref<2000x128xf32, #tpu.memory_space<vmem>>, %arg2: memref<2000x128xf32, #tpu.memory_space<vmem>>, %arg3: memref<2000x200xf32, #tpu.memory_space<vmem>>, %arg4: memref<200x600xf32, #tpu.memory_space<vmem>>, %arg5: memref<200x600xf32, #tpu.memory_space<vmem>>, %arg6: memref<1x600xf32, #tpu.memory_space<vmem>>, %arg7: memref<1x600xf32, #tpu.memory_space<vmem>>, %arg8: memref<200x2xf32, #tpu.memory_space<vmem>>, %arg9: memref<1x2xf32, #tpu.memory_space<vmem>>, %arg10: memref<1x2xf32, #tpu.memory_space<vmem>>, %arg11: memref<1x200xf32, #tpu.memory_space<vmem>>) attributes {dimension_semantics = [#tpu.dimension_semantics<arbitrary>], iteration_bounds = array<i64: 5>, scalar_prefetch = 0 : i64, scratch_operands = 1 : i64, tpu.core_type = #tpu.core_type<tc>, window_params = [{transform_indices = @transform_0, window_bounds = array<i64: 2000, 128>}, {transform_indices = @transform_1, window_bounds = array<i64: 2000, 128>}, {transform_indices = @transform_2, window_bounds = array<i64: 2000, 200>}, {pipeline_mode = #tpu.pipeline_mode<synchronous>, transform_indices = @transform_3, window_bounds = array<i64: 200, 600>}, {pipeline_mode = #tpu.pipeline_mode<synchronous>, transform_indices = @transform_4, window_bounds = array<i64: 200, 600>}, {pipeline_mode = #tpu.pipeline_mode<synchronous>, transform_indices = @transform_5, window_bounds = array<i64: 1, 600>}, {pipeline_mode = #tpu.pipeline_mode<synchronous>, transform_indices = @transform_6, window_bounds = array<i64: 1, 600>}, {pipeline_mode = #tpu.pipeline_mode<synchronous>, transform_indices = @transform_7, window_bounds = array<i64: 200, 2>}, {pipeline_mode = #tpu.pipeline_mode<synchronous>, transform_indices = @transform_8, window_bounds = array<i64: 1, 2>}, {pipeline_mode = #tpu.pipeline_mode<synchronous>, transform_indices = @transform_9, window_bounds = array<i64: 1, 2>}]} {
    %get3A = arith.constant 0 : index
    %get3A_0 = arith.constant 0 : index
    %get3A_1 = vector.load %arg1[%get3A, %get3A_0] : memref<2000x128xf32, #tpu.memory_space<vmem>>, vector<2000x128xf32>
    %get3A_2 = arith.constant 0 : index
    %get3A_3 = arith.constant 0 : index
    %get3A_4 = vector.load %arg2[%get3A_2, %get3A_3] : memref<2000x128xf32, #tpu.memory_space<vmem>>, vector<2000x128xf32>
    %get3A_5 = arith.constant 0 : index
    %get3A_6 = arith.constant 0 : index
    %get3A_7 = vector.load %arg3[%get3A_5, %get3A_6] : memref<2000x200xf32, #tpu.memory_space<vmem>>, vector<2000x200xf32>
    %get3A_8 = arith.constant 0 : index
    %get3A_9 = arith.constant 0 : index
    %get3A_10 = vector.load %arg4[%get3A_8, %get3A_9] : memref<200x600xf32, #tpu.memory_space<vmem>>, vector<200x600xf32>
    %get3A_11 = arith.constant 0 : index
    %get3A_12 = arith.constant 0 : index
    %get3A_13 = vector.load %arg5[%get3A_11, %get3A_12] : memref<200x600xf32, #tpu.memory_space<vmem>>, vector<200x600xf32>
    %get3A_14 = arith.constant 0 : index
    %get3A_15 = arith.constant 0 : index
    %get3A_16 = vector.load %arg6[%get3A_14, %get3A_15] : memref<1x600xf32, #tpu.memory_space<vmem>>, vector<1x600xf32>
    %get3A_17 = arith.constant 0 : index
    %get3A_18 = arith.constant 0 : index
    %get3A_19 = vector.load %arg7[%get3A_17, %get3A_18] : memref<1x600xf32, #tpu.memory_space<vmem>>, vector<1x600xf32>
    %concatenate3A = tpu.concatenate %get3A_1, %get3A_4 in 1 : vector<2000x128xf32>, vector<2000x128xf32> -> vector<2000x256xf32>
    %slice3A = vector.extract_strided_slice %concatenate3A {offsets = [0, 0], sizes = [2000, 200], strides = [1, 1]} : vector<2000x256xf32> to vector<2000x200xf32>
    %dot_general3A = arith.constant dense<0.000000e+00> : vector<2000x600xf32>
    %dot_general3A_20 = tpu.matmul %slice3A, %get3A_10, %dot_general3A {dimension_numbers = #tpu.dot_dimension_numbers<[1], [0], [0], [1], [0, 0, 1, 1], [], []>, transpose_lhs_hint = false} : vector<2000x200xf32>, vector<200x600xf32>, vector<2000x600xf32> -> vector<2000x600xf32>
    %add3A = vector.broadcast %get3A_16 : vector<1x600xf32> to vector<2000x600xf32>
    %add3A_21 = arith.addf %dot_general3A_20, %add3A : vector<2000x600xf32>
    %dot_general3A_22 = arith.constant dense<0.000000e+00> : vector<2000x600xf32>
    %dot_general3A_23 = tpu.matmul %get3A_7, %get3A_13, %dot_general3A_22 {dimension_numbers = #tpu.dot_dimension_numbers<[1], [0], [0], [1], [0, 0, 1, 1], [], []>, transpose_lhs_hint = false} : vector<2000x200xf32>, vector<200x600xf32>, vector<2000x600xf32> -> vector<2000x600xf32>
    %add3A_24 = vector.broadcast %get3A_19 : vector<1x600xf32> to vector<2000x600xf32>
    %add3A_25 = arith.addf %dot_general3A_23, %add3A_24 : vector<2000x600xf32>
    %slice3A_26 = vector.extract_strided_slice %add3A_21 {offsets = [0, 0], sizes = [2000, 200], strides = [1, 1]} : vector<2000x600xf32> to vector<2000x200xf32>
    %slice3A_27 = vector.extract_strided_slice %add3A_25 {offsets = [0, 0], sizes = [2000, 200], strides = [1, 1]} : vector<2000x600xf32> to vector<2000x200xf32>
    %add3A_28 = arith.addf %slice3A_26, %slice3A_27 : vector<2000x200xf32>
    %logistic3A = arith.negf %add3A_28 : vector<2000x200xf32>
    %logistic3A_29 = math.exp %logistic3A : vector<2000x200xf32>
    %logistic3A_30 = arith.constant 1.000000e+00 : f32
    %logistic3A_31 = vector.broadcast %logistic3A_30 : f32 to vector<2000x200xf32>
    %logistic3A_32 = arith.addf %logistic3A_31, %logistic3A_29 : vector<2000x200xf32>
    %logistic3A_33 = arith.divf %logistic3A_31, %logistic3A_32 : vector<2000x200xf32>
    %slice3A_34 = vector.extract_strided_slice %add3A_21 {offsets = [0, 200], sizes = [2000, 200], strides = [1, 1]} : vector<2000x600xf32> to vector<2000x200xf32>
    %slice3A_35 = vector.extract_strided_slice %add3A_25 {offsets = [0, 200], sizes = [2000, 200], strides = [1, 1]} : vector<2000x600xf32> to vector<2000x200xf32>
    %add3A_36 = arith.addf %slice3A_34, %slice3A_35 : vector<2000x200xf32>
    %logistic3A_37 = arith.negf %add3A_36 : vector<2000x200xf32>
    %logistic3A_38 = math.exp %logistic3A_37 : vector<2000x200xf32>
    %logistic3A_39 = arith.constant 1.000000e+00 : f32
    %logistic3A_40 = vector.broadcast %logistic3A_39 : f32 to vector<2000x200xf32>
    %logistic3A_41 = arith.addf %logistic3A_40, %logistic3A_38 : vector<2000x200xf32>
    %logistic3A_42 = arith.divf %logistic3A_40, %logistic3A_41 : vector<2000x200xf32>
    %slice3A_43 = vector.extract_strided_slice %add3A_21 {offsets = [0, 400], sizes = [2000, 200], strides = [1, 1]} : vector<2000x600xf32> to vector<2000x200xf32>
    %slice3A_44 = vector.extract_strided_slice %add3A_25 {offsets = [0, 400], sizes = [2000, 200], strides = [1, 1]} : vector<2000x600xf32> to vector<2000x200xf32>
    %mul3A = arith.mulf %logistic3A_33, %slice3A_44 : vector<2000x200xf32>
    %add3A_45 = arith.addf %slice3A_43, %mul3A : vector<2000x200xf32>
    %tanh3A = math.tanh %add3A_45 : vector<2000x200xf32>
    %sub3A = arith.constant 1.000000e+00 : f32
    %sub3A_46 = vector.broadcast %sub3A : f32 to vector<2000x200xf32>
    %sub3A_47 = arith.subf %sub3A_46, %logistic3A_42 : vector<2000x200xf32>
    %mul3A_48 = arith.mulf %sub3A_47, %tanh3A : vector<2000x200xf32>
    %mul3A_49 = arith.mulf %logistic3A_42, %get3A_7 : vector<2000x200xf32>
    %add3A_50 = arith.addf %mul3A_48, %mul3A_49 : vector<2000x200xf32>
    %max3A = arith.constant 0.000000e+00 : f32
    %max3A_51 = vector.broadcast %max3A : f32 to vector<2000x200xf32>
    %max3A_52 = arith.maximumf %add3A_50, %max3A_51 : vector<2000x200xf32>
    %reduce_max3A = arith.constant dense<0xFF800000> : vector<200xf32>
    %reduce_max3A_53 = vector.multi_reduction <maximumf>, %max3A_52, %reduce_max3A [0] : vector<2000x200xf32> to vector<200xf32>
    %broadcast_in_dim3A = vector.shape_cast %reduce_max3A_53 : vector<200xf32> to vector<1x200xf32>
    %eq3A = arith.constant 0 : i32
    %eq3A_54 = arith.cmpi eq, %arg0, %eq3A : i32
    %convert_element_type3A = arith.extui %eq3A_54 : i1 to i32
    %cond3A = arith.constant 0 : i32
    %cond3A_55 = arith.cmpi ne, %convert_element_type3A, %cond3A : i32
    scf.if %cond3A_55 {
      %swap3A_80 = arith.constant 0 : index
      %swap3A_81 = arith.constant 0 : index
      %swap3A_82 = vector.load %arg11[%swap3A_80, %swap3A_81] : memref<1x200xf32, #tpu.memory_space<vmem>>, vector<1x200xf32>
      tpu.vector_store %arg11[%swap3A_80, %swap3A_81], %broadcast_in_dim3A {strides = array<i32>} : memref<1x200xf32, #tpu.memory_space<vmem>>, vector<1x200xf32>,
    } else {
    }
    %gt3A = arith.constant 0 : i32
    %gt3A_56 = arith.cmpi sgt, %arg0, %gt3A : i32
    %convert_element_type3A_57 = arith.extui %gt3A_56 : i1 to i32
    %cond3A_58 = arith.constant 0 : i32
    %cond3A_59 = arith.cmpi ne, %convert_element_type3A_57, %cond3A_58 : i32
    scf.if %cond3A_59 {
      %get3A_80 = arith.constant 0 : index
      %get3A_81 = arith.constant 0 : index
      %get3A_82 = vector.load %arg11[%get3A_80, %get3A_81] : memref<1x200xf32, #tpu.memory_space<vmem>>, vector<1x200xf32>
      %max3A_83 = arith.maximumf %get3A_82, %broadcast_in_dim3A : vector<1x200xf32>
      %swap3A_84 = arith.constant 0 : index
      %swap3A_85 = arith.constant 0 : index
      %swap3A_86 = vector.load %arg11[%swap3A_84, %swap3A_85] : memref<1x200xf32, #tpu.memory_space<vmem>>, vector<1x200xf32>
      tpu.vector_store %arg11[%swap3A_84, %swap3A_85], %max3A_83 {strides = array<i32>} : memref<1x200xf32, #tpu.memory_space<vmem>>, vector<1x200xf32>,
    } else {
    }
    %get3A_60 = arith.constant 0 : index
    %get3A_61 = arith.constant 0 : index
    %get3A_62 = vector.load %arg11[%get3A_60, %get3A_61] : memref<1x200xf32, #tpu.memory_space<vmem>>, vector<1x200xf32>
    %get3A_63 = arith.constant 0 : index
    %get3A_64 = arith.constant 0 : index
    %get3A_65 = vector.load %arg8[%get3A_63, %get3A_64] : memref<200x2xf32, #tpu.memory_space<vmem>>, vector<200x2xf32>
    %dot_general3A_66 = arith.constant dense<0.000000e+00> : vector<1x2xf32>
    %dot_general3A_67 = tpu.matmul %get3A_62, %get3A_65, %dot_general3A_66 {dimension_numbers = #tpu.dot_dimension_numbers<[1], [0], [0], [1], [0, 0, 1, 1], [], []>, transpose_lhs_hint = false} : vector<1x200xf32>, vector<200x2xf32>, vector<1x2xf32> -> vector<1x2xf32>
    %get3A_68 = arith.constant 0 : index
    %get3A_69 = arith.constant 0 : index
    %get3A_70 = vector.load %arg9[%get3A_68, %get3A_69] : memref<1x2xf32, #tpu.memory_space<vmem>>, vector<1x2xf32>
    %add3A_71 = arith.addf %dot_general3A_67, %get3A_70 : vector<1x2xf32>
    %logistic3A_72 = arith.negf %add3A_71 : vector<1x2xf32>
    %logistic3A_73 = math.exp %logistic3A_72 : vector<1x2xf32>
    %logistic3A_74 = arith.constant 1.000000e+00 : f32
    %logistic3A_75 = vector.broadcast %logistic3A_74 : f32 to vector<1x2xf32>
    %logistic3A_76 = arith.addf %logistic3A_75, %logistic3A_73 : vector<1x2xf32>
    %logistic3A_77 = arith.divf %logistic3A_75, %logistic3A_76 : vector<1x2xf32>
    %swap3A = arith.constant 0 : index
    %swap3A_78 = arith.constant 0 : index
    %swap3A_79 = vector.load %arg10[%swap3A, %swap3A_78] : memref<1x2xf32, #tpu.memory_space<vmem>>, vector<1x2xf32>
    tpu.vector_store %arg10[%swap3A, %swap3A_78], %logistic3A_77 {strides = array<i32>} : memref<1x2xf32, #tpu.memory_space<vmem>>, vector<1x2xf32>,
    return
  }
  func.func @transform_0(%arg0: i32) -> (i32, i32) {
    %c0_i32 = arith.constant 0 : i32
    %c0_i32_0 = arith.constant 0 : i32
    return %arg0, %c0_i32 : i32, i32
  }
  func.func @transform_1(%arg0: i32) -> (i32, i32) {
    %c0_i32 = arith.constant 0 : i32
    %c0_i32_0 = arith.constant 0 : i32
    return %arg0, %c0_i32 : i32, i32
  }
  func.func @transform_2(%arg0: i32) -> (i32, i32) {
    %c0_i32 = arith.constant 0 : i32
    %c0_i32_0 = arith.constant 0 : i32
    return %arg0, %c0_i32 : i32, i32
  }
  func.func @transform_3(%arg0: i32) -> (i32, i32) {
    %c0_i32 = arith.constant 0 : i32
    %c0_i32_0 = arith.constant 0 : i32
    %c0_i32_1 = arith.constant 0 : i32
    return %c0_i32, %c0_i32_0 : i32, i32
  }
  func.func @transform_4(%arg0: i32) -> (i32, i32) {
    %c0_i32 = arith.constant 0 : i32
    %c0_i32_0 = arith.constant 0 : i32
    %c0_i32_1 = arith.constant 0 : i32
    return %c0_i32, %c0_i32_0 : i32, i32
  }
  func.func @transform_5(%arg0: i32) -> (i32, i32) {
    %c0_i32 = arith.constant 0 : i32
    %c0_i32_0 = arith.constant 0 : i32
    %c0_i32_1 = arith.constant 0 : i32
    return %c0_i32, %c0_i32_0 : i32, i32
  }
  func.func @transform_6(%arg0: i32) -> (i32, i32) {
    %c0_i32 = arith.constant 0 : i32
    %c0_i32_0 = arith.constant 0 : i32
    %c0_i32_1 = arith.constant 0 : i32
    return %c0_i32, %c0_i32_0 : i32, i32
  }
  func.func @transform_7(%arg0: i32) -> (i32, i32) {
    %c0_i32 = arith.constant 0 : i32
    %c0_i32_0 = arith.constant 0 : i32
    %c0_i32_1 = arith.constant 0 : i32
    return %c0_i32, %c0_i32_0 : i32, i32
  }
  func.func @transform_8(%arg0: i32) -> (i32, i32) {
    %c0_i32 = arith.constant 0 : i32
    %c0_i32_0 = arith.constant 0 : i32
    %c0_i32_1 = arith.constant 0 : i32
    return %c0_i32, %c0_i32_0 : i32, i32
  }
  func.func @transform_9(%arg0: i32) -> (i32, i32) {
    %c0_i32 = arith.constant 0 : i32
    %c0_i32_0 = arith.constant 0 : i32
    %c0_i32_1 = arith.constant 0 : i32
    return %c0_i32, %c0_i32_0 : i32, i32
  }
}

</mosaic_0001>

<sc_bundles>
// kernel: kernel.15.cloned.1.call-start
scs
__scs_entry_jumppad:
0x0: {  	(pc) =	sbr.rel $0x88, $3  }
0x1: {  	(tag) =	ssettag $0x0;
	lr =	simm.s32 $0x1  }
0x2: {  	[smem:$0x3F98] =	sst lr;
	_ =	strace $0xD0000000  }
0x3: {  	_ = 	snop  }
0x4: {  	_ = 	snop  }
0x5: {  	_ = 	snop  }
0x6: {  	_ = 	snop  }
0x7: {  	_ = 	snop  }
__scs_overlays_trampoline_lowered:
0x8: {  	[smem:$0x3FA7] =	sst s0  }
0x9: {  	[smem:$0x3FA8] =	sst s1  }
0xa: {  	[smem:$0x3FA9] =	sst s2  }
0xb: {  	[smem:$0x3FAA] =	sst s3  }
0xc: {  	[smem:$0x3FAB] =	sst s4  }
0xd: {  	[smem:$0x3FAC] =	sst s5  }
0xe: {  	[smem:$0x3FAD] =	sst s6  }
0xf: {  	[smem:$0x3FAE] =	sst s7  }
0x10: {  	[smem:$0x3FAF] =	sst s8  }
0x11: {  	[smem:$0x3FB0] =	sst s9;
	s0 =	simm.s32 @!p0 $0x0  }
0x12: {  	s1 =	sld [smem:$0x3F96];
	s0 =	simm.s32 @p0 $0x1  }
0x13: {  	[smem:$0x3FB1] =	sst s0;
	s0 =	simm.s32 @!p1 $0x0  }
0x14: {  	s2 =	sld [smem:$0x3F95];
	s0 =	simm.s32 @p1 $0x1  }
0x15: {  	[smem:$0x3FB2] =	sst s0;
	s0 =	simm.s32 @!p2 $0x0  }
0x16: {  	s3 =	sld [smem:$0x3FDB];
	s0 =	simm.s32 @p2 $0x1  }
0x17: {  	s4 =	simm.s32 $0x1BF5;
	[smem:$0x3FB4] =	sst s0  }
0x18: {  	s0 =	sld [smem:$0x3F97];
	_ =	swait.ge [sflag:s4], $0x0  }
0x19: {  	s7 =	sld [smem:$0x3F98]  }
0x1a: {  	s8 =	sadd.s32 $0xFFFFE003, lr  }
0x1b: {  	s9 =	sadd.s32 $0xFFFFFEF7, lr;
	s5 =	simm.s32 $0xFFFFFFFF;
	p2 =	slt.u32 s8, $0xFFFFF086  }
0x1c: {  	p1 =	slt.u32 s9, $0xF7A;
	s5 =	simm.s32 @!p2 $0x0  }
0x1d: {  	s5 =	simm.s32 @p1 $0x1;
	p0 =	seq.s32 s7, s2  }
0x1e: {  	s7 =	smul.u32 @!p0 $0xF7A, s2;
	p2 =	seq.s32 @!p0 s5, $0x0  }
0x1f: {  	s9 =	smul.u32 $0xF7A, s1;
	s8 =	simm.s32 @!p0 $0x1BF5;
	p2 =	por !p2, p0  }
0x20: {  	[sflag:s8] =	ssyncset.s32 @!p0 $0xFFFFF086;
	s6 =	sadd.s32 @!p0 s3, s7;
	s7 =	simm.s32 @!p0 $0x108  }
0x21: {  	s3 =	sadd.s32 s3, s9;
	s6 =	sadd.s32 @!p0 $0x88, s6;
	s7 =	simm.s32 @p2 $0x1082  }
0x22: {  	[simem:s7], [sflag:s8] =	dma.local @!p0 [hbm:s6], $0xF7A  }
0x23: {  	s9 =	sor.u32 $0xD0000000, s2;
	s6 =	simm.s32 $0x108;
	_ =	swait.ge @!p0 [sflag:s8], $0x0  }
0x24: {  	s3 =	sadd.s32 $0x88, s3;
	s6 =	simm.s32 @!p1 $0x1082;
	[sflag:s4] =	ssyncset.s32 $0xFFFFF086  }
0x25: {  	[simem:s6], [sflag:s4] =	dma.local [hbm:s3], $0xF7A  }
0x26: {  	[smem:$0x3F98] =	sst s1;
	(tag) =	ssettag s2;
	_ =	strace s9  }
0x27: {  	s1 =	sld [smem:$0x3FA8]  }
0x28: {  	s2 =	sld [smem:$0x3FA9]  }
0x29: {  	s4 =	sld [smem:$0x3FAB]  }
0x2a: {  	p0 =	seq.s32 s5, $0x0;
	s5 =	sld [smem:$0x3FAC]  }
0x2b: {  	s6 =	sld [smem:$0x3FAD]  }
0x2c: {  	s7 =	sld [smem:$0x3FAE]  }
0x2d: {  	s3 =	simm.s32 $0x108;
	s8 =	sld [smem:$0x3FAF]  }
0x2e: {  	s3 =	simm.s32 @!p0 $0x1082;
	s9 =	sld [smem:$0x3FB0]  }
0x2f: {  	lr =	sadd.s32 s0, s3;
	s0 =	sld [smem:$0x3FA7]  }
0x30: {  	s3 =	sld [smem:$0x3FAA]  }
0x31: {  	[smem:$0x3FB3] =	sst s10  }
0x32: {  	s10 =	sld [smem:$0x3FB1];
	_ =	sdelay $0x3  }
0x33: {  	p0 =	seq.s32 s10, $0x1;
	s10 =	sld [smem:$0x3FB3];
	_ =	sdelay $0x3  }
0x34: {  	[smem:$0x3FB3] =	sst s10  }
0x35: {  	s10 =	sld [smem:$0x3FB2];
	_ =	sdelay $0x3  }
0x36: {  	p1 =	seq.s32 s10, $0x1;
	s10 =	sld [smem:$0x3FB3];
	_ =	sdelay $0x3  }
0x37: {  	[smem:$0x3FB3] =	sst s10  }
0x38: {  	s10 =	sld [smem:$0x3FB4]  }
0x39: {  	_ = 	snop;
	(pc) =	sbr.ind lr, $3  }
0x3a: {  	_ = 	snop  }
0x3b: {  	_ = 	snop  }
0x3c: {  	p2 =	seq.s32 s10, $0x1;
	s10 =	sld [smem:$0x3FB3]  }
0x3d: {  	_ =	shalt  }
0x3e: {  	_ =	shalt  }
0x3f: {  	_ =	shalt  }
0x40: {  	_ =	shalt  }
0x41: {  	_ =	shalt  }
0x42: {  	_ =	shalt  }
0x43: {  	_ =	shalt  }
0x44: {  	_ =	shalt  }
0x45: {  	_ =	shalt  }
0x46: {  	_ =	shalt  }
0x47: {  	_ =	shalt  }
0x48: {  	_ =	shalt  }
0x49: {  	_ =	shalt  }
0x4a: {  	_ =	shalt  }
0x4b: {  	_ =	shalt  }
0x4c: {  	_ =	shalt  }
0x4d: {  	_ =	shalt  }
0x4e: {  	_ =	shalt  }
0x4f: {  	_ =	shalt  }
0x50: {  	_ =	shalt  }
0x51: {  	_ =	shalt  }
0x52: {  	_ =	shalt  }
0x53: {  	_ =	shalt  }
0x54: {  	_ =	shalt  }
0x55: {  	_ =	shalt  }
0x56: {  	_ =	shalt  }
0x57: {  	_ =	shalt  }
0x58: {  	_ =	shalt  }
0x59: {  	_ =	shalt  }
0x5a: {  	_ =	shalt  }
0x5b: {  	_ =	shalt  }
0x5c: {  	_ =	shalt  }
0x5d: {  	_ =	shalt  }
0x5e: {  	_ =	shalt  }
0x5f: {  	_ =	shalt  }
0x60: {  	_ =	shalt  }
0x61: {  	_ =	shalt  }
0x62: {  	_ =	shalt  }
0x63: {  	_ =	shalt  }
0x64: {  	_ =	shalt  }
0x65: {  	_ =	shalt  }
0x66: {  	_ =	shalt  }
0x67: {  	_ =	shalt  }
0x68: {  	_ =	shalt  }
0x69: {  	_ =	shalt  }
0x6a: {  	_ =	shalt  }
0x6b: {  	_ =	shalt  }
0x6c: {  	_ =	shalt  }
0x6d: {  	_ =	shalt  }
0x6e: {  	_ =	shalt  }
0x6f: {  	_ =	shalt  }
0x70: {  	_ =	shalt  }
0x71: {  	_ =	shalt  }
0x72: {  	_ =	shalt  }
0x73: {  	_ =	shalt  }
0x74: {  	_ =	shalt  }
0x75: {  	_ =	shalt  }
0x76: {  	_ =	shalt  }
0x77: {  	_ =	shalt  }
0x78: {  	_ =	shalt  }
0x79: {  	_ =	shalt  }
0x7a: {  	_ =	shalt  }
0x7b: {  	_ =	shalt  }
0x7c: {  	_ =	shalt  }
0x7d: {  	_ =	shalt  }
0x7e: {  	_ =	shalt  }
0x7f: {  	_ =	shalt  }
0x80: {  	_ =	shalt  }
0x81: {  	_ =	shalt  }
0x82: {  	_ =	shalt  }
0x83: {  	_ =	shalt  }
0x84: {  	_ =	shalt  }
0x85: {  	_ =	shalt  }
0x86: {  	_ =	shalt  }
0x87: {  	_ =	shalt  }
.Lfunc_end0:
.L_simem_size_0:
called_computation_lowered:
.L_overlay_start_0:
0x88: {  	s2 =	sld [smem:$0x3FD9]  }
0x89: {  	s3 =	sld [smem:$0x3FFE];
	_ =	sdelay $0x1  }
0x8a: {  	s1 =	srdreg.scid  }
0x8b: {  	s0 =	sand.u32 $0x1, s1  }
0x8c: {  	s14 =	sshll.u32 s0, $0xA;
	s2 =	sadd.s32 s3, s2  }
0x8d: {  	s2 =	sadd.s32 s2, s14  }
0x8e: {  	[smem:$0x3FBF] =	sst s2  }
0x8f: {  	_ = 	snop  }
0x90: {  	s2 =	sld [smem:$0x3FD0];
	_ =	sdelay $0x2  }
0x91: {  	s15 =	simm.s32 $0xA;
	s4 =	simm.s32 $0x10  }
0x92: {  	[smem:s4], [sflag:s15] =	dma.local [hbm:s2], $0x1  }
0x93: {  	_ =	swait.eq [sflag:s15], $0x1  }
0x94: {  	[sflag:s15] =	ssyncset.done $0x0  }
0x95: {  	[sflag:s15] =	ssyncadd.s32 $0xFFFFFFFF  }
0x96: {  	s16 =	sld [smem:$0x11];
	(tm) =	ssettm $0x1  }
0x97: {  	s17 =	sld [smem:$0x3FFB];
	_ =	sdelay $0x3  }
0x98: {  	_ =	strace s17  }
0x99: {  	s3 =	sld [smem:$0x3FFC];
	_ =	sdelay $0x3  }
0x9a: {  	_ =	strace s3  }
0x9b: {  	s3 =	sld [smem:$0x3FFD];
	_ =	sdelay $0x3  }
0x9c: {  	_ =	strace s3  }
0x9d: {  	_ =	strace $0x8FFFFFFF  }
0x9e: {  	s18 =	sld [smem:$0x3FDB];
	_ =	sdelay $0x1  }
0x9f: {  	s19 =	simm.s32 $_scs_section_size  }
0xa0: {  	s5 =	simm.s32 $_size__tile_overlayer_lowered;
	s6 =	simm.s32 $_tile_overlayer_lowered  }
0xa1: {  	s22 =	simm.s32 $0x1BFF;
	s21 =	sshll.u32 s6, $0x1;
	s3 =	sadd.s32 s19, s18  }
0xa2: {  	s7 =	simm.s32 $0x0;
	s20 =	sshll.u32 s5, $0x1;
	s5 =	sadd.s32 s21, s3  }
0xa3: {  	[timem:s7], [sflag:s22] =	dma.local [hbm:s5], s20  }
0xa4: {  	_ =	swait.ge [sflag:s22], s20  }
0xa5: {  	s4 =	ssub.s32 $0x0, s20;
	[sflag:s22] =	ssyncset.done $0x0  }
0xa6: {  	[sflag:s22] =	ssyncadd.s32 s4;
	_ =	sdelay $0x1  }
0xa7: {  	s23 =	simm.s32 $0x1B8B  }
0xa8: {  	_ =	swait.ge [sflag:s23], $0x1  }
0xa9: {  	[sflag:s23] =	ssyncset.done $0x0  }
0xaa: {  	s25 =	simm.s32 $0x1B8E;
	s24 =	sld [smem:$0x3FFE];
	[sflag:s23] =	ssyncadd.s32 $0xFFFFFFFF  }
0xab: {  	s26 =	simm.s32 $execute0_lowered;
	[smem:$0x3FD2] =	sst s25  }
0xac: {  	s5 =	sshll.u32 s26, $0x1;
	_ =	strace $0x80000046;
	[dreg:$0x1] =	wrdreg $0xFFFFFFFF  }
0xad: {  	s28 =	simm.s32 $_size_execute0_lowered;
	s3 =	sadd.s32 s3, s5;
	[dreg:$0x0] =	wrdreg $0x0  }
0xae: {  	s5 =	sshll.u32 s28, $0x1;
	[dreg:$0x2] =	wrdreg s3  }
0xaf: {  	[dreg:$0x3] =	wrdreg s5  }
0xb0: {  	[dreg:$0x4] =	wrdreg $0xC0  }
0xb1: {  	_ =	task [dreg:s7], $0x5FFFF  }
0xb2: {  	[dreg:$0x1] =	wrdreg $0xFFFFFFFF  }
0xb3: {  	[dreg:$0x0] =	wrdreg $0x60  }
0xb4: {  	[dreg:$0x2] =	wrdreg s24  }
0xb5: {  	[dreg:$0x3] =	wrdreg s16  }
0xb6: {  	[dreg:$0x4] =	wrdreg $0x0  }
0xb7: {  	[dreg:$0x5] =	wrdreg $0x9  }
0xb8: {  	_ =	task.clear_ibuf [dreg:s7], $0x6FFFF;
	_ =	strace $0x90000046  }
0xb9: {  	s29 =	simm.s32 $0x9;
	_ =	strace $0x80000048  }
0xba: {  	_ =	swait.ge [sflag:s29], $0x1  }
0xbb: {  	[sflag:s29] =	ssyncadd.s32 $0xFFFFFFFF  }
0xbc: {  	_ =	strace $0x90000048  }
0xbd: {  	_ =	sfence  }
0xbe: {  	s30 =	sld [smem:$0x0];
	_ =	sdelay $0x2  }
0xbf: {  	s31 =	sshll.u32 s1, $0xD;
	s1 =	sshrl.u32 s1, $0x2  }
0xc0: {  	s3 =	sand.u32 $0x4000, s31;
	s1 =	sadd.s32 s1, s30  }
0xc1: {  	s0 =	sor.u32 s3, s0;
	s1 =	sshll.u32 s1, $0x11  }
0xc2: {  	s0 =	sor.u32 s1, s0  }
0xc3: {  	s0 =	sadd.s32 $0x8F2B, s0  }
0xc4: {  	[sflag:s0] =	ssyncadd.remote.s32 $0x1  }
0xc5: {  	_ =	sfence.sel $0xFFFF  }
0xc6: {  	[dreg:$0x0] =	wrdreg $0xFFFFFFFF;
	(pc) =	sbr.abs _section_cstart, $3  }
0xc7: {  	[dreg:$0x1] =	wrdreg $0xFFFFFFFF  }
0xc8: {  	_ =	task.clear_ibuf [dreg:s7], $0x2FFFF;
	_ =	strace $0x9FFFFFFF  }
0xc9: {  	(tm) =	ssettm $0x7FFFFFFF  }
tec
execute0_lowered:
.L_overlay_start_1:
0x0: {  	(tag) =	ssettag $0x1  }
0x1: {  	s0 =	rddreg [dreg:$0x0]  }
0x2: {  	s1 =	rddreg [dreg:$0x1]  }
0x3: {  	s2 =	rddreg [dreg:$0x2];
	s29 =	simm.s32 $0x0  }
0x4: {  	s3 =	srdreg.scid;
	s13 =	stileid.u32;
	s31 =	simm.s32 $0x13980  }
0x5: {  	s28 =	simm.s32 $0x13D80;
	s4 =	simm.s32 $0x13A80;
	s30 =	simm.s32 $0x13E80  }
0x6: {  	s18 =	simm.s32 $0x3;
	[smem:$0x7FF] =	sst s29;
	s7 =	smul.u32 $0x4E000, s13  }
0x7: {  	s3 =	sand.u32 $0x1, s3;
	s5 =	sadd.s32 $0x5EE00, s0;
	s20 =	smul.u32 $0x13800, s13  }
0x8: {  	s6 =	sadd.s32 $0x5400, s0;
	s8 =	sadd.s32 $0xAD000, s0;
	s23 =	smul.u32 $0x9C4, s13  }
0x9: {  	s0 =	sadd.s32 $0xAF800, s0;
	_ =	strace $0x80000047;
	s9 =	smul.u32 $0x4E200, s3  }
0xa: {  	[dreg:$0x5] =	wrdreg s8;
	s10 =	ssub.s32 $0x2, s3;
	s8 =	smul.u32 $0x4E20, s13  }
0xb: {  	p0 =	seq.s32 s13, $0xF;
	s3 =	smul.u32 $0x138800, s3;
	s11 =	sshrl.u32 s10, $0x1  }
0xc: {  	s7 =	sshrl.u32 s7, $0x2;
	s25 =	sadd.s32 s23, s6;
	s11 =	ssub.s32 s10, s11  }
0xd: {  	s7 =	sadd.s32 s7, s2;
	s10 =	sadd.s32 s8, s9;
	s12 =	sshrl.u32 s8, $0x3  }
0xe: {  	s22 =	sadd.s32 s20, s3;
	s3 =	sshrl.u32 s3, $0x3;
	s20 =	simm.s32 $0x2  }
0xf: {  	[dreg:$0x6] =	wrdreg s7;
	s7 =	sadd.s32 $0x124800, s2;
	s15 =	sadd.s32 s6, s12  }
0x10: {  	s9 =	sshrl.u32 s10, $0x3;
	s26 =	smax.u32 s11, $0x1;
	[dreg:$0x8] =	wrdreg s15  }
0x11: {  	s19 =	sadd.s32 $0x1E0, s10;
	s16 =	sadd.s32 $0x14, s15;
	[dreg:$0x10] =	wrdreg s26  }
0x12: {  	s11 =	simm.s32 $0x8;
	s14 =	sadd.s32 s1, s9;
	[dreg:$0xa] =	wrdreg s16  }
0x13: {  	s12 =	simm.s32 $0x5;
	s21 =	sadd.s32 $0x28, s15;
	[dreg:$0x7] =	wrdreg s14  }
0x14: {  	s24 =	sadd.s32 $0x3C, s15;
	s26 =	simm.s32 $0x13C80;
	[dreg:$0xc] =	wrdreg s21  }
0x15: {  	s15 =	simm.s32 $0x6;
	s9 =	sadd.s32 $0x14, s14;
	[dreg:$0xd] =	wrdreg s24  }
0x16: {  	s14 =	sadd.s32 $0x28, s14;
	s24 =	simm.s32 $0x13880;
	[dreg:$0x9] =	wrdreg s9  }
0x17: {  	s16 =	simm.s32 $0x19080;
	s21 =	simm.s32 $0x4;
	[dreg:$0xb] =	wrdreg s14  }
0x18: {  	s9 =	sshrl.u32 s19, $0x3;
	s14 =	simm.s32 $0x1;
	s19 =	simm.s32 $0x7  }
0x19: {  	s17 =	sadd.s32 s1, s9;
	s9 =	sshrl.u32 s22, $0x3;
	s22 =	sshrl.u32 @p0 s7, $0x3  }
0x1a: {  	s9 =	sadd.s32 s0, s9;
	s0 =	sadd.s32 s0, s3;
	[dreg:$0x11] =	wrdreg s22  }
0x1b: {  	s3 =	sshll.u32 @!p0 s13, $0x6;
	[dreg:$0xe] =	wrdreg s9;
	s0 =	sadd.s32 $0x24900, s0  }
0x1c: {  	s7 =	simm.s32 $0x0;
	s23 =	sor.u32 @!p0 $0x1C09, s3;
	[dreg:$0xf] =	wrdreg s0  }
0x1d: {  	s13 =	simm.s32 $0x14080;
	s0 =	sadd.s32 $0x3C, s25;
	[dreg:$0x12] =	wrdreg s23  }
0x1e: {  	s9 =	simm.s32 $0xA0;
	s25 =	simm.s32 $0x13B80;
	[dreg:$0x4] =	wrdreg s0  }
.LBB2_1:
0x1f: {  	[dreg:$0x13] =	wrdreg s7  }
0x20: {  	s7 =	simm.s32 @p0 $0x1FC9;
	s0 =	rddreg [dreg:$0x5]  }
0x21: {  	[spmem:s22], [sflag:s7] =	dma.local @p0 [hbm:s0], $0x2800  }
0x22: {  	s7 =	simm.s32 @p0 $0x9  }
0x23: {  	_ =	swait.ge @p0 [sflag:s7], $0x2800  }
0x24: {  	s3 =	rddreg [dreg:$0x6]  }
0x25: {  	[sflag:s7] =	ssyncset.done @p0 $0x0;
	s3 =	sshrl.u32 @!p0 s3, $0x3  }
0x26: {  	[sflag:s7] =	ssyncadd.s32 @p0 $0xFFFFD800;
	s7 =	simm.s32 @!p0 $0x9;
	[dreg:$0x14] =	wrdreg s3  }
0x27: {  	[spmem:s3], [sflag:s23] =	dma.local @!p0 [hbm:s0], $0x2700  }
0x28: {  	_ =	swait.ge @!p0 [sflag:s7], $0x2700  }
0x29: {  	[sflag:s7] =	ssyncset.done @!p0 $0x0  }
0x2a: {  	[sflag:s7] =	ssyncadd.s32 @!p0 $0xFFFFD900  }
0x2b: {  	[bflag:$0x0] =	sbarrier.arrive $0xFFFF  }
0x2c: {  	s7 =	simm.s32 $0x9;
	s3 =	rddreg [dreg:$0x7]  }
0x2d: {  	[tilespmem:s24], [sflag:$0x9] =	stream.linear.gather [hbm4b:s3+s29], $0xA0, $0x38;
	[tilespmem:$0x1E080] =	vst v63  }
0x2e: {  	_ =	swait.ge [sflag:s7], $0xA0  }
0x2f: {  	[sflag:s7] =	ssyncset.done $0x0  }
0x30: {  	s22 =	rddreg [dreg:$0x8];
	[sflag:s7] =	ssyncadd.s32 $0xFFFFFF60  }
0x31: {  	[tilespmem:s26], [sflag:$0x9] =	stream.linear.gather [hbm4b:s22+s29], $0xA0, $0x38;
	[tilespmem:$0x1E080] =	vst v63  }
0x32: {  	_ =	swait.ge [sflag:s7], $0xA0  }
0x33: {  	[sflag:s7] =	ssyncset.done $0x0  }
0x34: {  	s23 =	rddreg [dreg:$0x9];
	[sflag:s7] =	ssyncadd.s32 $0xFFFFFF60  }
0x35: {  	[tilespmem:s31], [sflag:$0x6] =	stream.linear.gather [hbm4b:s23+s29], $0xA0, $0x38;
	[tilespmem:$0x1E080] =	vst v63  }
0x36: {  	s3 =	rddreg [dreg:$0xa]  }
0x37: {  	[tilespmem:s28], [sflag:$0x6] =	stream.linear.gather [hbm4b:s3+s29], $0xA0, $0x38;
	[tilespmem:$0x1E080] =	vst v63  }
0x38: {  	s7 =	rddreg [dreg:$0xb]  }
0x39: {  	[tilespmem:s4], [sflag:$0x7] =	stream.linear.gather [hbm4b:s7+s29], $0xA0, $0x38;
	[tilespmem:$0x1E080] =	vst v63  }
0x3a: {  	s22 =	rddreg [dreg:$0xc]  }
0x3b: {  	[tilespmem:s30], [sflag:$0x7] =	stream.linear.gather [hbm4b:s22+s29], $0xA0, $0x38;
	[tilespmem:$0x1E080] =	vst v63  }
0x3c: {  	_ = 	snop  }
0x3d: {  	[tilespmem:s25], [sflag:$0x8] =	stream.linear.gather [hbm4b:s17+s29], $0xA0, $0x38;
	[tilespmem:$0x1E080] =	vst v63  }
0x3e: {  	s23 =	rddreg [dreg:$0xd];
	s3 =	simm.s32 $0x13F80  }
0x3f: {  	[tilespmem:s3], [sflag:$0x8] =	stream.linear.gather [hbm4b:s23+s29], $0xA0, $0x38;
	[tilespmem:$0x1E080] =	vst v63  }
0x40: {  	_ = 	snop  }
0x41: {  	[tilespmem:s13], [sflag:$0x1] =	stream.indirect.gather [hbm4b:s5+s9], $0x80, s24, s9, $0xb8;
	[tilespmem:$0x1E080] =	vst v63  }
0x42: {  	_ =	swait.ge [sflag:s14], $0x5000  }
0x43: {  	p1 =	por $0x1, $0x1;
	[sflag:s14] =	ssyncset.done $0x0  }
0x44: {  	s7 =	simm.s32 @!p1 $0x4;
	[sflag:s14] =	ssyncadd.s32 $0xFFFFB000  }
0x45: {  	_ =	swait.ge @!p1 [sflag:s7], $0x5000  }
0x46: {  	s22 =	simm.s32 @!p1 $0x13B80;
	s25 =	simm.s32 @!p1 $0x0;
	[sflag:s7] =	ssyncset.done @!p1 $0x0  }
0x47: {  	s23 =	rddreg [dreg:$0x4];
	[sflag:s7] =	ssyncadd.s32 @!p1 $0xFFFFB000;
	s7 =	sadd.s32 @!p1 $0x0, s17  }
0x48: {  	[tilespmem:s22], [sflag:$0x8] =	stream.linear.gather @!p1 [hbm4b:s7+s25], $0xA0, $0x38;
	[tilespmem:$0x1E080] =	vst v63  }
0x49: {  	s7 =	sadd.s32 @!p1 $0x0, s23;
	s22 =	simm.s32 @!p1 $0x13F80  }
0x4a: {  	[tilespmem:s22], [sflag:$0x8] =	stream.linear.gather @!p1 [hbm4b:s7+s25], $0xA0, $0x38;
	[tilespmem:$0x1E080] =	vst v63  }
0x4b: {  	_ =	swait.ge [sflag:s15], $0xA0  }
0x4c: {  	[sflag:s15] =	ssyncset.done $0x0  }
0x4d: {  	[sflag:s15] =	ssyncadd.s32 $0xFFFFFF60  }
0x4e: {  	_ =	swait.ge [sflag:s15], $0xA0  }
0x4f: {  	s7 =	simm.s32 $0x0;
	[sflag:s15] =	ssyncset.done $0x0  }
0x50: {  	s7 =	simm.s32 @p1 $0x0;
	[sflag:s15] =	ssyncadd.s32 $0xFFFFFF60  }
0x51: {  	[tilespmem:s16], [sflag:$0x2] =	stream.indirect.gather [hbm4b:s5+s9], $0x80, s31, s9, $0xb8;
	[tilespmem:$0x1E080] =	vst v63  }
0x52: {  	s25 =	sadd.s32 $0x280, s7  }
0x53: {  	[spmem:s2] =	stream.indirect.scatter.add.f32 [tilespmem:s13], [sflag:$0x3], $0x80, s26, s9, $0xb8;
	[tilespmem:$0x1E080] =	vst v63  }
0x54: {  	s31 =	sadd.s32 s10, s25;
	_ =	swait.ge [sflag:s18], $0x5000  }
0x55: {  	s22 =	sadd.s32 s8, s25;
	s23 =	sshrl.u32 s31, $0x3;
	[sflag:s18] =	ssyncset.done $0x0  }
0x56: {  	s22 =	sshrl.u32 s22, $0x3;
	s23 =	sadd.s32 s1, s23;
	[sflag:s18] =	ssyncadd.s32 $0xFFFFB000  }
0x57: {  	[tilespmem:s24], [sflag:$0x5] =	stream.linear.gather [hbm4b:s23+s29], $0xA0, $0x38;
	[tilespmem:$0x1E080] =	vst v63  }
0x58: {  	s22 =	sadd.s32 s6, s22  }
0x59: {  	[tilespmem:s26], [sflag:$0x5] =	stream.linear.gather [hbm4b:s22+s29], $0xA0, $0x38;
	[tilespmem:$0x1E080] =	vst v63  }
0x5a: {  	_ =	swait.ge [sflag:s19], $0xA0  }
0x5b: {  	[sflag:s19] =	ssyncset.done $0x0  }
0x5c: {  	[sflag:s19] =	ssyncadd.s32 $0xFFFFFF60  }
0x5d: {  	_ =	swait.ge [sflag:s19], $0xA0  }
0x5e: {  	[sflag:s19] =	ssyncset.done $0x0  }
0x5f: {  	[sflag:s19] =	ssyncadd.s32 $0xFFFFFF60  }
0x60: {  	_ =	swait.ge [sflag:s20], $0x5000  }
0x61: {  	[sflag:s20] =	ssyncset.done $0x0  }
0x62: {  	p1 =	por $0x0, $0x0;
	[sflag:s20] =	ssyncadd.s32 $0xFFFFB000  }
0x63: {  	[tilespmem:s13], [sflag:$0x1] =	stream.indirect.gather [hbm4b:s5+s9], $0x80, s4, s9, $0xb8;
	[tilespmem:$0x1E080] =	vst v63  }
0x64: {  	s25 =	simm.s32 @!p1 $0x0;
	s22 =	sadd.s32 @!p1 $0x320, s7  }
0x65: {  	[spmem:s2] =	stream.indirect.scatter.add.f32 [tilespmem:s16], [sflag:$0x4], $0x80, s28, s9, $0xb8;
	[tilespmem:$0x1E080] =	vst v63  }
0x66: {  	s23 =	sadd.s32 @!p1 s10, s22;
	s22 =	sadd.s32 @!p1 s8, s22;
	_ =	swait.ge [sflag:s21], $0x5000  }
0x67: {  	s23 =	sshrl.u32 @!p1 s23, $0x3;
	s22 =	sshrl.u32 @!p1 s22, $0x3;
	[sflag:s21] =	ssyncset.done $0x0  }
0x68: {  	s23 =	sadd.s32 @!p1 s1, s23;
	s28 =	simm.s32 @!p1 $0x13980;
	[sflag:s21] =	ssyncadd.s32 $0xFFFFB000  }
0x69: {  	[tilespmem:s28], [sflag:$0x6] =	stream.linear.gather @!p1 [hbm4b:s23+s25], $0xA0, $0x38;
	[tilespmem:$0x1E080] =	vst v63  }
0x6a: {  	s22 =	sadd.s32 @!p1 s6, s22;
	s23 =	simm.s32 @!p1 $0x13D80  }
0x6b: {  	[tilespmem:s23], [sflag:$0x6] =	stream.linear.gather @!p1 [hbm4b:s22+s25], $0xA0, $0x38;
	[tilespmem:$0x1E080] =	vst v63  }
0x6c: {  	_ =	swait.ge [sflag:s11], $0xA0  }
0x6d: {  	[sflag:s11] =	ssyncset.done $0x0  }
0x6e: {  	[sflag:s11] =	ssyncadd.s32 $0xFFFFFF60  }
0x6f: {  	_ =	swait.ge [sflag:s11], $0xA0  }
0x70: {  	[sflag:s11] =	ssyncset.done $0x0  }
0x71: {  	[sflag:s11] =	ssyncadd.s32 $0xFFFFFF60  }
0x72: {  	_ =	swait.ge [sflag:s14], $0x5000  }
0x73: {  	[sflag:s14] =	ssyncset.done $0x0  }
0x74: {  	s0 =	simm.s32 $0x13B80;
	[sflag:s14] =	ssyncadd.s32 $0xFFFFB000  }
0x75: {  	[tilespmem:s16], [sflag:$0x2] =	stream.indirect.gather [hbm4b:s5+s9], $0x80, s0, s9, $0xb8;
	[tilespmem:$0x1E080] =	vst v63  }
0x76: {  	s7 =	sadd.s32 @!p1 $0x3C0, s7  }
0x77: {  	[spmem:s2] =	stream.indirect.scatter.add.f32 [tilespmem:s13], [sflag:$0x3], $0x80, s30, s9, $0xb8;
	[tilespmem:$0x1E080] =	vst v63  }
0x78: {  	s22 =	sadd.s32 @!p1 s10, s7;
	s23 =	simm.s32 @!p1 $0x13A80;
	_ =	swait.ge [sflag:s18], $0x5000  }
0x79: {  	s7 =	sadd.s32 @!p1 s8, s7;
	s22 =	sshrl.u32 @!p1 s22, $0x3;
	[sflag:s18] =	ssyncset.done $0x0  }
0x7a: {  	s7 =	sshrl.u32 @!p1 s7, $0x3;
	s22 =	sadd.s32 @!p1 s1, s22;
	[sflag:s18] =	ssyncadd.s32 $0xFFFFB000  }
0x7b: {  	[tilespmem:s23], [sflag:$0x7] =	stream.linear.gather @!p1 [hbm4b:s22+s25], $0xA0, $0x38;
	[tilespmem:$0x1E080] =	vst v63  }
0x7c: {  	s7 =	sadd.s32 @!p1 s6, s7;
	s22 =	simm.s32 @!p1 $0x13E80  }
0x7d: {  	[tilespmem:s22], [sflag:$0x7] =	stream.linear.gather @!p1 [hbm4b:s7+s25], $0xA0, $0x38;
	[tilespmem:$0x1E080] =	vst v63  }
0x7e: {  	_ =	swait.ge [sflag:s12], $0xA0  }
0x7f: {  	[sflag:s12] =	ssyncset.done $0x0  }
0x80: {  	[sflag:s12] =	ssyncadd.s32 $0xFFFFFF60  }
0x81: {  	_ =	swait.ge [sflag:s12], $0xA0  }
0x82: {  	[sflag:s12] =	ssyncset.done $0x0  }
0x83: {  	[sflag:s12] =	ssyncadd.s32 $0xFFFFFF60  }
0x84: {  	_ =	swait.ge [sflag:s20], $0x5000  }
0x85: {  	s4 =	simm.s32 $0x0;
	[sflag:s20] =	ssyncset.done $0x0  }
0x86: {  	s30 =	simm.s32 $0x280;
	s23 =	simm.s32 $0x50;
	[sflag:s20] =	ssyncadd.s32 $0xFFFFB000  }
0x87: {  	[spmem:s2] =	stream.indirect.scatter.add.f32 [tilespmem:s16], [sflag:$0x4], $0x80, s3, s9, $0xb8;
	[tilespmem:$0x1E080] =	vst v63  }
.LBB2_2:
0x88: {  	[tilespmem:s13], [sflag:$0x1] =	stream.indirect.gather [hbm4b:s5+s9], $0x80, s24, s9, $0xb8;
	[tilespmem:$0x1E080] =	vst v63  }
0x89: {  	s7 =	smov.u32 s23;
	_ =	swait.ge [sflag:s14], $0x5000  }
0x8a: {  	p2 =	seq.s32 s7, $0x0;
	[sflag:s14] =	ssyncset.done $0x0  }
0x8b: {  	s22 =	simm.s32 @!p2 $0x4;
	[sflag:s14] =	ssyncadd.s32 $0xFFFFB000  }
0x8c: {  	_ =	swait.ge @!p2 [sflag:s22], $0x5000  }
0x8d: {  	s31 =	simm.s32 @!p2 $0x13B80;
	s3 =	simm.s32 @!p2 $0x0;
	[sflag:s22] =	ssyncset.done @!p2 $0x0  }
0x8e: {  	s0 =	rddreg [dreg:$0x4];
	[sflag:s22] =	ssyncadd.s32 @!p2 $0xFFFFB000;
	s22 =	sadd.s32 @!p2 s7, s17  }
0x8f: {  	[tilespmem:s31], [sflag:$0x8] =	stream.linear.gather @!p2 [hbm4b:s22+s3], $0xA0, $0x38;
	[tilespmem:$0x1E080] =	vst v63  }
0x90: {  	p1 =	seq.s32 s7, $0x960;
	s0 =	sadd.s32 @!p2 s7, s0;
	s7 =	simm.s32 @!p2 $0x13F80  }
0x91: {  	[tilespmem:s7], [sflag:$0x8] =	stream.linear.gather @!p2 [hbm4b:s0+s3], $0xA0, $0x38;
	[tilespmem:$0x1E080] =	vst v63  }
0x92: {  	_ =	swait.ge [sflag:s15], $0xA0  }
0x93: {  	[sflag:s15] =	ssyncset.done $0x0  }
0x94: {  	[sflag:s15] =	ssyncadd.s32 $0xFFFFFF60  }
0x95: {  	_ =	swait.ge [sflag:s15], $0xA0  }
0x96: {  	s25 =	smov.u32 s30;
	[sflag:s15] =	ssyncset.done $0x0  }
0x97: {  	s25 =	simm.s32 @p2 $0x0;
	s31 =	simm.s32 $0x13980;
	[sflag:s15] =	ssyncadd.s32 $0xFFFFFF60  }
0x98: {  	[tilespmem:s16], [sflag:$0x2] =	stream.indirect.gather [hbm4b:s5+s9], $0x80, s31, s9, $0xb8;
	[tilespmem:$0x1E080] =	vst v63  }
0x99: {  	s28 =	sadd.s32 $0x280, s25  }
0x9a: {  	[spmem:s2] =	stream.indirect.scatter.add.f32 [tilespmem:s13], [sflag:$0x3], $0x80, s26, s9, $0xb8;
	[tilespmem:$0x1E080] =	vst v63  }
0x9b: {  	s22 =	sadd.s32 s10, s28;
	_ =	swait.ge [sflag:s18], $0x5000  }
0x9c: {  	s28 =	sadd.s32 s8, s28;
	s0 =	sshrl.u32 s22, $0x3;
	[sflag:s18] =	ssyncset.done $0x0  }
0x9d: {  	s3 =	sshrl.u32 s28, $0x3;
	s0 =	sadd.s32 s1, s0;
	[sflag:s18] =	ssyncadd.s32 $0xFFFFB000  }
0x9e: {  	[tilespmem:s24], [sflag:$0x5] =	stream.linear.gather [hbm4b:s0+s4], $0xA0, $0x38;
	[tilespmem:$0x1E080] =	vst v63  }
0x9f: {  	s3 =	sadd.s32 s6, s3  }
0xa0: {  	[tilespmem:s26], [sflag:$0x5] =	stream.linear.gather [hbm4b:s3+s4], $0xA0, $0x38;
	[tilespmem:$0x1E080] =	vst v63  }
0xa1: {  	s29 =	sadd.s32 @!p1 $0x320, s25;
	_ =	swait.ge [sflag:s19], $0xA0  }
0xa2: {  	s7 =	sadd.s32 @!p1 s10, s29;
	[sflag:s19] =	ssyncset.done $0x0  }
0xa3: {  	s22 =	sadd.s32 @!p1 s8, s29;
	s7 =	sshrl.u32 @!p1 s7, $0x3;
	[sflag:s19] =	ssyncadd.s32 $0xFFFFFF60  }
0xa4: {  	s28 =	sadd.s32 @!p1 s1, s7;
	s7 =	sshrl.u32 @!p1 s22, $0x3;
	_ =	swait.ge [sflag:s19], $0xA0  }
0xa5: {  	s29 =	sadd.s32 @!p1 s6, s7;
	s7 =	sadd.s32 @!p1 $0x3C0, s25;
	[sflag:s19] =	ssyncset.done $0x0  }
0xa6: {  	s22 =	sadd.s32 @!p1 s10, s7;
	[sflag:s19] =	ssyncadd.s32 $0xFFFFFF60  }
0xa7: {  	s7 =	sadd.s32 @!p1 s8, s7;
	s22 =	sshrl.u32 @!p1 s22, $0x3;
	_ =	swait.ge [sflag:s20], $0x5000  }
0xa8: {  	s25 =	sshrl.u32 @!p1 s7, $0x3;
	s7 =	sadd.s32 @!p1 s1, s22;
	[sflag:s20] =	ssyncset.done $0x0  }
0xa9: {  	s22 =	sadd.s32 @!p1 s6, s25;
	s25 =	simm.s32 $0x13A80;
	[sflag:s20] =	ssyncadd.s32 $0xFFFFB000  }
0xaa: {  	[tilespmem:s13], [sflag:$0x1] =	stream.indirect.gather [hbm4b:s5+s9], $0x80, s25, s9, $0xb8;
	[tilespmem:$0x1E080] =	vst v63  }
0xab: {  	s3 =	simm.s32 $0x13D80  }
0xac: {  	[spmem:s2] =	stream.indirect.scatter.add.f32 [tilespmem:s16], [sflag:$0x4], $0x80, s3, s9, $0xb8;
	[tilespmem:$0x1E080] =	vst v63  }
0xad: {  	_ =	swait.ge [sflag:s21], $0x5000  }
0xae: {  	[sflag:s21] =	ssyncset.done $0x0  }
0xaf: {  	s0 =	simm.s32 @!p1 $0x0;
	s3 =	simm.s32 @!p1 $0x13980;
	[sflag:s21] =	ssyncadd.s32 $0xFFFFB000  }
0xb0: {  	[tilespmem:s3], [sflag:$0x6] =	stream.linear.gather @!p1 [hbm4b:s28+s0], $0xA0, $0x38;
	[tilespmem:$0x1E080] =	vst v63  }
0xb1: {  	s3 =	simm.s32 @!p1 $0x13D80  }
0xb2: {  	[tilespmem:s3], [sflag:$0x6] =	stream.linear.gather @!p1 [hbm4b:s29+s0], $0xA0, $0x38;
	[tilespmem:$0x1E080] =	vst v63  }
0xb3: {  	_ =	swait.ge [sflag:s11], $0xA0  }
0xb4: {  	[sflag:s11] =	ssyncset.done $0x0  }
0xb5: {  	[sflag:s11] =	ssyncadd.s32 $0xFFFFFF60  }
0xb6: {  	_ =	swait.ge [sflag:s11], $0xA0  }
0xb7: {  	[sflag:s11] =	ssyncset.done $0x0  }
0xb8: {  	[sflag:s11] =	ssyncadd.s32 $0xFFFFFF60  }
0xb9: {  	_ =	swait.ge [sflag:s14], $0x5000  }
0xba: {  	[sflag:s14] =	ssyncset.done $0x0  }
0xbb: {  	s25 =	simm.s32 $0x13B80;
	[sflag:s14] =	ssyncadd.s32 $0xFFFFB000  }
0xbc: {  	[tilespmem:s16], [sflag:$0x2] =	stream.indirect.gather [hbm4b:s5+s9], $0x80, s25, s9, $0xb8;
	[tilespmem:$0x1E080] =	vst v63  }
0xbd: {  	s28 =	simm.s32 $0x13E80  }
0xbe: {  	[spmem:s2] =	stream.indirect.scatter.add.f32 [tilespmem:s13], [sflag:$0x3], $0x80, s28, s9, $0xb8;
	[tilespmem:$0x1E080] =	vst v63  }
0xbf: {  	_ =	swait.ge [sflag:s18], $0x5000  }
0xc0: {  	[sflag:s18] =	ssyncset.done $0x0  }
0xc1: {  	s3 =	simm.s32 @!p1 $0x13A80;
	[sflag:s18] =	ssyncadd.s32 $0xFFFFB000  }
0xc2: {  	[tilespmem:s3], [sflag:$0x7] =	stream.linear.gather @!p1 [hbm4b:s7+s0], $0xA0, $0x38;
	[tilespmem:$0x1E080] =	vst v63  }
0xc3: {  	s3 =	simm.s32 @!p1 $0x13E80  }
0xc4: {  	[tilespmem:s3], [sflag:$0x7] =	stream.linear.gather @!p1 [hbm4b:s22+s0], $0xA0, $0x38;
	[tilespmem:$0x1E080] =	vst v63  }
0xc5: {  	_ =	swait.ge [sflag:s12], $0xA0  }
0xc6: {  	[sflag:s12] =	ssyncset.done $0x0  }
0xc7: {  	[sflag:s12] =	ssyncadd.s32 $0xFFFFFF60  }
0xc8: {  	s23 =	sadd.s32 $0x50, s23;
	_ =	swait.ge [sflag:s12], $0xA0  }
0xc9: {  	p2 =	sne.s32 s23, $0x9B0;
	[sflag:s12] =	ssyncset.done $0x0  }
.Ltmp0:
0xca: {  	[sflag:s12] =	ssyncadd.s32 $0xFFFFFF60;
	(pc) =	sbr.rel @p2 .LBB2_2-.Ltmp0, $4  }
0xcb: {  	_ =	swait.ge [sflag:s20], $0x5000  }
0xcc: {  	[sflag:s20] =	ssyncset.done $0x0  }
0xcd: {  	s30 =	sadd.s32 $0x280, s30;
	s29 =	simm.s32 $0x13F80;
	[sflag:s20] =	ssyncadd.s32 $0xFFFFB000  }
0xce: {  	[spmem:s2] =	stream.indirect.scatter.add.f32 [tilespmem:s16], [sflag:$0x4], $0x80, s29, s9, $0xb8;
	[tilespmem:$0x1E080] =	vst v63  }
0xcf: {  	[tilespmem:s13], [sflag:$0x1] =	stream.indirect.gather [hbm4b:s5+s9], $0x80, s24, s9, $0xb8;
	[tilespmem:$0x1E080] =	vst v63  }
0xd0: {  	_ =	swait.ge [sflag:s14], $0x5000  }
0xd1: {  	[sflag:s14] =	ssyncset.done $0x0  }
0xd2: {  	[sflag:s14] =	ssyncadd.s32 $0xFFFFB000  }
0xd3: {  	[spmem:s2] =	stream.indirect.scatter.add.f32 [tilespmem:s13], [sflag:$0x3], $0x80, s26, s9, $0xb8;
	[tilespmem:$0x1E080] =	vst v63  }
0xd4: {  	_ =	swait.ge [sflag:s21], $0x5000  }
0xd5: {  	[sflag:s21] =	ssyncset.done $0x0  }
0xd6: {  	[sflag:s21] =	ssyncadd.s32 $0xFFFFB000  }
0xd7: {  	_ =	swait.ge [sflag:s18], $0x5000  }
0xd8: {  	[sflag:s18] =	ssyncset.done $0x0  }
0xd9: {  	[sflag:s18] =	ssyncadd.s32 $0xFFFFB000  }
0xda: {  	[bflag:$0x0] =	sbarrier.arrive $0xFFFF  }
0xdb: {  	s3 =	rddreg [dreg:$0xf]  }
0xdc: {  	s0 =	simm.s32 @p0 $0x1FC9;
	s22 =	rddreg [dreg:$0x11]  }
0xdd: {  	[hbm:s3], [sflag:s0] =	dma.local @p0 [spmem:s22], $0x2800  }
0xde: {  	s0 =	simm.s32 @p0 $0x9  }
0xdf: {  	_ =	swait.ge @p0 [sflag:s0], $0x2800  }
0xe0: {  	s23 =	rddreg [dreg:$0x12]  }
0xe1: {  	[sflag:s0] =	ssyncset.done @p0 $0x0;
	s3 =	rddreg [dreg:$0x14]  }
0xe2: {  	[sflag:s0] =	ssyncadd.s32 @p0 $0xFFFFD800;
	s0 =	rddreg [dreg:$0xe]  }
0xe3: {  	[hbm:s0], [sflag:s23] =	dma.local @!p0 [spmem:s3], $0x2700  }
0xe4: {  	s0 =	simm.s32 @!p0 $0x9  }
0xe5: {  	_ =	swait.ge @!p0 [sflag:s0], $0x2700  }
0xe6: {  	s7 =	rddreg [dreg:$0x13]  }
0xe7: {  	s25 =	rddreg [dreg:$0x10];
	s7 =	sadd.s32 $0x1, s7  }
0xe8: {  	p1 =	sne.s32 s7, s25  }
.Ltmp1:
0xe9: {  	_ = 	snop;
	(pc) =	sbr.rel @p1 .LBB2_1-.Ltmp1, $4  }
0xea: {  	_ = 	snop  }
0xeb: {  	s28 =	simm.s32 $0x13D80  }
0xec: {  	s4 =	simm.s32 $0x13A80;
	s29 =	simm.s32 $0x0;
	[sflag:s0] =	ssyncset.done @!p0 $0x0  }
0xed: {  	s30 =	simm.s32 $0x13E80;
	[sflag:s0] =	ssyncadd.s32 @!p0 $0xFFFFD900;
	s25 =	simm.s32 $0x13B80  }
0xee: {  	_ =	sfence.sel $0x180000  }
0xef: {  	[bflag:$0x0] =	sbarrier.arrive $0xFFFF  }
0xf0: {  	_ =	strace $0x90000047  }
0xf1: {  	s0 =	stileid.u32;
	[bflag:$0x2] =	sbarrier.arrive $0xFFFF  }
0xf2: {  	p0 =	sne.s32 s0, $0x0;
	s0 =	rddreg [dreg:$0x3]  }
0xf3: {  	s0 =	sadd.s32 @!p0 $0x100000, s0  }
0xf4: {  	[sflag:s0] =	ssyncadd.tile.s32 @!p0 $0x1;
	_ =	shalt  }
.Lfunc_end2:
_tile_overlayer_lowered:
.L_overlay_start_2:
0xf5: {  	(tag) =	ssettag $0x2  }
0xf6: {  	s0 =	rddreg [dreg:$0x0];
	s2 =	stileid.u32  }
0xf7: {  	s1 =	rddreg [dreg:$0x1];
	p0 =	sne.s32 s2, $0x0  }
0xf8: {  	s3 =	rddreg [dreg:$0x2];
	[bflag:$0x3] =	sbarrier.arrive $0xFFFF;
	s2 =	simm.s32 @!p0 $0x1C09  }
0xf9: {  	[timem:s3], [sflag:s2] =	dma.local @!p0 [hbm:s0], s1  }
0xfa: {  	s0 =	simm.s32 @!p0 $0x9  }
0xfb: {  	_ =	swait.ge @!p0 [sflag:s0], s1  }
0xfc: {  	s1 =	ssub.s32 @!p0 $0x0, s1;
	[sflag:s0] =	ssyncset.done @!p0 $0x0  }
0xfd: {  	[sflag:s0] =	ssyncadd.s32 @!p0 s1  }
0xfe: {  	[bflag:$0x3] =	sbarrier.arrive $0xFFFF  }
0xff: {  	_ =	shalt  }

// kernel: kernel.18.cloned.1.call-start
scs
__scs_entry_jumppad:
0x0: {  	(pc) =	sbr.rel $0x88, $3  }
0x1: {  	(tag) =	ssettag $0x0;
	lr =	simm.s32 $0x1  }
0x2: {  	[smem:$0x3F98] =	sst lr;
	_ =	strace $0xD0000000  }
0x3: {  	_ = 	snop  }
0x4: {  	_ = 	snop  }
0x5: {  	_ = 	snop  }
0x6: {  	_ = 	snop  }
0x7: {  	_ = 	snop  }
__scs_overlays_trampoline_lowered:
0x8: {  	[smem:$0x3FA7] =	sst s0  }
0x9: {  	[smem:$0x3FA8] =	sst s1  }
0xa: {  	[smem:$0x3FA9] =	sst s2  }
0xb: {  	[smem:$0x3FAA] =	sst s3  }
0xc: {  	[smem:$0x3FAB] =	sst s4  }
0xd: {  	[smem:$0x3FAC] =	sst s5  }
0xe: {  	[smem:$0x3FAD] =	sst s6  }
0xf: {  	[smem:$0x3FAE] =	sst s7  }
0x10: {  	[smem:$0x3FAF] =	sst s8  }
0x11: {  	[smem:$0x3FB0] =	sst s9;
	s0 =	simm.s32 @!p0 $0x0  }
0x12: {  	s1 =	sld [smem:$0x3F96];
	s0 =	simm.s32 @p0 $0x1  }
0x13: {  	[smem:$0x3FB1] =	sst s0;
	s0 =	simm.s32 @!p1 $0x0  }
0x14: {  	s2 =	sld [smem:$0x3F95];
	s0 =	simm.s32 @p1 $0x1  }
0x15: {  	[smem:$0x3FB2] =	sst s0;
	s0 =	simm.s32 @!p2 $0x0  }
0x16: {  	s3 =	sld [smem:$0x3FDB];
	s0 =	simm.s32 @p2 $0x1  }
0x17: {  	s4 =	simm.s32 $0x1BF5;
	[smem:$0x3FB4] =	sst s0  }
0x18: {  	s0 =	sld [smem:$0x3F97];
	_ =	swait.ge [sflag:s4], $0x0  }
0x19: {  	s7 =	sld [smem:$0x3F98]  }
0x1a: {  	s8 =	sadd.s32 $0xFFFFE003, lr  }
0x1b: {  	s9 =	sadd.s32 $0xFFFFFEF7, lr;
	s5 =	simm.s32 $0xFFFFFFFF;
	p2 =	slt.u32 s8, $0xFFFFF086  }
0x1c: {  	p1 =	slt.u32 s9, $0xF7A;
	s5 =	simm.s32 @!p2 $0x0  }
0x1d: {  	s5 =	simm.s32 @p1 $0x1;
	p0 =	seq.s32 s7, s2  }
0x1e: {  	s7 =	smul.u32 @!p0 $0xF7A, s2;
	p2 =	seq.s32 @!p0 s5, $0x0  }
0x1f: {  	s9 =	smul.u32 $0xF7A, s1;
	s8 =	simm.s32 @!p0 $0x1BF5;
	p2 =	por !p2, p0  }
0x20: {  	[sflag:s8] =	ssyncset.s32 @!p0 $0xFFFFF086;
	s6 =	sadd.s32 @!p0 s3, s7;
	s7 =	simm.s32 @!p0 $0x108  }
0x21: {  	s3 =	sadd.s32 s3, s9;
	s6 =	sadd.s32 @!p0 $0x88, s6;
	s7 =	simm.s32 @p2 $0x1082  }
0x22: {  	[simem:s7], [sflag:s8] =	dma.local @!p0 [hbm:s6], $0xF7A  }
0x23: {  	s9 =	sor.u32 $0xD0000000, s2;
	s6 =	simm.s32 $0x108;
	_ =	swait.ge @!p0 [sflag:s8], $0x0  }
0x24: {  	s3 =	sadd.s32 $0x88, s3;
	s6 =	simm.s32 @!p1 $0x1082;
	[sflag:s4] =	ssyncset.s32 $0xFFFFF086  }
0x25: {  	[simem:s6], [sflag:s4] =	dma.local [hbm:s3], $0xF7A  }
0x26: {  	[smem:$0x3F98] =	sst s1;
	(tag) =	ssettag s2;
	_ =	strace s9  }
0x27: {  	s1 =	sld [smem:$0x3FA8]  }
0x28: {  	s2 =	sld [smem:$0x3FA9]  }
0x29: {  	s4 =	sld [smem:$0x3FAB]  }
0x2a: {  	p0 =	seq.s32 s5, $0x0;
	s5 =	sld [smem:$0x3FAC]  }
0x2b: {  	s6 =	sld [smem:$0x3FAD]  }
0x2c: {  	s7 =	sld [smem:$0x3FAE]  }
0x2d: {  	s3 =	simm.s32 $0x108;
	s8 =	sld [smem:$0x3FAF]  }
0x2e: {  	s3 =	simm.s32 @!p0 $0x1082;
	s9 =	sld [smem:$0x3FB0]  }
0x2f: {  	lr =	sadd.s32 s0, s3;
	s0 =	sld [smem:$0x3FA7]  }
0x30: {  	s3 =	sld [smem:$0x3FAA]  }
0x31: {  	[smem:$0x3FB3] =	sst s10  }
0x32: {  	s10 =	sld [smem:$0x3FB1];
	_ =	sdelay $0x3  }
0x33: {  	p0 =	seq.s32 s10, $0x1;
	s10 =	sld [smem:$0x3FB3];
	_ =	sdelay $0x3  }
0x34: {  	[smem:$0x3FB3] =	sst s10  }
0x35: {  	s10 =	sld [smem:$0x3FB2];
	_ =	sdelay $0x3  }
0x36: {  	p1 =	seq.s32 s10, $0x1;
	s10 =	sld [smem:$0x3FB3];
	_ =	sdelay $0x3  }
0x37: {  	[smem:$0x3FB3] =	sst s10  }
0x38: {  	s10 =	sld [smem:$0x3FB4]  }
0x39: {  	_ = 	snop;
	(pc) =	sbr.ind lr, $3  }
0x3a: {  	_ = 	snop  }
0x3b: {  	_ = 	snop  }
0x3c: {  	p2 =	seq.s32 s10, $0x1;
	s10 =	sld [smem:$0x3FB3]  }
0x3d: {  	_ =	shalt  }
0x3e: {  	_ =	shalt  }
0x3f: {  	_ =	shalt  }
0x40: {  	_ =	shalt  }
0x41: {  	_ =	shalt  }
0x42: {  	_ =	shalt  }
0x43: {  	_ =	shalt  }
0x44: {  	_ =	shalt  }
0x45: {  	_ =	shalt  }
0x46: {  	_ =	shalt  }
0x47: {  	_ =	shalt  }
0x48: {  	_ =	shalt  }
0x49: {  	_ =	shalt  }
0x4a: {  	_ =	shalt  }
0x4b: {  	_ =	shalt  }
0x4c: {  	_ =	shalt  }
0x4d: {  	_ =	shalt  }
0x4e: {  	_ =	shalt  }
0x4f: {  	_ =	shalt  }
0x50: {  	_ =	shalt  }
0x51: {  	_ =	shalt  }
0x52: {  	_ =	shalt  }
0x53: {  	_ =	shalt  }
0x54: {  	_ =	shalt  }
0x55: {  	_ =	shalt  }
0x56: {  	_ =	shalt  }
0x57: {  	_ =	shalt  }
0x58: {  	_ =	shalt  }
0x59: {  	_ =	shalt  }
0x5a: {  	_ =	shalt  }
0x5b: {  	_ =	shalt  }
0x5c: {  	_ =	shalt  }
0x5d: {  	_ =	shalt  }
0x5e: {  	_ =	shalt  }
0x5f: {  	_ =	shalt  }
0x60: {  	_ =	shalt  }
0x61: {  	_ =	shalt  }
0x62: {  	_ =	shalt  }
0x63: {  	_ =	shalt  }
0x64: {  	_ =	shalt  }
0x65: {  	_ =	shalt  }
0x66: {  	_ =	shalt  }
0x67: {  	_ =	shalt  }
0x68: {  	_ =	shalt  }
0x69: {  	_ =	shalt  }
0x6a: {  	_ =	shalt  }
0x6b: {  	_ =	shalt  }
0x6c: {  	_ =	shalt  }
0x6d: {  	_ =	shalt  }
0x6e: {  	_ =	shalt  }
0x6f: {  	_ =	shalt  }
0x70: {  	_ =	shalt  }
0x71: {  	_ =	shalt  }
0x72: {  	_ =	shalt  }
0x73: {  	_ =	shalt  }
0x74: {  	_ =	shalt  }
0x75: {  	_ =	shalt  }
0x76: {  	_ =	shalt  }
0x77: {  	_ =	shalt  }
0x78: {  	_ =	shalt  }
0x79: {  	_ =	shalt  }
0x7a: {  	_ =	shalt  }
0x7b: {  	_ =	shalt  }
0x7c: {  	_ =	shalt  }
0x7d: {  	_ =	shalt  }
0x7e: {  	_ =	shalt  }
0x7f: {  	_ =	shalt  }
0x80: {  	_ =	shalt  }
0x81: {  	_ =	shalt  }
0x82: {  	_ =	shalt  }
0x83: {  	_ =	shalt  }
0x84: {  	_ =	shalt  }
0x85: {  	_ =	shalt  }
0x86: {  	_ =	shalt  }
0x87: {  	_ =	shalt  }
.Lfunc_end0:
.L_simem_size_0:
called_computation.1_lowered:
.L_overlay_start_0:
0x88: {  	s2 =	sld [smem:$0x3FD9]  }
0x89: {  	s3 =	sld [smem:$0x3FFE];
	_ =	sdelay $0x1  }
0x8a: {  	s1 =	srdreg.scid  }
0x8b: {  	s0 =	sand.u32 $0x1, s1  }
0x8c: {  	s14 =	sshll.u32 s0, $0xA;
	s2 =	sadd.s32 s3, s2  }
0x8d: {  	s2 =	sadd.s32 s2, s14  }
0x8e: {  	[smem:$0x3FBF] =	sst s2  }
0x8f: {  	_ = 	snop  }
0x90: {  	s2 =	sld [smem:$0x3FD0];
	_ =	sdelay $0x2  }
0x91: {  	s15 =	simm.s32 $0xA;
	s4 =	simm.s32 $0x10  }
0x92: {  	[smem:s4], [sflag:s15] =	dma.local [hbm:s2], $0x1  }
0x93: {  	_ =	swait.eq [sflag:s15], $0x1  }
0x94: {  	[sflag:s15] =	ssyncset.done $0x0  }
0x95: {  	[sflag:s15] =	ssyncadd.s32 $0xFFFFFFFF  }
0x96: {  	s16 =	sld [smem:$0x11];
	(tm) =	ssettm $0x1  }
0x97: {  	s17 =	sld [smem:$0x3FFB];
	_ =	sdelay $0x3  }
0x98: {  	_ =	strace s17  }
0x99: {  	s3 =	sld [smem:$0x3FFC];
	_ =	sdelay $0x3  }
0x9a: {  	_ =	strace s3  }
0x9b: {  	s3 =	sld [smem:$0x3FFD];
	_ =	sdelay $0x3  }
0x9c: {  	_ =	strace s3  }
0x9d: {  	_ =	strace $0x8FFFFFFF  }
0x9e: {  	s18 =	sld [smem:$0x3FDB];
	_ =	sdelay $0x1  }
0x9f: {  	s19 =	simm.s32 $_scs_section_size  }
0xa0: {  	s5 =	simm.s32 $_size__tile_overlayer_lowered;
	s6 =	simm.s32 $_tile_overlayer_lowered  }
0xa1: {  	s22 =	simm.s32 $0x1BFF;
	s21 =	sshll.u32 s6, $0x1;
	s3 =	sadd.s32 s19, s18  }
0xa2: {  	s7 =	simm.s32 $0x0;
	s20 =	sshll.u32 s5, $0x1;
	s5 =	sadd.s32 s21, s3  }
0xa3: {  	[timem:s7], [sflag:s22] =	dma.local [hbm:s5], s20  }
0xa4: {  	_ =	swait.ge [sflag:s22], s20  }
0xa5: {  	s4 =	ssub.s32 $0x0, s20;
	[sflag:s22] =	ssyncset.done $0x0  }
0xa6: {  	[sflag:s22] =	ssyncadd.s32 s4;
	_ =	sdelay $0x1  }
0xa7: {  	s23 =	simm.s32 $0x1B8B  }
0xa8: {  	_ =	swait.ge [sflag:s23], $0x1  }
0xa9: {  	[sflag:s23] =	ssyncset.done $0x0  }
0xaa: {  	s25 =	simm.s32 $0x1B8E;
	s24 =	sld [smem:$0x3FFE];
	[sflag:s23] =	ssyncadd.s32 $0xFFFFFFFF  }
0xab: {  	s26 =	simm.s32 $execute0_lowered;
	[smem:$0x3FD2] =	sst s25  }
0xac: {  	s5 =	sshll.u32 s26, $0x1;
	_ =	strace $0x80000049;
	[dreg:$0x1] =	wrdreg $0xFFFFFFFF  }
0xad: {  	s28 =	simm.s32 $_size_execute0_lowered;
	s3 =	sadd.s32 s3, s5;
	[dreg:$0x0] =	wrdreg $0x0  }
0xae: {  	s5 =	sshll.u32 s28, $0x1;
	[dreg:$0x2] =	wrdreg s3  }
0xaf: {  	[dreg:$0x3] =	wrdreg s5  }
0xb0: {  	[dreg:$0x4] =	wrdreg $0xC0  }
0xb1: {  	_ =	task [dreg:s7], $0x5FFFF  }
0xb2: {  	[dreg:$0x1] =	wrdreg $0xFFFFFFFF  }
0xb3: {  	[dreg:$0x0] =	wrdreg $0x60  }
0xb4: {  	[dreg:$0x2] =	wrdreg s24  }
0xb5: {  	[dreg:$0x3] =	wrdreg s16  }
0xb6: {  	[dreg:$0x4] =	wrdreg $0x0  }
0xb7: {  	[dreg:$0x5] =	wrdreg $0x9  }
0xb8: {  	_ =	task.clear_ibuf [dreg:s7], $0x6FFFF;
	_ =	strace $0x90000049  }
0xb9: {  	s29 =	simm.s32 $0x9;
	_ =	strace $0x8000004B  }
0xba: {  	_ =	swait.ge [sflag:s29], $0x1  }
0xbb: {  	[sflag:s29] =	ssyncadd.s32 $0xFFFFFFFF  }
0xbc: {  	_ =	strace $0x9000004B  }
0xbd: {  	_ =	sfence  }
0xbe: {  	s30 =	sld [smem:$0x0];
	_ =	sdelay $0x2  }
0xbf: {  	s31 =	sshll.u32 s1, $0xD;
	s1 =	sshrl.u32 s1, $0x2  }
0xc0: {  	s3 =	sand.u32 $0x4000, s31;
	s1 =	sadd.s32 s1, s30  }
0xc1: {  	s0 =	sor.u32 s3, s0;
	s1 =	sshll.u32 s1, $0x11  }
0xc2: {  	s0 =	sor.u32 s1, s0  }
0xc3: {  	s0 =	sadd.s32 $0x8F2B, s0  }
0xc4: {  	[sflag:s0] =	ssyncadd.remote.s32 $0x1  }
0xc5: {  	_ =	sfence.sel $0xFFFF  }
0xc6: {  	[dreg:$0x0] =	wrdreg $0xFFFFFFFF;
	(pc) =	sbr.abs _section_cstart, $3  }
0xc7: {  	[dreg:$0x1] =	wrdreg $0xFFFFFFFF  }
0xc8: {  	_ =	task.clear_ibuf [dreg:s7], $0x2FFFF;
	_ =	strace $0x9FFFFFFF  }
0xc9: {  	(tm) =	ssettm $0x7FFFFFFF  }
tec
execute0_lowered:
.L_overlay_start_1:
0x0: {  	(tag) =	ssettag $0x1  }
0x1: {  	s0 =	rddreg [dreg:$0x0]  }
0x2: {  	s1 =	rddreg [dreg:$0x1]  }
0x3: {  	s2 =	rddreg [dreg:$0x2];
	s29 =	simm.s32 $0x0  }
0x4: {  	s3 =	srdreg.scid;
	s13 =	stileid.u32;
	s31 =	simm.s32 $0x13980  }
0x5: {  	s28 =	simm.s32 $0x13D80;
	s4 =	simm.s32 $0x13A80;
	s30 =	simm.s32 $0x13E80  }
0x6: {  	s18 =	simm.s32 $0x3;
	[smem:$0x7FF] =	sst s29;
	s7 =	smul.u32 $0x4E000, s13  }
0x7: {  	s3 =	sand.u32 $0x1, s3;
	s5 =	sadd.s32 $0x5EE00, s0;
	s20 =	smul.u32 $0x13800, s13  }
0x8: {  	s6 =	sadd.s32 $0x5400, s0;
	s8 =	sadd.s32 $0xAD000, s0;
	s23 =	smul.u32 $0x9C4, s13  }
0x9: {  	s0 =	sadd.s32 $0xAF800, s0;
	_ =	strace $0x8000004A;
	s9 =	smul.u32 $0x4E200, s3  }
0xa: {  	[dreg:$0x5] =	wrdreg s8;
	s10 =	ssub.s32 $0x2, s3;
	s8 =	smul.u32 $0x4E20, s13  }
0xb: {  	p0 =	seq.s32 s13, $0xF;
	s3 =	smul.u32 $0x138800, s3;
	s11 =	sshrl.u32 s10, $0x1  }
0xc: {  	s7 =	sshrl.u32 s7, $0x2;
	s25 =	sadd.s32 s23, s6;
	s11 =	ssub.s32 s10, s11  }
0xd: {  	s7 =	sadd.s32 s7, s2;
	s10 =	sadd.s32 s8, s9;
	s12 =	sshrl.u32 s8, $0x3  }
0xe: {  	s22 =	sadd.s32 s20, s3;
	s3 =	sshrl.u32 s3, $0x3;
	s20 =	simm.s32 $0x2  }
0xf: {  	[dreg:$0x6] =	wrdreg s7;
	s7 =	sadd.s32 $0x124800, s2;
	s15 =	sadd.s32 s6, s12  }
0x10: {  	s9 =	sshrl.u32 s10, $0x3;
	s26 =	smax.u32 s11, $0x1;
	[dreg:$0x8] =	wrdreg s15  }
0x11: {  	s19 =	sadd.s32 $0x1E0, s10;
	s16 =	sadd.s32 $0x14, s15;
	[dreg:$0x10] =	wrdreg s26  }
0x12: {  	s11 =	simm.s32 $0x8;
	s14 =	sadd.s32 s1, s9;
	[dreg:$0xa] =	wrdreg s16  }
0x13: {  	s12 =	simm.s32 $0x5;
	s21 =	sadd.s32 $0x28, s15;
	[dreg:$0x7] =	wrdreg s14  }
0x14: {  	s24 =	sadd.s32 $0x3C, s15;
	s26 =	simm.s32 $0x13C80;
	[dreg:$0xc] =	wrdreg s21  }
0x15: {  	s15 =	simm.s32 $0x6;
	s9 =	sadd.s32 $0x14, s14;
	[dreg:$0xd] =	wrdreg s24  }
0x16: {  	s14 =	sadd.s32 $0x28, s14;
	s24 =	simm.s32 $0x13880;
	[dreg:$0x9] =	wrdreg s9  }
0x17: {  	s16 =	simm.s32 $0x19080;
	s21 =	simm.s32 $0x4;
	[dreg:$0xb] =	wrdreg s14  }
0x18: {  	s9 =	sshrl.u32 s19, $0x3;
	s14 =	simm.s32 $0x1;
	s19 =	simm.s32 $0x7  }
0x19: {  	s17 =	sadd.s32 s1, s9;
	s9 =	sshrl.u32 s22, $0x3;
	s22 =	sshrl.u32 @p0 s7, $0x3  }
0x1a: {  	s9 =	sadd.s32 s0, s9;
	s0 =	sadd.s32 s0, s3;
	[dreg:$0x11] =	wrdreg s22  }
0x1b: {  	s3 =	sshll.u32 @!p0 s13, $0x6;
	[dreg:$0xe] =	wrdreg s9;
	s0 =	sadd.s32 $0x24900, s0  }
0x1c: {  	s7 =	simm.s32 $0x0;
	s23 =	sor.u32 @!p0 $0x1C09, s3;
	[dreg:$0xf] =	wrdreg s0  }
0x1d: {  	s13 =	simm.s32 $0x14080;
	s0 =	sadd.s32 $0x3C, s25;
	[dreg:$0x12] =	wrdreg s23  }
0x1e: {  	s9 =	simm.s32 $0xA0;
	s25 =	simm.s32 $0x13B80;
	[dreg:$0x4] =	wrdreg s0  }
.LBB2_1:
0x1f: {  	[dreg:$0x13] =	wrdreg s7  }
0x20: {  	s7 =	simm.s32 @p0 $0x1FC9;
	s0 =	rddreg [dreg:$0x5]  }
0x21: {  	[spmem:s22], [sflag:s7] =	dma.local @p0 [hbm:s0], $0x2800  }
0x22: {  	s7 =	simm.s32 @p0 $0x9  }
0x23: {  	_ =	swait.ge @p0 [sflag:s7], $0x2800  }
0x24: {  	s3 =	rddreg [dreg:$0x6]  }
0x25: {  	[sflag:s7] =	ssyncset.done @p0 $0x0;
	s3 =	sshrl.u32 @!p0 s3, $0x3  }
0x26: {  	[sflag:s7] =	ssyncadd.s32 @p0 $0xFFFFD800;
	s7 =	simm.s32 @!p0 $0x9;
	[dreg:$0x14] =	wrdreg s3  }
0x27: {  	[spmem:s3], [sflag:s23] =	dma.local @!p0 [hbm:s0], $0x2700  }
0x28: {  	_ =	swait.ge @!p0 [sflag:s7], $0x2700  }
0x29: {  	[sflag:s7] =	ssyncset.done @!p0 $0x0  }
0x2a: {  	[sflag:s7] =	ssyncadd.s32 @!p0 $0xFFFFD900  }
0x2b: {  	[bflag:$0x0] =	sbarrier.arrive $0xFFFF  }
0x2c: {  	s7 =	simm.s32 $0x9;
	s3 =	rddreg [dreg:$0x7]  }
0x2d: {  	[tilespmem:s24], [sflag:$0x9] =	stream.linear.gather [hbm4b:s3+s29], $0xA0, $0x38;
	[tilespmem:$0x1E080] =	vst v63  }
0x2e: {  	_ =	swait.ge [sflag:s7], $0xA0  }
0x2f: {  	[sflag:s7] =	ssyncset.done $0x0  }
0x30: {  	s22 =	rddreg [dreg:$0x8];
	[sflag:s7] =	ssyncadd.s32 $0xFFFFFF60  }
0x31: {  	[tilespmem:s26], [sflag:$0x9] =	stream.linear.gather [hbm4b:s22+s29], $0xA0, $0x38;
	[tilespmem:$0x1E080] =	vst v63  }
0x32: {  	_ =	swait.ge [sflag:s7], $0xA0  }
0x33: {  	[sflag:s7] =	ssyncset.done $0x0  }
0x34: {  	s23 =	rddreg [dreg:$0x9];
	[sflag:s7] =	ssyncadd.s32 $0xFFFFFF60  }
0x35: {  	[tilespmem:s31], [sflag:$0x6] =	stream.linear.gather [hbm4b:s23+s29], $0xA0, $0x38;
	[tilespmem:$0x1E080] =	vst v63  }
0x36: {  	s3 =	rddreg [dreg:$0xa]  }
0x37: {  	[tilespmem:s28], [sflag:$0x6] =	stream.linear.gather [hbm4b:s3+s29], $0xA0, $0x38;
	[tilespmem:$0x1E080] =	vst v63  }
0x38: {  	s7 =	rddreg [dreg:$0xb]  }
0x39: {  	[tilespmem:s4], [sflag:$0x7] =	stream.linear.gather [hbm4b:s7+s29], $0xA0, $0x38;
	[tilespmem:$0x1E080] =	vst v63  }
0x3a: {  	s22 =	rddreg [dreg:$0xc]  }
0x3b: {  	[tilespmem:s30], [sflag:$0x7] =	stream.linear.gather [hbm4b:s22+s29], $0xA0, $0x38;
	[tilespmem:$0x1E080] =	vst v63  }
0x3c: {  	_ = 	snop  }
0x3d: {  	[tilespmem:s25], [sflag:$0x8] =	stream.linear.gather [hbm4b:s17+s29], $0xA0, $0x38;
	[tilespmem:$0x1E080] =	vst v63  }
0x3e: {  	s23 =	rddreg [dreg:$0xd];
	s3 =	simm.s32 $0x13F80  }
0x3f: {  	[tilespmem:s3], [sflag:$0x8] =	stream.linear.gather [hbm4b:s23+s29], $0xA0, $0x38;
	[tilespmem:$0x1E080] =	vst v63  }
0x40: {  	_ = 	snop  }
0x41: {  	[tilespmem:s13], [sflag:$0x1] =	stream.indirect.gather [hbm4b:s5+s9], $0x80, s24, s9, $0xb8;
	[tilespmem:$0x1E080] =	vst v63  }
0x42: {  	_ =	swait.ge [sflag:s14], $0x5000  }
0x43: {  	p1 =	por $0x1, $0x1;
	[sflag:s14] =	ssyncset.done $0x0  }
0x44: {  	s7 =	simm.s32 @!p1 $0x4;
	[sflag:s14] =	ssyncadd.s32 $0xFFFFB000  }
0x45: {  	_ =	swait.ge @!p1 [sflag:s7], $0x5000  }
0x46: {  	s22 =	simm.s32 @!p1 $0x13B80;
	s25 =	simm.s32 @!p1 $0x0;
	[sflag:s7] =	ssyncset.done @!p1 $0x0  }
0x47: {  	s23 =	rddreg [dreg:$0x4];
	[sflag:s7] =	ssyncadd.s32 @!p1 $0xFFFFB000;
	s7 =	sadd.s32 @!p1 $0x0, s17  }
0x48: {  	[tilespmem:s22], [sflag:$0x8] =	stream.linear.gather @!p1 [hbm4b:s7+s25], $0xA0, $0x38;
	[tilespmem:$0x1E080] =	vst v63  }
0x49: {  	s7 =	sadd.s32 @!p1 $0x0, s23;
	s22 =	simm.s32 @!p1 $0x13F80  }
0x4a: {  	[tilespmem:s22], [sflag:$0x8] =	stream.linear.gather @!p1 [hbm4b:s7+s25], $0xA0, $0x38;
	[tilespmem:$0x1E080] =	vst v63  }
0x4b: {  	_ =	swait.ge [sflag:s15], $0xA0  }
0x4c: {  	[sflag:s15] =	ssyncset.done $0x0  }
0x4d: {  	[sflag:s15] =	ssyncadd.s32 $0xFFFFFF60  }
0x4e: {  	_ =	swait.ge [sflag:s15], $0xA0  }
0x4f: {  	s7 =	simm.s32 $0x0;
	[sflag:s15] =	ssyncset.done $0x0  }
0x50: {  	s7 =	simm.s32 @p1 $0x0;
	[sflag:s15] =	ssyncadd.s32 $0xFFFFFF60  }
0x51: {  	[tilespmem:s16], [sflag:$0x2] =	stream.indirect.gather [hbm4b:s5+s9], $0x80, s31, s9, $0xb8;
	[tilespmem:$0x1E080] =	vst v63  }
0x52: {  	s25 =	sadd.s32 $0x280, s7  }
0x53: {  	[spmem:s2] =	stream.indirect.scatter.add.f32 [tilespmem:s13], [sflag:$0x3], $0x80, s26, s9, $0xb8;
	[tilespmem:$0x1E080] =	vst v63  }
0x54: {  	s31 =	sadd.s32 s10, s25;
	_ =	swait.ge [sflag:s18], $0x5000  }
0x55: {  	s22 =	sadd.s32 s8, s25;
	s23 =	sshrl.u32 s31, $0x3;
	[sflag:s18] =	ssyncset.done $0x0  }
0x56: {  	s22 =	sshrl.u32 s22, $0x3;
	s23 =	sadd.s32 s1, s23;
	[sflag:s18] =	ssyncadd.s32 $0xFFFFB000  }
0x57: {  	[tilespmem:s24], [sflag:$0x5] =	stream.linear.gather [hbm4b:s23+s29], $0xA0, $0x38;
	[tilespmem:$0x1E080] =	vst v63  }
0x58: {  	s22 =	sadd.s32 s6, s22  }
0x59: {  	[tilespmem:s26], [sflag:$0x5] =	stream.linear.gather [hbm4b:s22+s29], $0xA0, $0x38;
	[tilespmem:$0x1E080] =	vst v63  }
0x5a: {  	_ =	swait.ge [sflag:s19], $0xA0  }
0x5b: {  	[sflag:s19] =	ssyncset.done $0x0  }
0x5c: {  	[sflag:s19] =	ssyncadd.s32 $0xFFFFFF60  }
0x5d: {  	_ =	swait.ge [sflag:s19], $0xA0  }
0x5e: {  	[sflag:s19] =	ssyncset.done $0x0  }
0x5f: {  	[sflag:s19] =	ssyncadd.s32 $0xFFFFFF60  }
0x60: {  	_ =	swait.ge [sflag:s20], $0x5000  }
0x61: {  	[sflag:s20] =	ssyncset.done $0x0  }
0x62: {  	p1 =	por $0x0, $0x0;
	[sflag:s20] =	ssyncadd.s32 $0xFFFFB000  }
0x63: {  	[tilespmem:s13], [sflag:$0x1] =	stream.indirect.gather [hbm4b:s5+s9], $0x80, s4, s9, $0xb8;
	[tilespmem:$0x1E080] =	vst v63  }
0x64: {  	s25 =	simm.s32 @!p1 $0x0;
	s22 =	sadd.s32 @!p1 $0x320, s7  }
0x65: {  	[spmem:s2] =	stream.indirect.scatter.add.f32 [tilespmem:s16], [sflag:$0x4], $0x80, s28, s9, $0xb8;
	[tilespmem:$0x1E080] =	vst v63  }
0x66: {  	s23 =	sadd.s32 @!p1 s10, s22;
	s22 =	sadd.s32 @!p1 s8, s22;
	_ =	swait.ge [sflag:s21], $0x5000  }
0x67: {  	s23 =	sshrl.u32 @!p1 s23, $0x3;
	s22 =	sshrl.u32 @!p1 s22, $0x3;
	[sflag:s21] =	ssyncset.done $0x0  }
0x68: {  	s23 =	sadd.s32 @!p1 s1, s23;
	s28 =	simm.s32 @!p1 $0x13980;
	[sflag:s21] =	ssyncadd.s32 $0xFFFFB000  }
0x69: {  	[tilespmem:s28], [sflag:$0x6] =	stream.linear.gather @!p1 [hbm4b:s23+s25], $0xA0, $0x38;
	[tilespmem:$0x1E080] =	vst v63  }
0x6a: {  	s22 =	sadd.s32 @!p1 s6, s22;
	s23 =	simm.s32 @!p1 $0x13D80  }
0x6b: {  	[tilespmem:s23], [sflag:$0x6] =	stream.linear.gather @!p1 [hbm4b:s22+s25], $0xA0, $0x38;
	[tilespmem:$0x1E080] =	vst v63  }
0x6c: {  	_ =	swait.ge [sflag:s11], $0xA0  }
0x6d: {  	[sflag:s11] =	ssyncset.done $0x0  }
0x6e: {  	[sflag:s11] =	ssyncadd.s32 $0xFFFFFF60  }
0x6f: {  	_ =	swait.ge [sflag:s11], $0xA0  }
0x70: {  	[sflag:s11] =	ssyncset.done $0x0  }
0x71: {  	[sflag:s11] =	ssyncadd.s32 $0xFFFFFF60  }
0x72: {  	_ =	swait.ge [sflag:s14], $0x5000  }
0x73: {  	[sflag:s14] =	ssyncset.done $0x0  }
0x74: {  	s0 =	simm.s32 $0x13B80;
	[sflag:s14] =	ssyncadd.s32 $0xFFFFB000  }
0x75: {  	[tilespmem:s16], [sflag:$0x2] =	stream.indirect.gather [hbm4b:s5+s9], $0x80, s0, s9, $0xb8;
	[tilespmem:$0x1E080] =	vst v63  }
0x76: {  	s7 =	sadd.s32 @!p1 $0x3C0, s7  }
0x77: {  	[spmem:s2] =	stream.indirect.scatter.add.f32 [tilespmem:s13], [sflag:$0x3], $0x80, s30, s9, $0xb8;
	[tilespmem:$0x1E080] =	vst v63  }
0x78: {  	s22 =	sadd.s32 @!p1 s10, s7;
	s23 =	simm.s32 @!p1 $0x13A80;
	_ =	swait.ge [sflag:s18], $0x5000  }
0x79: {  	s7 =	sadd.s32 @!p1 s8, s7;
	s22 =	sshrl.u32 @!p1 s22, $0x3;
	[sflag:s18] =	ssyncset.done $0x0  }
0x7a: {  	s7 =	sshrl.u32 @!p1 s7, $0x3;
	s22 =	sadd.s32 @!p1 s1, s22;
	[sflag:s18] =	ssyncadd.s32 $0xFFFFB000  }
0x7b: {  	[tilespmem:s23], [sflag:$0x7] =	stream.linear.gather @!p1 [hbm4b:s22+s25], $0xA0, $0x38;
	[tilespmem:$0x1E080] =	vst v63  }
0x7c: {  	s7 =	sadd.s32 @!p1 s6, s7;
	s22 =	simm.s32 @!p1 $0x13E80  }
0x7d: {  	[tilespmem:s22], [sflag:$0x7] =	stream.linear.gather @!p1 [hbm4b:s7+s25], $0xA0, $0x38;
	[tilespmem:$0x1E080] =	vst v63  }
0x7e: {  	_ =	swait.ge [sflag:s12], $0xA0  }
0x7f: {  	[sflag:s12] =	ssyncset.done $0x0  }
0x80: {  	[sflag:s12] =	ssyncadd.s32 $0xFFFFFF60  }
0x81: {  	_ =	swait.ge [sflag:s12], $0xA0  }
0x82: {  	[sflag:s12] =	ssyncset.done $0x0  }
0x83: {  	[sflag:s12] =	ssyncadd.s32 $0xFFFFFF60  }
0x84: {  	_ =	swait.ge [sflag:s20], $0x5000  }
0x85: {  	s4 =	simm.s32 $0x0;
	[sflag:s20] =	ssyncset.done $0x0  }
0x86: {  	s30 =	simm.s32 $0x280;
	s23 =	simm.s32 $0x50;
	[sflag:s20] =	ssyncadd.s32 $0xFFFFB000  }
0x87: {  	[spmem:s2] =	stream.indirect.scatter.add.f32 [tilespmem:s16], [sflag:$0x4], $0x80, s3, s9, $0xb8;
	[tilespmem:$0x1E080] =	vst v63  }
.LBB2_2:
0x88: {  	[tilespmem:s13], [sflag:$0x1] =	stream.indirect.gather [hbm4b:s5+s9], $0x80, s24, s9, $0xb8;
	[tilespmem:$0x1E080] =	vst v63  }
0x89: {  	s7 =	smov.u32 s23;
	_ =	swait.ge [sflag:s14], $0x5000  }
0x8a: {  	p2 =	seq.s32 s7, $0x0;
	[sflag:s14] =	ssyncset.done $0x0  }
0x8b: {  	s22 =	simm.s32 @!p2 $0x4;
	[sflag:s14] =	ssyncadd.s32 $0xFFFFB000  }
0x8c: {  	_ =	swait.ge @!p2 [sflag:s22], $0x5000  }
0x8d: {  	s31 =	simm.s32 @!p2 $0x13B80;
	s3 =	simm.s32 @!p2 $0x0;
	[sflag:s22] =	ssyncset.done @!p2 $0x0  }
0x8e: {  	s0 =	rddreg [dreg:$0x4];
	[sflag:s22] =	ssyncadd.s32 @!p2 $0xFFFFB000;
	s22 =	sadd.s32 @!p2 s7, s17  }
0x8f: {  	[tilespmem:s31], [sflag:$0x8] =	stream.linear.gather @!p2 [hbm4b:s22+s3], $0xA0, $0x38;
	[tilespmem:$0x1E080] =	vst v63  }
0x90: {  	p1 =	seq.s32 s7, $0x960;
	s0 =	sadd.s32 @!p2 s7, s0;
	s7 =	simm.s32 @!p2 $0x13F80  }
0x91: {  	[tilespmem:s7], [sflag:$0x8] =	stream.linear.gather @!p2 [hbm4b:s0+s3], $0xA0, $0x38;
	[tilespmem:$0x1E080] =	vst v63  }
0x92: {  	_ =	swait.ge [sflag:s15], $0xA0  }
0x93: {  	[sflag:s15] =	ssyncset.done $0x0  }
0x94: {  	[sflag:s15] =	ssyncadd.s32 $0xFFFFFF60  }
0x95: {  	_ =	swait.ge [sflag:s15], $0xA0  }
0x96: {  	s25 =	smov.u32 s30;
	[sflag:s15] =	ssyncset.done $0x0  }
0x97: {  	s25 =	simm.s32 @p2 $0x0;
	s31 =	simm.s32 $0x13980;
	[sflag:s15] =	ssyncadd.s32 $0xFFFFFF60  }
0x98: {  	[tilespmem:s16], [sflag:$0x2] =	stream.indirect.gather [hbm4b:s5+s9], $0x80, s31, s9, $0xb8;
	[tilespmem:$0x1E080] =	vst v63  }
0x99: {  	s28 =	sadd.s32 $0x280, s25  }
0x9a: {  	[spmem:s2] =	stream.indirect.scatter.add.f32 [tilespmem:s13], [sflag:$0x3], $0x80, s26, s9, $0xb8;
	[tilespmem:$0x1E080] =	vst v63  }
0x9b: {  	s22 =	sadd.s32 s10, s28;
	_ =	swait.ge [sflag:s18], $0x5000  }
0x9c: {  	s28 =	sadd.s32 s8, s28;
	s0 =	sshrl.u32 s22, $0x3;
	[sflag:s18] =	ssyncset.done $0x0  }
0x9d: {  	s3 =	sshrl.u32 s28, $0x3;
	s0 =	sadd.s32 s1, s0;
	[sflag:s18] =	ssyncadd.s32 $0xFFFFB000  }
0x9e: {  	[tilespmem:s24], [sflag:$0x5] =	stream.linear.gather [hbm4b:s0+s4], $0xA0, $0x38;
	[tilespmem:$0x1E080] =	vst v63  }
0x9f: {  	s3 =	sadd.s32 s6, s3  }
0xa0: {  	[tilespmem:s26], [sflag:$0x5] =	stream.linear.gather [hbm4b:s3+s4], $0xA0, $0x38;
	[tilespmem:$0x1E080] =	vst v63  }
0xa1: {  	s29 =	sadd.s32 @!p1 $0x320, s25;
	_ =	swait.ge [sflag:s19], $0xA0  }
0xa2: {  	s7 =	sadd.s32 @!p1 s10, s29;
	[sflag:s19] =	ssyncset.done $0x0  }
0xa3: {  	s22 =	sadd.s32 @!p1 s8, s29;
	s7 =	sshrl.u32 @!p1 s7, $0x3;
	[sflag:s19] =	ssyncadd.s32 $0xFFFFFF60  }
0xa4: {  	s28 =	sadd.s32 @!p1 s1, s7;
	s7 =	sshrl.u32 @!p1 s22, $0x3;
	_ =	swait.ge [sflag:s19], $0xA0  }
0xa5: {  	s29 =	sadd.s32 @!p1 s6, s7;
	s7 =	sadd.s32 @!p1 $0x3C0, s25;
	[sflag:s19] =	ssyncset.done $0x0  }
0xa6: {  	s22 =	sadd.s32 @!p1 s10, s7;
	[sflag:s19] =	ssyncadd.s32 $0xFFFFFF60  }
0xa7: {  	s7 =	sadd.s32 @!p1 s8, s7;
	s22 =	sshrl.u32 @!p1 s22, $0x3;
	_ =	swait.ge [sflag:s20], $0x5000  }
0xa8: {  	s25 =	sshrl.u32 @!p1 s7, $0x3;
	s7 =	sadd.s32 @!p1 s1, s22;
	[sflag:s20] =	ssyncset.done $0x0  }
0xa9: {  	s22 =	sadd.s32 @!p1 s6, s25;
	s25 =	simm.s32 $0x13A80;
	[sflag:s20] =	ssyncadd.s32 $0xFFFFB000  }
0xaa: {  	[tilespmem:s13], [sflag:$0x1] =	stream.indirect.gather [hbm4b:s5+s9], $0x80, s25, s9, $0xb8;
	[tilespmem:$0x1E080] =	vst v63  }
0xab: {  	s3 =	simm.s32 $0x13D80  }
0xac: {  	[spmem:s2] =	stream.indirect.scatter.add.f32 [tilespmem:s16], [sflag:$0x4], $0x80, s3, s9, $0xb8;
	[tilespmem:$0x1E080] =	vst v63  }
0xad: {  	_ =	swait.ge [sflag:s21], $0x5000  }
0xae: {  	[sflag:s21] =	ssyncset.done $0x0  }
0xaf: {  	s0 =	simm.s32 @!p1 $0x0;
	s3 =	simm.s32 @!p1 $0x13980;
	[sflag:s21] =	ssyncadd.s32 $0xFFFFB000  }
0xb0: {  	[tilespmem:s3], [sflag:$0x6] =	stream.linear.gather @!p1 [hbm4b:s28+s0], $0xA0, $0x38;
	[tilespmem:$0x1E080] =	vst v63  }
0xb1: {  	s3 =	simm.s32 @!p1 $0x13D80  }
0xb2: {  	[tilespmem:s3], [sflag:$0x6] =	stream.linear.gather @!p1 [hbm4b:s29+s0], $0xA0, $0x38;
	[tilespmem:$0x1E080] =	vst v63  }
0xb3: {  	_ =	swait.ge [sflag:s11], $0xA0  }
0xb4: {  	[sflag:s11] =	ssyncset.done $0x0  }
0xb5: {  	[sflag:s11] =	ssyncadd.s32 $0xFFFFFF60  }
0xb6: {  	_ =	swait.ge [sflag:s11], $0xA0  }
0xb7: {  	[sflag:s11] =	ssyncset.done $0x0  }
0xb8: {  	[sflag:s11] =	ssyncadd.s32 $0xFFFFFF60  }
0xb9: {  	_ =	swait.ge [sflag:s14], $0x5000  }
0xba: {  	[sflag:s14] =	ssyncset.done $0x0  }
0xbb: {  	s25 =	simm.s32 $0x13B80;
	[sflag:s14] =	ssyncadd.s32 $0xFFFFB000  }
0xbc: {  	[tilespmem:s16], [sflag:$0x2] =	stream.indirect.gather [hbm4b:s5+s9], $0x80, s25, s9, $0xb8;
	[tilespmem:$0x1E080] =	vst v63  }
0xbd: {  	s28 =	simm.s32 $0x13E80  }
0xbe: {  	[spmem:s2] =	stream.indirect.scatter.add.f32 [tilespmem:s13], [sflag:$0x3], $0x80, s28, s9, $0xb8;
	[tilespmem:$0x1E080] =	vst v63  }
0xbf: {  	_ =	swait.ge [sflag:s18], $0x5000  }
0xc0: {  	[sflag:s18] =	ssyncset.done $0x0  }
0xc1: {  	s3 =	simm.s32 @!p1 $0x13A80;
	[sflag:s18] =	ssyncadd.s32 $0xFFFFB000  }
0xc2: {  	[tilespmem:s3], [sflag:$0x7] =	stream.linear.gather @!p1 [hbm4b:s7+s0], $0xA0, $0x38;
	[tilespmem:$0x1E080] =	vst v63  }
0xc3: {  	s3 =	simm.s32 @!p1 $0x13E80  }
0xc4: {  	[tilespmem:s3], [sflag:$0x7] =	stream.linear.gather @!p1 [hbm4b:s22+s0], $0xA0, $0x38;
	[tilespmem:$0x1E080] =	vst v63  }
0xc5: {  	_ =	swait.ge [sflag:s12], $0xA0  }
0xc6: {  	[sflag:s12] =	ssyncset.done $0x0  }
0xc7: {  	[sflag:s12] =	ssyncadd.s32 $0xFFFFFF60  }
0xc8: {  	s23 =	sadd.s32 $0x50, s23;
	_ =	swait.ge [sflag:s12], $0xA0  }
0xc9: {  	p2 =	sne.s32 s23, $0x9B0;
	[sflag:s12] =	ssyncset.done $0x0  }
.Ltmp0:
0xca: {  	[sflag:s12] =	ssyncadd.s32 $0xFFFFFF60;
	(pc) =	sbr.rel @p2 .LBB2_2-.Ltmp0, $4  }
0xcb: {  	_ =	swait.ge [sflag:s20], $0x5000  }
0xcc: {  	[sflag:s20] =	ssyncset.done $0x0  }
0xcd: {  	s30 =	sadd.s32 $0x280, s30;
	s29 =	simm.s32 $0x13F80;
	[sflag:s20] =	ssyncadd.s32 $0xFFFFB000  }
0xce: {  	[spmem:s2] =	stream.indirect.scatter.add.f32 [tilespmem:s16], [sflag:$0x4], $0x80, s29, s9, $0xb8;
	[tilespmem:$0x1E080] =	vst v63  }
0xcf: {  	[tilespmem:s13], [sflag:$0x1] =	stream.indirect.gather [hbm4b:s5+s9], $0x80, s24, s9, $0xb8;
	[tilespmem:$0x1E080] =	vst v63  }
0xd0: {  	_ =	swait.ge [sflag:s14], $0x5000  }
0xd1: {  	[sflag:s14] =	ssyncset.done $0x0  }
0xd2: {  	[sflag:s14] =	ssyncadd.s32 $0xFFFFB000  }
0xd3: {  	[spmem:s2] =	stream.indirect.scatter.add.f32 [tilespmem:s13], [sflag:$0x3], $0x80, s26, s9, $0xb8;
	[tilespmem:$0x1E080] =	vst v63  }
0xd4: {  	_ =	swait.ge [sflag:s21], $0x5000  }
0xd5: {  	[sflag:s21] =	ssyncset.done $0x0  }
0xd6: {  	[sflag:s21] =	ssyncadd.s32 $0xFFFFB000  }
0xd7: {  	_ =	swait.ge [sflag:s18], $0x5000  }
0xd8: {  	[sflag:s18] =	ssyncset.done $0x0  }
0xd9: {  	[sflag:s18] =	ssyncadd.s32 $0xFFFFB000  }
0xda: {  	[bflag:$0x0] =	sbarrier.arrive $0xFFFF  }
0xdb: {  	s3 =	rddreg [dreg:$0xf]  }
0xdc: {  	s0 =	simm.s32 @p0 $0x1FC9;
	s22 =	rddreg [dreg:$0x11]  }
0xdd: {  	[hbm:s3], [sflag:s0] =	dma.local @p0 [spmem:s22], $0x2800  }
0xde: {  	s0 =	simm.s32 @p0 $0x9  }
0xdf: {  	_ =	swait.ge @p0 [sflag:s0], $0x2800  }
0xe0: {  	s23 =	rddreg [dreg:$0x12]  }
0xe1: {  	[sflag:s0] =	ssyncset.done @p0 $0x0;
	s3 =	rddreg [dreg:$0x14]  }
0xe2: {  	[sflag:s0] =	ssyncadd.s32 @p0 $0xFFFFD800;
	s0 =	rddreg [dreg:$0xe]  }
0xe3: {  	[hbm:s0], [sflag:s23] =	dma.local @!p0 [spmem:s3], $0x2700  }
0xe4: {  	s0 =	simm.s32 @!p0 $0x9  }
0xe5: {  	_ =	swait.ge @!p0 [sflag:s0], $0x2700  }
0xe6: {  	s7 =	rddreg [dreg:$0x13]  }
0xe7: {  	s25 =	rddreg [dreg:$0x10];
	s7 =	sadd.s32 $0x1, s7  }
0xe8: {  	p1 =	sne.s32 s7, s25  }
.Ltmp1:
0xe9: {  	_ = 	snop;
	(pc) =	sbr.rel @p1 .LBB2_1-.Ltmp1, $4  }
0xea: {  	_ = 	snop  }
0xeb: {  	s28 =	simm.s32 $0x13D80  }
0xec: {  	s4 =	simm.s32 $0x13A80;
	s29 =	simm.s32 $0x0;
	[sflag:s0] =	ssyncset.done @!p0 $0x0  }
0xed: {  	s30 =	simm.s32 $0x13E80;
	[sflag:s0] =	ssyncadd.s32 @!p0 $0xFFFFD900;
	s25 =	simm.s32 $0x13B80  }
0xee: {  	_ =	sfence.sel $0x180000  }
0xef: {  	[bflag:$0x0] =	sbarrier.arrive $0xFFFF  }
0xf0: {  	_ =	strace $0x9000004A  }
0xf1: {  	s0 =	stileid.u32;
	[bflag:$0x2] =	sbarrier.arrive $0xFFFF  }
0xf2: {  	p0 =	sne.s32 s0, $0x0;
	s0 =	rddreg [dreg:$0x3]  }
0xf3: {  	s0 =	sadd.s32 @!p0 $0x100000, s0  }
0xf4: {  	[sflag:s0] =	ssyncadd.tile.s32 @!p0 $0x1;
	_ =	shalt  }
.Lfunc_end2:
_tile_overlayer_lowered:
.L_overlay_start_2:
0xf5: {  	(tag) =	ssettag $0x2  }
0xf6: {  	s0 =	rddreg [dreg:$0x0];
	s2 =	stileid.u32  }
0xf7: {  	s1 =	rddreg [dreg:$0x1];
	p0 =	sne.s32 s2, $0x0  }
0xf8: {  	s3 =	rddreg [dreg:$0x2];
	[bflag:$0x3] =	sbarrier.arrive $0xFFFF;
	s2 =	simm.s32 @!p0 $0x1C09  }
0xf9: {  	[timem:s3], [sflag:s2] =	dma.local @!p0 [hbm:s0], s1  }
0xfa: {  	s0 =	simm.s32 @!p0 $0x9  }
0xfb: {  	_ =	swait.ge @!p0 [sflag:s0], s1  }
0xfc: {  	s1 =	ssub.s32 @!p0 $0x0, s1;
	[sflag:s0] =	ssyncset.done @!p0 $0x0  }
0xfd: {  	[sflag:s0] =	ssyncadd.s32 @!p0 s1  }
0xfe: {  	[bflag:$0x3] =	sbarrier.arrive $0xFFFF  }
0xff: {  	_ =	shalt  }

// kernel: kernel.21.cloned.1.call-start
scs
__scs_entry_jumppad:
0x0: {  	(pc) =	sbr.rel $0x88, $3  }
0x1: {  	(tag) =	ssettag $0x0;
	lr =	simm.s32 $0x1  }
0x2: {  	[smem:$0x3F98] =	sst lr;
	_ =	strace $0xD0000000  }
0x3: {  	_ = 	snop  }
0x4: {  	_ = 	snop  }
0x5: {  	_ = 	snop  }
0x6: {  	_ = 	snop  }
0x7: {  	_ = 	snop  }
__scs_overlays_trampoline_lowered:
0x8: {  	[smem:$0x3FA7] =	sst s0  }
0x9: {  	[smem:$0x3FA8] =	sst s1  }
0xa: {  	[smem:$0x3FA9] =	sst s2  }
0xb: {  	[smem:$0x3FAA] =	sst s3  }
0xc: {  	[smem:$0x3FAB] =	sst s4  }
0xd: {  	[smem:$0x3FAC] =	sst s5  }
0xe: {  	[smem:$0x3FAD] =	sst s6  }
0xf: {  	[smem:$0x3FAE] =	sst s7  }
0x10: {  	[smem:$0x3FAF] =	sst s8  }
0x11: {  	[smem:$0x3FB0] =	sst s9;
	s0 =	simm.s32 @!p0 $0x0  }
0x12: {  	s1 =	sld [smem:$0x3F96];
	s0 =	simm.s32 @p0 $0x1  }
0x13: {  	[smem:$0x3FB1] =	sst s0;
	s0 =	simm.s32 @!p1 $0x0  }
0x14: {  	s2 =	sld [smem:$0x3F95];
	s0 =	simm.s32 @p1 $0x1  }
0x15: {  	[smem:$0x3FB2] =	sst s0;
	s0 =	simm.s32 @!p2 $0x0  }
0x16: {  	s3 =	sld [smem:$0x3FDB];
	s0 =	simm.s32 @p2 $0x1  }
0x17: {  	s4 =	simm.s32 $0x1BF5;
	[smem:$0x3FB4] =	sst s0  }
0x18: {  	s0 =	sld [smem:$0x3F97];
	_ =	swait.ge [sflag:s4], $0x0  }
0x19: {  	s7 =	sld [smem:$0x3F98]  }
0x1a: {  	s8 =	sadd.s32 $0xFFFFE003, lr  }
0x1b: {  	s9 =	sadd.s32 $0xFFFFFEF7, lr;
	s5 =	simm.s32 $0xFFFFFFFF;
	p2 =	slt.u32 s8, $0xFFFFF086  }
0x1c: {  	p1 =	slt.u32 s9, $0xF7A;
	s5 =	simm.s32 @!p2 $0x0  }
0x1d: {  	s5 =	simm.s32 @p1 $0x1;
	p0 =	seq.s32 s7, s2  }
0x1e: {  	s7 =	smul.u32 @!p0 $0xF7A, s2;
	p2 =	seq.s32 @!p0 s5, $0x0  }
0x1f: {  	s9 =	smul.u32 $0xF7A, s1;
	s8 =	simm.s32 @!p0 $0x1BF5;
	p2 =	por !p2, p0  }
0x20: {  	[sflag:s8] =	ssyncset.s32 @!p0 $0xFFFFF086;
	s6 =	sadd.s32 @!p0 s3, s7;
	s7 =	simm.s32 @!p0 $0x108  }
0x21: {  	s3 =	sadd.s32 s3, s9;
	s6 =	sadd.s32 @!p0 $0x88, s6;
	s7 =	simm.s32 @p2 $0x1082  }
0x22: {  	[simem:s7], [sflag:s8] =	dma.local @!p0 [hbm:s6], $0xF7A  }
0x23: {  	s9 =	sor.u32 $0xD0000000, s2;
	s6 =	simm.s32 $0x108;
	_ =	swait.ge @!p0 [sflag:s8], $0x0  }
0x24: {  	s3 =	sadd.s32 $0x88, s3;
	s6 =	simm.s32 @!p1 $0x1082;
	[sflag:s4] =	ssyncset.s32 $0xFFFFF086  }
0x25: {  	[simem:s6], [sflag:s4] =	dma.local [hbm:s3], $0xF7A  }
0x26: {  	[smem:$0x3F98] =	sst s1;
	(tag) =	ssettag s2;
	_ =	strace s9  }
0x27: {  	s1 =	sld [smem:$0x3FA8]  }
0x28: {  	s2 =	sld [smem:$0x3FA9]  }
0x29: {  	s4 =	sld [smem:$0x3FAB]  }
0x2a: {  	p0 =	seq.s32 s5, $0x0;
	s5 =	sld [smem:$0x3FAC]  }
0x2b: {  	s6 =	sld [smem:$0x3FAD]  }
0x2c: {  	s7 =	sld [smem:$0x3FAE]  }
0x2d: {  	s3 =	simm.s32 $0x108;
	s8 =	sld [smem:$0x3FAF]  }
0x2e: {  	s3 =	simm.s32 @!p0 $0x1082;
	s9 =	sld [smem:$0x3FB0]  }
0x2f: {  	lr =	sadd.s32 s0, s3;
	s0 =	sld [smem:$0x3FA7]  }
0x30: {  	s3 =	sld [smem:$0x3FAA]  }
0x31: {  	[smem:$0x3FB3] =	sst s10  }
0x32: {  	s10 =	sld [smem:$0x3FB1];
	_ =	sdelay $0x3  }
0x33: {  	p0 =	seq.s32 s10, $0x1;
	s10 =	sld [smem:$0x3FB3];
	_ =	sdelay $0x3  }
0x34: {  	[smem:$0x3FB3] =	sst s10  }
0x35: {  	s10 =	sld [smem:$0x3FB2];
	_ =	sdelay $0x3  }
0x36: {  	p1 =	seq.s32 s10, $0x1;
	s10 =	sld [smem:$0x3FB3];
	_ =	sdelay $0x3  }
0x37: {  	[smem:$0x3FB3] =	sst s10  }
0x38: {  	s10 =	sld [smem:$0x3FB4]  }
0x39: {  	_ = 	snop;
	(pc) =	sbr.ind lr, $3  }
0x3a: {  	_ = 	snop  }
0x3b: {  	_ = 	snop  }
0x3c: {  	p2 =	seq.s32 s10, $0x1;
	s10 =	sld [smem:$0x3FB3]  }
0x3d: {  	_ =	shalt  }
0x3e: {  	_ =	shalt  }
0x3f: {  	_ =	shalt  }
0x40: {  	_ =	shalt  }
0x41: {  	_ =	shalt  }
0x42: {  	_ =	shalt  }
0x43: {  	_ =	shalt  }
0x44: {  	_ =	shalt  }
0x45: {  	_ =	shalt  }
0x46: {  	_ =	shalt  }
0x47: {  	_ =	shalt  }
0x48: {  	_ =	shalt  }
0x49: {  	_ =	shalt  }
0x4a: {  	_ =	shalt  }
0x4b: {  	_ =	shalt  }
0x4c: {  	_ =	shalt  }
0x4d: {  	_ =	shalt  }
0x4e: {  	_ =	shalt  }
0x4f: {  	_ =	shalt  }
0x50: {  	_ =	shalt  }
0x51: {  	_ =	shalt  }
0x52: {  	_ =	shalt  }
0x53: {  	_ =	shalt  }
0x54: {  	_ =	shalt  }
0x55: {  	_ =	shalt  }
0x56: {  	_ =	shalt  }
0x57: {  	_ =	shalt  }
0x58: {  	_ =	shalt  }
0x59: {  	_ =	shalt  }
0x5a: {  	_ =	shalt  }
0x5b: {  	_ =	shalt  }
0x5c: {  	_ =	shalt  }
0x5d: {  	_ =	shalt  }
0x5e: {  	_ =	shalt  }
0x5f: {  	_ =	shalt  }
0x60: {  	_ =	shalt  }
0x61: {  	_ =	shalt  }
0x62: {  	_ =	shalt  }
0x63: {  	_ =	shalt  }
0x64: {  	_ =	shalt  }
0x65: {  	_ =	shalt  }
0x66: {  	_ =	shalt  }
0x67: {  	_ =	shalt  }
0x68: {  	_ =	shalt  }
0x69: {  	_ =	shalt  }
0x6a: {  	_ =	shalt  }
0x6b: {  	_ =	shalt  }
0x6c: {  	_ =	shalt  }
0x6d: {  	_ =	shalt  }
0x6e: {  	_ =	shalt  }
0x6f: {  	_ =	shalt  }
0x70: {  	_ =	shalt  }
0x71: {  	_ =	shalt  }
0x72: {  	_ =	shalt  }
0x73: {  	_ =	shalt  }
0x74: {  	_ =	shalt  }
0x75: {  	_ =	shalt  }
0x76: {  	_ =	shalt  }
0x77: {  	_ =	shalt  }
0x78: {  	_ =	shalt  }
0x79: {  	_ =	shalt  }
0x7a: {  	_ =	shalt  }
0x7b: {  	_ =	shalt  }
0x7c: {  	_ =	shalt  }
0x7d: {  	_ =	shalt  }
0x7e: {  	_ =	shalt  }
0x7f: {  	_ =	shalt  }
0x80: {  	_ =	shalt  }
0x81: {  	_ =	shalt  }
0x82: {  	_ =	shalt  }
0x83: {  	_ =	shalt  }
0x84: {  	_ =	shalt  }
0x85: {  	_ =	shalt  }
0x86: {  	_ =	shalt  }
0x87: {  	_ =	shalt  }
.Lfunc_end0:
.L_simem_size_0:
called_computation.2_lowered:
.L_overlay_start_0:
0x88: {  	s2 =	sld [smem:$0x3FD9]  }
0x89: {  	s3 =	sld [smem:$0x3FFE];
	_ =	sdelay $0x1  }
0x8a: {  	s1 =	srdreg.scid  }
0x8b: {  	s0 =	sand.u32 $0x1, s1  }
0x8c: {  	s14 =	sshll.u32 s0, $0xA;
	s2 =	sadd.s32 s3, s2  }
0x8d: {  	s2 =	sadd.s32 s2, s14  }
0x8e: {  	[smem:$0x3FBF] =	sst s2  }
0x8f: {  	_ = 	snop  }
0x90: {  	s2 =	sld [smem:$0x3FD0];
	_ =	sdelay $0x2  }
0x91: {  	s15 =	simm.s32 $0xA;
	s4 =	simm.s32 $0x10  }
0x92: {  	[smem:s4], [sflag:s15] =	dma.local [hbm:s2], $0x1  }
0x93: {  	_ =	swait.eq [sflag:s15], $0x1  }
0x94: {  	[sflag:s15] =	ssyncset.done $0x0  }
0x95: {  	[sflag:s15] =	ssyncadd.s32 $0xFFFFFFFF  }
0x96: {  	s16 =	sld [smem:$0x11];
	(tm) =	ssettm $0x1  }
0x97: {  	s17 =	sld [smem:$0x3FFB];
	_ =	sdelay $0x3  }
0x98: {  	_ =	strace s17  }
0x99: {  	s3 =	sld [smem:$0x3FFC];
	_ =	sdelay $0x3  }
0x9a: {  	_ =	strace s3  }
0x9b: {  	s3 =	sld [smem:$0x3FFD];
	_ =	sdelay $0x3  }
0x9c: {  	_ =	strace s3  }
0x9d: {  	_ =	strace $0x8FFFFFFF  }
0x9e: {  	s18 =	sld [smem:$0x3FDB];
	_ =	sdelay $0x1  }
0x9f: {  	s19 =	simm.s32 $_scs_section_size  }
0xa0: {  	s5 =	simm.s32 $_size__tile_overlayer_lowered;
	s6 =	simm.s32 $_tile_overlayer_lowered  }
0xa1: {  	s22 =	simm.s32 $0x1BFF;
	s21 =	sshll.u32 s6, $0x1;
	s3 =	sadd.s32 s19, s18  }
0xa2: {  	s7 =	simm.s32 $0x0;
	s20 =	sshll.u32 s5, $0x1;
	s5 =	sadd.s32 s21, s3  }
0xa3: {  	[timem:s7], [sflag:s22] =	dma.local [hbm:s5], s20  }
0xa4: {  	_ =	swait.ge [sflag:s22], s20  }
0xa5: {  	s4 =	ssub.s32 $0x0, s20;
	[sflag:s22] =	ssyncset.done $0x0  }
0xa6: {  	[sflag:s22] =	ssyncadd.s32 s4;
	_ =	sdelay $0x1  }
0xa7: {  	s23 =	simm.s32 $0x1B8B  }
0xa8: {  	_ =	swait.ge [sflag:s23], $0x1  }
0xa9: {  	[sflag:s23] =	ssyncset.done $0x0  }
0xaa: {  	s25 =	simm.s32 $0x1B8E;
	s24 =	sld [smem:$0x3FFE];
	[sflag:s23] =	ssyncadd.s32 $0xFFFFFFFF  }
0xab: {  	s26 =	simm.s32 $execute0_lowered;
	[smem:$0x3FD2] =	sst s25  }
0xac: {  	s5 =	sshll.u32 s26, $0x1;
	_ =	strace $0x8000004C;
	[dreg:$0x1] =	wrdreg $0xFFFFFFFF  }
0xad: {  	s28 =	simm.s32 $_size_execute0_lowered;
	s3 =	sadd.s32 s3, s5;
	[dreg:$0x0] =	wrdreg $0x0  }
0xae: {  	s5 =	sshll.u32 s28, $0x1;
	[dreg:$0x2] =	wrdreg s3  }
0xaf: {  	[dreg:$0x3] =	wrdreg s5  }
0xb0: {  	[dreg:$0x4] =	wrdreg $0xC0  }
0xb1: {  	_ =	task [dreg:s7], $0x5FFFF  }
0xb2: {  	[dreg:$0x1] =	wrdreg $0xFFFFFFFF  }
0xb3: {  	[dreg:$0x0] =	wrdreg $0x60  }
0xb4: {  	[dreg:$0x2] =	wrdreg s24  }
0xb5: {  	[dreg:$0x3] =	wrdreg s16  }
0xb6: {  	[dreg:$0x4] =	wrdreg $0x0  }
0xb7: {  	[dreg:$0x5] =	wrdreg $0x9  }
0xb8: {  	_ =	task.clear_ibuf [dreg:s7], $0x6FFFF;
	_ =	strace $0x9000004C  }
0xb9: {  	s29 =	simm.s32 $0x9;
	_ =	strace $0x8000004E  }
0xba: {  	_ =	swait.ge [sflag:s29], $0x1  }
0xbb: {  	[sflag:s29] =	ssyncadd.s32 $0xFFFFFFFF  }
0xbc: {  	_ =	strace $0x9000004E  }
0xbd: {  	_ =	sfence  }
0xbe: {  	s30 =	sld [smem:$0x0];
	_ =	sdelay $0x2  }
0xbf: {  	s31 =	sshll.u32 s1, $0xD;
	s1 =	sshrl.u32 s1, $0x2  }
0xc0: {  	s3 =	sand.u32 $0x4000, s31;
	s1 =	sadd.s32 s1, s30  }
0xc1: {  	s0 =	sor.u32 s3, s0;
	s1 =	sshll.u32 s1, $0x11  }
0xc2: {  	s0 =	sor.u32 s1, s0  }
0xc3: {  	s0 =	sadd.s32 $0x8F2B, s0  }
0xc4: {  	[sflag:s0] =	ssyncadd.remote.s32 $0x1  }
0xc5: {  	_ =	sfence.sel $0xFFFF  }
0xc6: {  	[dreg:$0x0] =	wrdreg $0xFFFFFFFF;
	(pc) =	sbr.abs _section_cstart, $3  }
0xc7: {  	[dreg:$0x1] =	wrdreg $0xFFFFFFFF  }
0xc8: {  	_ =	task.clear_ibuf [dreg:s7], $0x2FFFF;
	_ =	strace $0x9FFFFFFF  }
0xc9: {  	(tm) =	ssettm $0x7FFFFFFF  }
tec
execute0_lowered:
.L_overlay_start_1:
0x0: {  	(tag) =	ssettag $0x1  }
0x1: {  	s0 =	rddreg [dreg:$0x0]  }
0x2: {  	s1 =	rddreg [dreg:$0x1]  }
0x3: {  	s2 =	rddreg [dreg:$0x2];
	s29 =	simm.s32 $0x0  }
0x4: {  	s3 =	srdreg.scid;
	s13 =	stileid.u32;
	s31 =	simm.s32 $0x13980  }
0x5: {  	s28 =	simm.s32 $0x13D80;
	s4 =	simm.s32 $0x13A80;
	s30 =	simm.s32 $0x13E80  }
0x6: {  	s18 =	simm.s32 $0x3;
	[smem:$0x7FF] =	sst s29;
	s7 =	smul.u32 $0x4E000, s13  }
0x7: {  	s3 =	sand.u32 $0x1, s3;
	s5 =	sadd.s32 $0x5EE00, s0;
	s20 =	smul.u32 $0x13800, s13  }
0x8: {  	s6 =	sadd.s32 $0x5400, s0;
	s8 =	sadd.s32 $0xAD000, s0;
	s23 =	smul.u32 $0x9C4, s13  }
0x9: {  	s0 =	sadd.s32 $0xAF800, s0;
	_ =	strace $0x8000004D;
	s9 =	smul.u32 $0x4E200, s3  }
0xa: {  	[dreg:$0x5] =	wrdreg s8;
	s10 =	ssub.s32 $0x2, s3;
	s8 =	smul.u32 $0x4E20, s13  }
0xb: {  	p0 =	seq.s32 s13, $0xF;
	s3 =	smul.u32 $0x138800, s3;
	s11 =	sshrl.u32 s10, $0x1  }
0xc: {  	s7 =	sshrl.u32 s7, $0x2;
	s25 =	sadd.s32 s23, s6;
	s11 =	ssub.s32 s10, s11  }
0xd: {  	s7 =	sadd.s32 s7, s2;
	s10 =	sadd.s32 s8, s9;
	s12 =	sshrl.u32 s8, $0x3  }
0xe: {  	s22 =	sadd.s32 s20, s3;
	s3 =	sshrl.u32 s3, $0x3;
	s20 =	simm.s32 $0x2  }
0xf: {  	[dreg:$0x6] =	wrdreg s7;
	s7 =	sadd.s32 $0x124800, s2;
	s15 =	sadd.s32 s6, s12  }
0x10: {  	s9 =	sshrl.u32 s10, $0x3;
	s26 =	smax.u32 s11, $0x1;
	[dreg:$0x8] =	wrdreg s15  }
0x11: {  	s19 =	sadd.s32 $0x1E0, s10;
	s16 =	sadd.s32 $0x14, s15;
	[dreg:$0x10] =	wrdreg s26  }
0x12: {  	s11 =	simm.s32 $0x8;
	s14 =	sadd.s32 s1, s9;
	[dreg:$0xa] =	wrdreg s16  }
0x13: {  	s12 =	simm.s32 $0x5;
	s21 =	sadd.s32 $0x28, s15;
	[dreg:$0x7] =	wrdreg s14  }
0x14: {  	s24 =	sadd.s32 $0x3C, s15;
	s26 =	simm.s32 $0x13C80;
	[dreg:$0xc] =	wrdreg s21  }
0x15: {  	s15 =	simm.s32 $0x6;
	s9 =	sadd.s32 $0x14, s14;
	[dreg:$0xd] =	wrdreg s24  }
0x16: {  	s14 =	sadd.s32 $0x28, s14;
	s24 =	simm.s32 $0x13880;
	[dreg:$0x9] =	wrdreg s9  }
0x17: {  	s16 =	simm.s32 $0x19080;
	s21 =	simm.s32 $0x4;
	[dreg:$0xb] =	wrdreg s14  }
0x18: {  	s9 =	sshrl.u32 s19, $0x3;
	s14 =	simm.s32 $0x1;
	s19 =	simm.s32 $0x7  }
0x19: {  	s17 =	sadd.s32 s1, s9;
	s9 =	sshrl.u32 s22, $0x3;
	s22 =	sshrl.u32 @p0 s7, $0x3  }
0x1a: {  	s9 =	sadd.s32 s0, s9;
	s0 =	sadd.s32 s0, s3;
	[dreg:$0x11] =	wrdreg s22  }
0x1b: {  	s3 =	sshll.u32 @!p0 s13, $0x6;
	[dreg:$0xe] =	wrdreg s9;
	s0 =	sadd.s32 $0x24900, s0  }
0x1c: {  	s7 =	simm.s32 $0x0;
	s23 =	sor.u32 @!p0 $0x1C09, s3;
	[dreg:$0xf] =	wrdreg s0  }
0x1d: {  	s13 =	simm.s32 $0x14080;
	s0 =	sadd.s32 $0x3C, s25;
	[dreg:$0x12] =	wrdreg s23  }
0x1e: {  	s9 =	simm.s32 $0xA0;
	s25 =	simm.s32 $0x13B80;
	[dreg:$0x4] =	wrdreg s0  }
.LBB2_1:
0x1f: {  	[dreg:$0x13] =	wrdreg s7  }
0x20: {  	s7 =	simm.s32 @p0 $0x1FC9;
	s0 =	rddreg [dreg:$0x5]  }
0x21: {  	[spmem:s22], [sflag:s7] =	dma.local @p0 [hbm:s0], $0x2800  }
0x22: {  	s7 =	simm.s32 @p0 $0x9  }
0x23: {  	_ =	swait.ge @p0 [sflag:s7], $0x2800  }
0x24: {  	s3 =	rddreg [dreg:$0x6]  }
0x25: {  	[sflag:s7] =	ssyncset.done @p0 $0x0;
	s3 =	sshrl.u32 @!p0 s3, $0x3  }
0x26: {  	[sflag:s7] =	ssyncadd.s32 @p0 $0xFFFFD800;
	s7 =	simm.s32 @!p0 $0x9;
	[dreg:$0x14] =	wrdreg s3  }
0x27: {  	[spmem:s3], [sflag:s23] =	dma.local @!p0 [hbm:s0], $0x2700  }
0x28: {  	_ =	swait.ge @!p0 [sflag:s7], $0x2700  }
0x29: {  	[sflag:s7] =	ssyncset.done @!p0 $0x0  }
0x2a: {  	[sflag:s7] =	ssyncadd.s32 @!p0 $0xFFFFD900  }
0x2b: {  	[bflag:$0x0] =	sbarrier.arrive $0xFFFF  }
0x2c: {  	s7 =	simm.s32 $0x9;
	s3 =	rddreg [dreg:$0x7]  }
0x2d: {  	[tilespmem:s24], [sflag:$0x9] =	stream.linear.gather [hbm4b:s3+s29], $0xA0, $0x38;
	[tilespmem:$0x1E080] =	vst v63  }
0x2e: {  	_ =	swait.ge [sflag:s7], $0xA0  }
0x2f: {  	[sflag:s7] =	ssyncset.done $0x0  }
0x30: {  	s22 =	rddreg [dreg:$0x8];
	[sflag:s7] =	ssyncadd.s32 $0xFFFFFF60  }
0x31: {  	[tilespmem:s26], [sflag:$0x9] =	stream.linear.gather [hbm4b:s22+s29], $0xA0, $0x38;
	[tilespmem:$0x1E080] =	vst v63  }
0x32: {  	_ =	swait.ge [sflag:s7], $0xA0  }
0x33: {  	[sflag:s7] =	ssyncset.done $0x0  }
0x34: {  	s23 =	rddreg [dreg:$0x9];
	[sflag:s7] =	ssyncadd.s32 $0xFFFFFF60  }
0x35: {  	[tilespmem:s31], [sflag:$0x6] =	stream.linear.gather [hbm4b:s23+s29], $0xA0, $0x38;
	[tilespmem:$0x1E080] =	vst v63  }
0x36: {  	s3 =	rddreg [dreg:$0xa]  }
0x37: {  	[tilespmem:s28], [sflag:$0x6] =	stream.linear.gather [hbm4b:s3+s29], $0xA0, $0x38;
	[tilespmem:$0x1E080] =	vst v63  }
0x38: {  	s7 =	rddreg [dreg:$0xb]  }
0x39: {  	[tilespmem:s4], [sflag:$0x7] =	stream.linear.gather [hbm4b:s7+s29], $0xA0, $0x38;
	[tilespmem:$0x1E080] =	vst v63  }
0x3a: {  	s22 =	rddreg [dreg:$0xc]  }
0x3b: {  	[tilespmem:s30], [sflag:$0x7] =	stream.linear.gather [hbm4b:s22+s29], $0xA0, $0x38;
	[tilespmem:$0x1E080] =	vst v63  }
0x3c: {  	_ = 	snop  }
0x3d: {  	[tilespmem:s25], [sflag:$0x8] =	stream.linear.gather [hbm4b:s17+s29], $0xA0, $0x38;
	[tilespmem:$0x1E080] =	vst v63  }
0x3e: {  	s23 =	rddreg [dreg:$0xd];
	s3 =	simm.s32 $0x13F80  }
0x3f: {  	[tilespmem:s3], [sflag:$0x8] =	stream.linear.gather [hbm4b:s23+s29], $0xA0, $0x38;
	[tilespmem:$0x1E080] =	vst v63  }
0x40: {  	_ = 	snop  }
0x41: {  	[tilespmem:s13], [sflag:$0x1] =	stream.indirect.gather [hbm4b:s5+s9], $0x80, s24, s9, $0xb8;
	[tilespmem:$0x1E080] =	vst v63  }
0x42: {  	_ =	swait.ge [sflag:s14], $0x5000  }
0x43: {  	p1 =	por $0x1, $0x1;
	[sflag:s14] =	ssyncset.done $0x0  }
0x44: {  	s7 =	simm.s32 @!p1 $0x4;
	[sflag:s14] =	ssyncadd.s32 $0xFFFFB000  }
0x45: {  	_ =	swait.ge @!p1 [sflag:s7], $0x5000  }
0x46: {  	s22 =	simm.s32 @!p1 $0x13B80;
	s25 =	simm.s32 @!p1 $0x0;
	[sflag:s7] =	ssyncset.done @!p1 $0x0  }
0x47: {  	s23 =	rddreg [dreg:$0x4];
	[sflag:s7] =	ssyncadd.s32 @!p1 $0xFFFFB000;
	s7 =	sadd.s32 @!p1 $0x0, s17  }
0x48: {  	[tilespmem:s22], [sflag:$0x8] =	stream.linear.gather @!p1 [hbm4b:s7+s25], $0xA0, $0x38;
	[tilespmem:$0x1E080] =	vst v63  }
0x49: {  	s7 =	sadd.s32 @!p1 $0x0, s23;
	s22 =	simm.s32 @!p1 $0x13F80  }
0x4a: {  	[tilespmem:s22], [sflag:$0x8] =	stream.linear.gather @!p1 [hbm4b:s7+s25], $0xA0, $0x38;
	[tilespmem:$0x1E080] =	vst v63  }
0x4b: {  	_ =	swait.ge [sflag:s15], $0xA0  }
0x4c: {  	[sflag:s15] =	ssyncset.done $0x0  }
0x4d: {  	[sflag:s15] =	ssyncadd.s32 $0xFFFFFF60  }
0x4e: {  	_ =	swait.ge [sflag:s15], $0xA0  }
0x4f: {  	s7 =	simm.s32 $0x0;
	[sflag:s15] =	ssyncset.done $0x0  }
0x50: {  	s7 =	simm.s32 @p1 $0x0;
	[sflag:s15] =	ssyncadd.s32 $0xFFFFFF60  }
0x51: {  	[tilespmem:s16], [sflag:$0x2] =	stream.indirect.gather [hbm4b:s5+s9], $0x80, s31, s9, $0xb8;
	[tilespmem:$0x1E080] =	vst v63  }
0x52: {  	s25 =	sadd.s32 $0x280, s7  }
0x53: {  	[spmem:s2] =	stream.indirect.scatter.add.f32 [tilespmem:s13], [sflag:$0x3], $0x80, s26, s9, $0xb8;
	[tilespmem:$0x1E080] =	vst v63  }
0x54: {  	s31 =	sadd.s32 s10, s25;
	_ =	swait.ge [sflag:s18], $0x5000  }
0x55: {  	s22 =	sadd.s32 s8, s25;
	s23 =	sshrl.u32 s31, $0x3;
	[sflag:s18] =	ssyncset.done $0x0  }
0x56: {  	s22 =	sshrl.u32 s22, $0x3;
	s23 =	sadd.s32 s1, s23;
	[sflag:s18] =	ssyncadd.s32 $0xFFFFB000  }
0x57: {  	[tilespmem:s24], [sflag:$0x5] =	stream.linear.gather [hbm4b:s23+s29], $0xA0, $0x38;
	[tilespmem:$0x1E080] =	vst v63  }
0x58: {  	s22 =	sadd.s32 s6, s22  }
0x59: {  	[tilespmem:s26], [sflag:$0x5] =	stream.linear.gather [hbm4b:s22+s29], $0xA0, $0x38;
	[tilespmem:$0x1E080] =	vst v63  }
0x5a: {  	_ =	swait.ge [sflag:s19], $0xA0  }
0x5b: {  	[sflag:s19] =	ssyncset.done $0x0  }
0x5c: {  	[sflag:s19] =	ssyncadd.s32 $0xFFFFFF60  }
0x5d: {  	_ =	swait.ge [sflag:s19], $0xA0  }
0x5e: {  	[sflag:s19] =	ssyncset.done $0x0  }
0x5f: {  	[sflag:s19] =	ssyncadd.s32 $0xFFFFFF60  }
0x60: {  	_ =	swait.ge [sflag:s20], $0x5000  }
0x61: {  	[sflag:s20] =	ssyncset.done $0x0  }
0x62: {  	p1 =	por $0x0, $0x0;
	[sflag:s20] =	ssyncadd.s32 $0xFFFFB000  }
0x63: {  	[tilespmem:s13], [sflag:$0x1] =	stream.indirect.gather [hbm4b:s5+s9], $0x80, s4, s9, $0xb8;
	[tilespmem:$0x1E080] =	vst v63  }
0x64: {  	s25 =	simm.s32 @!p1 $0x0;
	s22 =	sadd.s32 @!p1 $0x320, s7  }
0x65: {  	[spmem:s2] =	stream.indirect.scatter.add.f32 [tilespmem:s16], [sflag:$0x4], $0x80, s28, s9, $0xb8;
	[tilespmem:$0x1E080] =	vst v63  }
0x66: {  	s23 =	sadd.s32 @!p1 s10, s22;
	s22 =	sadd.s32 @!p1 s8, s22;
	_ =	swait.ge [sflag:s21], $0x5000  }
0x67: {  	s23 =	sshrl.u32 @!p1 s23, $0x3;
	s22 =	sshrl.u32 @!p1 s22, $0x3;
	[sflag:s21] =	ssyncset.done $0x0  }
0x68: {  	s23 =	sadd.s32 @!p1 s1, s23;
	s28 =	simm.s32 @!p1 $0x13980;
	[sflag:s21] =	ssyncadd.s32 $0xFFFFB000  }
0x69: {  	[tilespmem:s28], [sflag:$0x6] =	stream.linear.gather @!p1 [hbm4b:s23+s25], $0xA0, $0x38;
	[tilespmem:$0x1E080] =	vst v63  }
0x6a: {  	s22 =	sadd.s32 @!p1 s6, s22;
	s23 =	simm.s32 @!p1 $0x13D80  }
0x6b: {  	[tilespmem:s23], [sflag:$0x6] =	stream.linear.gather @!p1 [hbm4b:s22+s25], $0xA0, $0x38;
	[tilespmem:$0x1E080] =	vst v63  }
0x6c: {  	_ =	swait.ge [sflag:s11], $0xA0  }
0x6d: {  	[sflag:s11] =	ssyncset.done $0x0  }
0x6e: {  	[sflag:s11] =	ssyncadd.s32 $0xFFFFFF60  }
0x6f: {  	_ =	swait.ge [sflag:s11], $0xA0  }
0x70: {  	[sflag:s11] =	ssyncset.done $0x0  }
0x71: {  	[sflag:s11] =	ssyncadd.s32 $0xFFFFFF60  }
0x72: {  	_ =	swait.ge [sflag:s14], $0x5000  }
0x73: {  	[sflag:s14] =	ssyncset.done $0x0  }
0x74: {  	s0 =	simm.s32 $0x13B80;
	[sflag:s14] =	ssyncadd.s32 $0xFFFFB000  }
0x75: {  	[tilespmem:s16], [sflag:$0x2] =	stream.indirect.gather [hbm4b:s5+s9], $0x80, s0, s9, $0xb8;
	[tilespmem:$0x1E080] =	vst v63  }
0x76: {  	s7 =	sadd.s32 @!p1 $0x3C0, s7  }
0x77: {  	[spmem:s2] =	stream.indirect.scatter.add.f32 [tilespmem:s13], [sflag:$0x3], $0x80, s30, s9, $0xb8;
	[tilespmem:$0x1E080] =	vst v63  }
0x78: {  	s22 =	sadd.s32 @!p1 s10, s7;
	s23 =	simm.s32 @!p1 $0x13A80;
	_ =	swait.ge [sflag:s18], $0x5000  }
0x79: {  	s7 =	sadd.s32 @!p1 s8, s7;
	s22 =	sshrl.u32 @!p1 s22, $0x3;
	[sflag:s18] =	ssyncset.done $0x0  }
0x7a: {  	s7 =	sshrl.u32 @!p1 s7, $0x3;
	s22 =	sadd.s32 @!p1 s1, s22;
	[sflag:s18] =	ssyncadd.s32 $0xFFFFB000  }
0x7b: {  	[tilespmem:s23], [sflag:$0x7] =	stream.linear.gather @!p1 [hbm4b:s22+s25], $0xA0, $0x38;
	[tilespmem:$0x1E080] =	vst v63  }
0x7c: {  	s7 =	sadd.s32 @!p1 s6, s7;
	s22 =	simm.s32 @!p1 $0x13E80  }
0x7d: {  	[tilespmem:s22], [sflag:$0x7] =	stream.linear.gather @!p1 [hbm4b:s7+s25], $0xA0, $0x38;
	[tilespmem:$0x1E080] =	vst v63  }
0x7e: {  	_ =	swait.ge [sflag:s12], $0xA0  }
0x7f: {  	[sflag:s12] =	ssyncset.done $0x0  }
0x80: {  	[sflag:s12] =	ssyncadd.s32 $0xFFFFFF60  }
0x81: {  	_ =	swait.ge [sflag:s12], $0xA0  }
0x82: {  	[sflag:s12] =	ssyncset.done $0x0  }
0x83: {  	[sflag:s12] =	ssyncadd.s32 $0xFFFFFF60  }
0x84: {  	_ =	swait.ge [sflag:s20], $0x5000  }
0x85: {  	s4 =	simm.s32 $0x0;
	[sflag:s20] =	ssyncset.done $0x0  }
0x86: {  	s30 =	simm.s32 $0x280;
	s23 =	simm.s32 $0x50;
	[sflag:s20] =	ssyncadd.s32 $0xFFFFB000  }
0x87: {  	[spmem:s2] =	stream.indirect.scatter.add.f32 [tilespmem:s16], [sflag:$0x4], $0x80, s3, s9, $0xb8;
	[tilespmem:$0x1E080] =	vst v63  }
.LBB2_2:
0x88: {  	[tilespmem:s13], [sflag:$0x1] =	stream.indirect.gather [hbm4b:s5+s9], $0x80, s24, s9, $0xb8;
	[tilespmem:$0x1E080] =	vst v63  }
0x89: {  	s7 =	smov.u32 s23;
	_ =	swait.ge [sflag:s14], $0x5000  }
0x8a: {  	p2 =	seq.s32 s7, $0x0;
	[sflag:s14] =	ssyncset.done $0x0  }
0x8b: {  	s22 =	simm.s32 @!p2 $0x4;
	[sflag:s14] =	ssyncadd.s32 $0xFFFFB000  }
0x8c: {  	_ =	swait.ge @!p2 [sflag:s22], $0x5000  }
0x8d: {  	s31 =	simm.s32 @!p2 $0x13B80;
	s3 =	simm.s32 @!p2 $0x0;
	[sflag:s22] =	ssyncset.done @!p2 $0x0  }
0x8e: {  	s0 =	rddreg [dreg:$0x4];
	[sflag:s22] =	ssyncadd.s32 @!p2 $0xFFFFB000;
	s22 =	sadd.s32 @!p2 s7, s17  }
0x8f: {  	[tilespmem:s31], [sflag:$0x8] =	stream.linear.gather @!p2 [hbm4b:s22+s3], $0xA0, $0x38;
	[tilespmem:$0x1E080] =	vst v63  }
0x90: {  	p1 =	seq.s32 s7, $0x960;
	s0 =	sadd.s32 @!p2 s7, s0;
	s7 =	simm.s32 @!p2 $0x13F80  }
0x91: {  	[tilespmem:s7], [sflag:$0x8] =	stream.linear.gather @!p2 [hbm4b:s0+s3], $0xA0, $0x38;
	[tilespmem:$0x1E080] =	vst v63  }
0x92: {  	_ =	swait.ge [sflag:s15], $0xA0  }
0x93: {  	[sflag:s15] =	ssyncset.done $0x0  }
0x94: {  	[sflag:s15] =	ssyncadd.s32 $0xFFFFFF60  }
0x95: {  	_ =	swait.ge [sflag:s15], $0xA0  }
0x96: {  	s25 =	smov.u32 s30;
	[sflag:s15] =	ssyncset.done $0x0  }
0x97: {  	s25 =	simm.s32 @p2 $0x0;
	s31 =	simm.s32 $0x13980;
	[sflag:s15] =	ssyncadd.s32 $0xFFFFFF60  }
0x98: {  	[tilespmem:s16], [sflag:$0x2] =	stream.indirect.gather [hbm4b:s5+s9], $0x80, s31, s9, $0xb8;
	[tilespmem:$0x1E080] =	vst v63  }
0x99: {  	s28 =	sadd.s32 $0x280, s25  }
0x9a: {  	[spmem:s2] =	stream.indirect.scatter.add.f32 [tilespmem:s13], [sflag:$0x3], $0x80, s26, s9, $0xb8;
	[tilespmem:$0x1E080] =	vst v63  }
0x9b: {  	s22 =	sadd.s32 s10, s28;
	_ =	swait.ge [sflag:s18], $0x5000  }
0x9c: {  	s28 =	sadd.s32 s8, s28;
	s0 =	sshrl.u32 s22, $0x3;
	[sflag:s18] =	ssyncset.done $0x0  }
0x9d: {  	s3 =	sshrl.u32 s28, $0x3;
	s0 =	sadd.s32 s1, s0;
	[sflag:s18] =	ssyncadd.s32 $0xFFFFB000  }
0x9e: {  	[tilespmem:s24], [sflag:$0x5] =	stream.linear.gather [hbm4b:s0+s4], $0xA0, $0x38;
	[tilespmem:$0x1E080] =	vst v63  }
0x9f: {  	s3 =	sadd.s32 s6, s3  }
0xa0: {  	[tilespmem:s26], [sflag:$0x5] =	stream.linear.gather [hbm4b:s3+s4], $0xA0, $0x38;
	[tilespmem:$0x1E080] =	vst v63  }
0xa1: {  	s29 =	sadd.s32 @!p1 $0x320, s25;
	_ =	swait.ge [sflag:s19], $0xA0  }
0xa2: {  	s7 =	sadd.s32 @!p1 s10, s29;
	[sflag:s19] =	ssyncset.done $0x0  }
0xa3: {  	s22 =	sadd.s32 @!p1 s8, s29;
	s7 =	sshrl.u32 @!p1 s7, $0x3;
	[sflag:s19] =	ssyncadd.s32 $0xFFFFFF60  }
0xa4: {  	s28 =	sadd.s32 @!p1 s1, s7;
	s7 =	sshrl.u32 @!p1 s22, $0x3;
	_ =	swait.ge [sflag:s19], $0xA0  }
0xa5: {  	s29 =	sadd.s32 @!p1 s6, s7;
	s7 =	sadd.s32 @!p1 $0x3C0, s25;
	[sflag:s19] =	ssyncset.done $0x0  }
0xa6: {  	s22 =	sadd.s32 @!p1 s10, s7;
	[sflag:s19] =	ssyncadd.s32 $0xFFFFFF60  }
0xa7: {  	s7 =	sadd.s32 @!p1 s8, s7;
	s22 =	sshrl.u32 @!p1 s22, $0x3;
	_ =	swait.ge [sflag:s20], $0x5000  }
0xa8: {  	s25 =	sshrl.u32 @!p1 s7, $0x3;
	s7 =	sadd.s32 @!p1 s1, s22;
	[sflag:s20] =	ssyncset.done $0x0  }
0xa9: {  	s22 =	sadd.s32 @!p1 s6, s25;
	s25 =	simm.s32 $0x13A80;
	[sflag:s20] =	ssyncadd.s32 $0xFFFFB000  }
0xaa: {  	[tilespmem:s13], [sflag:$0x1] =	stream.indirect.gather [hbm4b:s5+s9], $0x80, s25, s9, $0xb8;
	[tilespmem:$0x1E080] =	vst v63  }
0xab: {  	s3 =	simm.s32 $0x13D80  }
0xac: {  	[spmem:s2] =	stream.indirect.scatter.add.f32 [tilespmem:s16], [sflag:$0x4], $0x80, s3, s9, $0xb8;
	[tilespmem:$0x1E080] =	vst v63  }
0xad: {  	_ =	swait.ge [sflag:s21], $0x5000  }
0xae: {  	[sflag:s21] =	ssyncset.done $0x0  }
0xaf: {  	s0 =	simm.s32 @!p1 $0x0;
	s3 =	simm.s32 @!p1 $0x13980;
	[sflag:s21] =	ssyncadd.s32 $0xFFFFB000  }
0xb0: {  	[tilespmem:s3], [sflag:$0x6] =	stream.linear.gather @!p1 [hbm4b:s28+s0], $0xA0, $0x38;
	[tilespmem:$0x1E080] =	vst v63  }
0xb1: {  	s3 =	simm.s32 @!p1 $0x13D80  }
0xb2: {  	[tilespmem:s3], [sflag:$0x6] =	stream.linear.gather @!p1 [hbm4b:s29+s0], $0xA0, $0x38;
	[tilespmem:$0x1E080] =	vst v63  }
0xb3: {  	_ =	swait.ge [sflag:s11], $0xA0  }
0xb4: {  	[sflag:s11] =	ssyncset.done $0x0  }
0xb5: {  	[sflag:s11] =	ssyncadd.s32 $0xFFFFFF60  }
0xb6: {  	_ =	swait.ge [sflag:s11], $0xA0  }
0xb7: {  	[sflag:s11] =	ssyncset.done $0x0  }
0xb8: {  	[sflag:s11] =	ssyncadd.s32 $0xFFFFFF60  }
0xb9: {  	_ =	swait.ge [sflag:s14], $0x5000  }
0xba: {  	[sflag:s14] =	ssyncset.done $0x0  }
0xbb: {  	s25 =	simm.s32 $0x13B80;
	[sflag:s14] =	ssyncadd.s32 $0xFFFFB000  }
0xbc: {  	[tilespmem:s16], [sflag:$0x2] =	stream.indirect.gather [hbm4b:s5+s9], $0x80, s25, s9, $0xb8;
	[tilespmem:$0x1E080] =	vst v63  }
0xbd: {  	s28 =	simm.s32 $0x13E80  }
0xbe: {  	[spmem:s2] =	stream.indirect.scatter.add.f32 [tilespmem:s13], [sflag:$0x3], $0x80, s28, s9, $0xb8;
	[tilespmem:$0x1E080] =	vst v63  }
0xbf: {  	_ =	swait.ge [sflag:s18], $0x5000  }
0xc0: {  	[sflag:s18] =	ssyncset.done $0x0  }
0xc1: {  	s3 =	simm.s32 @!p1 $0x13A80;
	[sflag:s18] =	ssyncadd.s32 $0xFFFFB000  }
0xc2: {  	[tilespmem:s3], [sflag:$0x7] =	stream.linear.gather @!p1 [hbm4b:s7+s0], $0xA0, $0x38;
	[tilespmem:$0x1E080] =	vst v63  }
0xc3: {  	s3 =	simm.s32 @!p1 $0x13E80  }
0xc4: {  	[tilespmem:s3], [sflag:$0x7] =	stream.linear.gather @!p1 [hbm4b:s22+s0], $0xA0, $0x38;
	[tilespmem:$0x1E080] =	vst v63  }
0xc5: {  	_ =	swait.ge [sflag:s12], $0xA0  }
0xc6: {  	[sflag:s12] =	ssyncset.done $0x0  }
0xc7: {  	[sflag:s12] =	ssyncadd.s32 $0xFFFFFF60  }
0xc8: {  	s23 =	sadd.s32 $0x50, s23;
	_ =	swait.ge [sflag:s12], $0xA0  }
0xc9: {  	p2 =	sne.s32 s23, $0x9B0;
	[sflag:s12] =	ssyncset.done $0x0  }
.Ltmp0:
0xca: {  	[sflag:s12] =	ssyncadd.s32 $0xFFFFFF60;
	(pc) =	sbr.rel @p2 .LBB2_2-.Ltmp0, $4  }
0xcb: {  	_ =	swait.ge [sflag:s20], $0x5000  }
0xcc: {  	[sflag:s20] =	ssyncset.done $0x0  }
0xcd: {  	s30 =	sadd.s32 $0x280, s30;
	s29 =	simm.s32 $0x13F80;
	[sflag:s20] =	ssyncadd.s32 $0xFFFFB000  }
0xce: {  	[spmem:s2] =	stream.indirect.scatter.add.f32 [tilespmem:s16], [sflag:$0x4], $0x80, s29, s9, $0xb8;
	[tilespmem:$0x1E080] =	vst v63  }
0xcf: {  	[tilespmem:s13], [sflag:$0x1] =	stream.indirect.gather [hbm4b:s5+s9], $0x80, s24, s9, $0xb8;
	[tilespmem:$0x1E080] =	vst v63  }
0xd0: {  	_ =	swait.ge [sflag:s14], $0x5000  }
0xd1: {  	[sflag:s14] =	ssyncset.done $0x0  }
0xd2: {  	[sflag:s14] =	ssyncadd.s32 $0xFFFFB000  }
0xd3: {  	[spmem:s2] =	stream.indirect.scatter.add.f32 [tilespmem:s13], [sflag:$0x3], $0x80, s26, s9, $0xb8;
	[tilespmem:$0x1E080] =	vst v63  }
0xd4: {  	_ =	swait.ge [sflag:s21], $0x5000  }
0xd5: {  	[sflag:s21] =	ssyncset.done $0x0  }
0xd6: {  	[sflag:s21] =	ssyncadd.s32 $0xFFFFB000  }
0xd7: {  	_ =	swait.ge [sflag:s18], $0x5000  }
0xd8: {  	[sflag:s18] =	ssyncset.done $0x0  }
0xd9: {  	[sflag:s18] =	ssyncadd.s32 $0xFFFFB000  }
0xda: {  	[bflag:$0x0] =	sbarrier.arrive $0xFFFF  }
0xdb: {  	s3 =	rddreg [dreg:$0xf]  }
0xdc: {  	s0 =	simm.s32 @p0 $0x1FC9;
	s22 =	rddreg [dreg:$0x11]  }
0xdd: {  	[hbm:s3], [sflag:s0] =	dma.local @p0 [spmem:s22], $0x2800  }
0xde: {  	s0 =	simm.s32 @p0 $0x9  }
0xdf: {  	_ =	swait.ge @p0 [sflag:s0], $0x2800  }
0xe0: {  	s23 =	rddreg [dreg:$0x12]  }
0xe1: {  	[sflag:s0] =	ssyncset.done @p0 $0x0;
	s3 =	rddreg [dreg:$0x14]  }
0xe2: {  	[sflag:s0] =	ssyncadd.s32 @p0 $0xFFFFD800;
	s0 =	rddreg [dreg:$0xe]  }
0xe3: {  	[hbm:s0], [sflag:s23] =	dma.local @!p0 [spmem:s3], $0x2700  }
0xe4: {  	s0 =	simm.s32 @!p0 $0x9  }
0xe5: {  	_ =	swait.ge @!p0 [sflag:s0], $0x2700  }
0xe6: {  	s7 =	rddreg [dreg:$0x13]  }
0xe7: {  	s25 =	rddreg [dreg:$0x10];
	s7 =	sadd.s32 $0x1, s7  }
0xe8: {  	p1 =	sne.s32 s7, s25  }
.Ltmp1:
0xe9: {  	_ = 	snop;
	(pc) =	sbr.rel @p1 .LBB2_1-.Ltmp1, $4  }
0xea: {  	_ = 	snop  }
0xeb: {  	s28 =	simm.s32 $0x13D80  }
0xec: {  	s4 =	simm.s32 $0x13A80;
	s29 =	simm.s32 $0x0;
	[sflag:s0] =	ssyncset.done @!p0 $0x0  }
0xed: {  	s30 =	simm.s32 $0x13E80;
	[sflag:s0] =	ssyncadd.s32 @!p0 $0xFFFFD900;
	s25 =	simm.s32 $0x13B80  }
0xee: {  	_ =	sfence.sel $0x180000  }
0xef: {  	[bflag:$0x0] =	sbarrier.arrive $0xFFFF  }
0xf0: {  	_ =	strace $0x9000004D  }
0xf1: {  	s0 =	stileid.u32;
	[bflag:$0x2] =	sbarrier.arrive $0xFFFF  }
0xf2: {  	p0 =	sne.s32 s0, $0x0;
	s0 =	rddreg [dreg:$0x3]  }
0xf3: {  	s0 =	sadd.s32 @!p0 $0x100000, s0  }
0xf4: {  	[sflag:s0] =	ssyncadd.tile.s32 @!p0 $0x1;
	_ =	shalt  }
.Lfunc_end2:
_tile_overlayer_lowered:
.L_overlay_start_2:
0xf5: {  	(tag) =	ssettag $0x2  }
0xf6: {  	s0 =	rddreg [dreg:$0x0];
	s2 =	stileid.u32  }
0xf7: {  	s1 =	rddreg [dreg:$0x1];
	p0 =	sne.s32 s2, $0x0  }
0xf8: {  	s3 =	rddreg [dreg:$0x2];
	[bflag:$0x3] =	sbarrier.arrive $0xFFFF;
	s2 =	simm.s32 @!p0 $0x1C09  }
0xf9: {  	[timem:s3], [sflag:s2] =	dma.local @!p0 [hbm:s0], s1  }
0xfa: {  	s0 =	simm.s32 @!p0 $0x9  }
0xfb: {  	_ =	swait.ge @!p0 [sflag:s0], s1  }
0xfc: {  	s1 =	ssub.s32 @!p0 $0x0, s1;
	[sflag:s0] =	ssyncset.done @!p0 $0x0  }
0xfd: {  	[sflag:s0] =	ssyncadd.s32 @!p0 s1  }
0xfe: {  	[bflag:$0x3] =	sbarrier.arrive $0xFFFF  }
0xff: {  	_ =	shalt  }

// kernel: kernel.24.cloned.1.call-start
scs
__scs_entry_jumppad:
0x0: {  	(pc) =	sbr.rel $0x88, $3  }
0x1: {  	(tag) =	ssettag $0x0;
	lr =	simm.s32 $0x1  }
0x2: {  	[smem:$0x3F98] =	sst lr;
	_ =	strace $0xD0000000  }
0x3: {  	_ = 	snop  }
0x4: {  	_ = 	snop  }
0x5: {  	_ = 	snop  }
0x6: {  	_ = 	snop  }
0x7: {  	_ = 	snop  }
__scs_overlays_trampoline_lowered:
0x8: {  	[smem:$0x3FA7] =	sst s0  }
0x9: {  	[smem:$0x3FA8] =	sst s1  }
0xa: {  	[smem:$0x3FA9] =	sst s2  }
0xb: {  	[smem:$0x3FAA] =	sst s3  }
0xc: {  	[smem:$0x3FAB] =	sst s4  }
0xd: {  	[smem:$0x3FAC] =	sst s5  }
0xe: {  	[smem:$0x3FAD] =	sst s6  }
0xf: {  	[smem:$0x3FAE] =	sst s7  }
0x10: {  	[smem:$0x3FAF] =	sst s8  }
0x11: {  	[smem:$0x3FB0] =	sst s9;
	s0 =	simm.s32 @!p0 $0x0  }
0x12: {  	s1 =	sld [smem:$0x3F96];
	s0 =	simm.s32 @p0 $0x1  }
0x13: {  	[smem:$0x3FB1] =	sst s0;
	s0 =	simm.s32 @!p1 $0x0  }
0x14: {  	s2 =	sld [smem:$0x3F95];
	s0 =	simm.s32 @p1 $0x1  }
0x15: {  	[smem:$0x3FB2] =	sst s0;
	s0 =	simm.s32 @!p2 $0x0  }
0x16: {  	s3 =	sld [smem:$0x3FDB];
	s0 =	simm.s32 @p2 $0x1  }
0x17: {  	s4 =	simm.s32 $0x1BF5;
	[smem:$0x3FB4] =	sst s0  }
0x18: {  	s0 =	sld [smem:$0x3F97];
	_ =	swait.ge [sflag:s4], $0x0  }
0x19: {  	s7 =	sld [smem:$0x3F98]  }
0x1a: {  	s8 =	sadd.s32 $0xFFFFE003, lr  }
0x1b: {  	s9 =	sadd.s32 $0xFFFFFEF7, lr;
	s5 =	simm.s32 $0xFFFFFFFF;
	p2 =	slt.u32 s8, $0xFFFFF086  }
0x1c: {  	p1 =	slt.u32 s9, $0xF7A;
	s5 =	simm.s32 @!p2 $0x0  }
0x1d: {  	s5 =	simm.s32 @p1 $0x1;
	p0 =	seq.s32 s7, s2  }
0x1e: {  	s7 =	smul.u32 @!p0 $0xF7A, s2;
	p2 =	seq.s32 @!p0 s5, $0x0  }
0x1f: {  	s9 =	smul.u32 $0xF7A, s1;
	s8 =	simm.s32 @!p0 $0x1BF5;
	p2 =	por !p2, p0  }
0x20: {  	[sflag:s8] =	ssyncset.s32 @!p0 $0xFFFFF086;
	s6 =	sadd.s32 @!p0 s3, s7;
	s7 =	simm.s32 @!p0 $0x108  }
0x21: {  	s3 =	sadd.s32 s3, s9;
	s6 =	sadd.s32 @!p0 $0x88, s6;
	s7 =	simm.s32 @p2 $0x1082  }
0x22: {  	[simem:s7], [sflag:s8] =	dma.local @!p0 [hbm:s6], $0xF7A  }
0x23: {  	s9 =	sor.u32 $0xD0000000, s2;
	s6 =	simm.s32 $0x108;
	_ =	swait.ge @!p0 [sflag:s8], $0x0  }
0x24: {  	s3 =	sadd.s32 $0x88, s3;
	s6 =	simm.s32 @!p1 $0x1082;
	[sflag:s4] =	ssyncset.s32 $0xFFFFF086  }
0x25: {  	[simem:s6], [sflag:s4] =	dma.local [hbm:s3], $0xF7A  }
0x26: {  	[smem:$0x3F98] =	sst s1;
	(tag) =	ssettag s2;
	_ =	strace s9  }
0x27: {  	s1 =	sld [smem:$0x3FA8]  }
0x28: {  	s2 =	sld [smem:$0x3FA9]  }
0x29: {  	s4 =	sld [smem:$0x3FAB]  }
0x2a: {  	p0 =	seq.s32 s5, $0x0;
	s5 =	sld [smem:$0x3FAC]  }
0x2b: {  	s6 =	sld [smem:$0x3FAD]  }
0x2c: {  	s7 =	sld [smem:$0x3FAE]  }
0x2d: {  	s3 =	simm.s32 $0x108;
	s8 =	sld [smem:$0x3FAF]  }
0x2e: {  	s3 =	simm.s32 @!p0 $0x1082;
	s9 =	sld [smem:$0x3FB0]  }
0x2f: {  	lr =	sadd.s32 s0, s3;
	s0 =	sld [smem:$0x3FA7]  }
0x30: {  	s3 =	sld [smem:$0x3FAA]  }
0x31: {  	[smem:$0x3FB3] =	sst s10  }
0x32: {  	s10 =	sld [smem:$0x3FB1];
	_ =	sdelay $0x3  }
0x33: {  	p0 =	seq.s32 s10, $0x1;
	s10 =	sld [smem:$0x3FB3];
	_ =	sdelay $0x3  }
0x34: {  	[smem:$0x3FB3] =	sst s10  }
0x35: {  	s10 =	sld [smem:$0x3FB2];
	_ =	sdelay $0x3  }
0x36: {  	p1 =	seq.s32 s10, $0x1;
	s10 =	sld [smem:$0x3FB3];
	_ =	sdelay $0x3  }
0x37: {  	[smem:$0x3FB3] =	sst s10  }
0x38: {  	s10 =	sld [smem:$0x3FB4]  }
0x39: {  	_ = 	snop;
	(pc) =	sbr.ind lr, $3  }
0x3a: {  	_ = 	snop  }
0x3b: {  	_ = 	snop  }
0x3c: {  	p2 =	seq.s32 s10, $0x1;
	s10 =	sld [smem:$0x3FB3]  }
0x3d: {  	_ =	shalt  }
0x3e: {  	_ =	shalt  }
0x3f: {  	_ =	shalt  }
0x40: {  	_ =	shalt  }
0x41: {  	_ =	shalt  }
0x42: {  	_ =	shalt  }
0x43: {  	_ =	shalt  }
0x44: {  	_ =	shalt  }
0x45: {  	_ =	shalt  }
0x46: {  	_ =	shalt  }
0x47: {  	_ =	shalt  }
0x48: {  	_ =	shalt  }
0x49: {  	_ =	shalt  }
0x4a: {  	_ =	shalt  }
0x4b: {  	_ =	shalt  }
0x4c: {  	_ =	shalt  }
0x4d: {  	_ =	shalt  }
0x4e: {  	_ =	shalt  }
0x4f: {  	_ =	shalt  }
0x50: {  	_ =	shalt  }
0x51: {  	_ =	shalt  }
0x52: {  	_ =	shalt  }
0x53: {  	_ =	shalt  }
0x54: {  	_ =	shalt  }
0x55: {  	_ =	shalt  }
0x56: {  	_ =	shalt  }
0x57: {  	_ =	shalt  }
0x58: {  	_ =	shalt  }
0x59: {  	_ =	shalt  }
0x5a: {  	_ =	shalt  }
0x5b: {  	_ =	shalt  }
0x5c: {  	_ =	shalt  }
0x5d: {  	_ =	shalt  }
0x5e: {  	_ =	shalt  }
0x5f: {  	_ =	shalt  }
0x60: {  	_ =	shalt  }
0x61: {  	_ =	shalt  }
0x62: {  	_ =	shalt  }
0x63: {  	_ =	shalt  }
0x64: {  	_ =	shalt  }
0x65: {  	_ =	shalt  }
0x66: {  	_ =	shalt  }
0x67: {  	_ =	shalt  }
0x68: {  	_ =	shalt  }
0x69: {  	_ =	shalt  }
0x6a: {  	_ =	shalt  }
0x6b: {  	_ =	shalt  }
0x6c: {  	_ =	shalt  }
0x6d: {  	_ =	shalt  }
0x6e: {  	_ =	shalt  }
0x6f: {  	_ =	shalt  }
0x70: {  	_ =	shalt  }
0x71: {  	_ =	shalt  }
0x72: {  	_ =	shalt  }
0x73: {  	_ =	shalt  }
0x74: {  	_ =	shalt  }
0x75: {  	_ =	shalt  }
0x76: {  	_ =	shalt  }
0x77: {  	_ =	shalt  }
0x78: {  	_ =	shalt  }
0x79: {  	_ =	shalt  }
0x7a: {  	_ =	shalt  }
0x7b: {  	_ =	shalt  }
0x7c: {  	_ =	shalt  }
0x7d: {  	_ =	shalt  }
0x7e: {  	_ =	shalt  }
0x7f: {  	_ =	shalt  }
0x80: {  	_ =	shalt  }
0x81: {  	_ =	shalt  }
0x82: {  	_ =	shalt  }
0x83: {  	_ =	shalt  }
0x84: {  	_ =	shalt  }
0x85: {  	_ =	shalt  }
0x86: {  	_ =	shalt  }
0x87: {  	_ =	shalt  }
.Lfunc_end0:
.L_simem_size_0:
called_computation.3_lowered:
.L_overlay_start_0:
0x88: {  	s2 =	sld [smem:$0x3FD9]  }
0x89: {  	s3 =	sld [smem:$0x3FFE];
	_ =	sdelay $0x1  }
0x8a: {  	s1 =	srdreg.scid  }
0x8b: {  	s0 =	sand.u32 $0x1, s1  }
0x8c: {  	s14 =	sshll.u32 s0, $0xA;
	s2 =	sadd.s32 s3, s2  }
0x8d: {  	s2 =	sadd.s32 s2, s14  }
0x8e: {  	[smem:$0x3FBF] =	sst s2  }
0x8f: {  	_ = 	snop  }
0x90: {  	s2 =	sld [smem:$0x3FD0];
	_ =	sdelay $0x2  }
0x91: {  	s15 =	simm.s32 $0xA;
	s4 =	simm.s32 $0x10  }
0x92: {  	[smem:s4], [sflag:s15] =	dma.local [hbm:s2], $0x1  }
0x93: {  	_ =	swait.eq [sflag:s15], $0x1  }
0x94: {  	[sflag:s15] =	ssyncset.done $0x0  }
0x95: {  	[sflag:s15] =	ssyncadd.s32 $0xFFFFFFFF  }
0x96: {  	s16 =	sld [smem:$0x11];
	(tm) =	ssettm $0x1  }
0x97: {  	s17 =	sld [smem:$0x3FFB];
	_ =	sdelay $0x3  }
0x98: {  	_ =	strace s17  }
0x99: {  	s3 =	sld [smem:$0x3FFC];
	_ =	sdelay $0x3  }
0x9a: {  	_ =	strace s3  }
0x9b: {  	s3 =	sld [smem:$0x3FFD];
	_ =	sdelay $0x3  }
0x9c: {  	_ =	strace s3  }
0x9d: {  	_ =	strace $0x8FFFFFFF  }
0x9e: {  	s18 =	sld [smem:$0x3FDB];
	_ =	sdelay $0x1  }
0x9f: {  	s19 =	simm.s32 $_scs_section_size  }
0xa0: {  	s5 =	simm.s32 $_size__tile_overlayer_lowered;
	s6 =	simm.s32 $_tile_overlayer_lowered  }
0xa1: {  	s22 =	simm.s32 $0x1BFF;
	s21 =	sshll.u32 s6, $0x1;
	s3 =	sadd.s32 s19, s18  }
0xa2: {  	s7 =	simm.s32 $0x0;
	s20 =	sshll.u32 s5, $0x1;
	s5 =	sadd.s32 s21, s3  }
0xa3: {  	[timem:s7], [sflag:s22] =	dma.local [hbm:s5], s20  }
0xa4: {  	_ =	swait.ge [sflag:s22], s20  }
0xa5: {  	s4 =	ssub.s32 $0x0, s20;
	[sflag:s22] =	ssyncset.done $0x0  }
0xa6: {  	[sflag:s22] =	ssyncadd.s32 s4;
	_ =	sdelay $0x1  }
0xa7: {  	s23 =	simm.s32 $0x1B8B  }
0xa8: {  	_ =	swait.ge [sflag:s23], $0x1  }
0xa9: {  	[sflag:s23] =	ssyncset.done $0x0  }
0xaa: {  	s25 =	simm.s32 $0x1B8E;
	s24 =	sld [smem:$0x3FFE];
	[sflag:s23] =	ssyncadd.s32 $0xFFFFFFFF  }
0xab: {  	s26 =	simm.s32 $execute0_lowered;
	[smem:$0x3FD2] =	sst s25  }
0xac: {  	s5 =	sshll.u32 s26, $0x1;
	_ =	strace $0x8000004F;
	[dreg:$0x1] =	wrdreg $0xFFFFFFFF  }
0xad: {  	s28 =	simm.s32 $_size_execute0_lowered;
	s3 =	sadd.s32 s3, s5;
	[dreg:$0x0] =	wrdreg $0x0  }
0xae: {  	s5 =	sshll.u32 s28, $0x1;
	[dreg:$0x2] =	wrdreg s3  }
0xaf: {  	[dreg:$0x3] =	wrdreg s5  }
0xb0: {  	[dreg:$0x4] =	wrdreg $0xC0  }
0xb1: {  	_ =	task [dreg:s7], $0x5FFFF  }
0xb2: {  	[dreg:$0x1] =	wrdreg $0xFFFFFFFF  }
0xb3: {  	[dreg:$0x0] =	wrdreg $0x60  }
0xb4: {  	[dreg:$0x2] =	wrdreg s24  }
0xb5: {  	[dreg:$0x3] =	wrdreg s16  }
0xb6: {  	[dreg:$0x4] =	wrdreg $0x0  }
0xb7: {  	[dreg:$0x5] =	wrdreg $0x9  }
0xb8: {  	_ =	task.clear_ibuf [dreg:s7], $0x6FFFF;
	_ =	strace $0x9000004F  }
0xb9: {  	s29 =	simm.s32 $0x9;
	_ =	strace $0x80000051  }
0xba: {  	_ =	swait.ge [sflag:s29], $0x1  }
0xbb: {  	[sflag:s29] =	ssyncadd.s32 $0xFFFFFFFF  }
0xbc: {  	_ =	strace $0x90000051  }
0xbd: {  	_ =	sfence  }
0xbe: {  	s30 =	sld [smem:$0x0];
	_ =	sdelay $0x2  }
0xbf: {  	s31 =	sshll.u32 s1, $0xD;
	s1 =	sshrl.u32 s1, $0x2  }
0xc0: {  	s3 =	sand.u32 $0x4000, s31;
	s1 =	sadd.s32 s1, s30  }
0xc1: {  	s0 =	sor.u32 s3, s0;
	s1 =	sshll.u32 s1, $0x11  }
0xc2: {  	s0 =	sor.u32 s1, s0  }
0xc3: {  	s0 =	sadd.s32 $0x8F2B, s0  }
0xc4: {  	[sflag:s0] =	ssyncadd.remote.s32 $0x1  }
0xc5: {  	_ =	sfence.sel $0xFFFF  }
0xc6: {  	[dreg:$0x0] =	wrdreg $0xFFFFFFFF;
	(pc) =	sbr.abs _section_cstart, $3  }
0xc7: {  	[dreg:$0x1] =	wrdreg $0xFFFFFFFF  }
0xc8: {  	_ =	task.clear_ibuf [dreg:s7], $0x2FFFF;
	_ =	strace $0x9FFFFFFF  }
0xc9: {  	(tm) =	ssettm $0x7FFFFFFF  }
tec
execute0_lowered:
.L_overlay_start_1:
0x0: {  	(tag) =	ssettag $0x1  }
0x1: {  	s0 =	rddreg [dreg:$0x0]  }
0x2: {  	s1 =	rddreg [dreg:$0x1]  }
0x3: {  	s2 =	rddreg [dreg:$0x2];
	s29 =	simm.s32 $0x0  }
0x4: {  	s3 =	srdreg.scid;
	s13 =	stileid.u32;
	s31 =	simm.s32 $0x13980  }
0x5: {  	s28 =	simm.s32 $0x13D80;
	s4 =	simm.s32 $0x13A80;
	s30 =	simm.s32 $0x13E80  }
0x6: {  	s18 =	simm.s32 $0x3;
	[smem:$0x7FF] =	sst s29;
	s7 =	smul.u32 $0x4E000, s13  }
0x7: {  	s3 =	sand.u32 $0x1, s3;
	s5 =	sadd.s32 $0x5EE00, s0;
	s20 =	smul.u32 $0x13800, s13  }
0x8: {  	s6 =	sadd.s32 $0x5400, s0;
	s8 =	sadd.s32 $0xAD000, s0;
	s23 =	smul.u32 $0x9C4, s13  }
0x9: {  	s0 =	sadd.s32 $0xAF800, s0;
	_ =	strace $0x80000050;
	s9 =	smul.u32 $0x4E200, s3  }
0xa: {  	[dreg:$0x5] =	wrdreg s8;
	s10 =	ssub.s32 $0x2, s3;
	s8 =	smul.u32 $0x4E20, s13  }
0xb: {  	p0 =	seq.s32 s13, $0xF;
	s3 =	smul.u32 $0x138800, s3;
	s11 =	sshrl.u32 s10, $0x1  }
0xc: {  	s7 =	sshrl.u32 s7, $0x2;
	s25 =	sadd.s32 s23, s6;
	s11 =	ssub.s32 s10, s11  }
0xd: {  	s7 =	sadd.s32 s7, s2;
	s10 =	sadd.s32 s8, s9;
	s12 =	sshrl.u32 s8, $0x3  }
0xe: {  	s22 =	sadd.s32 s20, s3;
	s3 =	sshrl.u32 s3, $0x3;
	s20 =	simm.s32 $0x2  }
0xf: {  	[dreg:$0x6] =	wrdreg s7;
	s7 =	sadd.s32 $0x124800, s2;
	s15 =	sadd.s32 s6, s12  }
0x10: {  	s9 =	sshrl.u32 s10, $0x3;
	s26 =	smax.u32 s11, $0x1;
	[dreg:$0x8] =	wrdreg s15  }
0x11: {  	s19 =	sadd.s32 $0x1E0, s10;
	s16 =	sadd.s32 $0x14, s15;
	[dreg:$0x10] =	wrdreg s26  }
0x12: {  	s11 =	simm.s32 $0x8;
	s14 =	sadd.s32 s1, s9;
	[dreg:$0xa] =	wrdreg s16  }
0x13: {  	s12 =	simm.s32 $0x5;
	s21 =	sadd.s32 $0x28, s15;
	[dreg:$0x7] =	wrdreg s14  }
0x14: {  	s24 =	sadd.s32 $0x3C, s15;
	s26 =	simm.s32 $0x13C80;
	[dreg:$0xc] =	wrdreg s21  }
0x15: {  	s15 =	simm.s32 $0x6;
	s9 =	sadd.s32 $0x14, s14;
	[dreg:$0xd] =	wrdreg s24  }
0x16: {  	s14 =	sadd.s32 $0x28, s14;
	s24 =	simm.s32 $0x13880;
	[dreg:$0x9] =	wrdreg s9  }
0x17: {  	s16 =	simm.s32 $0x19080;
	s21 =	simm.s32 $0x4;
	[dreg:$0xb] =	wrdreg s14  }
0x18: {  	s9 =	sshrl.u32 s19, $0x3;
	s14 =	simm.s32 $0x1;
	s19 =	simm.s32 $0x7  }
0x19: {  	s17 =	sadd.s32 s1, s9;
	s9 =	sshrl.u32 s22, $0x3;
	s22 =	sshrl.u32 @p0 s7, $0x3  }
0x1a: {  	s9 =	sadd.s32 s0, s9;
	s0 =	sadd.s32 s0, s3;
	[dreg:$0x11] =	wrdreg s22  }
0x1b: {  	s3 =	sshll.u32 @!p0 s13, $0x6;
	[dreg:$0xe] =	wrdreg s9;
	s0 =	sadd.s32 $0x24900, s0  }
0x1c: {  	s7 =	simm.s32 $0x0;
	s23 =	sor.u32 @!p0 $0x1C09, s3;
	[dreg:$0xf] =	wrdreg s0  }
0x1d: {  	s13 =	simm.s32 $0x14080;
	s0 =	sadd.s32 $0x3C, s25;
	[dreg:$0x12] =	wrdreg s23  }
0x1e: {  	s9 =	simm.s32 $0xA0;
	s25 =	simm.s32 $0x13B80;
	[dreg:$0x4] =	wrdreg s0  }
.LBB2_1:
0x1f: {  	[dreg:$0x13] =	wrdreg s7  }
0x20: {  	s7 =	simm.s32 @p0 $0x1FC9;
	s0 =	rddreg [dreg:$0x5]  }
0x21: {  	[spmem:s22], [sflag:s7] =	dma.local @p0 [hbm:s0], $0x2800  }
0x22: {  	s7 =	simm.s32 @p0 $0x9  }
0x23: {  	_ =	swait.ge @p0 [sflag:s7], $0x2800  }
0x24: {  	s3 =	rddreg [dreg:$0x6]  }
0x25: {  	[sflag:s7] =	ssyncset.done @p0 $0x0;
	s3 =	sshrl.u32 @!p0 s3, $0x3  }
0x26: {  	[sflag:s7] =	ssyncadd.s32 @p0 $0xFFFFD800;
	s7 =	simm.s32 @!p0 $0x9;
	[dreg:$0x14] =	wrdreg s3  }
0x27: {  	[spmem:s3], [sflag:s23] =	dma.local @!p0 [hbm:s0], $0x2700  }
0x28: {  	_ =	swait.ge @!p0 [sflag:s7], $0x2700  }
0x29: {  	[sflag:s7] =	ssyncset.done @!p0 $0x0  }
0x2a: {  	[sflag:s7] =	ssyncadd.s32 @!p0 $0xFFFFD900  }
0x2b: {  	[bflag:$0x0] =	sbarrier.arrive $0xFFFF  }
0x2c: {  	s7 =	simm.s32 $0x9;
	s3 =	rddreg [dreg:$0x7]  }
0x2d: {  	[tilespmem:s24], [sflag:$0x9] =	stream.linear.gather [hbm4b:s3+s29], $0xA0, $0x38;
	[tilespmem:$0x1E080] =	vst v63  }
0x2e: {  	_ =	swait.ge [sflag:s7], $0xA0  }
0x2f: {  	[sflag:s7] =	ssyncset.done $0x0  }
0x30: {  	s22 =	rddreg [dreg:$0x8];
	[sflag:s7] =	ssyncadd.s32 $0xFFFFFF60  }
0x31: {  	[tilespmem:s26], [sflag:$0x9] =	stream.linear.gather [hbm4b:s22+s29], $0xA0, $0x38;
	[tilespmem:$0x1E080] =	vst v63  }
0x32: {  	_ =	swait.ge [sflag:s7], $0xA0  }
0x33: {  	[sflag:s7] =	ssyncset.done $0x0  }
0x34: {  	s23 =	rddreg [dreg:$0x9];
	[sflag:s7] =	ssyncadd.s32 $0xFFFFFF60  }
0x35: {  	[tilespmem:s31], [sflag:$0x6] =	stream.linear.gather [hbm4b:s23+s29], $0xA0, $0x38;
	[tilespmem:$0x1E080] =	vst v63  }
0x36: {  	s3 =	rddreg [dreg:$0xa]  }
0x37: {  	[tilespmem:s28], [sflag:$0x6] =	stream.linear.gather [hbm4b:s3+s29], $0xA0, $0x38;
	[tilespmem:$0x1E080] =	vst v63  }
0x38: {  	s7 =	rddreg [dreg:$0xb]  }
0x39: {  	[tilespmem:s4], [sflag:$0x7] =	stream.linear.gather [hbm4b:s7+s29], $0xA0, $0x38;
	[tilespmem:$0x1E080] =	vst v63  }
0x3a: {  	s22 =	rddreg [dreg:$0xc]  }
0x3b: {  	[tilespmem:s30], [sflag:$0x7] =	stream.linear.gather [hbm4b:s22+s29], $0xA0, $0x38;
	[tilespmem:$0x1E080] =	vst v63  }
0x3c: {  	_ = 	snop  }
0x3d: {  	[tilespmem:s25], [sflag:$0x8] =	stream.linear.gather [hbm4b:s17+s29], $0xA0, $0x38;
	[tilespmem:$0x1E080] =	vst v63  }
0x3e: {  	s23 =	rddreg [dreg:$0xd];
	s3 =	simm.s32 $0x13F80  }
0x3f: {  	[tilespmem:s3], [sflag:$0x8] =	stream.linear.gather [hbm4b:s23+s29], $0xA0, $0x38;
	[tilespmem:$0x1E080] =	vst v63  }
0x40: {  	_ = 	snop  }
0x41: {  	[tilespmem:s13], [sflag:$0x1] =	stream.indirect.gather [hbm4b:s5+s9], $0x80, s24, s9, $0xb8;
	[tilespmem:$0x1E080] =	vst v63  }
0x42: {  	_ =	swait.ge [sflag:s14], $0x5000  }
0x43: {  	p1 =	por $0x1, $0x1;
	[sflag:s14] =	ssyncset.done $0x0  }
0x44: {  	s7 =	simm.s32 @!p1 $0x4;
	[sflag:s14] =	ssyncadd.s32 $0xFFFFB000  }
0x45: {  	_ =	swait.ge @!p1 [sflag:s7], $0x5000  }
0x46: {  	s22 =	simm.s32 @!p1 $0x13B80;
	s25 =	simm.s32 @!p1 $0x0;
	[sflag:s7] =	ssyncset.done @!p1 $0x0  }
0x47: {  	s23 =	rddreg [dreg:$0x4];
	[sflag:s7] =	ssyncadd.s32 @!p1 $0xFFFFB000;
	s7 =	sadd.s32 @!p1 $0x0, s17  }
0x48: {  	[tilespmem:s22], [sflag:$0x8] =	stream.linear.gather @!p1 [hbm4b:s7+s25], $0xA0, $0x38;
	[tilespmem:$0x1E080] =	vst v63  }
0x49: {  	s7 =	sadd.s32 @!p1 $0x0, s23;
	s22 =	simm.s32 @!p1 $0x13F80  }
0x4a: {  	[tilespmem:s22], [sflag:$0x8] =	stream.linear.gather @!p1 [hbm4b:s7+s25], $0xA0, $0x38;
	[tilespmem:$0x1E080] =	vst v63  }
0x4b: {  	_ =	swait.ge [sflag:s15], $0xA0  }
0x4c: {  	[sflag:s15] =	ssyncset.done $0x0  }
0x4d: {  	[sflag:s15] =	ssyncadd.s32 $0xFFFFFF60  }
0x4e: {  	_ =	swait.ge [sflag:s15], $0xA0  }
0x4f: {  	s7 =	simm.s32 $0x0;
	[sflag:s15] =	ssyncset.done $0x0  }
0x50: {  	s7 =	simm.s32 @p1 $0x0;
	[sflag:s15] =	ssyncadd.s32 $0xFFFFFF60  }
0x51: {  	[tilespmem:s16], [sflag:$0x2] =	stream.indirect.gather [hbm4b:s5+s9], $0x80, s31, s9, $0xb8;
	[tilespmem:$0x1E080] =	vst v63  }
0x52: {  	s25 =	sadd.s32 $0x280, s7  }
0x53: {  	[spmem:s2] =	stream.indirect.scatter.add.f32 [tilespmem:s13], [sflag:$0x3], $0x80, s26, s9, $0xb8;
	[tilespmem:$0x1E080] =	vst v63  }
0x54: {  	s31 =	sadd.s32 s10, s25;
	_ =	swait.ge [sflag:s18], $0x5000  }
0x55: {  	s22 =	sadd.s32 s8, s25;
	s23 =	sshrl.u32 s31, $0x3;
	[sflag:s18] =	ssyncset.done $0x0  }
0x56: {  	s22 =	sshrl.u32 s22, $0x3;
	s23 =	sadd.s32 s1, s23;
	[sflag:s18] =	ssyncadd.s32 $0xFFFFB000  }
0x57: {  	[tilespmem:s24], [sflag:$0x5] =	stream.linear.gather [hbm4b:s23+s29], $0xA0, $0x38;
	[tilespmem:$0x1E080] =	vst v63  }
0x58: {  	s22 =	sadd.s32 s6, s22  }
0x59: {  	[tilespmem:s26], [sflag:$0x5] =	stream.linear.gather [hbm4b:s22+s29], $0xA0, $0x38;
	[tilespmem:$0x1E080] =	vst v63  }
0x5a: {  	_ =	swait.ge [sflag:s19], $0xA0  }
0x5b: {  	[sflag:s19] =	ssyncset.done $0x0  }
0x5c: {  	[sflag:s19] =	ssyncadd.s32 $0xFFFFFF60  }
0x5d: {  	_ =	swait.ge [sflag:s19], $0xA0  }
0x5e: {  	[sflag:s19] =	ssyncset.done $0x0  }
0x5f: {  	[sflag:s19] =	ssyncadd.s32 $0xFFFFFF60  }
0x60: {  	_ =	swait.ge [sflag:s20], $0x5000  }
0x61: {  	[sflag:s20] =	ssyncset.done $0x0  }
0x62: {  	p1 =	por $0x0, $0x0;
	[sflag:s20] =	ssyncadd.s32 $0xFFFFB000  }
0x63: {  	[tilespmem:s13], [sflag:$0x1] =	stream.indirect.gather [hbm4b:s5+s9], $0x80, s4, s9, $0xb8;
	[tilespmem:$0x1E080] =	vst v63  }
0x64: {  	s25 =	simm.s32 @!p1 $0x0;
	s22 =	sadd.s32 @!p1 $0x320, s7  }
0x65: {  	[spmem:s2] =	stream.indirect.scatter.add.f32 [tilespmem:s16], [sflag:$0x4], $0x80, s28, s9, $0xb8;
	[tilespmem:$0x1E080] =	vst v63  }
0x66: {  	s23 =	sadd.s32 @!p1 s10, s22;
	s22 =	sadd.s32 @!p1 s8, s22;
	_ =	swait.ge [sflag:s21], $0x5000  }
0x67: {  	s23 =	sshrl.u32 @!p1 s23, $0x3;
	s22 =	sshrl.u32 @!p1 s22, $0x3;
	[sflag:s21] =	ssyncset.done $0x0  }
0x68: {  	s23 =	sadd.s32 @!p1 s1, s23;
	s28 =	simm.s32 @!p1 $0x13980;
	[sflag:s21] =	ssyncadd.s32 $0xFFFFB000  }
0x69: {  	[tilespmem:s28], [sflag:$0x6] =	stream.linear.gather @!p1 [hbm4b:s23+s25], $0xA0, $0x38;
	[tilespmem:$0x1E080] =	vst v63  }
0x6a: {  	s22 =	sadd.s32 @!p1 s6, s22;
	s23 =	simm.s32 @!p1 $0x13D80  }
0x6b: {  	[tilespmem:s23], [sflag:$0x6] =	stream.linear.gather @!p1 [hbm4b:s22+s25], $0xA0, $0x38;
	[tilespmem:$0x1E080] =	vst v63  }
0x6c: {  	_ =	swait.ge [sflag:s11], $0xA0  }
0x6d: {  	[sflag:s11] =	ssyncset.done $0x0  }
0x6e: {  	[sflag:s11] =	ssyncadd.s32 $0xFFFFFF60  }
0x6f: {  	_ =	swait.ge [sflag:s11], $0xA0  }
0x70: {  	[sflag:s11] =	ssyncset.done $0x0  }
0x71: {  	[sflag:s11] =	ssyncadd.s32 $0xFFFFFF60  }
0x72: {  	_ =	swait.ge [sflag:s14], $0x5000  }
0x73: {  	[sflag:s14] =	ssyncset.done $0x0  }
0x74: {  	s0 =	simm.s32 $0x13B80;
	[sflag:s14] =	ssyncadd.s32 $0xFFFFB000  }
0x75: {  	[tilespmem:s16], [sflag:$0x2] =	stream.indirect.gather [hbm4b:s5+s9], $0x80, s0, s9, $0xb8;
	[tilespmem:$0x1E080] =	vst v63  }
0x76: {  	s7 =	sadd.s32 @!p1 $0x3C0, s7  }
0x77: {  	[spmem:s2] =	stream.indirect.scatter.add.f32 [tilespmem:s13], [sflag:$0x3], $0x80, s30, s9, $0xb8;
	[tilespmem:$0x1E080] =	vst v63  }
0x78: {  	s22 =	sadd.s32 @!p1 s10, s7;
	s23 =	simm.s32 @!p1 $0x13A80;
	_ =	swait.ge [sflag:s18], $0x5000  }
0x79: {  	s7 =	sadd.s32 @!p1 s8, s7;
	s22 =	sshrl.u32 @!p1 s22, $0x3;
	[sflag:s18] =	ssyncset.done $0x0  }
0x7a: {  	s7 =	sshrl.u32 @!p1 s7, $0x3;
	s22 =	sadd.s32 @!p1 s1, s22;
	[sflag:s18] =	ssyncadd.s32 $0xFFFFB000  }
0x7b: {  	[tilespmem:s23], [sflag:$0x7] =	stream.linear.gather @!p1 [hbm4b:s22+s25], $0xA0, $0x38;
	[tilespmem:$0x1E080] =	vst v63  }
0x7c: {  	s7 =	sadd.s32 @!p1 s6, s7;
	s22 =	simm.s32 @!p1 $0x13E80  }
0x7d: {  	[tilespmem:s22], [sflag:$0x7] =	stream.linear.gather @!p1 [hbm4b:s7+s25], $0xA0, $0x38;
	[tilespmem:$0x1E080] =	vst v63  }
0x7e: {  	_ =	swait.ge [sflag:s12], $0xA0  }
0x7f: {  	[sflag:s12] =	ssyncset.done $0x0  }
0x80: {  	[sflag:s12] =	ssyncadd.s32 $0xFFFFFF60  }
0x81: {  	_ =	swait.ge [sflag:s12], $0xA0  }
0x82: {  	[sflag:s12] =	ssyncset.done $0x0  }
0x83: {  	[sflag:s12] =	ssyncadd.s32 $0xFFFFFF60  }
0x84: {  	_ =	swait.ge [sflag:s20], $0x5000  }
0x85: {  	s4 =	simm.s32 $0x0;
	[sflag:s20] =	ssyncset.done $0x0  }
0x86: {  	s30 =	simm.s32 $0x280;
	s23 =	simm.s32 $0x50;
	[sflag:s20] =	ssyncadd.s32 $0xFFFFB000  }
0x87: {  	[spmem:s2] =	stream.indirect.scatter.add.f32 [tilespmem:s16], [sflag:$0x4], $0x80, s3, s9, $0xb8;
	[tilespmem:$0x1E080] =	vst v63  }
.LBB2_2:
0x88: {  	[tilespmem:s13], [sflag:$0x1] =	stream.indirect.gather [hbm4b:s5+s9], $0x80, s24, s9, $0xb8;
	[tilespmem:$0x1E080] =	vst v63  }
0x89: {  	s7 =	smov.u32 s23;
	_ =	swait.ge [sflag:s14], $0x5000  }
0x8a: {  	p2 =	seq.s32 s7, $0x0;
	[sflag:s14] =	ssyncset.done $0x0  }
0x8b: {  	s22 =	simm.s32 @!p2 $0x4;
	[sflag:s14] =	ssyncadd.s32 $0xFFFFB000  }
0x8c: {  	_ =	swait.ge @!p2 [sflag:s22], $0x5000  }
0x8d: {  	s31 =	simm.s32 @!p2 $0x13B80;
	s3 =	simm.s32 @!p2 $0x0;
	[sflag:s22] =	ssyncset.done @!p2 $0x0  }
0x8e: {  	s0 =	rddreg [dreg:$0x4];
	[sflag:s22] =	ssyncadd.s32 @!p2 $0xFFFFB000;
	s22 =	sadd.s32 @!p2 s7, s17  }
0x8f: {  	[tilespmem:s31], [sflag:$0x8] =	stream.linear.gather @!p2 [hbm4b:s22+s3], $0xA0, $0x38;
	[tilespmem:$0x1E080] =	vst v63  }
0x90: {  	p1 =	seq.s32 s7, $0x960;
	s0 =	sadd.s32 @!p2 s7, s0;
	s7 =	simm.s32 @!p2 $0x13F80  }
0x91: {  	[tilespmem:s7], [sflag:$0x8] =	stream.linear.gather @!p2 [hbm4b:s0+s3], $0xA0, $0x38;
	[tilespmem:$0x1E080] =	vst v63  }
0x92: {  	_ =	swait.ge [sflag:s15], $0xA0  }
0x93: {  	[sflag:s15] =	ssyncset.done $0x0  }
0x94: {  	[sflag:s15] =	ssyncadd.s32 $0xFFFFFF60  }
0x95: {  	_ =	swait.ge [sflag:s15], $0xA0  }
0x96: {  	s25 =	smov.u32 s30;
	[sflag:s15] =	ssyncset.done $0x0  }
0x97: {  	s25 =	simm.s32 @p2 $0x0;
	s31 =	simm.s32 $0x13980;
	[sflag:s15] =	ssyncadd.s32 $0xFFFFFF60  }
0x98: {  	[tilespmem:s16], [sflag:$0x2] =	stream.indirect.gather [hbm4b:s5+s9], $0x80, s31, s9, $0xb8;
	[tilespmem:$0x1E080] =	vst v63  }
0x99: {  	s28 =	sadd.s32 $0x280, s25  }
0x9a: {  	[spmem:s2] =	stream.indirect.scatter.add.f32 [tilespmem:s13], [sflag:$0x3], $0x80, s26, s9, $0xb8;
	[tilespmem:$0x1E080] =	vst v63  }
0x9b: {  	s22 =	sadd.s32 s10, s28;
	_ =	swait.ge [sflag:s18], $0x5000  }
0x9c: {  	s28 =	sadd.s32 s8, s28;
	s0 =	sshrl.u32 s22, $0x3;
	[sflag:s18] =	ssyncset.done $0x0  }
0x9d: {  	s3 =	sshrl.u32 s28, $0x3;
	s0 =	sadd.s32 s1, s0;
	[sflag:s18] =	ssyncadd.s32 $0xFFFFB000  }
0x9e: {  	[tilespmem:s24], [sflag:$0x5] =	stream.linear.gather [hbm4b:s0+s4], $0xA0, $0x38;
	[tilespmem:$0x1E080] =	vst v63  }
0x9f: {  	s3 =	sadd.s32 s6, s3  }
0xa0: {  	[tilespmem:s26], [sflag:$0x5] =	stream.linear.gather [hbm4b:s3+s4], $0xA0, $0x38;
	[tilespmem:$0x1E080] =	vst v63  }
0xa1: {  	s29 =	sadd.s32 @!p1 $0x320, s25;
	_ =	swait.ge [sflag:s19], $0xA0  }
0xa2: {  	s7 =	sadd.s32 @!p1 s10, s29;
	[sflag:s19] =	ssyncset.done $0x0  }
0xa3: {  	s22 =	sadd.s32 @!p1 s8, s29;
	s7 =	sshrl.u32 @!p1 s7, $0x3;
	[sflag:s19] =	ssyncadd.s32 $0xFFFFFF60  }
0xa4: {  	s28 =	sadd.s32 @!p1 s1, s7;
	s7 =	sshrl.u32 @!p1 s22, $0x3;
	_ =	swait.ge [sflag:s19], $0xA0  }
0xa5: {  	s29 =	sadd.s32 @!p1 s6, s7;
	s7 =	sadd.s32 @!p1 $0x3C0, s25;
	[sflag:s19] =	ssyncset.done $0x0  }
0xa6: {  	s22 =	sadd.s32 @!p1 s10, s7;
	[sflag:s19] =	ssyncadd.s32 $0xFFFFFF60  }
0xa7: {  	s7 =	sadd.s32 @!p1 s8, s7;
	s22 =	sshrl.u32 @!p1 s22, $0x3;
	_ =	swait.ge [sflag:s20], $0x5000  }
0xa8: {  	s25 =	sshrl.u32 @!p1 s7, $0x3;
	s7 =	sadd.s32 @!p1 s1, s22;
	[sflag:s20] =	ssyncset.done $0x0  }
0xa9: {  	s22 =	sadd.s32 @!p1 s6, s25;
	s25 =	simm.s32 $0x13A80;
	[sflag:s20] =	ssyncadd.s32 $0xFFFFB000  }
0xaa: {  	[tilespmem:s13], [sflag:$0x1] =	stream.indirect.gather [hbm4b:s5+s9], $0x80, s25, s9, $0xb8;
	[tilespmem:$0x1E080] =	vst v63  }
0xab: {  	s3 =	simm.s32 $0x13D80  }
0xac: {  	[spmem:s2] =	stream.indirect.scatter.add.f32 [tilespmem:s16], [sflag:$0x4], $0x80, s3, s9, $0xb8;
	[tilespmem:$0x1E080] =	vst v63  }
0xad: {  	_ =	swait.ge [sflag:s21], $0x5000  }
0xae: {  	[sflag:s21] =	ssyncset.done $0x0  }
0xaf: {  	s0 =	simm.s32 @!p1 $0x0;
	s3 =	simm.s32 @!p1 $0x13980;
	[sflag:s21] =	ssyncadd.s32 $0xFFFFB000  }
0xb0: {  	[tilespmem:s3], [sflag:$0x6] =	stream.linear.gather @!p1 [hbm4b:s28+s0], $0xA0, $0x38;
	[tilespmem:$0x1E080] =	vst v63  }
0xb1: {  	s3 =	simm.s32 @!p1 $0x13D80  }
0xb2: {  	[tilespmem:s3], [sflag:$0x6] =	stream.linear.gather @!p1 [hbm4b:s29+s0], $0xA0, $0x38;
	[tilespmem:$0x1E080] =	vst v63  }
0xb3: {  	_ =	swait.ge [sflag:s11], $0xA0  }
0xb4: {  	[sflag:s11] =	ssyncset.done $0x0  }
0xb5: {  	[sflag:s11] =	ssyncadd.s32 $0xFFFFFF60  }
0xb6: {  	_ =	swait.ge [sflag:s11], $0xA0  }
0xb7: {  	[sflag:s11] =	ssyncset.done $0x0  }
0xb8: {  	[sflag:s11] =	ssyncadd.s32 $0xFFFFFF60  }
0xb9: {  	_ =	swait.ge [sflag:s14], $0x5000  }
0xba: {  	[sflag:s14] =	ssyncset.done $0x0  }
0xbb: {  	s25 =	simm.s32 $0x13B80;
	[sflag:s14] =	ssyncadd.s32 $0xFFFFB000  }
0xbc: {  	[tilespmem:s16], [sflag:$0x2] =	stream.indirect.gather [hbm4b:s5+s9], $0x80, s25, s9, $0xb8;
	[tilespmem:$0x1E080] =	vst v63  }
0xbd: {  	s28 =	simm.s32 $0x13E80  }
0xbe: {  	[spmem:s2] =	stream.indirect.scatter.add.f32 [tilespmem:s13], [sflag:$0x3], $0x80, s28, s9, $0xb8;
	[tilespmem:$0x1E080] =	vst v63  }
0xbf: {  	_ =	swait.ge [sflag:s18], $0x5000  }
0xc0: {  	[sflag:s18] =	ssyncset.done $0x0  }
0xc1: {  	s3 =	simm.s32 @!p1 $0x13A80;
	[sflag:s18] =	ssyncadd.s32 $0xFFFFB000  }
0xc2: {  	[tilespmem:s3], [sflag:$0x7] =	stream.linear.gather @!p1 [hbm4b:s7+s0], $0xA0, $0x38;
	[tilespmem:$0x1E080] =	vst v63  }
0xc3: {  	s3 =	simm.s32 @!p1 $0x13E80  }
0xc4: {  	[tilespmem:s3], [sflag:$0x7] =	stream.linear.gather @!p1 [hbm4b:s22+s0], $0xA0, $0x38;
	[tilespmem:$0x1E080] =	vst v63  }
0xc5: {  	_ =	swait.ge [sflag:s12], $0xA0  }
0xc6: {  	[sflag:s12] =	ssyncset.done $0x0  }
0xc7: {  	[sflag:s12] =	ssyncadd.s32 $0xFFFFFF60  }
0xc8: {  	s23 =	sadd.s32 $0x50, s23;
	_ =	swait.ge [sflag:s12], $0xA0  }
0xc9: {  	p2 =	sne.s32 s23, $0x9B0;
	[sflag:s12] =	ssyncset.done $0x0  }
.Ltmp0:
0xca: {  	[sflag:s12] =	ssyncadd.s32 $0xFFFFFF60;
	(pc) =	sbr.rel @p2 .LBB2_2-.Ltmp0, $4  }
0xcb: {  	_ =	swait.ge [sflag:s20], $0x5000  }
0xcc: {  	[sflag:s20] =	ssyncset.done $0x0  }
0xcd: {  	s30 =	sadd.s32 $0x280, s30;
	s29 =	simm.s32 $0x13F80;
	[sflag:s20] =	ssyncadd.s32 $0xFFFFB000  }
0xce: {  	[spmem:s2] =	stream.indirect.scatter.add.f32 [tilespmem:s16], [sflag:$0x4], $0x80, s29, s9, $0xb8;
	[tilespmem:$0x1E080] =	vst v63  }
0xcf: {  	[tilespmem:s13], [sflag:$0x1] =	stream.indirect.gather [hbm4b:s5+s9], $0x80, s24, s9, $0xb8;
	[tilespmem:$0x1E080] =	vst v63  }
0xd0: {  	_ =	swait.ge [sflag:s14], $0x5000  }
0xd1: {  	[sflag:s14] =	ssyncset.done $0x0  }
0xd2: {  	[sflag:s14] =	ssyncadd.s32 $0xFFFFB000  }
0xd3: {  	[spmem:s2] =	stream.indirect.scatter.add.f32 [tilespmem:s13], [sflag:$0x3], $0x80, s26, s9, $0xb8;
	[tilespmem:$0x1E080] =	vst v63  }
0xd4: {  	_ =	swait.ge [sflag:s21], $0x5000  }
0xd5: {  	[sflag:s21] =	ssyncset.done $0x0  }
0xd6: {  	[sflag:s21] =	ssyncadd.s32 $0xFFFFB000  }
0xd7: {  	_ =	swait.ge [sflag:s18], $0x5000  }
0xd8: {  	[sflag:s18] =	ssyncset.done $0x0  }
0xd9: {  	[sflag:s18] =	ssyncadd.s32 $0xFFFFB000  }
0xda: {  	[bflag:$0x0] =	sbarrier.arrive $0xFFFF  }
0xdb: {  	s3 =	rddreg [dreg:$0xf]  }
0xdc: {  	s0 =	simm.s32 @p0 $0x1FC9;
	s22 =	rddreg [dreg:$0x11]  }
0xdd: {  	[hbm:s3], [sflag:s0] =	dma.local @p0 [spmem:s22], $0x2800  }
0xde: {  	s0 =	simm.s32 @p0 $0x9  }
0xdf: {  	_ =	swait.ge @p0 [sflag:s0], $0x2800  }
0xe0: {  	s23 =	rddreg [dreg:$0x12]  }
0xe1: {  	[sflag:s0] =	ssyncset.done @p0 $0x0;
	s3 =	rddreg [dreg:$0x14]  }
0xe2: {  	[sflag:s0] =	ssyncadd.s32 @p0 $0xFFFFD800;
	s0 =	rddreg [dreg:$0xe]  }
0xe3: {  	[hbm:s0], [sflag:s23] =	dma.local @!p0 [spmem:s3], $0x2700  }
0xe4: {  	s0 =	simm.s32 @!p0 $0x9  }
0xe5: {  	_ =	swait.ge @!p0 [sflag:s0], $0x2700  }
0xe6: {  	s7 =	rddreg [dreg:$0x13]  }
0xe7: {  	s25 =	rddreg [dreg:$0x10];
	s7 =	sadd.s32 $0x1, s7  }
0xe8: {  	p1 =	sne.s32 s7, s25  }
.Ltmp1:
0xe9: {  	_ = 	snop;
	(pc) =	sbr.rel @p1 .LBB2_1-.Ltmp1, $4  }
0xea: {  	_ = 	snop  }
0xeb: {  	s28 =	simm.s32 $0x13D80  }
0xec: {  	s4 =	simm.s32 $0x13A80;
	s29 =	simm.s32 $0x0;
	[sflag:s0] =	ssyncset.done @!p0 $0x0  }
0xed: {  	s30 =	simm.s32 $0x13E80;
	[sflag:s0] =	ssyncadd.s32 @!p0 $0xFFFFD900;
	s25 =	simm.s32 $0x13B80  }
0xee: {  	_ =	sfence.sel $0x180000  }
0xef: {  	[bflag:$0x0] =	sbarrier.arrive $0xFFFF  }
0xf0: {  	_ =	strace $0x90000050  }
0xf1: {  	s0 =	stileid.u32;
	[bflag:$0x2] =	sbarrier.arrive $0xFFFF  }
0xf2: {  	p0 =	sne.s32 s0, $0x0;
	s0 =	rddreg [dreg:$0x3]  }
0xf3: {  	s0 =	sadd.s32 @!p0 $0x100000, s0  }
0xf4: {  	[sflag:s0] =	ssyncadd.tile.s32 @!p0 $0x1;
	_ =	shalt  }
.Lfunc_end2:
_tile_overlayer_lowered:
.L_overlay_start_2:
0xf5: {  	(tag) =	ssettag $0x2  }
0xf6: {  	s0 =	rddreg [dreg:$0x0];
	s2 =	stileid.u32  }
0xf7: {  	s1 =	rddreg [dreg:$0x1];
	p0 =	sne.s32 s2, $0x0  }
0xf8: {  	s3 =	rddreg [dreg:$0x2];
	[bflag:$0x3] =	sbarrier.arrive $0xFFFF;
	s2 =	simm.s32 @!p0 $0x1C09  }
0xf9: {  	[timem:s3], [sflag:s2] =	dma.local @!p0 [hbm:s0], s1  }
0xfa: {  	s0 =	simm.s32 @!p0 $0x9  }
0xfb: {  	_ =	swait.ge @!p0 [sflag:s0], s1  }
0xfc: {  	s1 =	ssub.s32 @!p0 $0x0, s1;
	[sflag:s0] =	ssyncset.done @!p0 $0x0  }
0xfd: {  	[sflag:s0] =	ssyncadd.s32 @!p0 s1  }
0xfe: {  	[bflag:$0x3] =	sbarrier.arrive $0xFFFF  }
0xff: {  	_ =	shalt  }

// kernel: kernel.27.cloned.1.call-start
scs
__scs_entry_jumppad:
0x0: {  	(pc) =	sbr.rel $0x88, $3  }
0x1: {  	(tag) =	ssettag $0x0;
	lr =	simm.s32 $0x1  }
0x2: {  	[smem:$0x3F98] =	sst lr;
	_ =	strace $0xD0000000  }
0x3: {  	_ = 	snop  }
0x4: {  	_ = 	snop  }
0x5: {  	_ = 	snop  }
0x6: {  	_ = 	snop  }
0x7: {  	_ = 	snop  }
__scs_overlays_trampoline_lowered:
0x8: {  	[smem:$0x3FA7] =	sst s0  }
0x9: {  	[smem:$0x3FA8] =	sst s1  }
0xa: {  	[smem:$0x3FA9] =	sst s2  }
0xb: {  	[smem:$0x3FAA] =	sst s3  }
0xc: {  	[smem:$0x3FAB] =	sst s4  }
0xd: {  	[smem:$0x3FAC] =	sst s5  }
0xe: {  	[smem:$0x3FAD] =	sst s6  }
0xf: {  	[smem:$0x3FAE] =	sst s7  }
0x10: {  	[smem:$0x3FAF] =	sst s8  }
0x11: {  	[smem:$0x3FB0] =	sst s9;
	s0 =	simm.s32 @!p0 $0x0  }
0x12: {  	s1 =	sld [smem:$0x3F96];
	s0 =	simm.s32 @p0 $0x1  }
0x13: {  	[smem:$0x3FB1] =	sst s0;
	s0 =	simm.s32 @!p1 $0x0  }
0x14: {  	s2 =	sld [smem:$0x3F95];
	s0 =	simm.s32 @p1 $0x1  }
0x15: {  	[smem:$0x3FB2] =	sst s0;
	s0 =	simm.s32 @!p2 $0x0  }
0x16: {  	s3 =	sld [smem:$0x3FDB];
	s0 =	simm.s32 @p2 $0x1  }
0x17: {  	s4 =	simm.s32 $0x1BF5;
	[smem:$0x3FB4] =	sst s0  }
0x18: {  	s0 =	sld [smem:$0x3F97];
	_ =	swait.ge [sflag:s4], $0x0  }
0x19: {  	s7 =	sld [smem:$0x3F98]  }
0x1a: {  	s8 =	sadd.s32 $0xFFFFE003, lr  }
0x1b: {  	s9 =	sadd.s32 $0xFFFFFEF7, lr;
	s5 =	simm.s32 $0xFFFFFFFF;
	p2 =	slt.u32 s8, $0xFFFFF086  }
0x1c: {  	p1 =	slt.u32 s9, $0xF7A;
	s5 =	simm.s32 @!p2 $0x0  }
0x1d: {  	s5 =	simm.s32 @p1 $0x1;
	p0 =	seq.s32 s7, s2  }
0x1e: {  	s7 =	smul.u32 @!p0 $0xF7A, s2;
	p2 =	seq.s32 @!p0 s5, $0x0  }
0x1f: {  	s9 =	smul.u32 $0xF7A, s1;
	s8 =	simm.s32 @!p0 $0x1BF5;
	p2 =	por !p2, p0  }
0x20: {  	[sflag:s8] =	ssyncset.s32 @!p0 $0xFFFFF086;
	s6 =	sadd.s32 @!p0 s3, s7;
	s7 =	simm.s32 @!p0 $0x108  }
0x21: {  	s3 =	sadd.s32 s3, s9;
	s6 =	sadd.s32 @!p0 $0x88, s6;
	s7 =	simm.s32 @p2 $0x1082  }
0x22: {  	[simem:s7], [sflag:s8] =	dma.local @!p0 [hbm:s6], $0xF7A  }
0x23: {  	s9 =	sor.u32 $0xD0000000, s2;
	s6 =	simm.s32 $0x108;
	_ =	swait.ge @!p0 [sflag:s8], $0x0  }
0x24: {  	s3 =	sadd.s32 $0x88, s3;
	s6 =	simm.s32 @!p1 $0x1082;
	[sflag:s4] =	ssyncset.s32 $0xFFFFF086  }
0x25: {  	[simem:s6], [sflag:s4] =	dma.local [hbm:s3], $0xF7A  }
0x26: {  	[smem:$0x3F98] =	sst s1;
	(tag) =	ssettag s2;
	_ =	strace s9  }
0x27: {  	s1 =	sld [smem:$0x3FA8]  }
0x28: {  	s2 =	sld [smem:$0x3FA9]  }
0x29: {  	s4 =	sld [smem:$0x3FAB]  }
0x2a: {  	p0 =	seq.s32 s5, $0x0;
	s5 =	sld [smem:$0x3FAC]  }
0x2b: {  	s6 =	sld [smem:$0x3FAD]  }
0x2c: {  	s7 =	sld [smem:$0x3FAE]  }
0x2d: {  	s3 =	simm.s32 $0x108;
	s8 =	sld [smem:$0x3FAF]  }
0x2e: {  	s3 =	simm.s32 @!p0 $0x1082;
	s9 =	sld [smem:$0x3FB0]  }
0x2f: {  	lr =	sadd.s32 s0, s3;
	s0 =	sld [smem:$0x3FA7]  }
0x30: {  	s3 =	sld [smem:$0x3FAA]  }
0x31: {  	[smem:$0x3FB3] =	sst s10  }
0x32: {  	s10 =	sld [smem:$0x3FB1];
	_ =	sdelay $0x3  }
0x33: {  	p0 =	seq.s32 s10, $0x1;
	s10 =	sld [smem:$0x3FB3];
	_ =	sdelay $0x3  }
0x34: {  	[smem:$0x3FB3] =	sst s10  }
0x35: {  	s10 =	sld [smem:$0x3FB2];
	_ =	sdelay $0x3  }
0x36: {  	p1 =	seq.s32 s10, $0x1;
	s10 =	sld [smem:$0x3FB3];
	_ =	sdelay $0x3  }
0x37: {  	[smem:$0x3FB3] =	sst s10  }
0x38: {  	s10 =	sld [smem:$0x3FB4]  }
0x39: {  	_ = 	snop;
	(pc) =	sbr.ind lr, $3  }
0x3a: {  	_ = 	snop  }
0x3b: {  	_ = 	snop  }
0x3c: {  	p2 =	seq.s32 s10, $0x1;
	s10 =	sld [smem:$0x3FB3]  }
0x3d: {  	_ =	shalt  }
0x3e: {  	_ =	shalt  }
0x3f: {  	_ =	shalt  }
0x40: {  	_ =	shalt  }
0x41: {  	_ =	shalt  }
0x42: {  	_ =	shalt  }
0x43: {  	_ =	shalt  }
0x44: {  	_ =	shalt  }
0x45: {  	_ =	shalt  }
0x46: {  	_ =	shalt  }
0x47: {  	_ =	shalt  }
0x48: {  	_ =	shalt  }
0x49: {  	_ =	shalt  }
0x4a: {  	_ =	shalt  }
0x4b: {  	_ =	shalt  }
0x4c: {  	_ =	shalt  }
0x4d: {  	_ =	shalt  }
0x4e: {  	_ =	shalt  }
0x4f: {  	_ =	shalt  }
0x50: {  	_ =	shalt  }
0x51: {  	_ =	shalt  }
0x52: {  	_ =	shalt  }
0x53: {  	_ =	shalt  }
0x54: {  	_ =	shalt  }
0x55: {  	_ =	shalt  }
0x56: {  	_ =	shalt  }
0x57: {  	_ =	shalt  }
0x58: {  	_ =	shalt  }
0x59: {  	_ =	shalt  }
0x5a: {  	_ =	shalt  }
0x5b: {  	_ =	shalt  }
0x5c: {  	_ =	shalt  }
0x5d: {  	_ =	shalt  }
0x5e: {  	_ =	shalt  }
0x5f: {  	_ =	shalt  }
0x60: {  	_ =	shalt  }
0x61: {  	_ =	shalt  }
0x62: {  	_ =	shalt  }
0x63: {  	_ =	shalt  }
0x64: {  	_ =	shalt  }
0x65: {  	_ =	shalt  }
0x66: {  	_ =	shalt  }
0x67: {  	_ =	shalt  }
0x68: {  	_ =	shalt  }
0x69: {  	_ =	shalt  }
0x6a: {  	_ =	shalt  }
0x6b: {  	_ =	shalt  }
0x6c: {  	_ =	shalt  }
0x6d: {  	_ =	shalt  }
0x6e: {  	_ =	shalt  }
0x6f: {  	_ =	shalt  }
0x70: {  	_ =	shalt  }
0x71: {  	_ =	shalt  }
0x72: {  	_ =	shalt  }
0x73: {  	_ =	shalt  }
0x74: {  	_ =	shalt  }
0x75: {  	_ =	shalt  }
0x76: {  	_ =	shalt  }
0x77: {  	_ =	shalt  }
0x78: {  	_ =	shalt  }
0x79: {  	_ =	shalt  }
0x7a: {  	_ =	shalt  }
0x7b: {  	_ =	shalt  }
0x7c: {  	_ =	shalt  }
0x7d: {  	_ =	shalt  }
0x7e: {  	_ =	shalt  }
0x7f: {  	_ =	shalt  }
0x80: {  	_ =	shalt  }
0x81: {  	_ =	shalt  }
0x82: {  	_ =	shalt  }
0x83: {  	_ =	shalt  }
0x84: {  	_ =	shalt  }
0x85: {  	_ =	shalt  }
0x86: {  	_ =	shalt  }
0x87: {  	_ =	shalt  }
.Lfunc_end0:
.L_simem_size_0:
called_computation.4_lowered:
.L_overlay_start_0:
0x88: {  	s2 =	sld [smem:$0x3FD9]  }
0x89: {  	s3 =	sld [smem:$0x3FFE];
	_ =	sdelay $0x1  }
0x8a: {  	s1 =	srdreg.scid  }
0x8b: {  	s0 =	sand.u32 $0x1, s1  }
0x8c: {  	s14 =	sshll.u32 s0, $0xA;
	s2 =	sadd.s32 s3, s2  }
0x8d: {  	s2 =	sadd.s32 s2, s14  }
0x8e: {  	[smem:$0x3FBF] =	sst s2  }
0x8f: {  	_ = 	snop  }
0x90: {  	s2 =	sld [smem:$0x3FD0];
	_ =	sdelay $0x2  }
0x91: {  	s15 =	simm.s32 $0xA;
	s4 =	simm.s32 $0x10  }
0x92: {  	[smem:s4], [sflag:s15] =	dma.local [hbm:s2], $0x1  }
0x93: {  	_ =	swait.eq [sflag:s15], $0x1  }
0x94: {  	[sflag:s15] =	ssyncset.done $0x0  }
0x95: {  	[sflag:s15] =	ssyncadd.s32 $0xFFFFFFFF  }
0x96: {  	s16 =	sld [smem:$0x11];
	(tm) =	ssettm $0x1  }
0x97: {  	s17 =	sld [smem:$0x3FFB];
	_ =	sdelay $0x3  }
0x98: {  	_ =	strace s17  }
0x99: {  	s3 =	sld [smem:$0x3FFC];
	_ =	sdelay $0x3  }
0x9a: {  	_ =	strace s3  }
0x9b: {  	s3 =	sld [smem:$0x3FFD];
	_ =	sdelay $0x3  }
0x9c: {  	_ =	strace s3  }
0x9d: {  	_ =	strace $0x8FFFFFFF  }
0x9e: {  	s18 =	sld [smem:$0x3FDB];
	_ =	sdelay $0x1  }
0x9f: {  	s19 =	simm.s32 $_scs_section_size  }
0xa0: {  	s5 =	simm.s32 $_size__tile_overlayer_lowered;
	s6 =	simm.s32 $_tile_overlayer_lowered  }
0xa1: {  	s22 =	simm.s32 $0x1BFF;
	s21 =	sshll.u32 s6, $0x1;
	s3 =	sadd.s32 s19, s18  }
0xa2: {  	s7 =	simm.s32 $0x0;
	s20 =	sshll.u32 s5, $0x1;
	s5 =	sadd.s32 s21, s3  }
0xa3: {  	[timem:s7], [sflag:s22] =	dma.local [hbm:s5], s20  }
0xa4: {  	_ =	swait.ge [sflag:s22], s20  }
0xa5: {  	s4 =	ssub.s32 $0x0, s20;
	[sflag:s22] =	ssyncset.done $0x0  }
0xa6: {  	[sflag:s22] =	ssyncadd.s32 s4;
	_ =	sdelay $0x1  }
0xa7: {  	s23 =	simm.s32 $0x1B8B  }
0xa8: {  	_ =	swait.ge [sflag:s23], $0x1  }
0xa9: {  	[sflag:s23] =	ssyncset.done $0x0  }
0xaa: {  	s25 =	simm.s32 $0x1B8E;
	s24 =	sld [smem:$0x3FFE];
	[sflag:s23] =	ssyncadd.s32 $0xFFFFFFFF  }
0xab: {  	s26 =	simm.s32 $execute0_lowered;
	[smem:$0x3FD2] =	sst s25  }
0xac: {  	s5 =	sshll.u32 s26, $0x1;
	_ =	strace $0x80000052;
	[dreg:$0x1] =	wrdreg $0xFFFFFFFF  }
0xad: {  	s28 =	simm.s32 $_size_execute0_lowered;
	s3 =	sadd.s32 s3, s5;
	[dreg:$0x0] =	wrdreg $0x0  }
0xae: {  	s5 =	sshll.u32 s28, $0x1;
	[dreg:$0x2] =	wrdreg s3  }
0xaf: {  	[dreg:$0x3] =	wrdreg s5  }
0xb0: {  	[dreg:$0x4] =	wrdreg $0xC0  }
0xb1: {  	_ =	task [dreg:s7], $0x5FFFF  }
0xb2: {  	[dreg:$0x1] =	wrdreg $0xFFFFFFFF  }
0xb3: {  	[dreg:$0x0] =	wrdreg $0x60  }
0xb4: {  	[dreg:$0x2] =	wrdreg s24  }
0xb5: {  	[dreg:$0x3] =	wrdreg s16  }
0xb6: {  	[dreg:$0x4] =	wrdreg $0x0  }
0xb7: {  	[dreg:$0x5] =	wrdreg $0x9  }
0xb8: {  	_ =	task.clear_ibuf [dreg:s7], $0x6FFFF;
	_ =	strace $0x90000052  }
0xb9: {  	s29 =	simm.s32 $0x9;
	_ =	strace $0x80000054  }
0xba: {  	_ =	swait.ge [sflag:s29], $0x1  }
0xbb: {  	[sflag:s29] =	ssyncadd.s32 $0xFFFFFFFF  }
0xbc: {  	_ =	strace $0x90000054  }
0xbd: {  	_ =	sfence  }
0xbe: {  	s30 =	sld [smem:$0x0];
	_ =	sdelay $0x2  }
0xbf: {  	s31 =	sshll.u32 s1, $0xD;
	s1 =	sshrl.u32 s1, $0x2  }
0xc0: {  	s3 =	sand.u32 $0x4000, s31;
	s1 =	sadd.s32 s1, s30  }
0xc1: {  	s0 =	sor.u32 s3, s0;
	s1 =	sshll.u32 s1, $0x11  }
0xc2: {  	s0 =	sor.u32 s1, s0  }
0xc3: {  	s0 =	sadd.s32 $0x8F2B, s0  }
0xc4: {  	[sflag:s0] =	ssyncadd.remote.s32 $0x1  }
0xc5: {  	_ =	sfence.sel $0xFFFF  }
0xc6: {  	[dreg:$0x0] =	wrdreg $0xFFFFFFFF;
	(pc) =	sbr.abs _section_cstart, $3  }
0xc7: {  	[dreg:$0x1] =	wrdreg $0xFFFFFFFF  }
0xc8: {  	_ =	task.clear_ibuf [dreg:s7], $0x2FFFF;
	_ =	strace $0x9FFFFFFF  }
0xc9: {  	(tm) =	ssettm $0x7FFFFFFF  }
tec
execute0_lowered:
.L_overlay_start_1:
0x0: {  	(tag) =	ssettag $0x1  }
0x1: {  	s0 =	rddreg [dreg:$0x0]  }
0x2: {  	s1 =	rddreg [dreg:$0x1]  }
0x3: {  	s2 =	rddreg [dreg:$0x2];
	s29 =	simm.s32 $0x0  }
0x4: {  	s3 =	srdreg.scid;
	s13 =	stileid.u32;
	s31 =	simm.s32 $0x13980  }
0x5: {  	s28 =	simm.s32 $0x13D80;
	s4 =	simm.s32 $0x13A80;
	s30 =	simm.s32 $0x13E80  }
0x6: {  	s18 =	simm.s32 $0x3;
	[smem:$0x7FF] =	sst s29;
	s7 =	smul.u32 $0x4E000, s13  }
0x7: {  	s3 =	sand.u32 $0x1, s3;
	s5 =	sadd.s32 $0x5EE00, s0;
	s20 =	smul.u32 $0x13800, s13  }
0x8: {  	s6 =	sadd.s32 $0x5400, s0;
	s8 =	sadd.s32 $0xAD000, s0;
	s23 =	smul.u32 $0x9C4, s13  }
0x9: {  	s0 =	sadd.s32 $0xAF800, s0;
	_ =	strace $0x80000053;
	s9 =	smul.u32 $0x4E200, s3  }
0xa: {  	[dreg:$0x5] =	wrdreg s8;
	s10 =	ssub.s32 $0x2, s3;
	s8 =	smul.u32 $0x4E20, s13  }
0xb: {  	p0 =	seq.s32 s13, $0xF;
	s3 =	smul.u32 $0x138800, s3;
	s11 =	sshrl.u32 s10, $0x1  }
0xc: {  	s7 =	sshrl.u32 s7, $0x2;
	s25 =	sadd.s32 s23, s6;
	s11 =	ssub.s32 s10, s11  }
0xd: {  	s7 =	sadd.s32 s7, s2;
	s10 =	sadd.s32 s8, s9;
	s12 =	sshrl.u32 s8, $0x3  }
0xe: {  	s22 =	sadd.s32 s20, s3;
	s3 =	sshrl.u32 s3, $0x3;
	s20 =	simm.s32 $0x2  }
0xf: {  	[dreg:$0x6] =	wrdreg s7;
	s7 =	sadd.s32 $0x124800, s2;
	s15 =	sadd.s32 s6, s12  }
0x10: {  	s9 =	sshrl.u32 s10, $0x3;
	s26 =	smax.u32 s11, $0x1;
	[dreg:$0x8] =	wrdreg s15  }
0x11: {  	s19 =	sadd.s32 $0x1E0, s10;
	s16 =	sadd.s32 $0x14, s15;
	[dreg:$0x10] =	wrdreg s26  }
0x12: {  	s11 =	simm.s32 $0x8;
	s14 =	sadd.s32 s1, s9;
	[dreg:$0xa] =	wrdreg s16  }
0x13: {  	s12 =	simm.s32 $0x5;
	s21 =	sadd.s32 $0x28, s15;
	[dreg:$0x7] =	wrdreg s14  }
0x14: {  	s24 =	sadd.s32 $0x3C, s15;
	s26 =	simm.s32 $0x13C80;
	[dreg:$0xc] =	wrdreg s21  }
0x15: {  	s15 =	simm.s32 $0x6;
	s9 =	sadd.s32 $0x14, s14;
	[dreg:$0xd] =	wrdreg s24  }
0x16: {  	s14 =	sadd.s32 $0x28, s14;
	s24 =	simm.s32 $0x13880;
	[dreg:$0x9] =	wrdreg s9  }
0x17: {  	s16 =	simm.s32 $0x19080;
	s21 =	simm.s32 $0x4;
	[dreg:$0xb] =	wrdreg s14  }
0x18: {  	s9 =	sshrl.u32 s19, $0x3;
	s14 =	simm.s32 $0x1;
	s19 =	simm.s32 $0x7  }
0x19: {  	s17 =	sadd.s32 s1, s9;
	s9 =	sshrl.u32 s22, $0x3;
	s22 =	sshrl.u32 @p0 s7, $0x3  }
0x1a: {  	s9 =	sadd.s32 s0, s9;
	s0 =	sadd.s32 s0, s3;
	[dreg:$0x11] =	wrdreg s22  }
0x1b: {  	s3 =	sshll.u32 @!p0 s13, $0x6;
	[dreg:$0xe] =	wrdreg s9;
	s0 =	sadd.s32 $0x24900, s0  }
0x1c: {  	s7 =	simm.s32 $0x0;
	s23 =	sor.u32 @!p0 $0x1C09, s3;
	[dreg:$0xf] =	wrdreg s0  }
0x1d: {  	s13 =	simm.s32 $0x14080;
	s0 =	sadd.s32 $0x3C, s25;
	[dreg:$0x12] =	wrdreg s23  }
0x1e: {  	s9 =	simm.s32 $0xA0;
	s25 =	simm.s32 $0x13B80;
	[dreg:$0x4] =	wrdreg s0  }
.LBB2_1:
0x1f: {  	[dreg:$0x13] =	wrdreg s7  }
0x20: {  	s7 =	simm.s32 @p0 $0x1FC9;
	s0 =	rddreg [dreg:$0x5]  }
0x21: {  	[spmem:s22], [sflag:s7] =	dma.local @p0 [hbm:s0], $0x2800  }
0x22: {  	s7 =	simm.s32 @p0 $0x9  }
0x23: {  	_ =	swait.ge @p0 [sflag:s7], $0x2800  }
0x24: {  	s3 =	rddreg [dreg:$0x6]  }
0x25: {  	[sflag:s7] =	ssyncset.done @p0 $0x0;
	s3 =	sshrl.u32 @!p0 s3, $0x3  }
0x26: {  	[sflag:s7] =	ssyncadd.s32 @p0 $0xFFFFD800;
	s7 =	simm.s32 @!p0 $0x9;
	[dreg:$0x14] =	wrdreg s3  }
0x27: {  	[spmem:s3], [sflag:s23] =	dma.local @!p0 [hbm:s0], $0x2700  }
0x28: {  	_ =	swait.ge @!p0 [sflag:s7], $0x2700  }
0x29: {  	[sflag:s7] =	ssyncset.done @!p0 $0x0  }
0x2a: {  	[sflag:s7] =	ssyncadd.s32 @!p0 $0xFFFFD900  }
0x2b: {  	[bflag:$0x0] =	sbarrier.arrive $0xFFFF  }
0x2c: {  	s7 =	simm.s32 $0x9;
	s3 =	rddreg [dreg:$0x7]  }
0x2d: {  	[tilespmem:s24], [sflag:$0x9] =	stream.linear.gather [hbm4b:s3+s29], $0xA0, $0x38;
	[tilespmem:$0x1E080] =	vst v63  }
0x2e: {  	_ =	swait.ge [sflag:s7], $0xA0  }
0x2f: {  	[sflag:s7] =	ssyncset.done $0x0  }
0x30: {  	s22 =	rddreg [dreg:$0x8];
	[sflag:s7] =	ssyncadd.s32 $0xFFFFFF60  }
0x31: {  	[tilespmem:s26], [sflag:$0x9] =	stream.linear.gather [hbm4b:s22+s29], $0xA0, $0x38;
	[tilespmem:$0x1E080] =	vst v63  }
0x32: {  	_ =	swait.ge [sflag:s7], $0xA0  }
0x33: {  	[sflag:s7] =	ssyncset.done $0x0  }
0x34: {  	s23 =	rddreg [dreg:$0x9];
	[sflag:s7] =	ssyncadd.s32 $0xFFFFFF60  }
0x35: {  	[tilespmem:s31], [sflag:$0x6] =	stream.linear.gather [hbm4b:s23+s29], $0xA0, $0x38;
	[tilespmem:$0x1E080] =	vst v63  }
0x36: {  	s3 =	rddreg [dreg:$0xa]  }
0x37: {  	[tilespmem:s28], [sflag:$0x6] =	stream.linear.gather [hbm4b:s3+s29], $0xA0, $0x38;
	[tilespmem:$0x1E080] =	vst v63  }
0x38: {  	s7 =	rddreg [dreg:$0xb]  }
0x39: {  	[tilespmem:s4], [sflag:$0x7] =	stream.linear.gather [hbm4b:s7+s29], $0xA0, $0x38;
	[tilespmem:$0x1E080] =	vst v63  }
0x3a: {  	s22 =	rddreg [dreg:$0xc]  }
0x3b: {  	[tilespmem:s30], [sflag:$0x7] =	stream.linear.gather [hbm4b:s22+s29], $0xA0, $0x38;
	[tilespmem:$0x1E080] =	vst v63  }
0x3c: {  	_ = 	snop  }
0x3d: {  	[tilespmem:s25], [sflag:$0x8] =	stream.linear.gather [hbm4b:s17+s29], $0xA0, $0x38;
	[tilespmem:$0x1E080] =	vst v63  }
0x3e: {  	s23 =	rddreg [dreg:$0xd];
	s3 =	simm.s32 $0x13F80  }
0x3f: {  	[tilespmem:s3], [sflag:$0x8] =	stream.linear.gather [hbm4b:s23+s29], $0xA0, $0x38;
	[tilespmem:$0x1E080] =	vst v63  }
0x40: {  	_ = 	snop  }
0x41: {  	[tilespmem:s13], [sflag:$0x1] =	stream.indirect.gather [hbm4b:s5+s9], $0x80, s24, s9, $0xb8;
	[tilespmem:$0x1E080] =	vst v63  }
0x42: {  	_ =	swait.ge [sflag:s14], $0x5000  }
0x43: {  	p1 =	por $0x1, $0x1;
	[sflag:s14] =	ssyncset.done $0x0  }
0x44: {  	s7 =	simm.s32 @!p1 $0x4;
	[sflag:s14] =	ssyncadd.s32 $0xFFFFB000  }
0x45: {  	_ =	swait.ge @!p1 [sflag:s7], $0x5000  }
0x46: {  	s22 =	simm.s32 @!p1 $0x13B80;
	s25 =	simm.s32 @!p1 $0x0;
	[sflag:s7] =	ssyncset.done @!p1 $0x0  }
0x47: {  	s23 =	rddreg [dreg:$0x4];
	[sflag:s7] =	ssyncadd.s32 @!p1 $0xFFFFB000;
	s7 =	sadd.s32 @!p1 $0x0, s17  }
0x48: {  	[tilespmem:s22], [sflag:$0x8] =	stream.linear.gather @!p1 [hbm4b:s7+s25], $0xA0, $0x38;
	[tilespmem:$0x1E080] =	vst v63  }
0x49: {  	s7 =	sadd.s32 @!p1 $0x0, s23;
	s22 =	simm.s32 @!p1 $0x13F80  }
0x4a: {  	[tilespmem:s22], [sflag:$0x8] =	stream.linear.gather @!p1 [hbm4b:s7+s25], $0xA0, $0x38;
	[tilespmem:$0x1E080] =	vst v63  }
0x4b: {  	_ =	swait.ge [sflag:s15], $0xA0  }
0x4c: {  	[sflag:s15] =	ssyncset.done $0x0  }
0x4d: {  	[sflag:s15] =	ssyncadd.s32 $0xFFFFFF60  }
0x4e: {  	_ =	swait.ge [sflag:s15], $0xA0  }
0x4f: {  	s7 =	simm.s32 $0x0;
	[sflag:s15] =	ssyncset.done $0x0  }
0x50: {  	s7 =	simm.s32 @p1 $0x0;
	[sflag:s15] =	ssyncadd.s32 $0xFFFFFF60  }
0x51: {  	[tilespmem:s16], [sflag:$0x2] =	stream.indirect.gather [hbm4b:s5+s9], $0x80, s31, s9, $0xb8;
	[tilespmem:$0x1E080] =	vst v63  }
0x52: {  	s25 =	sadd.s32 $0x280, s7  }
0x53: {  	[spmem:s2] =	stream.indirect.scatter.add.f32 [tilespmem:s13], [sflag:$0x3], $0x80, s26, s9, $0xb8;
	[tilespmem:$0x1E080] =	vst v63  }
0x54: {  	s31 =	sadd.s32 s10, s25;
	_ =	swait.ge [sflag:s18], $0x5000  }
0x55: {  	s22 =	sadd.s32 s8, s25;
	s23 =	sshrl.u32 s31, $0x3;
	[sflag:s18] =	ssyncset.done $0x0  }
0x56: {  	s22 =	sshrl.u32 s22, $0x3;
	s23 =	sadd.s32 s1, s23;
	[sflag:s18] =	ssyncadd.s32 $0xFFFFB000  }
0x57: {  	[tilespmem:s24], [sflag:$0x5] =	stream.linear.gather [hbm4b:s23+s29], $0xA0, $0x38;
	[tilespmem:$0x1E080] =	vst v63  }
0x58: {  	s22 =	sadd.s32 s6, s22  }
0x59: {  	[tilespmem:s26], [sflag:$0x5] =	stream.linear.gather [hbm4b:s22+s29], $0xA0, $0x38;
	[tilespmem:$0x1E080] =	vst v63  }
0x5a: {  	_ =	swait.ge [sflag:s19], $0xA0  }
0x5b: {  	[sflag:s19] =	ssyncset.done $0x0  }
0x5c: {  	[sflag:s19] =	ssyncadd.s32 $0xFFFFFF60  }
0x5d: {  	_ =	swait.ge [sflag:s19], $0xA0  }
0x5e: {  	[sflag:s19] =	ssyncset.done $0x0  }
0x5f: {  	[sflag:s19] =	ssyncadd.s32 $0xFFFFFF60  }
0x60: {  	_ =	swait.ge [sflag:s20], $0x5000  }
0x61: {  	[sflag:s20] =	ssyncset.done $0x0  }
0x62: {  	p1 =	por $0x0, $0x0;
	[sflag:s20] =	ssyncadd.s32 $0xFFFFB000  }
0x63: {  	[tilespmem:s13], [sflag:$0x1] =	stream.indirect.gather [hbm4b:s5+s9], $0x80, s4, s9, $0xb8;
	[tilespmem:$0x1E080] =	vst v63  }
0x64: {  	s25 =	simm.s32 @!p1 $0x0;
	s22 =	sadd.s32 @!p1 $0x320, s7  }
0x65: {  	[spmem:s2] =	stream.indirect.scatter.add.f32 [tilespmem:s16], [sflag:$0x4], $0x80, s28, s9, $0xb8;
	[tilespmem:$0x1E080] =	vst v63  }
0x66: {  	s23 =	sadd.s32 @!p1 s10, s22;
	s22 =	sadd.s32 @!p1 s8, s22;
	_ =	swait.ge [sflag:s21], $0x5000  }
0x67: {  	s23 =	sshrl.u32 @!p1 s23, $0x3;
	s22 =	sshrl.u32 @!p1 s22, $0x3;
	[sflag:s21] =	ssyncset.done $0x0  }
0x68: {  	s23 =	sadd.s32 @!p1 s1, s23;
	s28 =	simm.s32 @!p1 $0x13980;
	[sflag:s21] =	ssyncadd.s32 $0xFFFFB000  }
0x69: {  	[tilespmem:s28], [sflag:$0x6] =	stream.linear.gather @!p1 [hbm4b:s23+s25], $0xA0, $0x38;
	[tilespmem:$0x1E080] =	vst v63  }
0x6a: {  	s22 =	sadd.s32 @!p1 s6, s22;
	s23 =	simm.s32 @!p1 $0x13D80  }
0x6b: {  	[tilespmem:s23], [sflag:$0x6] =	stream.linear.gather @!p1 [hbm4b:s22+s25], $0xA0, $0x38;
	[tilespmem:$0x1E080] =	vst v63  }
0x6c: {  	_ =	swait.ge [sflag:s11], $0xA0  }
0x6d: {  	[sflag:s11] =	ssyncset.done $0x0  }
0x6e: {  	[sflag:s11] =	ssyncadd.s32 $0xFFFFFF60  }
0x6f: {  	_ =	swait.ge [sflag:s11], $0xA0  }
0x70: {  	[sflag:s11] =	ssyncset.done $0x0  }
0x71: {  	[sflag:s11] =	ssyncadd.s32 $0xFFFFFF60  }
0x72: {  	_ =	swait.ge [sflag:s14], $0x5000  }
0x73: {  	[sflag:s14] =	ssyncset.done $0x0  }
0x74: {  	s0 =	simm.s32 $0x13B80;
	[sflag:s14] =	ssyncadd.s32 $0xFFFFB000  }
0x75: {  	[tilespmem:s16], [sflag:$0x2] =	stream.indirect.gather [hbm4b:s5+s9], $0x80, s0, s9, $0xb8;
	[tilespmem:$0x1E080] =	vst v63  }
0x76: {  	s7 =	sadd.s32 @!p1 $0x3C0, s7  }
0x77: {  	[spmem:s2] =	stream.indirect.scatter.add.f32 [tilespmem:s13], [sflag:$0x3], $0x80, s30, s9, $0xb8;
	[tilespmem:$0x1E080] =	vst v63  }
0x78: {  	s22 =	sadd.s32 @!p1 s10, s7;
	s23 =	simm.s32 @!p1 $0x13A80;
	_ =	swait.ge [sflag:s18], $0x5000  }
0x79: {  	s7 =	sadd.s32 @!p1 s8, s7;
	s22 =	sshrl.u32 @!p1 s22, $0x3;
	[sflag:s18] =	ssyncset.done $0x0  }
0x7a: {  	s7 =	sshrl.u32 @!p1 s7, $0x3;
	s22 =	sadd.s32 @!p1 s1, s22;
	[sflag:s18] =	ssyncadd.s32 $0xFFFFB000  }
0x7b: {  	[tilespmem:s23], [sflag:$0x7] =	stream.linear.gather @!p1 [hbm4b:s22+s25], $0xA0, $0x38;
	[tilespmem:$0x1E080] =	vst v63  }
0x7c: {  	s7 =	sadd.s32 @!p1 s6, s7;
	s22 =	simm.s32 @!p1 $0x13E80  }
0x7d: {  	[tilespmem:s22], [sflag:$0x7] =	stream.linear.gather @!p1 [hbm4b:s7+s25], $0xA0, $0x38;
	[tilespmem:$0x1E080] =	vst v63  }
0x7e: {  	_ =	swait.ge [sflag:s12], $0xA0  }
0x7f: {  	[sflag:s12] =	ssyncset.done $0x0  }
0x80: {  	[sflag:s12] =	ssyncadd.s32 $0xFFFFFF60  }
0x81: {  	_ =	swait.ge [sflag:s12], $0xA0  }
0x82: {  	[sflag:s12] =	ssyncset.done $0x0  }
0x83: {  	[sflag:s12] =	ssyncadd.s32 $0xFFFFFF60  }
0x84: {  	_ =	swait.ge [sflag:s20], $0x5000  }
0x85: {  	s4 =	simm.s32 $0x0;
	[sflag:s20] =	ssyncset.done $0x0  }
0x86: {  	s30 =	simm.s32 $0x280;
	s23 =	simm.s32 $0x50;
	[sflag:s20] =	ssyncadd.s32 $0xFFFFB000  }
0x87: {  	[spmem:s2] =	stream.indirect.scatter.add.f32 [tilespmem:s16], [sflag:$0x4], $0x80, s3, s9, $0xb8;
	[tilespmem:$0x1E080] =	vst v63  }
.LBB2_2:
0x88: {  	[tilespmem:s13], [sflag:$0x1] =	stream.indirect.gather [hbm4b:s5+s9], $0x80, s24, s9, $0xb8;
	[tilespmem:$0x1E080] =	vst v63  }
0x89: {  	s7 =	smov.u32 s23;
	_ =	swait.ge [sflag:s14], $0x5000  }
0x8a: {  	p2 =	seq.s32 s7, $0x0;
	[sflag:s14] =	ssyncset.done $0x0  }
0x8b: {  	s22 =	simm.s32 @!p2 $0x4;
	[sflag:s14] =	ssyncadd.s32 $0xFFFFB000  }
0x8c: {  	_ =	swait.ge @!p2 [sflag:s22], $0x5000  }
0x8d: {  	s31 =	simm.s32 @!p2 $0x13B80;
	s3 =	simm.s32 @!p2 $0x0;
	[sflag:s22] =	ssyncset.done @!p2 $0x0  }
0x8e: {  	s0 =	rddreg [dreg:$0x4];
	[sflag:s22] =	ssyncadd.s32 @!p2 $0xFFFFB000;
	s22 =	sadd.s32 @!p2 s7, s17  }
0x8f: {  	[tilespmem:s31], [sflag:$0x8] =	stream.linear.gather @!p2 [hbm4b:s22+s3], $0xA0, $0x38;
	[tilespmem:$0x1E080] =	vst v63  }
0x90: {  	p1 =	seq.s32 s7, $0x960;
	s0 =	sadd.s32 @!p2 s7, s0;
	s7 =	simm.s32 @!p2 $0x13F80  }
0x91: {  	[tilespmem:s7], [sflag:$0x8] =	stream.linear.gather @!p2 [hbm4b:s0+s3], $0xA0, $0x38;
	[tilespmem:$0x1E080] =	vst v63  }
0x92: {  	_ =	swait.ge [sflag:s15], $0xA0  }
0x93: {  	[sflag:s15] =	ssyncset.done $0x0  }
0x94: {  	[sflag:s15] =	ssyncadd.s32 $0xFFFFFF60  }
0x95: {  	_ =	swait.ge [sflag:s15], $0xA0  }
0x96: {  	s25 =	smov.u32 s30;
	[sflag:s15] =	ssyncset.done $0x0  }
0x97: {  	s25 =	simm.s32 @p2 $0x0;
	s31 =	simm.s32 $0x13980;
	[sflag:s15] =	ssyncadd.s32 $0xFFFFFF60  }
0x98: {  	[tilespmem:s16], [sflag:$0x2] =	stream.indirect.gather [hbm4b:s5+s9], $0x80, s31, s9, $0xb8;
	[tilespmem:$0x1E080] =	vst v63  }
0x99: {  	s28 =	sadd.s32 $0x280, s25  }
0x9a: {  	[spmem:s2] =	stream.indirect.scatter.add.f32 [tilespmem:s13], [sflag:$0x3], $0x80, s26, s9, $0xb8;
	[tilespmem:$0x1E080] =	vst v63  }
0x9b: {  	s22 =	sadd.s32 s10, s28;
	_ =	swait.ge [sflag:s18], $0x5000  }
0x9c: {  	s28 =	sadd.s32 s8, s28;
	s0 =	sshrl.u32 s22, $0x3;
	[sflag:s18] =	ssyncset.done $0x0  }
0x9d: {  	s3 =	sshrl.u32 s28, $0x3;
	s0 =	sadd.s32 s1, s0;
	[sflag:s18] =	ssyncadd.s32 $0xFFFFB000  }
0x9e: {  	[tilespmem:s24], [sflag:$0x5] =	stream.linear.gather [hbm4b:s0+s4], $0xA0, $0x38;
	[tilespmem:$0x1E080] =	vst v63  }
0x9f: {  	s3 =	sadd.s32 s6, s3  }
0xa0: {  	[tilespmem:s26], [sflag:$0x5] =	stream.linear.gather [hbm4b:s3+s4], $0xA0, $0x38;
	[tilespmem:$0x1E080] =	vst v63  }
0xa1: {  	s29 =	sadd.s32 @!p1 $0x320, s25;
	_ =	swait.ge [sflag:s19], $0xA0  }
0xa2: {  	s7 =	sadd.s32 @!p1 s10, s29;
	[sflag:s19] =	ssyncset.done $0x0  }
0xa3: {  	s22 =	sadd.s32 @!p1 s8, s29;
	s7 =	sshrl.u32 @!p1 s7, $0x3;
	[sflag:s19] =	ssyncadd.s32 $0xFFFFFF60  }
0xa4: {  	s28 =	sadd.s32 @!p1 s1, s7;
	s7 =	sshrl.u32 @!p1 s22, $0x3;
	_ =	swait.ge [sflag:s19], $0xA0  }
0xa5: {  	s29 =	sadd.s32 @!p1 s6, s7;
	s7 =	sadd.s32 @!p1 $0x3C0, s25;
	[sflag:s19] =	ssyncset.done $0x0  }
0xa6: {  	s22 =	sadd.s32 @!p1 s10, s7;
	[sflag:s19] =	ssyncadd.s32 $0xFFFFFF60  }
0xa7: {  	s7 =	sadd.s32 @!p1 s8, s7;
	s22 =	sshrl.u32 @!p1 s22, $0x3;
	_ =	swait.ge [sflag:s20], $0x5000  }
0xa8: {  	s25 =	sshrl.u32 @!p1 s7, $0x3;
	s7 =	sadd.s32 @!p1 s1, s22;
	[sflag:s20] =	ssyncset.done $0x0  }
0xa9: {  	s22 =	sadd.s32 @!p1 s6, s25;
	s25 =	simm.s32 $0x13A80;
	[sflag:s20] =	ssyncadd.s32 $0xFFFFB000  }
0xaa: {  	[tilespmem:s13], [sflag:$0x1] =	stream.indirect.gather [hbm4b:s5+s9], $0x80, s25, s9, $0xb8;
	[tilespmem:$0x1E080] =	vst v63  }
0xab: {  	s3 =	simm.s32 $0x13D80  }
0xac: {  	[spmem:s2] =	stream.indirect.scatter.add.f32 [tilespmem:s16], [sflag:$0x4], $0x80, s3, s9, $0xb8;
	[tilespmem:$0x1E080] =	vst v63  }
0xad: {  	_ =	swait.ge [sflag:s21], $0x5000  }
0xae: {  	[sflag:s21] =	ssyncset.done $0x0  }
0xaf: {  	s0 =	simm.s32 @!p1 $0x0;
	s3 =	simm.s32 @!p1 $0x13980;
	[sflag:s21] =	ssyncadd.s32 $0xFFFFB000  }
0xb0: {  	[tilespmem:s3], [sflag:$0x6] =	stream.linear.gather @!p1 [hbm4b:s28+s0], $0xA0, $0x38;
	[tilespmem:$0x1E080] =	vst v63  }
0xb1: {  	s3 =	simm.s32 @!p1 $0x13D80  }
0xb2: {  	[tilespmem:s3], [sflag:$0x6] =	stream.linear.gather @!p1 [hbm4b:s29+s0], $0xA0, $0x38;
	[tilespmem:$0x1E080] =	vst v63  }
0xb3: {  	_ =	swait.ge [sflag:s11], $0xA0  }
0xb4: {  	[sflag:s11] =	ssyncset.done $0x0  }
0xb5: {  	[sflag:s11] =	ssyncadd.s32 $0xFFFFFF60  }
0xb6: {  	_ =	swait.ge [sflag:s11], $0xA0  }
0xb7: {  	[sflag:s11] =	ssyncset.done $0x0  }
0xb8: {  	[sflag:s11] =	ssyncadd.s32 $0xFFFFFF60  }
0xb9: {  	_ =	swait.ge [sflag:s14], $0x5000  }
0xba: {  	[sflag:s14] =	ssyncset.done $0x0  }
0xbb: {  	s25 =	simm.s32 $0x13B80;
	[sflag:s14] =	ssyncadd.s32 $0xFFFFB000  }
0xbc: {  	[tilespmem:s16], [sflag:$0x2] =	stream.indirect.gather [hbm4b:s5+s9], $0x80, s25, s9, $0xb8;
	[tilespmem:$0x1E080] =	vst v63  }
0xbd: {  	s28 =	simm.s32 $0x13E80  }
0xbe: {  	[spmem:s2] =	stream.indirect.scatter.add.f32 [tilespmem:s13], [sflag:$0x3], $0x80, s28, s9, $0xb8;
	[tilespmem:$0x1E080] =	vst v63  }
0xbf: {  	_ =	swait.ge [sflag:s18], $0x5000  }
0xc0: {  	[sflag:s18] =	ssyncset.done $0x0  }
0xc1: {  	s3 =	simm.s32 @!p1 $0x13A80;
	[sflag:s18] =	ssyncadd.s32 $0xFFFFB000  }
0xc2: {  	[tilespmem:s3], [sflag:$0x7] =	stream.linear.gather @!p1 [hbm4b:s7+s0], $0xA0, $0x38;
	[tilespmem:$0x1E080] =	vst v63  }
0xc3: {  	s3 =	simm.s32 @!p1 $0x13E80  }
0xc4: {  	[tilespmem:s3], [sflag:$0x7] =	stream.linear.gather @!p1 [hbm4b:s22+s0], $0xA0, $0x38;
	[tilespmem:$0x1E080] =	vst v63  }
0xc5: {  	_ =	swait.ge [sflag:s12], $0xA0  }
0xc6: {  	[sflag:s12] =	ssyncset.done $0x0  }
0xc7: {  	[sflag:s12] =	ssyncadd.s32 $0xFFFFFF60  }
0xc8: {  	s23 =	sadd.s32 $0x50, s23;
	_ =	swait.ge [sflag:s12], $0xA0  }
0xc9: {  	p2 =	sne.s32 s23, $0x9B0;
	[sflag:s12] =	ssyncset.done $0x0  }
.Ltmp0:
0xca: {  	[sflag:s12] =	ssyncadd.s32 $0xFFFFFF60;
	(pc) =	sbr.rel @p2 .LBB2_2-.Ltmp0, $4  }
0xcb: {  	_ =	swait.ge [sflag:s20], $0x5000  }
0xcc: {  	[sflag:s20] =	ssyncset.done $0x0  }
0xcd: {  	s30 =	sadd.s32 $0x280, s30;
	s29 =	simm.s32 $0x13F80;
	[sflag:s20] =	ssyncadd.s32 $0xFFFFB000  }
0xce: {  	[spmem:s2] =	stream.indirect.scatter.add.f32 [tilespmem:s16], [sflag:$0x4], $0x80, s29, s9, $0xb8;
	[tilespmem:$0x1E080] =	vst v63  }
0xcf: {  	[tilespmem:s13], [sflag:$0x1] =	stream.indirect.gather [hbm4b:s5+s9], $0x80, s24, s9, $0xb8;
	[tilespmem:$0x1E080] =	vst v63  }
0xd0: {  	_ =	swait.ge [sflag:s14], $0x5000  }
0xd1: {  	[sflag:s14] =	ssyncset.done $0x0  }
0xd2: {  	[sflag:s14] =	ssyncadd.s32 $0xFFFFB000  }
0xd3: {  	[spmem:s2] =	stream.indirect.scatter.add.f32 [tilespmem:s13], [sflag:$0x3], $0x80, s26, s9, $0xb8;
	[tilespmem:$0x1E080] =	vst v63  }
0xd4: {  	_ =	swait.ge [sflag:s21], $0x5000  }
0xd5: {  	[sflag:s21] =	ssyncset.done $0x0  }
0xd6: {  	[sflag:s21] =	ssyncadd.s32 $0xFFFFB000  }
0xd7: {  	_ =	swait.ge [sflag:s18], $0x5000  }
0xd8: {  	[sflag:s18] =	ssyncset.done $0x0  }
0xd9: {  	[sflag:s18] =	ssyncadd.s32 $0xFFFFB000  }
0xda: {  	[bflag:$0x0] =	sbarrier.arrive $0xFFFF  }
0xdb: {  	s3 =	rddreg [dreg:$0xf]  }
0xdc: {  	s0 =	simm.s32 @p0 $0x1FC9;
	s22 =	rddreg [dreg:$0x11]  }
0xdd: {  	[hbm:s3], [sflag:s0] =	dma.local @p0 [spmem:s22], $0x2800  }
0xde: {  	s0 =	simm.s32 @p0 $0x9  }
0xdf: {  	_ =	swait.ge @p0 [sflag:s0], $0x2800  }
0xe0: {  	s23 =	rddreg [dreg:$0x12]  }
0xe1: {  	[sflag:s0] =	ssyncset.done @p0 $0x0;
	s3 =	rddreg [dreg:$0x14]  }
0xe2: {  	[sflag:s0] =	ssyncadd.s32 @p0 $0xFFFFD800;
	s0 =	rddreg [dreg:$0xe]  }
0xe3: {  	[hbm:s0], [sflag:s23] =	dma.local @!p0 [spmem:s3], $0x2700  }
0xe4: {  	s0 =	simm.s32 @!p0 $0x9  }
0xe5: {  	_ =	swait.ge @!p0 [sflag:s0], $0x2700  }
0xe6: {  	s7 =	rddreg [dreg:$0x13]  }
0xe7: {  	s25 =	rddreg [dreg:$0x10];
	s7 =	sadd.s32 $0x1, s7  }
0xe8: {  	p1 =	sne.s32 s7, s25  }
.Ltmp1:
0xe9: {  	_ = 	snop;
	(pc) =	sbr.rel @p1 .LBB2_1-.Ltmp1, $4  }
0xea: {  	_ = 	snop  }
0xeb: {  	s28 =	simm.s32 $0x13D80  }
0xec: {  	s4 =	simm.s32 $0x13A80;
	s29 =	simm.s32 $0x0;
	[sflag:s0] =	ssyncset.done @!p0 $0x0  }
0xed: {  	s30 =	simm.s32 $0x13E80;
	[sflag:s0] =	ssyncadd.s32 @!p0 $0xFFFFD900;
	s25 =	simm.s32 $0x13B80  }
0xee: {  	_ =	sfence.sel $0x180000  }
0xef: {  	[bflag:$0x0] =	sbarrier.arrive $0xFFFF  }
0xf0: {  	_ =	strace $0x90000053  }
0xf1: {  	s0 =	stileid.u32;
	[bflag:$0x2] =	sbarrier.arrive $0xFFFF  }
0xf2: {  	p0 =	sne.s32 s0, $0x0;
	s0 =	rddreg [dreg:$0x3]  }
0xf3: {  	s0 =	sadd.s32 @!p0 $0x100000, s0  }
0xf4: {  	[sflag:s0] =	ssyncadd.tile.s32 @!p0 $0x1;
	_ =	shalt  }
.Lfunc_end2:
_tile_overlayer_lowered:
.L_overlay_start_2:
0xf5: {  	(tag) =	ssettag $0x2  }
0xf6: {  	s0 =	rddreg [dreg:$0x0];
	s2 =	stileid.u32  }
0xf7: {  	s1 =	rddreg [dreg:$0x1];
	p0 =	sne.s32 s2, $0x0  }
0xf8: {  	s3 =	rddreg [dreg:$0x2];
	[bflag:$0x3] =	sbarrier.arrive $0xFFFF;
	s2 =	simm.s32 @!p0 $0x1C09  }
0xf9: {  	[timem:s3], [sflag:s2] =	dma.local @!p0 [hbm:s0], s1  }
0xfa: {  	s0 =	simm.s32 @!p0 $0x9  }
0xfb: {  	_ =	swait.ge @!p0 [sflag:s0], s1  }
0xfc: {  	s1 =	ssub.s32 @!p0 $0x0, s1;
	[sflag:s0] =	ssyncset.done @!p0 $0x0  }
0xfd: {  	[sflag:s0] =	ssyncadd.s32 @!p0 s1  }
0xfe: {  	[bflag:$0x3] =	sbarrier.arrive $0xFFFF  }
0xff: {  	_ =	shalt  }

// kernel: kernel.30.cloned.1.call-start
scs
__scs_entry_jumppad:
0x0: {  	(pc) =	sbr.rel $0x88, $3  }
0x1: {  	(tag) =	ssettag $0x0;
	lr =	simm.s32 $0x1  }
0x2: {  	[smem:$0x3F98] =	sst lr;
	_ =	strace $0xD0000000  }
0x3: {  	_ = 	snop  }
0x4: {  	_ = 	snop  }
0x5: {  	_ = 	snop  }
0x6: {  	_ = 	snop  }
0x7: {  	_ = 	snop  }
__scs_overlays_trampoline_lowered:
0x8: {  	[smem:$0x3FA7] =	sst s0  }
0x9: {  	[smem:$0x3FA8] =	sst s1  }
0xa: {  	[smem:$0x3FA9] =	sst s2  }
0xb: {  	[smem:$0x3FAA] =	sst s3  }
0xc: {  	[smem:$0x3FAB] =	sst s4  }
0xd: {  	[smem:$0x3FAC] =	sst s5  }
0xe: {  	[smem:$0x3FAD] =	sst s6  }
0xf: {  	[smem:$0x3FAE] =	sst s7  }
0x10: {  	[smem:$0x3FAF] =	sst s8  }
0x11: {  	[smem:$0x3FB0] =	sst s9;
	s0 =	simm.s32 @!p0 $0x0  }
0x12: {  	s1 =	sld [smem:$0x3F96];
	s0 =	simm.s32 @p0 $0x1  }
0x13: {  	[smem:$0x3FB1] =	sst s0;
	s0 =	simm.s32 @!p1 $0x0  }
0x14: {  	s2 =	sld [smem:$0x3F95];
	s0 =	simm.s32 @p1 $0x1  }
0x15: {  	[smem:$0x3FB2] =	sst s0;
	s0 =	simm.s32 @!p2 $0x0  }
0x16: {  	s3 =	sld [smem:$0x3FDB];
	s0 =	simm.s32 @p2 $0x1  }
0x17: {  	s4 =	simm.s32 $0x1BF5;
	[smem:$0x3FB4] =	sst s0  }
0x18: {  	s0 =	sld [smem:$0x3F97];
	_ =	swait.ge [sflag:s4], $0x0  }
0x19: {  	s7 =	sld [smem:$0x3F98]  }
0x1a: {  	s8 =	sadd.s32 $0xFFFFE003, lr  }
0x1b: {  	s9 =	sadd.s32 $0xFFFFFEF7, lr;
	s5 =	simm.s32 $0xFFFFFFFF;
	p2 =	slt.u32 s8, $0xFFFFF086  }
0x1c: {  	p1 =	slt.u32 s9, $0xF7A;
	s5 =	simm.s32 @!p2 $0x0  }
0x1d: {  	s5 =	simm.s32 @p1 $0x1;
	p0 =	seq.s32 s7, s2  }
0x1e: {  	s7 =	smul.u32 @!p0 $0xF7A, s2;
	p2 =	seq.s32 @!p0 s5, $0x0  }
0x1f: {  	s9 =	smul.u32 $0xF7A, s1;
	s8 =	simm.s32 @!p0 $0x1BF5;
	p2 =	por !p2, p0  }
0x20: {  	[sflag:s8] =	ssyncset.s32 @!p0 $0xFFFFF086;
	s6 =	sadd.s32 @!p0 s3, s7;
	s7 =	simm.s32 @!p0 $0x108  }
0x21: {  	s3 =	sadd.s32 s3, s9;
	s6 =	sadd.s32 @!p0 $0x88, s6;
	s7 =	simm.s32 @p2 $0x1082  }
0x22: {  	[simem:s7], [sflag:s8] =	dma.local @!p0 [hbm:s6], $0xF7A  }
0x23: {  	s9 =	sor.u32 $0xD0000000, s2;
	s6 =	simm.s32 $0x108;
	_ =	swait.ge @!p0 [sflag:s8], $0x0  }
0x24: {  	s3 =	sadd.s32 $0x88, s3;
	s6 =	simm.s32 @!p1 $0x1082;
	[sflag:s4] =	ssyncset.s32 $0xFFFFF086  }
0x25: {  	[simem:s6], [sflag:s4] =	dma.local [hbm:s3], $0xF7A  }
0x26: {  	[smem:$0x3F98] =	sst s1;
	(tag) =	ssettag s2;
	_ =	strace s9  }
0x27: {  	s1 =	sld [smem:$0x3FA8]  }
0x28: {  	s2 =	sld [smem:$0x3FA9]  }
0x29: {  	s4 =	sld [smem:$0x3FAB]  }
0x2a: {  	p0 =	seq.s32 s5, $0x0;
	s5 =	sld [smem:$0x3FAC]  }
0x2b: {  	s6 =	sld [smem:$0x3FAD]  }
0x2c: {  	s7 =	sld [smem:$0x3FAE]  }
0x2d: {  	s3 =	simm.s32 $0x108;
	s8 =	sld [smem:$0x3FAF]  }
0x2e: {  	s3 =	simm.s32 @!p0 $0x1082;
	s9 =	sld [smem:$0x3FB0]  }
0x2f: {  	lr =	sadd.s32 s0, s3;
	s0 =	sld [smem:$0x3FA7]  }
0x30: {  	s3 =	sld [smem:$0x3FAA]  }
0x31: {  	[smem:$0x3FB3] =	sst s10  }
0x32: {  	s10 =	sld [smem:$0x3FB1];
	_ =	sdelay $0x3  }
0x33: {  	p0 =	seq.s32 s10, $0x1;
	s10 =	sld [smem:$0x3FB3];
	_ =	sdelay $0x3  }
0x34: {  	[smem:$0x3FB3] =	sst s10  }
0x35: {  	s10 =	sld [smem:$0x3FB2];
	_ =	sdelay $0x3  }
0x36: {  	p1 =	seq.s32 s10, $0x1;
	s10 =	sld [smem:$0x3FB3];
	_ =	sdelay $0x3  }
0x37: {  	[smem:$0x3FB3] =	sst s10  }
0x38: {  	s10 =	sld [smem:$0x3FB4]  }
0x39: {  	_ = 	snop;
	(pc) =	sbr.ind lr, $3  }
0x3a: {  	_ = 	snop  }
0x3b: {  	_ = 	snop  }
0x3c: {  	p2 =	seq.s32 s10, $0x1;
	s10 =	sld [smem:$0x3FB3]  }
0x3d: {  	_ =	shalt  }
0x3e: {  	_ =	shalt  }
0x3f: {  	_ =	shalt  }
0x40: {  	_ =	shalt  }
0x41: {  	_ =	shalt  }
0x42: {  	_ =	shalt  }
0x43: {  	_ =	shalt  }
0x44: {  	_ =	shalt  }
0x45: {  	_ =	shalt  }
0x46: {  	_ =	shalt  }
0x47: {  	_ =	shalt  }
0x48: {  	_ =	shalt  }
0x49: {  	_ =	shalt  }
0x4a: {  	_ =	shalt  }
0x4b: {  	_ =	shalt  }
0x4c: {  	_ =	shalt  }
0x4d: {  	_ =	shalt  }
0x4e: {  	_ =	shalt  }
0x4f: {  	_ =	shalt  }
0x50: {  	_ =	shalt  }
0x51: {  	_ =	shalt  }
0x52: {  	_ =	shalt  }
0x53: {  	_ =	shalt  }
0x54: {  	_ =	shalt  }
0x55: {  	_ =	shalt  }
0x56: {  	_ =	shalt  }
0x57: {  	_ =	shalt  }
0x58: {  	_ =	shalt  }
0x59: {  	_ =	shalt  }
0x5a: {  	_ =	shalt  }
0x5b: {  	_ =	shalt  }
0x5c: {  	_ =	shalt  }
0x5d: {  	_ =	shalt  }
0x5e: {  	_ =	shalt  }
0x5f: {  	_ =	shalt  }
0x60: {  	_ =	shalt  }
0x61: {  	_ =	shalt  }
0x62: {  	_ =	shalt  }
0x63: {  	_ =	shalt  }
0x64: {  	_ =	shalt  }
0x65: {  	_ =	shalt  }
0x66: {  	_ =	shalt  }
0x67: {  	_ =	shalt  }
0x68: {  	_ =	shalt  }
0x69: {  	_ =	shalt  }
0x6a: {  	_ =	shalt  }
0x6b: {  	_ =	shalt  }
0x6c: {  	_ =	shalt  }
0x6d: {  	_ =	shalt  }
0x6e: {  	_ =	shalt  }
0x6f: {  	_ =	shalt  }
0x70: {  	_ =	shalt  }
0x71: {  	_ =	shalt  }
0x72: {  	_ =	shalt  }
0x73: {  	_ =	shalt  }
0x74: {  	_ =	shalt  }
0x75: {  	_ =	shalt  }
0x76: {  	_ =	shalt  }
0x77: {  	_ =	shalt  }
0x78: {  	_ =	shalt  }
0x79: {  	_ =	shalt  }
0x7a: {  	_ =	shalt  }
0x7b: {  	_ =	shalt  }
0x7c: {  	_ =	shalt  }
0x7d: {  	_ =	shalt  }
0x7e: {  	_ =	shalt  }
0x7f: {  	_ =	shalt  }
0x80: {  	_ =	shalt  }
0x81: {  	_ =	shalt  }
0x82: {  	_ =	shalt  }
0x83: {  	_ =	shalt  }
0x84: {  	_ =	shalt  }
0x85: {  	_ =	shalt  }
0x86: {  	_ =	shalt  }
0x87: {  	_ =	shalt  }
.Lfunc_end0:
.L_simem_size_0:
called_computation.5_lowered:
.L_overlay_start_0:
0x88: {  	s2 =	sld [smem:$0x3FD9]  }
0x89: {  	s3 =	sld [smem:$0x3FFE];
	_ =	sdelay $0x1  }
0x8a: {  	s1 =	srdreg.scid  }
0x8b: {  	s0 =	sand.u32 $0x1, s1  }
0x8c: {  	s14 =	sshll.u32 s0, $0xA;
	s2 =	sadd.s32 s3, s2  }
0x8d: {  	s2 =	sadd.s32 s2, s14  }
0x8e: {  	[smem:$0x3FBF] =	sst s2  }
0x8f: {  	_ = 	snop  }
0x90: {  	s2 =	sld [smem:$0x3FD0];
	_ =	sdelay $0x2  }
0x91: {  	s15 =	simm.s32 $0xA;
	s4 =	simm.s32 $0x10  }
0x92: {  	[smem:s4], [sflag:s15] =	dma.local [hbm:s2], $0x1  }
0x93: {  	_ =	swait.eq [sflag:s15], $0x1  }
0x94: {  	[sflag:s15] =	ssyncset.done $0x0  }
0x95: {  	[sflag:s15] =	ssyncadd.s32 $0xFFFFFFFF  }
0x96: {  	s16 =	sld [smem:$0x11];
	(tm) =	ssettm $0x1  }
0x97: {  	s17 =	sld [smem:$0x3FFB];
	_ =	sdelay $0x3  }
0x98: {  	_ =	strace s17  }
0x99: {  	s3 =	sld [smem:$0x3FFC];
	_ =	sdelay $0x3  }
0x9a: {  	_ =	strace s3  }
0x9b: {  	s3 =	sld [smem:$0x3FFD];
	_ =	sdelay $0x3  }
0x9c: {  	_ =	strace s3  }
0x9d: {  	_ =	strace $0x8FFFFFFF  }
0x9e: {  	s18 =	sld [smem:$0x3FDB];
	_ =	sdelay $0x1  }
0x9f: {  	s19 =	simm.s32 $_scs_section_size  }
0xa0: {  	s5 =	simm.s32 $_size__tile_overlayer_lowered;
	s6 =	simm.s32 $_tile_overlayer_lowered  }
0xa1: {  	s22 =	simm.s32 $0x1BFF;
	s21 =	sshll.u32 s6, $0x1;
	s3 =	sadd.s32 s19, s18  }
0xa2: {  	s7 =	simm.s32 $0x0;
	s20 =	sshll.u32 s5, $0x1;
	s5 =	sadd.s32 s21, s3  }
0xa3: {  	[timem:s7], [sflag:s22] =	dma.local [hbm:s5], s20  }
0xa4: {  	_ =	swait.ge [sflag:s22], s20  }
0xa5: {  	s4 =	ssub.s32 $0x0, s20;
	[sflag:s22] =	ssyncset.done $0x0  }
0xa6: {  	[sflag:s22] =	ssyncadd.s32 s4;
	_ =	sdelay $0x1  }
0xa7: {  	s23 =	simm.s32 $0x1B8B  }
0xa8: {  	_ =	swait.ge [sflag:s23], $0x1  }
0xa9: {  	[sflag:s23] =	ssyncset.done $0x0  }
0xaa: {  	s25 =	simm.s32 $0x1B8E;
	s24 =	sld [smem:$0x3FFE];
	[sflag:s23] =	ssyncadd.s32 $0xFFFFFFFF  }
0xab: {  	s26 =	simm.s32 $execute0_lowered;
	[smem:$0x3FD2] =	sst s25  }
0xac: {  	s5 =	sshll.u32 s26, $0x1;
	_ =	strace $0x80000055;
	[dreg:$0x1] =	wrdreg $0xFFFFFFFF  }
0xad: {  	s28 =	simm.s32 $_size_execute0_lowered;
	s3 =	sadd.s32 s3, s5;
	[dreg:$0x0] =	wrdreg $0x0  }
0xae: {  	s5 =	sshll.u32 s28, $0x1;
	[dreg:$0x2] =	wrdreg s3  }
0xaf: {  	[dreg:$0x3] =	wrdreg s5  }
0xb0: {  	[dreg:$0x4] =	wrdreg $0xC0  }
0xb1: {  	_ =	task [dreg:s7], $0x5FFFF  }
0xb2: {  	[dreg:$0x1] =	wrdreg $0xFFFFFFFF  }
0xb3: {  	[dreg:$0x0] =	wrdreg $0x60  }
0xb4: {  	[dreg:$0x2] =	wrdreg s24  }
0xb5: {  	[dreg:$0x3] =	wrdreg s16  }
0xb6: {  	[dreg:$0x4] =	wrdreg $0x0  }
0xb7: {  	[dreg:$0x5] =	wrdreg $0x9  }
0xb8: {  	_ =	task.clear_ibuf [dreg:s7], $0x6FFFF;
	_ =	strace $0x90000055  }
0xb9: {  	s29 =	simm.s32 $0x9;
	_ =	strace $0x80000057  }
0xba: {  	_ =	swait.ge [sflag:s29], $0x1  }
0xbb: {  	[sflag:s29] =	ssyncadd.s32 $0xFFFFFFFF  }
0xbc: {  	_ =	strace $0x90000057  }
0xbd: {  	_ =	sfence  }
0xbe: {  	s30 =	sld [smem:$0x0];
	_ =	sdelay $0x2  }
0xbf: {  	s31 =	sshll.u32 s1, $0xD;
	s1 =	sshrl.u32 s1, $0x2  }
0xc0: {  	s3 =	sand.u32 $0x4000, s31;
	s1 =	sadd.s32 s1, s30  }
0xc1: {  	s0 =	sor.u32 s3, s0;
	s1 =	sshll.u32 s1, $0x11  }
0xc2: {  	s0 =	sor.u32 s1, s0  }
0xc3: {  	s0 =	sadd.s32 $0x8F2B, s0  }
0xc4: {  	[sflag:s0] =	ssyncadd.remote.s32 $0x1  }
0xc5: {  	_ =	sfence.sel $0xFFFF  }
0xc6: {  	[dreg:$0x0] =	wrdreg $0xFFFFFFFF;
	(pc) =	sbr.abs _section_cstart, $3  }
0xc7: {  	[dreg:$0x1] =	wrdreg $0xFFFFFFFF  }
0xc8: {  	_ =	task.clear_ibuf [dreg:s7], $0x2FFFF;
	_ =	strace $0x9FFFFFFF  }
0xc9: {  	(tm) =	ssettm $0x7FFFFFFF  }
tec
execute0_lowered:
.L_overlay_start_1:
0x0: {  	(tag) =	ssettag $0x1  }
0x1: {  	s0 =	rddreg [dreg:$0x0]  }
0x2: {  	s1 =	rddreg [dreg:$0x1]  }
0x3: {  	s2 =	rddreg [dreg:$0x2];
	s29 =	simm.s32 $0x0  }
0x4: {  	s3 =	srdreg.scid;
	s13 =	stileid.u32;
	s31 =	simm.s32 $0x13980  }
0x5: {  	s28 =	simm.s32 $0x13D80;
	s4 =	simm.s32 $0x13A80;
	s30 =	simm.s32 $0x13E80  }
0x6: {  	s18 =	simm.s32 $0x3;
	[smem:$0x7FF] =	sst s29;
	s7 =	smul.u32 $0x4E000, s13  }
0x7: {  	s3 =	sand.u32 $0x1, s3;
	s5 =	sadd.s32 $0x5EE00, s0;
	s20 =	smul.u32 $0x13800, s13  }
0x8: {  	s6 =	sadd.s32 $0x5400, s0;
	s8 =	sadd.s32 $0xAD000, s0;
	s23 =	smul.u32 $0x9C4, s13  }
0x9: {  	s0 =	sadd.s32 $0xF200, s0;
	_ =	strace $0x80000056;
	s9 =	smul.u32 $0x4E200, s3  }
0xa: {  	[dreg:$0x5] =	wrdreg s8;
	s10 =	ssub.s32 $0x2, s3;
	s8 =	smul.u32 $0x4E20, s13  }
0xb: {  	p0 =	seq.s32 s13, $0xF;
	s3 =	smul.u32 $0x138800, s3;
	s11 =	sshrl.u32 s10, $0x1  }
0xc: {  	s7 =	sshrl.u32 s7, $0x2;
	s25 =	sadd.s32 s23, s6;
	s11 =	ssub.s32 s10, s11  }
0xd: {  	s7 =	sadd.s32 s7, s2;
	s10 =	sadd.s32 s8, s9;
	s12 =	sshrl.u32 s8, $0x3  }
0xe: {  	s22 =	sadd.s32 s20, s3;
	s3 =	sshrl.u32 s3, $0x3;
	s20 =	simm.s32 $0x2  }
0xf: {  	[dreg:$0x6] =	wrdreg s7;
	s7 =	sadd.s32 $0x124800, s2;
	s15 =	sadd.s32 s6, s12  }
0x10: {  	s9 =	sshrl.u32 s10, $0x3;
	s26 =	smax.u32 s11, $0x1;
	[dreg:$0x8] =	wrdreg s15  }
0x11: {  	s19 =	sadd.s32 $0x1E0, s10;
	s16 =	sadd.s32 $0x14, s15;
	[dreg:$0x10] =	wrdreg s26  }
0x12: {  	s11 =	simm.s32 $0x8;
	s14 =	sadd.s32 s1, s9;
	[dreg:$0xa] =	wrdreg s16  }
0x13: {  	s12 =	simm.s32 $0x5;
	s21 =	sadd.s32 $0x28, s15;
	[dreg:$0x7] =	wrdreg s14  }
0x14: {  	s24 =	sadd.s32 $0x3C, s15;
	s26 =	simm.s32 $0x13C80;
	[dreg:$0xc] =	wrdreg s21  }
0x15: {  	s15 =	simm.s32 $0x6;
	s9 =	sadd.s32 $0x14, s14;
	[dreg:$0xd] =	wrdreg s24  }
0x16: {  	s14 =	sadd.s32 $0x28, s14;
	s24 =	simm.s32 $0x13880;
	[dreg:$0x9] =	wrdreg s9  }
0x17: {  	s16 =	simm.s32 $0x19080;
	s21 =	simm.s32 $0x4;
	[dreg:$0xb] =	wrdreg s14  }
0x18: {  	s9 =	sshrl.u32 s19, $0x3;
	s14 =	simm.s32 $0x1;
	s19 =	simm.s32 $0x7  }
0x19: {  	s17 =	sadd.s32 s1, s9;
	s9 =	sshrl.u32 s22, $0x3;
	s22 =	sshrl.u32 @p0 s7, $0x3  }
0x1a: {  	s9 =	sadd.s32 s0, s9;
	s0 =	sadd.s32 s0, s3;
	[dreg:$0x11] =	wrdreg s22  }
0x1b: {  	s3 =	sshll.u32 @!p0 s13, $0x6;
	[dreg:$0xe] =	wrdreg s9;
	s0 =	sadd.s32 $0x24900, s0  }
0x1c: {  	s7 =	simm.s32 $0x0;
	s23 =	sor.u32 @!p0 $0x1C09, s3;
	[dreg:$0xf] =	wrdreg s0  }
0x1d: {  	s13 =	simm.s32 $0x14080;
	s0 =	sadd.s32 $0x3C, s25;
	[dreg:$0x12] =	wrdreg s23  }
0x1e: {  	s9 =	simm.s32 $0xA0;
	s25 =	simm.s32 $0x13B80;
	[dreg:$0x4] =	wrdreg s0  }
.LBB2_1:
0x1f: {  	[dreg:$0x13] =	wrdreg s7  }
0x20: {  	s7 =	simm.s32 @p0 $0x1FC9;
	s0 =	rddreg [dreg:$0x5]  }
0x21: {  	[spmem:s22], [sflag:s7] =	dma.local @p0 [hbm:s0], $0x2800  }
0x22: {  	s7 =	simm.s32 @p0 $0x9  }
0x23: {  	_ =	swait.ge @p0 [sflag:s7], $0x2800  }
0x24: {  	s3 =	rddreg [dreg:$0x6]  }
0x25: {  	[sflag:s7] =	ssyncset.done @p0 $0x0;
	s3 =	sshrl.u32 @!p0 s3, $0x3  }
0x26: {  	[sflag:s7] =	ssyncadd.s32 @p0 $0xFFFFD800;
	s7 =	simm.s32 @!p0 $0x9;
	[dreg:$0x14] =	wrdreg s3  }
0x27: {  	[spmem:s3], [sflag:s23] =	dma.local @!p0 [hbm:s0], $0x2700  }
0x28: {  	_ =	swait.ge @!p0 [sflag:s7], $0x2700  }
0x29: {  	[sflag:s7] =	ssyncset.done @!p0 $0x0  }
0x2a: {  	[sflag:s7] =	ssyncadd.s32 @!p0 $0xFFFFD900  }
0x2b: {  	[bflag:$0x0] =	sbarrier.arrive $0xFFFF  }
0x2c: {  	s7 =	simm.s32 $0x9;
	s3 =	rddreg [dreg:$0x7]  }
0x2d: {  	[tilespmem:s24], [sflag:$0x9] =	stream.linear.gather [hbm4b:s3+s29], $0xA0, $0x38;
	[tilespmem:$0x1E080] =	vst v63  }
0x2e: {  	_ =	swait.ge [sflag:s7], $0xA0  }
0x2f: {  	[sflag:s7] =	ssyncset.done $0x0  }
0x30: {  	s22 =	rddreg [dreg:$0x8];
	[sflag:s7] =	ssyncadd.s32 $0xFFFFFF60  }
0x31: {  	[tilespmem:s26], [sflag:$0x9] =	stream.linear.gather [hbm4b:s22+s29], $0xA0, $0x38;
	[tilespmem:$0x1E080] =	vst v63  }
0x32: {  	_ =	swait.ge [sflag:s7], $0xA0  }
0x33: {  	[sflag:s7] =	ssyncset.done $0x0  }
0x34: {  	s23 =	rddreg [dreg:$0x9];
	[sflag:s7] =	ssyncadd.s32 $0xFFFFFF60  }
0x35: {  	[tilespmem:s31], [sflag:$0x6] =	stream.linear.gather [hbm4b:s23+s29], $0xA0, $0x38;
	[tilespmem:$0x1E080] =	vst v63  }
0x36: {  	s3 =	rddreg [dreg:$0xa]  }
0x37: {  	[tilespmem:s28], [sflag:$0x6] =	stream.linear.gather [hbm4b:s3+s29], $0xA0, $0x38;
	[tilespmem:$0x1E080] =	vst v63  }
0x38: {  	s7 =	rddreg [dreg:$0xb]  }
0x39: {  	[tilespmem:s4], [sflag:$0x7] =	stream.linear.gather [hbm4b:s7+s29], $0xA0, $0x38;
	[tilespmem:$0x1E080] =	vst v63  }
0x3a: {  	s22 =	rddreg [dreg:$0xc]  }
0x3b: {  	[tilespmem:s30], [sflag:$0x7] =	stream.linear.gather [hbm4b:s22+s29], $0xA0, $0x38;
	[tilespmem:$0x1E080] =	vst v63  }
0x3c: {  	_ = 	snop  }
0x3d: {  	[tilespmem:s25], [sflag:$0x8] =	stream.linear.gather [hbm4b:s17+s29], $0xA0, $0x38;
	[tilespmem:$0x1E080] =	vst v63  }
0x3e: {  	s23 =	rddreg [dreg:$0xd];
	s3 =	simm.s32 $0x13F80  }
0x3f: {  	[tilespmem:s3], [sflag:$0x8] =	stream.linear.gather [hbm4b:s23+s29], $0xA0, $0x38;
	[tilespmem:$0x1E080] =	vst v63  }
0x40: {  	_ = 	snop  }
0x41: {  	[tilespmem:s13], [sflag:$0x1] =	stream.indirect.gather [hbm4b:s5+s9], $0x80, s24, s9, $0xb8;
	[tilespmem:$0x1E080] =	vst v63  }
0x42: {  	_ =	swait.ge [sflag:s14], $0x5000  }
0x43: {  	p1 =	por $0x1, $0x1;
	[sflag:s14] =	ssyncset.done $0x0  }
0x44: {  	s7 =	simm.s32 @!p1 $0x4;
	[sflag:s14] =	ssyncadd.s32 $0xFFFFB000  }
0x45: {  	_ =	swait.ge @!p1 [sflag:s7], $0x5000  }
0x46: {  	s22 =	simm.s32 @!p1 $0x13B80;
	s25 =	simm.s32 @!p1 $0x0;
	[sflag:s7] =	ssyncset.done @!p1 $0x0  }
0x47: {  	s23 =	rddreg [dreg:$0x4];
	[sflag:s7] =	ssyncadd.s32 @!p1 $0xFFFFB000;
	s7 =	sadd.s32 @!p1 $0x0, s17  }
0x48: {  	[tilespmem:s22], [sflag:$0x8] =	stream.linear.gather @!p1 [hbm4b:s7+s25], $0xA0, $0x38;
	[tilespmem:$0x1E080] =	vst v63  }
0x49: {  	s7 =	sadd.s32 @!p1 $0x0, s23;
	s22 =	simm.s32 @!p1 $0x13F80  }
0x4a: {  	[tilespmem:s22], [sflag:$0x8] =	stream.linear.gather @!p1 [hbm4b:s7+s25], $0xA0, $0x38;
	[tilespmem:$0x1E080] =	vst v63  }
0x4b: {  	_ =	swait.ge [sflag:s15], $0xA0  }
0x4c: {  	[sflag:s15] =	ssyncset.done $0x0  }
0x4d: {  	[sflag:s15] =	ssyncadd.s32 $0xFFFFFF60  }
0x4e: {  	_ =	swait.ge [sflag:s15], $0xA0  }
0x4f: {  	s7 =	simm.s32 $0x0;
	[sflag:s15] =	ssyncset.done $0x0  }
0x50: {  	s7 =	simm.s32 @p1 $0x0;
	[sflag:s15] =	ssyncadd.s32 $0xFFFFFF60  }
0x51: {  	[tilespmem:s16], [sflag:$0x2] =	stream.indirect.gather [hbm4b:s5+s9], $0x80, s31, s9, $0xb8;
	[tilespmem:$0x1E080] =	vst v63  }
0x52: {  	s25 =	sadd.s32 $0x280, s7  }
0x53: {  	[spmem:s2] =	stream.indirect.scatter.add.f32 [tilespmem:s13], [sflag:$0x3], $0x80, s26, s9, $0xb8;
	[tilespmem:$0x1E080] =	vst v63  }
0x54: {  	s31 =	sadd.s32 s10, s25;
	_ =	swait.ge [sflag:s18], $0x5000  }
0x55: {  	s22 =	sadd.s32 s8, s25;
	s23 =	sshrl.u32 s31, $0x3;
	[sflag:s18] =	ssyncset.done $0x0  }
0x56: {  	s22 =	sshrl.u32 s22, $0x3;
	s23 =	sadd.s32 s1, s23;
	[sflag:s18] =	ssyncadd.s32 $0xFFFFB000  }
0x57: {  	[tilespmem:s24], [sflag:$0x5] =	stream.linear.gather [hbm4b:s23+s29], $0xA0, $0x38;
	[tilespmem:$0x1E080] =	vst v63  }
0x58: {  	s22 =	sadd.s32 s6, s22  }
0x59: {  	[tilespmem:s26], [sflag:$0x5] =	stream.linear.gather [hbm4b:s22+s29], $0xA0, $0x38;
	[tilespmem:$0x1E080] =	vst v63  }
0x5a: {  	_ =	swait.ge [sflag:s19], $0xA0  }
0x5b: {  	[sflag:s19] =	ssyncset.done $0x0  }
0x5c: {  	[sflag:s19] =	ssyncadd.s32 $0xFFFFFF60  }
0x5d: {  	_ =	swait.ge [sflag:s19], $0xA0  }
0x5e: {  	[sflag:s19] =	ssyncset.done $0x0  }
0x5f: {  	[sflag:s19] =	ssyncadd.s32 $0xFFFFFF60  }
0x60: {  	_ =	swait.ge [sflag:s20], $0x5000  }
0x61: {  	[sflag:s20] =	ssyncset.done $0x0  }
0x62: {  	p1 =	por $0x0, $0x0;
	[sflag:s20] =	ssyncadd.s32 $0xFFFFB000  }
0x63: {  	[tilespmem:s13], [sflag:$0x1] =	stream.indirect.gather [hbm4b:s5+s9], $0x80, s4, s9, $0xb8;
	[tilespmem:$0x1E080] =	vst v63  }
0x64: {  	s25 =	simm.s32 @!p1 $0x0;
	s22 =	sadd.s32 @!p1 $0x320, s7  }
0x65: {  	[spmem:s2] =	stream.indirect.scatter.add.f32 [tilespmem:s16], [sflag:$0x4], $0x80, s28, s9, $0xb8;
	[tilespmem:$0x1E080] =	vst v63  }
0x66: {  	s23 =	sadd.s32 @!p1 s10, s22;
	s22 =	sadd.s32 @!p1 s8, s22;
	_ =	swait.ge [sflag:s21], $0x5000  }
0x67: {  	s23 =	sshrl.u32 @!p1 s23, $0x3;
	s22 =	sshrl.u32 @!p1 s22, $0x3;
	[sflag:s21] =	ssyncset.done $0x0  }
0x68: {  	s23 =	sadd.s32 @!p1 s1, s23;
	s28 =	simm.s32 @!p1 $0x13980;
	[sflag:s21] =	ssyncadd.s32 $0xFFFFB000  }
0x69: {  	[tilespmem:s28], [sflag:$0x6] =	stream.linear.gather @!p1 [hbm4b:s23+s25], $0xA0, $0x38;
	[tilespmem:$0x1E080] =	vst v63  }
0x6a: {  	s22 =	sadd.s32 @!p1 s6, s22;
	s23 =	simm.s32 @!p1 $0x13D80  }
0x6b: {  	[tilespmem:s23], [sflag:$0x6] =	stream.linear.gather @!p1 [hbm4b:s22+s25], $0xA0, $0x38;
	[tilespmem:$0x1E080] =	vst v63  }
0x6c: {  	_ =	swait.ge [sflag:s11], $0xA0  }
0x6d: {  	[sflag:s11] =	ssyncset.done $0x0  }
0x6e: {  	[sflag:s11] =	ssyncadd.s32 $0xFFFFFF60  }
0x6f: {  	_ =	swait.ge [sflag:s11], $0xA0  }
0x70: {  	[sflag:s11] =	ssyncset.done $0x0  }
0x71: {  	[sflag:s11] =	ssyncadd.s32 $0xFFFFFF60  }
0x72: {  	_ =	swait.ge [sflag:s14], $0x5000  }
0x73: {  	[sflag:s14] =	ssyncset.done $0x0  }
0x74: {  	s0 =	simm.s32 $0x13B80;
	[sflag:s14] =	ssyncadd.s32 $0xFFFFB000  }
0x75: {  	[tilespmem:s16], [sflag:$0x2] =	stream.indirect.gather [hbm4b:s5+s9], $0x80, s0, s9, $0xb8;
	[tilespmem:$0x1E080] =	vst v63  }
0x76: {  	s7 =	sadd.s32 @!p1 $0x3C0, s7  }
0x77: {  	[spmem:s2] =	stream.indirect.scatter.add.f32 [tilespmem:s13], [sflag:$0x3], $0x80, s30, s9, $0xb8;
	[tilespmem:$0x1E080] =	vst v63  }
0x78: {  	s22 =	sadd.s32 @!p1 s10, s7;
	s23 =	simm.s32 @!p1 $0x13A80;
	_ =	swait.ge [sflag:s18], $0x5000  }
0x79: {  	s7 =	sadd.s32 @!p1 s8, s7;
	s22 =	sshrl.u32 @!p1 s22, $0x3;
	[sflag:s18] =	ssyncset.done $0x0  }
0x7a: {  	s7 =	sshrl.u32 @!p1 s7, $0x3;
	s22 =	sadd.s32 @!p1 s1, s22;
	[sflag:s18] =	ssyncadd.s32 $0xFFFFB000  }
0x7b: {  	[tilespmem:s23], [sflag:$0x7] =	stream.linear.gather @!p1 [hbm4b:s22+s25], $0xA0, $0x38;
	[tilespmem:$0x1E080] =	vst v63  }
0x7c: {  	s7 =	sadd.s32 @!p1 s6, s7;
	s22 =	simm.s32 @!p1 $0x13E80  }
0x7d: {  	[tilespmem:s22], [sflag:$0x7] =	stream.linear.gather @!p1 [hbm4b:s7+s25], $0xA0, $0x38;
	[tilespmem:$0x1E080] =	vst v63  }
0x7e: {  	_ =	swait.ge [sflag:s12], $0xA0  }
0x7f: {  	[sflag:s12] =	ssyncset.done $0x0  }
0x80: {  	[sflag:s12] =	ssyncadd.s32 $0xFFFFFF60  }
0x81: {  	_ =	swait.ge [sflag:s12], $0xA0  }
0x82: {  	[sflag:s12] =	ssyncset.done $0x0  }
0x83: {  	[sflag:s12] =	ssyncadd.s32 $0xFFFFFF60  }
0x84: {  	_ =	swait.ge [sflag:s20], $0x5000  }
0x85: {  	s4 =	simm.s32 $0x0;
	[sflag:s20] =	ssyncset.done $0x0  }
0x86: {  	s30 =	simm.s32 $0x280;
	s23 =	simm.s32 $0x50;
	[sflag:s20] =	ssyncadd.s32 $0xFFFFB000  }
0x87: {  	[spmem:s2] =	stream.indirect.scatter.add.f32 [tilespmem:s16], [sflag:$0x4], $0x80, s3, s9, $0xb8;
	[tilespmem:$0x1E080] =	vst v63  }
.LBB2_2:
0x88: {  	[tilespmem:s13], [sflag:$0x1] =	stream.indirect.gather [hbm4b:s5+s9], $0x80, s24, s9, $0xb8;
	[tilespmem:$0x1E080] =	vst v63  }
0x89: {  	s7 =	smov.u32 s23;
	_ =	swait.ge [sflag:s14], $0x5000  }
0x8a: {  	p2 =	seq.s32 s7, $0x0;
	[sflag:s14] =	ssyncset.done $0x0  }
0x8b: {  	s22 =	simm.s32 @!p2 $0x4;
	[sflag:s14] =	ssyncadd.s32 $0xFFFFB000  }
0x8c: {  	_ =	swait.ge @!p2 [sflag:s22], $0x5000  }
0x8d: {  	s31 =	simm.s32 @!p2 $0x13B80;
	s3 =	simm.s32 @!p2 $0x0;
	[sflag:s22] =	ssyncset.done @!p2 $0x0  }
0x8e: {  	s0 =	rddreg [dreg:$0x4];
	[sflag:s22] =	ssyncadd.s32 @!p2 $0xFFFFB000;
	s22 =	sadd.s32 @!p2 s7, s17  }
0x8f: {  	[tilespmem:s31], [sflag:$0x8] =	stream.linear.gather @!p2 [hbm4b:s22+s3], $0xA0, $0x38;
	[tilespmem:$0x1E080] =	vst v63  }
0x90: {  	p1 =	seq.s32 s7, $0x960;
	s0 =	sadd.s32 @!p2 s7, s0;
	s7 =	simm.s32 @!p2 $0x13F80  }
0x91: {  	[tilespmem:s7], [sflag:$0x8] =	stream.linear.gather @!p2 [hbm4b:s0+s3], $0xA0, $0x38;
	[tilespmem:$0x1E080] =	vst v63  }
0x92: {  	_ =	swait.ge [sflag:s15], $0xA0  }
0x93: {  	[sflag:s15] =	ssyncset.done $0x0  }
0x94: {  	[sflag:s15] =	ssyncadd.s32 $0xFFFFFF60  }
0x95: {  	_ =	swait.ge [sflag:s15], $0xA0  }
0x96: {  	s25 =	smov.u32 s30;
	[sflag:s15] =	ssyncset.done $0x0  }
0x97: {  	s25 =	simm.s32 @p2 $0x0;
	s31 =	simm.s32 $0x13980;
	[sflag:s15] =	ssyncadd.s32 $0xFFFFFF60  }
0x98: {  	[tilespmem:s16], [sflag:$0x2] =	stream.indirect.gather [hbm4b:s5+s9], $0x80, s31, s9, $0xb8;
	[tilespmem:$0x1E080] =	vst v63  }
0x99: {  	s28 =	sadd.s32 $0x280, s25  }
0x9a: {  	[spmem:s2] =	stream.indirect.scatter.add.f32 [tilespmem:s13], [sflag:$0x3], $0x80, s26, s9, $0xb8;
	[tilespmem:$0x1E080] =	vst v63  }
0x9b: {  	s22 =	sadd.s32 s10, s28;
	_ =	swait.ge [sflag:s18], $0x5000  }
0x9c: {  	s28 =	sadd.s32 s8, s28;
	s0 =	sshrl.u32 s22, $0x3;
	[sflag:s18] =	ssyncset.done $0x0  }
0x9d: {  	s3 =	sshrl.u32 s28, $0x3;
	s0 =	sadd.s32 s1, s0;
	[sflag:s18] =	ssyncadd.s32 $0xFFFFB000  }
0x9e: {  	[tilespmem:s24], [sflag:$0x5] =	stream.linear.gather [hbm4b:s0+s4], $0xA0, $0x38;
	[tilespmem:$0x1E080] =	vst v63  }
0x9f: {  	s3 =	sadd.s32 s6, s3  }
0xa0: {  	[tilespmem:s26], [sflag:$0x5] =	stream.linear.gather [hbm4b:s3+s4], $0xA0, $0x38;
	[tilespmem:$0x1E080] =	vst v63  }
0xa1: {  	s29 =	sadd.s32 @!p1 $0x320, s25;
	_ =	swait.ge [sflag:s19], $0xA0  }
0xa2: {  	s7 =	sadd.s32 @!p1 s10, s29;
	[sflag:s19] =	ssyncset.done $0x0  }
0xa3: {  	s22 =	sadd.s32 @!p1 s8, s29;
	s7 =	sshrl.u32 @!p1 s7, $0x3;
	[sflag:s19] =	ssyncadd.s32 $0xFFFFFF60  }
0xa4: {  	s28 =	sadd.s32 @!p1 s1, s7;
	s7 =	sshrl.u32 @!p1 s22, $0x3;
	_ =	swait.ge [sflag:s19], $0xA0  }
0xa5: {  	s29 =	sadd.s32 @!p1 s6, s7;
	s7 =	sadd.s32 @!p1 $0x3C0, s25;
	[sflag:s19] =	ssyncset.done $0x0  }
0xa6: {  	s22 =	sadd.s32 @!p1 s10, s7;
	[sflag:s19] =	ssyncadd.s32 $0xFFFFFF60  }
0xa7: {  	s7 =	sadd.s32 @!p1 s8, s7;
	s22 =	sshrl.u32 @!p1 s22, $0x3;
	_ =	swait.ge [sflag:s20], $0x5000  }
0xa8: {  	s25 =	sshrl.u32 @!p1 s7, $0x3;
	s7 =	sadd.s32 @!p1 s1, s22;
	[sflag:s20] =	ssyncset.done $0x0  }
0xa9: {  	s22 =	sadd.s32 @!p1 s6, s25;
	s25 =	simm.s32 $0x13A80;
	[sflag:s20] =	ssyncadd.s32 $0xFFFFB000  }
0xaa: {  	[tilespmem:s13], [sflag:$0x1] =	stream.indirect.gather [hbm4b:s5+s9], $0x80, s25, s9, $0xb8;
	[tilespmem:$0x1E080] =	vst v63  }
0xab: {  	s3 =	simm.s32 $0x13D80  }
0xac: {  	[spmem:s2] =	stream.indirect.scatter.add.f32 [tilespmem:s16], [sflag:$0x4], $0x80, s3, s9, $0xb8;
	[tilespmem:$0x1E080] =	vst v63  }
0xad: {  	_ =	swait.ge [sflag:s21], $0x5000  }
0xae: {  	[sflag:s21] =	ssyncset.done $0x0  }
0xaf: {  	s0 =	simm.s32 @!p1 $0x0;
	s3 =	simm.s32 @!p1 $0x13980;
	[sflag:s21] =	ssyncadd.s32 $0xFFFFB000  }
0xb0: {  	[tilespmem:s3], [sflag:$0x6] =	stream.linear.gather @!p1 [hbm4b:s28+s0], $0xA0, $0x38;
	[tilespmem:$0x1E080] =	vst v63  }
0xb1: {  	s3 =	simm.s32 @!p1 $0x13D80  }
0xb2: {  	[tilespmem:s3], [sflag:$0x6] =	stream.linear.gather @!p1 [hbm4b:s29+s0], $0xA0, $0x38;
	[tilespmem:$0x1E080] =	vst v63  }
0xb3: {  	_ =	swait.ge [sflag:s11], $0xA0  }
0xb4: {  	[sflag:s11] =	ssyncset.done $0x0  }
0xb5: {  	[sflag:s11] =	ssyncadd.s32 $0xFFFFFF60  }
0xb6: {  	_ =	swait.ge [sflag:s11], $0xA0  }
0xb7: {  	[sflag:s11] =	ssyncset.done $0x0  }
0xb8: {  	[sflag:s11] =	ssyncadd.s32 $0xFFFFFF60  }
0xb9: {  	_ =	swait.ge [sflag:s14], $0x5000  }
0xba: {  	[sflag:s14] =	ssyncset.done $0x0  }
0xbb: {  	s25 =	simm.s32 $0x13B80;
	[sflag:s14] =	ssyncadd.s32 $0xFFFFB000  }
0xbc: {  	[tilespmem:s16], [sflag:$0x2] =	stream.indirect.gather [hbm4b:s5+s9], $0x80, s25, s9, $0xb8;
	[tilespmem:$0x1E080] =	vst v63  }
0xbd: {  	s28 =	simm.s32 $0x13E80  }
0xbe: {  	[spmem:s2] =	stream.indirect.scatter.add.f32 [tilespmem:s13], [sflag:$0x3], $0x80, s28, s9, $0xb8;
	[tilespmem:$0x1E080] =	vst v63  }
0xbf: {  	_ =	swait.ge [sflag:s18], $0x5000  }
0xc0: {  	[sflag:s18] =	ssyncset.done $0x0  }
0xc1: {  	s3 =	simm.s32 @!p1 $0x13A80;
	[sflag:s18] =	ssyncadd.s32 $0xFFFFB000  }
0xc2: {  	[tilespmem:s3], [sflag:$0x7] =	stream.linear.gather @!p1 [hbm4b:s7+s0], $0xA0, $0x38;
	[tilespmem:$0x1E080] =	vst v63  }
0xc3: {  	s3 =	simm.s32 @!p1 $0x13E80  }
0xc4: {  	[tilespmem:s3], [sflag:$0x7] =	stream.linear.gather @!p1 [hbm4b:s22+s0], $0xA0, $0x38;
	[tilespmem:$0x1E080] =	vst v63  }
0xc5: {  	_ =	swait.ge [sflag:s12], $0xA0  }
0xc6: {  	[sflag:s12] =	ssyncset.done $0x0  }
0xc7: {  	[sflag:s12] =	ssyncadd.s32 $0xFFFFFF60  }
0xc8: {  	s23 =	sadd.s32 $0x50, s23;
	_ =	swait.ge [sflag:s12], $0xA0  }
0xc9: {  	p2 =	sne.s32 s23, $0x9B0;
	[sflag:s12] =	ssyncset.done $0x0  }
.Ltmp0:
0xca: {  	[sflag:s12] =	ssyncadd.s32 $0xFFFFFF60;
	(pc) =	sbr.rel @p2 .LBB2_2-.Ltmp0, $4  }
0xcb: {  	_ =	swait.ge [sflag:s20], $0x5000  }
0xcc: {  	[sflag:s20] =	ssyncset.done $0x0  }
0xcd: {  	s30 =	sadd.s32 $0x280, s30;
	s29 =	simm.s32 $0x13F80;
	[sflag:s20] =	ssyncadd.s32 $0xFFFFB000  }
0xce: {  	[spmem:s2] =	stream.indirect.scatter.add.f32 [tilespmem:s16], [sflag:$0x4], $0x80, s29, s9, $0xb8;
	[tilespmem:$0x1E080] =	vst v63  }
0xcf: {  	[tilespmem:s13], [sflag:$0x1] =	stream.indirect.gather [hbm4b:s5+s9], $0x80, s24, s9, $0xb8;
	[tilespmem:$0x1E080] =	vst v63  }
0xd0: {  	_ =	swait.ge [sflag:s14], $0x5000  }
0xd1: {  	[sflag:s14] =	ssyncset.done $0x0  }
0xd2: {  	[sflag:s14] =	ssyncadd.s32 $0xFFFFB000  }
0xd3: {  	[spmem:s2] =	stream.indirect.scatter.add.f32 [tilespmem:s13], [sflag:$0x3], $0x80, s26, s9, $0xb8;
	[tilespmem:$0x1E080] =	vst v63  }
0xd4: {  	_ =	swait.ge [sflag:s21], $0x5000  }
0xd5: {  	[sflag:s21] =	ssyncset.done $0x0  }
0xd6: {  	[sflag:s21] =	ssyncadd.s32 $0xFFFFB000  }
0xd7: {  	_ =	swait.ge [sflag:s18], $0x5000  }
0xd8: {  	[sflag:s18] =	ssyncset.done $0x0  }
0xd9: {  	[sflag:s18] =	ssyncadd.s32 $0xFFFFB000  }
0xda: {  	[bflag:$0x0] =	sbarrier.arrive $0xFFFF  }
0xdb: {  	s3 =	rddreg [dreg:$0xf]  }
0xdc: {  	s0 =	simm.s32 @p0 $0x1FC9;
	s22 =	rddreg [dreg:$0x11]  }
0xdd: {  	[hbm:s3], [sflag:s0] =	dma.local @p0 [spmem:s22], $0x2800  }
0xde: {  	s0 =	simm.s32 @p0 $0x9  }
0xdf: {  	_ =	swait.ge @p0 [sflag:s0], $0x2800  }
0xe0: {  	s23 =	rddreg [dreg:$0x12]  }
0xe1: {  	[sflag:s0] =	ssyncset.done @p0 $0x0;
	s3 =	rddreg [dreg:$0x14]  }
0xe2: {  	[sflag:s0] =	ssyncadd.s32 @p0 $0xFFFFD800;
	s0 =	rddreg [dreg:$0xe]  }
0xe3: {  	[hbm:s0], [sflag:s23] =	dma.local @!p0 [spmem:s3], $0x2700  }
0xe4: {  	s0 =	simm.s32 @!p0 $0x9  }
0xe5: {  	_ =	swait.ge @!p0 [sflag:s0], $0x2700  }
0xe6: {  	s7 =	rddreg [dreg:$0x13]  }
0xe7: {  	s25 =	rddreg [dreg:$0x10];
	s7 =	sadd.s32 $0x1, s7  }
0xe8: {  	p1 =	sne.s32 s7, s25  }
.Ltmp1:
0xe9: {  	_ = 	snop;
	(pc) =	sbr.rel @p1 .LBB2_1-.Ltmp1, $4  }
0xea: {  	_ = 	snop  }
0xeb: {  	s28 =	simm.s32 $0x13D80  }
0xec: {  	s4 =	simm.s32 $0x13A80;
	s29 =	simm.s32 $0x0;
	[sflag:s0] =	ssyncset.done @!p0 $0x0  }
0xed: {  	s30 =	simm.s32 $0x13E80;
	[sflag:s0] =	ssyncadd.s32 @!p0 $0xFFFFD900;
	s25 =	simm.s32 $0x13B80  }
0xee: {  	_ =	sfence.sel $0x180000  }
0xef: {  	[bflag:$0x0] =	sbarrier.arrive $0xFFFF  }
0xf0: {  	_ =	strace $0x90000056  }
0xf1: {  	s0 =	stileid.u32;
	[bflag:$0x2] =	sbarrier.arrive $0xFFFF  }
0xf2: {  	p0 =	sne.s32 s0, $0x0;
	s0 =	rddreg [dreg:$0x3]  }
0xf3: {  	s0 =	sadd.s32 @!p0 $0x100000, s0  }
0xf4: {  	[sflag:s0] =	ssyncadd.tile.s32 @!p0 $0x1;
	_ =	shalt  }
.Lfunc_end2:
_tile_overlayer_lowered:
.L_overlay_start_2:
0xf5: {  	(tag) =	ssettag $0x2  }
0xf6: {  	s0 =	rddreg [dreg:$0x0];
	s2 =	stileid.u32  }
0xf7: {  	s1 =	rddreg [dreg:$0x1];
	p0 =	sne.s32 s2, $0x0  }
0xf8: {  	s3 =	rddreg [dreg:$0x2];
	[bflag:$0x3] =	sbarrier.arrive $0xFFFF;
	s2 =	simm.s32 @!p0 $0x1C09  }
0xf9: {  	[timem:s3], [sflag:s2] =	dma.local @!p0 [hbm:s0], s1  }
0xfa: {  	s0 =	simm.s32 @!p0 $0x9  }
0xfb: {  	_ =	swait.ge @!p0 [sflag:s0], s1  }
0xfc: {  	s1 =	ssub.s32 @!p0 $0x0, s1;
	[sflag:s0] =	ssyncset.done @!p0 $0x0  }
0xfd: {  	[sflag:s0] =	ssyncadd.s32 @!p0 s1  }
0xfe: {  	[bflag:$0x3] =	sbarrier.arrive $0xFFFF  }
0xff: {  	_ =	shalt  }

</sc_bundles>
